<compile_context>
chip_gen: v7x
topology: tpu7x:2x2x1
jax: 0.10.2.dev20260603
libtpu: 0.0.44.dev20260713+nightly
codegen_flags: <defaults>
</compile_context>

<pallas_src>
import numpy as np
import jax
import jax.numpy as jnp
from jax import lax
from jax.experimental import pallas as pl
from jax.experimental.pallas import tpu as pltpu
from jax.experimental.pallas import tpu_sc as plsc

_U32 = np.uint32


def _np_rotl(x, r):
    return ((x << _U32(r)) | (x >> _U32(32 - r))).astype(np.uint32)


def _np_threefry(k0, k1, x0, x1):
    with np.errstate(over="ignore"):
        k0 = _U32(k0)
        k1 = _U32(k1)
        ks2 = _U32(np.uint32(k0) ^ np.uint32(k1) ^ _U32(0x1BD11BDA))
        ks = [k0, k1, ks2]
        rot = [[13, 15, 26, 6], [17, 29, 16, 24]]
        x0 = x0.astype(np.uint32) + k0
        x1 = x1.astype(np.uint32) + k1
        for i in range(5):
            for r in rot[i % 2]:
                x0 = x0 + x1
                x1 = _np_rotl(x1, r)
                x1 = x1 ^ x0
            x0 = x0 + ks[(i + 1) % 3]
            x1 = x1 + ks[(i + 2) % 3] + _U32(i + 1)
        return x0, x1


def _np_split(keypair, num):
    cnt = np.arange(num, dtype=np.uint32)
    o0, o1 = _np_threefry(keypair[0], keypair[1], np.zeros(num, np.uint32), cnt)
    return np.stack([o0, o1], axis=1)


_BASE = np.array([0, 1], dtype=np.uint32)
_KS = _np_split(_BASE, 19)
_K6 = _np_split(_KS[6], 2)
_K17B = _np_split(_KS[17], 2)[1]
_K7B = _np_split(_KS[7], 2)[1]

_N_POIS = 24
_SUB = np.zeros((_N_POIS, 2), np.uint32)
_rng = _KS[3]
for _i in range(_N_POIS):
    _pr = _np_split(_rng, 2)
    _rng, _SUB[_i] = _pr[0], _pr[1]

_NV = 14 + _N_POIS
_K0T = np.zeros((_NV * 16,), np.uint32)
_K1T = np.zeros((_NV * 16,), np.uint32)
_CNTT = np.zeros((_NV * 16,), np.uint32)


def _fill(v, lane, key, n):
    s = v * 16 + lane
    _K0T[s:s + n] = key[0]
    _K1T[s:s + n] = key[1]
    _CNTT[s:s + n] = np.arange(n, dtype=np.uint32)


_G9 = ["bern", "rndlk", "ril", "rnl", "abern", "cauchy", "expo", "geom",
       "lognm", "norm", "rnd", "unif"]
_G9K = [_KS[0], _KS[5], _K7B, _KS[9], _KS[11], _KS[12], _KS[13], _KS[14],
        _KS[15], _KS[16], _K17B, _KS[18]]
for _j in range(12):
    _fill(_j, 0, _G9K[_j], 9)
_fill(12, 0, _KS[1], 4)
_fill(12, 4, _KS[2], 4)
_fill(12, 8, _K6[0], 4)
_fill(12, 12, _K6[1], 4)
_fill(13, 0, _KS[8], 4)
_fill(13, 4, _KS[4], 6)
for _i in range(_N_POIS):
    _fill(14 + _i, 0, _SUB[_i], 9)

_LO_NRM = np.float32(np.nextafter(np.float32(-1.0), np.float32(0.0)))
_SPAN_NRM = np.float32(np.float32(1.0) - _LO_NRM)
_SQRT2 = np.float32(np.sqrt(2.0))
_LN2 = np.float32(np.log(2.0))
_LOG_HALF = np.float32(np.log(0.5))
_LOG10 = np.float32(np.log(np.float32(10.0)))
_LOG3 = np.float32(np.log(np.float32(3.0)))


def _log(u):
    b = lax.bitcast_convert_type(u, jnp.uint32)
    e = ((b >> jnp.uint32(23)) & jnp.uint32(0xFF)).astype(jnp.int32) - 127
    m = lax.bitcast_convert_type(
        (b & jnp.uint32(0x7FFFFF)) | jnp.uint32(0x3F800000), jnp.float32)
    s = (m - 1.0) / (m + 1.0)
    s2 = s * s
    lf = 2.0 * s * (1.0 + s2 * (jnp.float32(1 / 3) + s2 * (jnp.float32(1 / 5)
                    + s2 * (jnp.float32(1 / 7) + s2 * jnp.float32(1 / 9)))))
    return e.astype(jnp.float32) * _LN2 + lf


def _erfinv_c(x):
    w = -_log((1.0 - x) * (1.0 + x)) - 2.5
    p = x * 0.0 + jnp.float32(2.81022636e-08)
    for c in (3.43273939e-07, -3.5233877e-06, -4.39150654e-06, 0.00021858087,
              -0.00125372503, -0.00417768164, 0.246640727, 1.50140941):
        p = jnp.float32(c) + p * w
    return p * x


def _tanpoly(t):
    t2 = t * t
    s = t * (1.0 + t2 * (jnp.float32(-1 / 6) + t2 * (jnp.float32(1 / 120)
             + t2 * (jnp.float32(-1 / 5040) + t2 * jnp.float32(1 / 362880)))))
    c = 1.0 + t2 * (jnp.float32(-0.5) + t2 * (jnp.float32(1 / 24)
             + t2 * (jnp.float32(-1 / 720) + t2 * (jnp.float32(1 / 40320)
             + t2 * jnp.float32(-1 / 3628800)))))
    return s / c


def _clip(x):
    return jnp.minimum(jnp.maximum(x, jnp.float32(1e-12)),
                       jnp.float32(1.0 - 1e-12))


def _make_kernel():
    import functools

    @functools.partial(
        pl.kernel,
        mesh=plsc.VectorSubcoreMesh(core_axis_name="c", subcore_axis_name="s"),
        out_type=jax.ShapeDtypeStruct((32,), jnp.float32),
        scratch_types=[
            pltpu.VMEM((_NV * 16 * 3 + 16,), jnp.uint32),
            pltpu.VMEM((_NV * 16,), jnp.uint32),
            pltpu.VMEM((32,), jnp.float32),
        ],
    )
    def _k(tab_hbm, out_hbm, tab_v, bits_v, out_v):
        wid = lax.axis_index("c") * 16 + lax.axis_index("s")

        @pl.when(wid == 0)
        def _():
            pltpu.sync_copy(tab_hbm, tab_v)

            def tf_block(off):
                k0 = tab_v[pl.ds(off, 16)]
                k1 = tab_v[pl.ds(_NV * 16 + off, 16)]
                ks2 = k0 ^ k1 ^ jnp.uint32(0x1BD11BDA)
                ks = [k0, k1, ks2]
                rot = [[13, 15, 26, 6], [17, 29, 16, 24]]
                x0 = k0
                x1 = tab_v[pl.ds(2 * _NV * 16 + off, 16)] + k1
                for r_i in range(5):
                    for r in rot[r_i % 2]:
                        x0 = x0 + x1
                        x1 = (x1 << jnp.uint32(r)) | (x1 >> jnp.uint32(32 - r))
                        x1 = x1 ^ x0
                    x0 = x0 + ks[(r_i + 1) % 3]
                    x1 = x1 + ks[(r_i + 2) % 3] + jnp.uint32(r_i + 1)
                bits_v[pl.ds(off, 16)] = x0 ^ x1

            def tf_body(i, carry):
                off = i * 32
                tf_block(off)
                tf_block(off + 16)
                return carry

            lax.fori_loop(0, _NV // 2, tf_body, 0)

            a_v = lax.bitcast_convert_type(
                tab_v[pl.ds(3 * _NV * 16, 16)], jnp.float32)

            lane = lax.iota(jnp.int32, 16)
            lanef = lane.astype(jnp.float32)
            zero = lanef * 0.0
            one = zero + 1.0
            def vsum(x):
                for b in (8, 4, 2, 1):
                    x = x + x.at[lane ^ b].get(mode="promise_in_bounds")
                return x

            def vmax(x):
                for b in (8, 4, 2, 1):
                    x = jnp.maximum(x, x.at[lane ^ b].get(
                        mode="promise_in_bounds"))
                return x

            def bits(g):
                return bits_v[pl.ds(g * 16, 16)]

            def uni(g):
                fb = (bits(g) >> jnp.uint32(9)) | jnp.uint32(0x3F800000)
                return lax.bitcast_convert_type(fb, jnp.float32) - 1.0

            def msum(x):
                return vsum(jnp.where(lane < 9, x, zero))

            af = a_v
            gi = {n: i for i, n in enumerate(_G9)}
            m = [None] * 19
            m[0] = vsum(jnp.where(uni(gi["bern"]) < af, one, zero)) / 9.0
            m[11] = vsum(jnp.where(uni(gi["abern"]) < af, one, zero)) / 9.0
            u12 = uni(12)
            b12 = bits(12)
            g = -_log(-_log(_clip(u12)))
            logits = jnp.where(lane == 1, zero + _LOG10,
                               jnp.where(lane == 2, zero + _LOG3,
                                         zero - 1e30))
            t = jnp.where(lane < 4, logits + g, zero - 3e38)
            m1 = vmax(t)
            i1 = vsum(jnp.where(t == m1, lanef, zero))
            t2 = jnp.where(t == m1, zero - 3e38, t)
            i2 = vsum(jnp.where(t2 == vmax(t2), lanef, zero))
            m[1] = (i1 + i2) * 0.5
            xn12 = jnp.maximum(_LO_NRM, u12 * _SPAN_NRM + _LO_NRM)
            nrm12 = _SQRT2 * _erfinv_c(xn12)
            in47 = (lane >= 4) & (lane < 8)
            m[2] = vsum(jnp.where(in47, 2.0 + 3.0 * nrm12, zero)) / 4.0
            mod10 = (b12 % jnp.uint32(10)).astype(jnp.float32)
            sh = mod10.at[jnp.minimum(lane + 4, 15)].get(
                mode="promise_in_bounds")
            comb = ((mod10 * 6.0 + sh).astype(jnp.int32)
                    % 10).astype(jnp.float32)
            in811 = (lane >= 8) & (lane < 12)
            m[6] = vsum(jnp.where(in811, comb, zero)) / 4.0
            u13 = uni(13)
            m[8] = vsum(jnp.where(lane < 4, u13, zero)) / 4.0
            m[4] = vsum(jnp.where((lane >= 4) & (lane < 10), u13, zero)) / 6.0
            m[5] = msum(uni(gi["rndlk"])) / 9.0
            m[18] = msum(uni(gi["unif"])) / 9.0
            m[7] = msum((bits(gi["ril"]) & jnp.uint32(3))
                        .astype(jnp.float32)) / 9.0
            m[17] = msum((bits(gi["rnd"]) & jnp.uint32(0xFFFFFF))
                         .astype(jnp.float32)) / 9.0

            def nrm(g_):
                x = jnp.maximum(_LO_NRM, uni(g_) * _SPAN_NRM + _LO_NRM)
                return _SQRT2 * _erfinv_c(x)

            m[9] = msum(nrm(gi["rnl"])) / 9.0
            m[16] = msum(nrm(gi["norm"])) / 9.0
            m[10] = zero + 1.5
            m[12] = msum(_tanpoly(jnp.float32(np.pi)
                                  * (_clip(uni(gi["cauchy"])) - 0.5))) / 9.0
            m[13] = msum(-_log(1.0 - uni(gi["expo"]))) / 9.0
            r14 = _log(_clip(uni(gi["geom"]))) / _LOG_HALF
            m[14] = msum(r14.astype(jnp.int32).astype(jnp.float32) + 1.0) / 9.0
            m[15] = msum(jnp.exp(1.0 + 2.0 * nrm(gi["lognm"]))) / 9.0
            lp = zero
            cnt = zero
            for i in range(_N_POIS):
                cnt = cnt + jnp.where((lp > -af) & (lane < 9), one, zero)
                lp = lp + _log(uni(14 + i))
            m[3] = (vsum(cnt) - 9.0) / 9.0

            o0 = zero
            o1 = zero
            for s_ in range(16):
                o0 = o0 + jnp.where(lane == s_, m[s_], zero)
            for s_ in range(16, 19):
                o1 = o1 + jnp.where(lane == s_ - 16, m[s_], zero)
            out_v[pl.ds(0, 16)] = o0
            out_v[pl.ds(16, 16)] = o1
            pltpu.sync_copy(out_v, out_hbm)

    return _k


_SC_KERNEL_CACHE = []


def kernel(a):
    if not _SC_KERNEL_CACHE:
        _SC_KERNEL_CACHE.append(_make_kernel())
    a16 = jnp.zeros((16,), jnp.float32).at[:9].set(a.reshape(-1))
    tab = jnp.concatenate([
        jnp.asarray(np.concatenate([_K0T, _K1T, _CNTT])),
        lax.bitcast_convert_type(a16, jnp.uint32)])
    out = _SC_KERNEL_CACHE[0](tab)
    return out[:19]

# --- scband reference (transcript-rebuilt; emitter-appended) ---
"""Pipeline reference for scband-sampling-ops-module-67095979099012 (READ-ONLY COPY).

The authoritative reference and input builder live on the scoring server;
editing this copy changes nothing except your own understanding.
"""

import jax, jax.numpy as jnp
import numpy as np


def _sample_all(a):
    base = jax.random.key(1)
    ks = jax.random.split(base, 19)
    sa = jax.lax.stop_gradient(a)
    # torch.bernoulli(a)
    bern = jax.random.bernoulli(ks[0], sa).astype(jnp.float32)
    # torch.multinomial(weights, 2) without replacement via Gumbel top-k
    weights = jnp.array([0.0, 10.0, 3.0, 0.0], dtype=jnp.float32)
    logits = jnp.where(weights > 0, jnp.log(jnp.maximum(weights, 1e-30)), -1e30)
    u_m = jnp.clip(jax.random.uniform(ks[1], (4,)), 1e-12, 1.0 - 1e-12)
    g = -jnp.log(-jnp.log(u_m))
    _, mult_idx = jax.lax.top_k(logits + g, 2)
    mult = mult_idx.astype(jnp.float32)
    # torch.normal(2.0, 3.0, (1, 4))
    normal_s = 2.0 + 3.0 * jax.random.normal(ks[2], (1, 4))
    # torch.poisson(a)
    pois = jax.random.poisson(ks[3], sa).astype(jnp.float32)
    # torch.rand(2, 3)
    rand23 = jax.random.uniform(ks[4], (2, 3))
    # torch.rand_like(a)
    rand_like = jax.random.uniform(ks[5], a.shape)
    # torch.randint(10, (1, 4))
    ri = jax.random.randint(ks[6], (1, 4), 0, 10).astype(jnp.float32)
    # torch.randint_like(a, 4)
    ril = jax.random.randint(ks[7], a.shape, 0, 4).astype(jnp.float32)
    # torch.rand(4)
    rand4 = jax.random.uniform(ks[8], (4,))
    # torch.randn_like(a)
    rnl = jax.random.normal(ks[9], a.shape)
    # torch.randperm(4)
    perm = jax.random.permutation(ks[10], 4).astype(jnp.float32)
    # a.bernoulli_()
    a_bern = jax.random.bernoulli(ks[11], sa).astype(jnp.float32)
    # a.cauchy_() (median 0, sigma 1)
    u_c = jnp.clip(jax.random.uniform(ks[12], a.shape), 1e-12, 1.0 - 1e-12)
    cauchy = jnp.tan(jnp.pi * (u_c - 0.5))
    # a.exponential_() (rate 1)
    expo = jax.random.exponential(ks[13], a.shape)
    # a.geometric_(0.5): floor(log(U)/log(1-p)) + 1
    u_g = jnp.clip(jax.random.uniform(ks[14], a.shape), 1e-12, 1.0 - 1e-12)
    geom = jnp.floor(jnp.log(u_g) / jnp.log(0.5)) + 1.0
    # a.log_normal_() (mean=1, std=2)
    lognorm = jnp.exp(1.0 + 2.0 * jax.random.normal(ks[15], a.shape))
    # a.normal_() (mean=0, std=1)
    norm_s = jax.random.normal(ks[16], a.shape)
    # a.random_() (uniform ints representable in float32)
    rnd = jax.random.randint(ks[17], a.shape, 0, 2 ** 24).astype(jnp.float32)
    # a.uniform_()
    unif = jax.random.uniform(ks[18], a.shape)
    outs = (bern, mult, normal_s, pois, rand23, rand_like, ri, ril, rand4, rnl,
            perm, a_bern, cauchy, expo, geom, lognorm, norm_s, rnd, unif)
    # the torch module returns len(<19 sampled tensors>); we summarize each of
    # the 19 sampled tensors by its mean so the op count/structure is preserved
    return jnp.stack([o.mean() for o in outs]) + 0.0 * a.mean()


def setup_inputs(seed: int = 0) -> dict:
    key = jax.random.key(seed)
    a = jax.random.uniform(key, (3, 3), dtype=jnp.float32)
    return {"a": a}


def reference(a):
    return _sample_all(a)

if __name__ == "__main__":
    import jax
    _d = setup_inputs()
    print(jax.jit(kernel)(*tuple(_d.values())))

</pallas_src>

<mosaic_0001>
#map = affine_map<(d0, d1) -> (0)>
module attributes {stable_mosaic.version = 14 : i64} {
  func.func @_k(%arg0: i32, %arg1: i32, %arg2: memref<1840xi32, #tpu.memory_space<hbm>>, %arg3: memref<32xf32, #tpu.memory_space<hbm>>, %arg4: memref<1840xi32, #tpu.memory_space<vmem>>, %arg5: memref<608xi32, #tpu.memory_space<vmem>>, %arg6: memref<32xf32, #tpu.memory_space<vmem>>) attributes {dimension_semantics = [#tpu.dimension_semantics<core_parallel>, #tpu.dimension_semantics<subcore_parallel>], iteration_bounds = array<i64: 2, 16>, scalar_prefetch = 0 : i64, scratch_operands = 3 : i64, tpu.core_type = #tpu.core_type<sc_vector_subcore>, window_params = [{transform_indices = #map}, {transform_indices = #map}]} {
    %mul3A = arith.constant 16 : i32
    %mul3A_0 = arith.muli %arg0, %mul3A : i32
    %add3A = arith.addi %mul3A_0, %arg1 : i32
    %eq3A = arith.constant 0 : i32
    %eq3A_1 = arith.cmpi eq, %add3A, %eq3A : i32
    %convert_element_type3A = arith.extui %eq3A_1 : i1 to i32
    %cond3A = arith.constant 0 : i32
    %cond3A_2 = arith.cmpi ne, %convert_element_type3A, %cond3A : i32
    scf.if %cond3A_2 {
      "tpu.region"() ({
        %run_scoped3A = tpu.sem_alloc : memref<!tpu.dma_semaphore, #tpu.memory_space<semaphore_mem>>
        tpu.enqueue_dma source(%arg2 : memref<1840xi32, #tpu.memory_space<hbm>>) target(%arg4 : memref<1840xi32, #tpu.memory_space<vmem>>) target_semaphore(%run_scoped3A : memref<!tpu.dma_semaphore, #tpu.memory_space<semaphore_mem>>)
        tpu.wait_dma2 semaphore(%run_scoped3A : memref<!tpu.dma_semaphore, #tpu.memory_space<semaphore_mem>>) src(%arg2 : memref<1840xi32, #tpu.memory_space<hbm>>) dst(%arg4 : memref<1840xi32, #tpu.memory_space<vmem>>)
        tpu.yield
      }) : () -> ()
      %scan3A = arith.constant 0 : i32
      %scan3A_3 = arith.constant 0 : i32
      %scan3A_4 = arith.constant 19 : i32
      %scan3A_5 = arith.addi %scan3A_3, %scan3A_4 : i32
      %scan3A_6 = arith.constant 1 : i32
      scf.for %scan3A_4279 = %scan3A_3 to %scan3A_5 step %scan3A_6  : i32 {
        %mul3A_4280 = arith.constant 32 : i32
        %mul3A_4281 = arith.muli %scan3A_4279, %mul3A_4280 : i32
        %get3A_4282 = arith.index_cast %mul3A_4281 : i32 to index
        %get3A_4283 = tpu.vector_load %arg4[%get3A_4282] {strides = array<i32>} : memref<1840xi32, #tpu.memory_space<vmem>>, vector<16xi32>,
        %get3A_4284 = vector.shape_cast %get3A_4283 : vector<16xi32> to vector<16xi32>
        %add3A_4285 = arith.constant 608 : i32
        %add3A_4286 = arith.addi %add3A_4285, %mul3A_4281 : i32
        %get3A_4287 = arith.index_cast %add3A_4286 : i32 to index
        %get3A_4288 = tpu.vector_load %arg4[%get3A_4287] {strides = array<i32>} : memref<1840xi32, #tpu.memory_space<vmem>>, vector<16xi32>,
        %get3A_4289 = vector.shape_cast %get3A_4288 : vector<16xi32> to vector<16xi32>
        %xor3A_4290 = arith.xori %get3A_4284, %get3A_4289 : vector<16xi32>
        %xor3A_4291 = arith.constant 466688986 : i32
        %xor3A_4292 = vector.broadcast %xor3A_4291 : i32 to vector<16xi32>
        %xor3A_4293 = arith.xori %xor3A_4290, %xor3A_4292 : vector<16xi32>
        %add3A_4294 = arith.constant 1216 : i32
        %add3A_4295 = arith.addi %add3A_4294, %mul3A_4281 : i32
        %get3A_4296 = arith.index_cast %add3A_4295 : i32 to index
        %get3A_4297 = tpu.vector_load %arg4[%get3A_4296] {strides = array<i32>} : memref<1840xi32, #tpu.memory_space<vmem>>, vector<16xi32>,
        %get3A_4298 = vector.shape_cast %get3A_4297 : vector<16xi32> to vector<16xi32>
        %add3A_4299 = arith.addi %get3A_4298, %get3A_4289 : vector<16xi32>
        %add3A_4300 = arith.addi %get3A_4284, %add3A_4299 : vector<16xi32>
        %shift_left3A = arith.constant 13 : i32
        %shift_left3A_4301 = vector.broadcast %shift_left3A : i32 to vector<16xi32>
        %shift_left3A_4302 = arith.shli %add3A_4299, %shift_left3A_4301 : vector<16xi32>
        %shift_right_logical3A_4303 = arith.constant 19 : i32
        %shift_right_logical3A_4304 = vector.broadcast %shift_right_logical3A_4303 : i32 to vector<16xi32>
        %shift_right_logical3A_4305 = arith.shrui %add3A_4299, %shift_right_logical3A_4304 : vector<16xi32>
        %or3A_4306 = arith.ori %shift_left3A_4302, %shift_right_logical3A_4305 : vector<16xi32>
        %xor3A_4307 = arith.xori %or3A_4306, %add3A_4300 : vector<16xi32>
        %add3A_4308 = arith.addi %add3A_4300, %xor3A_4307 : vector<16xi32>
        %shift_left3A_4309 = arith.constant 15 : i32
        %shift_left3A_4310 = vector.broadcast %shift_left3A_4309 : i32 to vector<16xi32>
        %shift_left3A_4311 = arith.shli %xor3A_4307, %shift_left3A_4310 : vector<16xi32>
        %shift_right_logical3A_4312 = arith.constant 17 : i32
        %shift_right_logical3A_4313 = vector.broadcast %shift_right_logical3A_4312 : i32 to vector<16xi32>
        %shift_right_logical3A_4314 = arith.shrui %xor3A_4307, %shift_right_logical3A_4313 : vector<16xi32>
        %or3A_4315 = arith.ori %shift_left3A_4311, %shift_right_logical3A_4314 : vector<16xi32>
        %xor3A_4316 = arith.xori %or3A_4315, %add3A_4308 : vector<16xi32>
        %add3A_4317 = arith.addi %add3A_4308, %xor3A_4316 : vector<16xi32>
        %shift_left3A_4318 = arith.constant 26 : i32
        %shift_left3A_4319 = vector.broadcast %shift_left3A_4318 : i32 to vector<16xi32>
        %shift_left3A_4320 = arith.shli %xor3A_4316, %shift_left3A_4319 : vector<16xi32>
        %shift_right_logical3A_4321 = arith.constant 6 : i32
        %shift_right_logical3A_4322 = vector.broadcast %shift_right_logical3A_4321 : i32 to vector<16xi32>
        %shift_right_logical3A_4323 = arith.shrui %xor3A_4316, %shift_right_logical3A_4322 : vector<16xi32>
        %or3A_4324 = arith.ori %shift_left3A_4320, %shift_right_logical3A_4323 : vector<16xi32>
        %xor3A_4325 = arith.xori %or3A_4324, %add3A_4317 : vector<16xi32>
        %add3A_4326 = arith.addi %add3A_4317, %xor3A_4325 : vector<16xi32>
        %shift_left3A_4327 = arith.constant 6 : i32
        %shift_left3A_4328 = vector.broadcast %shift_left3A_4327 : i32 to vector<16xi32>
        %shift_left3A_4329 = arith.shli %xor3A_4325, %shift_left3A_4328 : vector<16xi32>
        %shift_right_logical3A_4330 = arith.constant 26 : i32
        %shift_right_logical3A_4331 = vector.broadcast %shift_right_logical3A_4330 : i32 to vector<16xi32>
        %shift_right_logical3A_4332 = arith.shrui %xor3A_4325, %shift_right_logical3A_4331 : vector<16xi32>
        %or3A_4333 = arith.ori %shift_left3A_4329, %shift_right_logical3A_4332 : vector<16xi32>
        %xor3A_4334 = arith.xori %or3A_4333, %add3A_4326 : vector<16xi32>
        %add3A_4335 = arith.addi %add3A_4326, %get3A_4289 : vector<16xi32>
        %add3A_4336 = arith.addi %xor3A_4334, %xor3A_4293 : vector<16xi32>
        %add3A_4337 = arith.constant 1 : i32
        %add3A_4338 = vector.broadcast %add3A_4337 : i32 to vector<16xi32>
        %add3A_4339 = arith.addi %add3A_4336, %add3A_4338 : vector<16xi32>
        %add3A_4340 = arith.addi %add3A_4335, %add3A_4339 : vector<16xi32>
        %shift_left3A_4341 = arith.constant 17 : i32
        %shift_left3A_4342 = vector.broadcast %shift_left3A_4341 : i32 to vector<16xi32>
        %shift_left3A_4343 = arith.shli %add3A_4339, %shift_left3A_4342 : vector<16xi32>
        %shift_right_logical3A_4344 = arith.constant 15 : i32
        %shift_right_logical3A_4345 = vector.broadcast %shift_right_logical3A_4344 : i32 to vector<16xi32>
        %shift_right_logical3A_4346 = arith.shrui %add3A_4339, %shift_right_logical3A_4345 : vector<16xi32>
        %or3A_4347 = arith.ori %shift_left3A_4343, %shift_right_logical3A_4346 : vector<16xi32>
        %xor3A_4348 = arith.xori %or3A_4347, %add3A_4340 : vector<16xi32>
        %add3A_4349 = arith.addi %add3A_4340, %xor3A_4348 : vector<16xi32>
        %shift_left3A_4350 = arith.constant 29 : i32
        %shift_left3A_4351 = vector.broadcast %shift_left3A_4350 : i32 to vector<16xi32>
        %shift_left3A_4352 = arith.shli %xor3A_4348, %shift_left3A_4351 : vector<16xi32>
        %shift_right_logical3A_4353 = arith.constant 3 : i32
        %shift_right_logical3A_4354 = vector.broadcast %shift_right_logical3A_4353 : i32 to vector<16xi32>
        %shift_right_logical3A_4355 = arith.shrui %xor3A_4348, %shift_right_logical3A_4354 : vector<16xi32>
        %or3A_4356 = arith.ori %shift_left3A_4352, %shift_right_logical3A_4355 : vector<16xi32>
        %xor3A_4357 = arith.xori %or3A_4356, %add3A_4349 : vector<16xi32>
        %add3A_4358 = arith.addi %add3A_4349, %xor3A_4357 : vector<16xi32>
        %shift_left3A_4359 = arith.constant 16 : i32
        %shift_left3A_4360 = vector.broadcast %shift_left3A_4359 : i32 to vector<16xi32>
        %shift_left3A_4361 = arith.shli %xor3A_4357, %shift_left3A_4360 : vector<16xi32>
        %shift_right_logical3A_4362 = arith.constant 16 : i32
        %shift_right_logical3A_4363 = vector.broadcast %shift_right_logical3A_4362 : i32 to vector<16xi32>
        %shift_right_logical3A_4364 = arith.shrui %xor3A_4357, %shift_right_logical3A_4363 : vector<16xi32>
        %or3A_4365 = arith.ori %shift_left3A_4361, %shift_right_logical3A_4364 : vector<16xi32>
        %xor3A_4366 = arith.xori %or3A_4365, %add3A_4358 : vector<16xi32>
        %add3A_4367 = arith.addi %add3A_4358, %xor3A_4366 : vector<16xi32>
        %shift_left3A_4368 = arith.constant 24 : i32
        %shift_left3A_4369 = vector.broadcast %shift_left3A_4368 : i32 to vector<16xi32>
        %shift_left3A_4370 = arith.shli %xor3A_4366, %shift_left3A_4369 : vector<16xi32>
        %shift_right_logical3A_4371 = arith.constant 8 : i32
        %shift_right_logical3A_4372 = vector.broadcast %shift_right_logical3A_4371 : i32 to vector<16xi32>
        %shift_right_logical3A_4373 = arith.shrui %xor3A_4366, %shift_right_logical3A_4372 : vector<16xi32>
        %or3A_4374 = arith.ori %shift_left3A_4370, %shift_right_logical3A_4373 : vector<16xi32>
        %xor3A_4375 = arith.xori %or3A_4374, %add3A_4367 : vector<16xi32>
        %add3A_4376 = arith.addi %add3A_4367, %xor3A_4293 : vector<16xi32>
        %add3A_4377 = arith.addi %xor3A_4375, %get3A_4284 : vector<16xi32>
        %add3A_4378 = arith.constant 2 : i32
        %add3A_4379 = vector.broadcast %add3A_4378 : i32 to vector<16xi32>
        %add3A_4380 = arith.addi %add3A_4377, %add3A_4379 : vector<16xi32>
        %add3A_4381 = arith.addi %add3A_4376, %add3A_4380 : vector<16xi32>
        %shift_left3A_4382 = arith.constant 13 : i32
        %shift_left3A_4383 = vector.broadcast %shift_left3A_4382 : i32 to vector<16xi32>
        %shift_left3A_4384 = arith.shli %add3A_4380, %shift_left3A_4383 : vector<16xi32>
        %shift_right_logical3A_4385 = arith.constant 19 : i32
        %shift_right_logical3A_4386 = vector.broadcast %shift_right_logical3A_4385 : i32 to vector<16xi32>
        %shift_right_logical3A_4387 = arith.shrui %add3A_4380, %shift_right_logical3A_4386 : vector<16xi32>
        %or3A_4388 = arith.ori %shift_left3A_4384, %shift_right_logical3A_4387 : vector<16xi32>
        %xor3A_4389 = arith.xori %or3A_4388, %add3A_4381 : vector<16xi32>
        %add3A_4390 = arith.addi %add3A_4381, %xor3A_4389 : vector<16xi32>
        %shift_left3A_4391 = arith.constant 15 : i32
        %shift_left3A_4392 = vector.broadcast %shift_left3A_4391 : i32 to vector<16xi32>
        %shift_left3A_4393 = arith.shli %xor3A_4389, %shift_left3A_4392 : vector<16xi32>
        %shift_right_logical3A_4394 = arith.constant 17 : i32
        %shift_right_logical3A_4395 = vector.broadcast %shift_right_logical3A_4394 : i32 to vector<16xi32>
        %shift_right_logical3A_4396 = arith.shrui %xor3A_4389, %shift_right_logical3A_4395 : vector<16xi32>
        %or3A_4397 = arith.ori %shift_left3A_4393, %shift_right_logical3A_4396 : vector<16xi32>
        %xor3A_4398 = arith.xori %or3A_4397, %add3A_4390 : vector<16xi32>
        %add3A_4399 = arith.addi %add3A_4390, %xor3A_4398 : vector<16xi32>
        %shift_left3A_4400 = arith.constant 26 : i32
        %shift_left3A_4401 = vector.broadcast %shift_left3A_4400 : i32 to vector<16xi32>
        %shift_left3A_4402 = arith.shli %xor3A_4398, %shift_left3A_4401 : vector<16xi32>
        %shift_right_logical3A_4403 = arith.constant 6 : i32
        %shift_right_logical3A_4404 = vector.broadcast %shift_right_logical3A_4403 : i32 to vector<16xi32>
        %shift_right_logical3A_4405 = arith.shrui %xor3A_4398, %shift_right_logical3A_4404 : vector<16xi32>
        %or3A_4406 = arith.ori %shift_left3A_4402, %shift_right_logical3A_4405 : vector<16xi32>
        %xor3A_4407 = arith.xori %or3A_4406, %add3A_4399 : vector<16xi32>
        %add3A_4408 = arith.addi %add3A_4399, %xor3A_4407 : vector<16xi32>
        %shift_left3A_4409 = arith.constant 6 : i32
        %shift_left3A_4410 = vector.broadcast %shift_left3A_4409 : i32 to vector<16xi32>
        %shift_left3A_4411 = arith.shli %xor3A_4407, %shift_left3A_4410 : vector<16xi32>
        %shift_right_logical3A_4412 = arith.constant 26 : i32
        %shift_right_logical3A_4413 = vector.broadcast %shift_right_logical3A_4412 : i32 to vector<16xi32>
        %shift_right_logical3A_4414 = arith.shrui %xor3A_4407, %shift_right_logical3A_4413 : vector<16xi32>
        %or3A_4415 = arith.ori %shift_left3A_4411, %shift_right_logical3A_4414 : vector<16xi32>
        %xor3A_4416 = arith.xori %or3A_4415, %add3A_4408 : vector<16xi32>
        %add3A_4417 = arith.addi %add3A_4408, %get3A_4284 : vector<16xi32>
        %add3A_4418 = arith.addi %xor3A_4416, %get3A_4289 : vector<16xi32>
        %add3A_4419 = arith.constant 3 : i32
        %add3A_4420 = vector.broadcast %add3A_4419 : i32 to vector<16xi32>
        %add3A_4421 = arith.addi %add3A_4418, %add3A_4420 : vector<16xi32>
        %add3A_4422 = arith.addi %add3A_4417, %add3A_4421 : vector<16xi32>
        %shift_left3A_4423 = arith.constant 17 : i32
        %shift_left3A_4424 = vector.broadcast %shift_left3A_4423 : i32 to vector<16xi32>
        %shift_left3A_4425 = arith.shli %add3A_4421, %shift_left3A_4424 : vector<16xi32>
        %shift_right_logical3A_4426 = arith.constant 15 : i32
        %shift_right_logical3A_4427 = vector.broadcast %shift_right_logical3A_4426 : i32 to vector<16xi32>
        %shift_right_logical3A_4428 = arith.shrui %add3A_4421, %shift_right_logical3A_4427 : vector<16xi32>
        %or3A_4429 = arith.ori %shift_left3A_4425, %shift_right_logical3A_4428 : vector<16xi32>
        %xor3A_4430 = arith.xori %or3A_4429, %add3A_4422 : vector<16xi32>
        %add3A_4431 = arith.addi %add3A_4422, %xor3A_4430 : vector<16xi32>
        %shift_left3A_4432 = arith.constant 29 : i32
        %shift_left3A_4433 = vector.broadcast %shift_left3A_4432 : i32 to vector<16xi32>
        %shift_left3A_4434 = arith.shli %xor3A_4430, %shift_left3A_4433 : vector<16xi32>
        %shift_right_logical3A_4435 = arith.constant 3 : i32
        %shift_right_logical3A_4436 = vector.broadcast %shift_right_logical3A_4435 : i32 to vector<16xi32>
        %shift_right_logical3A_4437 = arith.shrui %xor3A_4430, %shift_right_logical3A_4436 : vector<16xi32>
        %or3A_4438 = arith.ori %shift_left3A_4434, %shift_right_logical3A_4437 : vector<16xi32>
        %xor3A_4439 = arith.xori %or3A_4438, %add3A_4431 : vector<16xi32>
        %add3A_4440 = arith.addi %add3A_4431, %xor3A_4439 : vector<16xi32>
        %shift_left3A_4441 = arith.constant 16 : i32
        %shift_left3A_4442 = vector.broadcast %shift_left3A_4441 : i32 to vector<16xi32>
        %shift_left3A_4443 = arith.shli %xor3A_4439, %shift_left3A_4442 : vector<16xi32>
        %shift_right_logical3A_4444 = arith.constant 16 : i32
        %shift_right_logical3A_4445 = vector.broadcast %shift_right_logical3A_4444 : i32 to vector<16xi32>
        %shift_right_logical3A_4446 = arith.shrui %xor3A_4439, %shift_right_logical3A_4445 : vector<16xi32>
        %or3A_4447 = arith.ori %shift_left3A_4443, %shift_right_logical3A_4446 : vector<16xi32>
        %xor3A_4448 = arith.xori %or3A_4447, %add3A_4440 : vector<16xi32>
        %add3A_4449 = arith.addi %add3A_4440, %xor3A_4448 : vector<16xi32>
        %shift_left3A_4450 = arith.constant 24 : i32
        %shift_left3A_4451 = vector.broadcast %shift_left3A_4450 : i32 to vector<16xi32>
        %shift_left3A_4452 = arith.shli %xor3A_4448, %shift_left3A_4451 : vector<16xi32>
        %shift_right_logical3A_4453 = arith.constant 8 : i32
        %shift_right_logical3A_4454 = vector.broadcast %shift_right_logical3A_4453 : i32 to vector<16xi32>
        %shift_right_logical3A_4455 = arith.shrui %xor3A_4448, %shift_right_logical3A_4454 : vector<16xi32>
        %or3A_4456 = arith.ori %shift_left3A_4452, %shift_right_logical3A_4455 : vector<16xi32>
        %xor3A_4457 = arith.xori %or3A_4456, %add3A_4449 : vector<16xi32>
        %add3A_4458 = arith.addi %add3A_4449, %get3A_4289 : vector<16xi32>
        %add3A_4459 = arith.addi %xor3A_4457, %xor3A_4293 : vector<16xi32>
        %add3A_4460 = arith.constant 4 : i32
        %add3A_4461 = vector.broadcast %add3A_4460 : i32 to vector<16xi32>
        %add3A_4462 = arith.addi %add3A_4459, %add3A_4461 : vector<16xi32>
        %add3A_4463 = arith.addi %add3A_4458, %add3A_4462 : vector<16xi32>
        %shift_left3A_4464 = arith.constant 13 : i32
        %shift_left3A_4465 = vector.broadcast %shift_left3A_4464 : i32 to vector<16xi32>
        %shift_left3A_4466 = arith.shli %add3A_4462, %shift_left3A_4465 : vector<16xi32>
        %shift_right_logical3A_4467 = arith.constant 19 : i32
        %shift_right_logical3A_4468 = vector.broadcast %shift_right_logical3A_4467 : i32 to vector<16xi32>
        %shift_right_logical3A_4469 = arith.shrui %add3A_4462, %shift_right_logical3A_4468 : vector<16xi32>
        %or3A_4470 = arith.ori %shift_left3A_4466, %shift_right_logical3A_4469 : vector<16xi32>
        %xor3A_4471 = arith.xori %or3A_4470, %add3A_4463 : vector<16xi32>
        %add3A_4472 = arith.addi %add3A_4463, %xor3A_4471 : vector<16xi32>
        %shift_left3A_4473 = arith.constant 15 : i32
        %shift_left3A_4474 = vector.broadcast %shift_left3A_4473 : i32 to vector<16xi32>
        %shift_left3A_4475 = arith.shli %xor3A_4471, %shift_left3A_4474 : vector<16xi32>
        %shift_right_logical3A_4476 = arith.constant 17 : i32
        %shift_right_logical3A_4477 = vector.broadcast %shift_right_logical3A_4476 : i32 to vector<16xi32>
        %shift_right_logical3A_4478 = arith.shrui %xor3A_4471, %shift_right_logical3A_4477 : vector<16xi32>
        %or3A_4479 = arith.ori %shift_left3A_4475, %shift_right_logical3A_4478 : vector<16xi32>
        %xor3A_4480 = arith.xori %or3A_4479, %add3A_4472 : vector<16xi32>
        %add3A_4481 = arith.addi %add3A_4472, %xor3A_4480 : vector<16xi32>
        %shift_left3A_4482 = arith.constant 26 : i32
        %shift_left3A_4483 = vector.broadcast %shift_left3A_4482 : i32 to vector<16xi32>
        %shift_left3A_4484 = arith.shli %xor3A_4480, %shift_left3A_4483 : vector<16xi32>
        %shift_right_logical3A_4485 = arith.constant 6 : i32
        %shift_right_logical3A_4486 = vector.broadcast %shift_right_logical3A_4485 : i32 to vector<16xi32>
        %shift_right_logical3A_4487 = arith.shrui %xor3A_4480, %shift_right_logical3A_4486 : vector<16xi32>
        %or3A_4488 = arith.ori %shift_left3A_4484, %shift_right_logical3A_4487 : vector<16xi32>
        %xor3A_4489 = arith.xori %or3A_4488, %add3A_4481 : vector<16xi32>
        %add3A_4490 = arith.addi %add3A_4481, %xor3A_4489 : vector<16xi32>
        %shift_left3A_4491 = arith.constant 6 : i32
        %shift_left3A_4492 = vector.broadcast %shift_left3A_4491 : i32 to vector<16xi32>
        %shift_left3A_4493 = arith.shli %xor3A_4489, %shift_left3A_4492 : vector<16xi32>
        %shift_right_logical3A_4494 = arith.constant 26 : i32
        %shift_right_logical3A_4495 = vector.broadcast %shift_right_logical3A_4494 : i32 to vector<16xi32>
        %shift_right_logical3A_4496 = arith.shrui %xor3A_4489, %shift_right_logical3A_4495 : vector<16xi32>
        %or3A_4497 = arith.ori %shift_left3A_4493, %shift_right_logical3A_4496 : vector<16xi32>
        %xor3A_4498 = arith.xori %or3A_4497, %add3A_4490 : vector<16xi32>
        %add3A_4499 = arith.addi %add3A_4490, %xor3A_4293 : vector<16xi32>
        %add3A_4500 = arith.addi %xor3A_4498, %get3A_4284 : vector<16xi32>
        %add3A_4501 = arith.constant 5 : i32
        %add3A_4502 = vector.broadcast %add3A_4501 : i32 to vector<16xi32>
        %add3A_4503 = arith.addi %add3A_4500, %add3A_4502 : vector<16xi32>
        %xor3A_4504 = arith.xori %add3A_4499, %add3A_4503 : vector<16xi32>
        %swap3A_4505 = arith.index_cast %mul3A_4281 : i32 to index
        %swap3A_4506 = tpu.vector_load %arg5[%swap3A_4505] {strides = array<i32>} : memref<608xi32, #tpu.memory_space<vmem>>, vector<16xi32>,
        %swap3A_4507 = vector.shape_cast %swap3A_4506 : vector<16xi32> to vector<16xi32>
        %swap3A_4508 = vector.shape_cast %xor3A_4504 : vector<16xi32> to vector<16xi32>
        tpu.vector_store %arg5[%swap3A_4505], %swap3A_4508 {strides = array<i32>} : memref<608xi32, #tpu.memory_space<vmem>>, vector<16xi32>,
        %add3A_4509 = arith.constant 16 : i32
        %add3A_4510 = arith.addi %mul3A_4281, %add3A_4509 : i32
        %get3A_4511 = arith.index_cast %add3A_4510 : i32 to index
        %get3A_4512 = tpu.vector_load %arg4[%get3A_4511] {strides = array<i32>} : memref<1840xi32, #tpu.memory_space<vmem>>, vector<16xi32>,
        %get3A_4513 = vector.shape_cast %get3A_4512 : vector<16xi32> to vector<16xi32>
        %add3A_4514 = arith.constant 608 : i32
        %add3A_4515 = arith.addi %add3A_4514, %add3A_4510 : i32
        %get3A_4516 = arith.index_cast %add3A_4515 : i32 to index
        %get3A_4517 = tpu.vector_load %arg4[%get3A_4516] {strides = array<i32>} : memref<1840xi32, #tpu.memory_space<vmem>>, vector<16xi32>,
        %get3A_4518 = vector.shape_cast %get3A_4517 : vector<16xi32> to vector<16xi32>
        %xor3A_4519 = arith.xori %get3A_4513, %get3A_4518 : vector<16xi32>
        %xor3A_4520 = arith.constant 466688986 : i32
        %xor3A_4521 = vector.broadcast %xor3A_4520 : i32 to vector<16xi32>
        %xor3A_4522 = arith.xori %xor3A_4519, %xor3A_4521 : vector<16xi32>
        %add3A_4523 = arith.constant 1216 : i32
        %add3A_4524 = arith.addi %add3A_4523, %add3A_4510 : i32
        %get3A_4525 = arith.index_cast %add3A_4524 : i32 to index
        %get3A_4526 = tpu.vector_load %arg4[%get3A_4525] {strides = array<i32>} : memref<1840xi32, #tpu.memory_space<vmem>>, vector<16xi32>,
        %get3A_4527 = vector.shape_cast %get3A_4526 : vector<16xi32> to vector<16xi32>
        %add3A_4528 = arith.addi %get3A_4527, %get3A_4518 : vector<16xi32>
        %add3A_4529 = arith.addi %get3A_4513, %add3A_4528 : vector<16xi32>
        %shift_left3A_4530 = arith.constant 13 : i32
        %shift_left3A_4531 = vector.broadcast %shift_left3A_4530 : i32 to vector<16xi32>
        %shift_left3A_4532 = arith.shli %add3A_4528, %shift_left3A_4531 : vector<16xi32>
        %shift_right_logical3A_4533 = arith.constant 19 : i32
        %shift_right_logical3A_4534 = vector.broadcast %shift_right_logical3A_4533 : i32 to vector<16xi32>
        %shift_right_logical3A_4535 = arith.shrui %add3A_4528, %shift_right_logical3A_4534 : vector<16xi32>
        %or3A_4536 = arith.ori %shift_left3A_4532, %shift_right_logical3A_4535 : vector<16xi32>
        %xor3A_4537 = arith.xori %or3A_4536, %add3A_4529 : vector<16xi32>
        %add3A_4538 = arith.addi %add3A_4529, %xor3A_4537 : vector<16xi32>
        %shift_left3A_4539 = arith.constant 15 : i32
        %shift_left3A_4540 = vector.broadcast %shift_left3A_4539 : i32 to vector<16xi32>
        %shift_left3A_4541 = arith.shli %xor3A_4537, %shift_left3A_4540 : vector<16xi32>
        %shift_right_logical3A_4542 = arith.constant 17 : i32
        %shift_right_logical3A_4543 = vector.broadcast %shift_right_logical3A_4542 : i32 to vector<16xi32>
        %shift_right_logical3A_4544 = arith.shrui %xor3A_4537, %shift_right_logical3A_4543 : vector<16xi32>
        %or3A_4545 = arith.ori %shift_left3A_4541, %shift_right_logical3A_4544 : vector<16xi32>
        %xor3A_4546 = arith.xori %or3A_4545, %add3A_4538 : vector<16xi32>
        %add3A_4547 = arith.addi %add3A_4538, %xor3A_4546 : vector<16xi32>
        %shift_left3A_4548 = arith.constant 26 : i32
        %shift_left3A_4549 = vector.broadcast %shift_left3A_4548 : i32 to vector<16xi32>
        %shift_left3A_4550 = arith.shli %xor3A_4546, %shift_left3A_4549 : vector<16xi32>
        %shift_right_logical3A_4551 = arith.constant 6 : i32
        %shift_right_logical3A_4552 = vector.broadcast %shift_right_logical3A_4551 : i32 to vector<16xi32>
        %shift_right_logical3A_4553 = arith.shrui %xor3A_4546, %shift_right_logical3A_4552 : vector<16xi32>
        %or3A_4554 = arith.ori %shift_left3A_4550, %shift_right_logical3A_4553 : vector<16xi32>
        %xor3A_4555 = arith.xori %or3A_4554, %add3A_4547 : vector<16xi32>
        %add3A_4556 = arith.addi %add3A_4547, %xor3A_4555 : vector<16xi32>
        %shift_left3A_4557 = arith.constant 6 : i32
        %shift_left3A_4558 = vector.broadcast %shift_left3A_4557 : i32 to vector<16xi32>
        %shift_left3A_4559 = arith.shli %xor3A_4555, %shift_left3A_4558 : vector<16xi32>
        %shift_right_logical3A_4560 = arith.constant 26 : i32
        %shift_right_logical3A_4561 = vector.broadcast %shift_right_logical3A_4560 : i32 to vector<16xi32>
        %shift_right_logical3A_4562 = arith.shrui %xor3A_4555, %shift_right_logical3A_4561 : vector<16xi32>
        %or3A_4563 = arith.ori %shift_left3A_4559, %shift_right_logical3A_4562 : vector<16xi32>
        %xor3A_4564 = arith.xori %or3A_4563, %add3A_4556 : vector<16xi32>
        %add3A_4565 = arith.addi %add3A_4556, %get3A_4518 : vector<16xi32>
        %add3A_4566 = arith.addi %xor3A_4564, %xor3A_4522 : vector<16xi32>
        %add3A_4567 = arith.constant 1 : i32
        %add3A_4568 = vector.broadcast %add3A_4567 : i32 to vector<16xi32>
        %add3A_4569 = arith.addi %add3A_4566, %add3A_4568 : vector<16xi32>
        %add3A_4570 = arith.addi %add3A_4565, %add3A_4569 : vector<16xi32>
        %shift_left3A_4571 = arith.constant 17 : i32
        %shift_left3A_4572 = vector.broadcast %shift_left3A_4571 : i32 to vector<16xi32>
        %shift_left3A_4573 = arith.shli %add3A_4569, %shift_left3A_4572 : vector<16xi32>
        %shift_right_logical3A_4574 = arith.constant 15 : i32
        %shift_right_logical3A_4575 = vector.broadcast %shift_right_logical3A_4574 : i32 to vector<16xi32>
        %shift_right_logical3A_4576 = arith.shrui %add3A_4569, %shift_right_logical3A_4575 : vector<16xi32>
        %or3A_4577 = arith.ori %shift_left3A_4573, %shift_right_logical3A_4576 : vector<16xi32>
        %xor3A_4578 = arith.xori %or3A_4577, %add3A_4570 : vector<16xi32>
        %add3A_4579 = arith.addi %add3A_4570, %xor3A_4578 : vector<16xi32>
        %shift_left3A_4580 = arith.constant 29 : i32
        %shift_left3A_4581 = vector.broadcast %shift_left3A_4580 : i32 to vector<16xi32>
        %shift_left3A_4582 = arith.shli %xor3A_4578, %shift_left3A_4581 : vector<16xi32>
        %shift_right_logical3A_4583 = arith.constant 3 : i32
        %shift_right_logical3A_4584 = vector.broadcast %shift_right_logical3A_4583 : i32 to vector<16xi32>
        %shift_right_logical3A_4585 = arith.shrui %xor3A_4578, %shift_right_logical3A_4584 : vector<16xi32>
        %or3A_4586 = arith.ori %shift_left3A_4582, %shift_right_logical3A_4585 : vector<16xi32>
        %xor3A_4587 = arith.xori %or3A_4586, %add3A_4579 : vector<16xi32>
        %add3A_4588 = arith.addi %add3A_4579, %xor3A_4587 : vector<16xi32>
        %shift_left3A_4589 = arith.constant 16 : i32
        %shift_left3A_4590 = vector.broadcast %shift_left3A_4589 : i32 to vector<16xi32>
        %shift_left3A_4591 = arith.shli %xor3A_4587, %shift_left3A_4590 : vector<16xi32>
        %shift_right_logical3A_4592 = arith.constant 16 : i32
        %shift_right_logical3A_4593 = vector.broadcast %shift_right_logical3A_4592 : i32 to vector<16xi32>
        %shift_right_logical3A_4594 = arith.shrui %xor3A_4587, %shift_right_logical3A_4593 : vector<16xi32>
        %or3A_4595 = arith.ori %shift_left3A_4591, %shift_right_logical3A_4594 : vector<16xi32>
        %xor3A_4596 = arith.xori %or3A_4595, %add3A_4588 : vector<16xi32>
        %add3A_4597 = arith.addi %add3A_4588, %xor3A_4596 : vector<16xi32>
        %shift_left3A_4598 = arith.constant 24 : i32
        %shift_left3A_4599 = vector.broadcast %shift_left3A_4598 : i32 to vector<16xi32>
        %shift_left3A_4600 = arith.shli %xor3A_4596, %shift_left3A_4599 : vector<16xi32>
        %shift_right_logical3A_4601 = arith.constant 8 : i32
        %shift_right_logical3A_4602 = vector.broadcast %shift_right_logical3A_4601 : i32 to vector<16xi32>
        %shift_right_logical3A_4603 = arith.shrui %xor3A_4596, %shift_right_logical3A_4602 : vector<16xi32>
        %or3A_4604 = arith.ori %shift_left3A_4600, %shift_right_logical3A_4603 : vector<16xi32>
        %xor3A_4605 = arith.xori %or3A_4604, %add3A_4597 : vector<16xi32>
        %add3A_4606 = arith.addi %add3A_4597, %xor3A_4522 : vector<16xi32>
        %add3A_4607 = arith.addi %xor3A_4605, %get3A_4513 : vector<16xi32>
        %add3A_4608 = arith.constant 2 : i32
        %add3A_4609 = vector.broadcast %add3A_4608 : i32 to vector<16xi32>
        %add3A_4610 = arith.addi %add3A_4607, %add3A_4609 : vector<16xi32>
        %add3A_4611 = arith.addi %add3A_4606, %add3A_4610 : vector<16xi32>
        %shift_left3A_4612 = arith.constant 13 : i32
        %shift_left3A_4613 = vector.broadcast %shift_left3A_4612 : i32 to vector<16xi32>
        %shift_left3A_4614 = arith.shli %add3A_4610, %shift_left3A_4613 : vector<16xi32>
        %shift_right_logical3A_4615 = arith.constant 19 : i32
        %shift_right_logical3A_4616 = vector.broadcast %shift_right_logical3A_4615 : i32 to vector<16xi32>
        %shift_right_logical3A_4617 = arith.shrui %add3A_4610, %shift_right_logical3A_4616 : vector<16xi32>
        %or3A_4618 = arith.ori %shift_left3A_4614, %shift_right_logical3A_4617 : vector<16xi32>
        %xor3A_4619 = arith.xori %or3A_4618, %add3A_4611 : vector<16xi32>
        %add3A_4620 = arith.addi %add3A_4611, %xor3A_4619 : vector<16xi32>
        %shift_left3A_4621 = arith.constant 15 : i32
        %shift_left3A_4622 = vector.broadcast %shift_left3A_4621 : i32 to vector<16xi32>
        %shift_left3A_4623 = arith.shli %xor3A_4619, %shift_left3A_4622 : vector<16xi32>
        %shift_right_logical3A_4624 = arith.constant 17 : i32
        %shift_right_logical3A_4625 = vector.broadcast %shift_right_logical3A_4624 : i32 to vector<16xi32>
        %shift_right_logical3A_4626 = arith.shrui %xor3A_4619, %shift_right_logical3A_4625 : vector<16xi32>
        %or3A_4627 = arith.ori %shift_left3A_4623, %shift_right_logical3A_4626 : vector<16xi32>
        %xor3A_4628 = arith.xori %or3A_4627, %add3A_4620 : vector<16xi32>
        %add3A_4629 = arith.addi %add3A_4620, %xor3A_4628 : vector<16xi32>
        %shift_left3A_4630 = arith.constant 26 : i32
        %shift_left3A_4631 = vector.broadcast %shift_left3A_4630 : i32 to vector<16xi32>
        %shift_left3A_4632 = arith.shli %xor3A_4628, %shift_left3A_4631 : vector<16xi32>
        %shift_right_logical3A_4633 = arith.constant 6 : i32
        %shift_right_logical3A_4634 = vector.broadcast %shift_right_logical3A_4633 : i32 to vector<16xi32>
        %shift_right_logical3A_4635 = arith.shrui %xor3A_4628, %shift_right_logical3A_4634 : vector<16xi32>
        %or3A_4636 = arith.ori %shift_left3A_4632, %shift_right_logical3A_4635 : vector<16xi32>
        %xor3A_4637 = arith.xori %or3A_4636, %add3A_4629 : vector<16xi32>
        %add3A_4638 = arith.addi %add3A_4629, %xor3A_4637 : vector<16xi32>
        %shift_left3A_4639 = arith.constant 6 : i32
        %shift_left3A_4640 = vector.broadcast %shift_left3A_4639 : i32 to vector<16xi32>
        %shift_left3A_4641 = arith.shli %xor3A_4637, %shift_left3A_4640 : vector<16xi32>
        %shift_right_logical3A_4642 = arith.constant 26 : i32
        %shift_right_logical3A_4643 = vector.broadcast %shift_right_logical3A_4642 : i32 to vector<16xi32>
        %shift_right_logical3A_4644 = arith.shrui %xor3A_4637, %shift_right_logical3A_4643 : vector<16xi32>
        %or3A_4645 = arith.ori %shift_left3A_4641, %shift_right_logical3A_4644 : vector<16xi32>
        %xor3A_4646 = arith.xori %or3A_4645, %add3A_4638 : vector<16xi32>
        %add3A_4647 = arith.addi %add3A_4638, %get3A_4513 : vector<16xi32>
        %add3A_4648 = arith.addi %xor3A_4646, %get3A_4518 : vector<16xi32>
        %add3A_4649 = arith.constant 3 : i32
        %add3A_4650 = vector.broadcast %add3A_4649 : i32 to vector<16xi32>
        %add3A_4651 = arith.addi %add3A_4648, %add3A_4650 : vector<16xi32>
        %add3A_4652 = arith.addi %add3A_4647, %add3A_4651 : vector<16xi32>
        %shift_left3A_4653 = arith.constant 17 : i32
        %shift_left3A_4654 = vector.broadcast %shift_left3A_4653 : i32 to vector<16xi32>
        %shift_left3A_4655 = arith.shli %add3A_4651, %shift_left3A_4654 : vector<16xi32>
        %shift_right_logical3A_4656 = arith.constant 15 : i32
        %shift_right_logical3A_4657 = vector.broadcast %shift_right_logical3A_4656 : i32 to vector<16xi32>
        %shift_right_logical3A_4658 = arith.shrui %add3A_4651, %shift_right_logical3A_4657 : vector<16xi32>
        %or3A_4659 = arith.ori %shift_left3A_4655, %shift_right_logical3A_4658 : vector<16xi32>
        %xor3A_4660 = arith.xori %or3A_4659, %add3A_4652 : vector<16xi32>
        %add3A_4661 = arith.addi %add3A_4652, %xor3A_4660 : vector<16xi32>
        %shift_left3A_4662 = arith.constant 29 : i32
        %shift_left3A_4663 = vector.broadcast %shift_left3A_4662 : i32 to vector<16xi32>
        %shift_left3A_4664 = arith.shli %xor3A_4660, %shift_left3A_4663 : vector<16xi32>
        %shift_right_logical3A_4665 = arith.constant 3 : i32
        %shift_right_logical3A_4666 = vector.broadcast %shift_right_logical3A_4665 : i32 to vector<16xi32>
        %shift_right_logical3A_4667 = arith.shrui %xor3A_4660, %shift_right_logical3A_4666 : vector<16xi32>
        %or3A_4668 = arith.ori %shift_left3A_4664, %shift_right_logical3A_4667 : vector<16xi32>
        %xor3A_4669 = arith.xori %or3A_4668, %add3A_4661 : vector<16xi32>
        %add3A_4670 = arith.addi %add3A_4661, %xor3A_4669 : vector<16xi32>
        %shift_left3A_4671 = arith.constant 16 : i32
        %shift_left3A_4672 = vector.broadcast %shift_left3A_4671 : i32 to vector<16xi32>
        %shift_left3A_4673 = arith.shli %xor3A_4669, %shift_left3A_4672 : vector<16xi32>
        %shift_right_logical3A_4674 = arith.constant 16 : i32
        %shift_right_logical3A_4675 = vector.broadcast %shift_right_logical3A_4674 : i32 to vector<16xi32>
        %shift_right_logical3A_4676 = arith.shrui %xor3A_4669, %shift_right_logical3A_4675 : vector<16xi32>
        %or3A_4677 = arith.ori %shift_left3A_4673, %shift_right_logical3A_4676 : vector<16xi32>
        %xor3A_4678 = arith.xori %or3A_4677, %add3A_4670 : vector<16xi32>
        %add3A_4679 = arith.addi %add3A_4670, %xor3A_4678 : vector<16xi32>
        %shift_left3A_4680 = arith.constant 24 : i32
        %shift_left3A_4681 = vector.broadcast %shift_left3A_4680 : i32 to vector<16xi32>
        %shift_left3A_4682 = arith.shli %xor3A_4678, %shift_left3A_4681 : vector<16xi32>
        %shift_right_logical3A_4683 = arith.constant 8 : i32
        %shift_right_logical3A_4684 = vector.broadcast %shift_right_logical3A_4683 : i32 to vector<16xi32>
        %shift_right_logical3A_4685 = arith.shrui %xor3A_4678, %shift_right_logical3A_4684 : vector<16xi32>
        %or3A_4686 = arith.ori %shift_left3A_4682, %shift_right_logical3A_4685 : vector<16xi32>
        %xor3A_4687 = arith.xori %or3A_4686, %add3A_4679 : vector<16xi32>
        %add3A_4688 = arith.addi %add3A_4679, %get3A_4518 : vector<16xi32>
        %add3A_4689 = arith.addi %xor3A_4687, %xor3A_4522 : vector<16xi32>
        %add3A_4690 = arith.constant 4 : i32
        %add3A_4691 = vector.broadcast %add3A_4690 : i32 to vector<16xi32>
        %add3A_4692 = arith.addi %add3A_4689, %add3A_4691 : vector<16xi32>
        %add3A_4693 = arith.addi %add3A_4688, %add3A_4692 : vector<16xi32>
        %shift_left3A_4694 = arith.constant 13 : i32
        %shift_left3A_4695 = vector.broadcast %shift_left3A_4694 : i32 to vector<16xi32>
        %shift_left3A_4696 = arith.shli %add3A_4692, %shift_left3A_4695 : vector<16xi32>
        %shift_right_logical3A_4697 = arith.constant 19 : i32
        %shift_right_logical3A_4698 = vector.broadcast %shift_right_logical3A_4697 : i32 to vector<16xi32>
        %shift_right_logical3A_4699 = arith.shrui %add3A_4692, %shift_right_logical3A_4698 : vector<16xi32>
        %or3A_4700 = arith.ori %shift_left3A_4696, %shift_right_logical3A_4699 : vector<16xi32>
        %xor3A_4701 = arith.xori %or3A_4700, %add3A_4693 : vector<16xi32>
        %add3A_4702 = arith.addi %add3A_4693, %xor3A_4701 : vector<16xi32>
        %shift_left3A_4703 = arith.constant 15 : i32
        %shift_left3A_4704 = vector.broadcast %shift_left3A_4703 : i32 to vector<16xi32>
        %shift_left3A_4705 = arith.shli %xor3A_4701, %shift_left3A_4704 : vector<16xi32>
        %shift_right_logical3A_4706 = arith.constant 17 : i32
        %shift_right_logical3A_4707 = vector.broadcast %shift_right_logical3A_4706 : i32 to vector<16xi32>
        %shift_right_logical3A_4708 = arith.shrui %xor3A_4701, %shift_right_logical3A_4707 : vector<16xi32>
        %or3A_4709 = arith.ori %shift_left3A_4705, %shift_right_logical3A_4708 : vector<16xi32>
        %xor3A_4710 = arith.xori %or3A_4709, %add3A_4702 : vector<16xi32>
        %add3A_4711 = arith.addi %add3A_4702, %xor3A_4710 : vector<16xi32>
        %shift_left3A_4712 = arith.constant 26 : i32
        %shift_left3A_4713 = vector.broadcast %shift_left3A_4712 : i32 to vector<16xi32>
        %shift_left3A_4714 = arith.shli %xor3A_4710, %shift_left3A_4713 : vector<16xi32>
        %shift_right_logical3A_4715 = arith.constant 6 : i32
        %shift_right_logical3A_4716 = vector.broadcast %shift_right_logical3A_4715 : i32 to vector<16xi32>
        %shift_right_logical3A_4717 = arith.shrui %xor3A_4710, %shift_right_logical3A_4716 : vector<16xi32>
        %or3A_4718 = arith.ori %shift_left3A_4714, %shift_right_logical3A_4717 : vector<16xi32>
        %xor3A_4719 = arith.xori %or3A_4718, %add3A_4711 : vector<16xi32>
        %add3A_4720 = arith.addi %add3A_4711, %xor3A_4719 : vector<16xi32>
        %shift_left3A_4721 = arith.constant 6 : i32
        %shift_left3A_4722 = vector.broadcast %shift_left3A_4721 : i32 to vector<16xi32>
        %shift_left3A_4723 = arith.shli %xor3A_4719, %shift_left3A_4722 : vector<16xi32>
        %shift_right_logical3A_4724 = arith.constant 26 : i32
        %shift_right_logical3A_4725 = vector.broadcast %shift_right_logical3A_4724 : i32 to vector<16xi32>
        %shift_right_logical3A_4726 = arith.shrui %xor3A_4719, %shift_right_logical3A_4725 : vector<16xi32>
        %or3A_4727 = arith.ori %shift_left3A_4723, %shift_right_logical3A_4726 : vector<16xi32>
        %xor3A_4728 = arith.xori %or3A_4727, %add3A_4720 : vector<16xi32>
        %add3A_4729 = arith.addi %add3A_4720, %xor3A_4522 : vector<16xi32>
        %add3A_4730 = arith.addi %xor3A_4728, %get3A_4513 : vector<16xi32>
        %add3A_4731 = arith.constant 5 : i32
        %add3A_4732 = vector.broadcast %add3A_4731 : i32 to vector<16xi32>
        %add3A_4733 = arith.addi %add3A_4730, %add3A_4732 : vector<16xi32>
        %xor3A_4734 = arith.xori %add3A_4729, %add3A_4733 : vector<16xi32>
        %swap3A_4735 = arith.index_cast %add3A_4510 : i32 to index
        %swap3A_4736 = tpu.vector_load %arg5[%swap3A_4735] {strides = array<i32>} : memref<608xi32, #tpu.memory_space<vmem>>, vector<16xi32>,
        %swap3A_4737 = vector.shape_cast %swap3A_4736 : vector<16xi32> to vector<16xi32>
        %swap3A_4738 = vector.shape_cast %xor3A_4734 : vector<16xi32> to vector<16xi32>
        tpu.vector_store %arg5[%swap3A_4735], %swap3A_4738 {strides = array<i32>} : memref<608xi32, #tpu.memory_space<vmem>>, vector<16xi32>,
      }
      %scan3A_7 = arith.constant 19 : i32
      %get3A = arith.constant 1824 : index
      %get3A_8 = tpu.vector_load %arg4[%get3A] {strides = array<i32>} : memref<1840xi32, #tpu.memory_space<vmem>>, vector<16xi32>,
      %get3A_9 = vector.shape_cast %get3A_8 : vector<16xi32> to vector<16xi32>
      %bitcast_convert_type3A = tpu.bitcast %get3A_9 : vector<16xi32> -> vector<16xf32>
      %iota3A = tpu.iota {dimensions = array<i32: 0>} : vector<16xi32>
      %convert_element_type3A_10 = arith.sitofp %iota3A : vector<16xi32> to vector<16xf32>
      %mul3A_11 = arith.constant 0.000000e+00 : f32
      %mul3A_12 = vector.broadcast %mul3A_11 : f32 to vector<16xf32>
      %mul3A_13 = arith.mulf %convert_element_type3A_10, %mul3A_12 : vector<16xf32>
      %add3A_14 = arith.constant 1.000000e+00 : f32
      %add3A_15 = vector.broadcast %add3A_14 : f32 to vector<16xf32>
      %add3A_16 = arith.addf %mul3A_13, %add3A_15 : vector<16xf32>
      %get3A_17 = arith.constant 0 : index
      %get3A_18 = tpu.vector_load %arg5[%get3A_17] {strides = array<i32>} : memref<608xi32, #tpu.memory_space<vmem>>, vector<16xi32>,
      %get3A_19 = vector.shape_cast %get3A_18 : vector<16xi32> to vector<16xi32>
      %shift_right_logical3A = arith.constant 9 : i32
      %shift_right_logical3A_20 = vector.broadcast %shift_right_logical3A : i32 to vector<16xi32>
      %shift_right_logical3A_21 = arith.shrui %get3A_19, %shift_right_logical3A_20 : vector<16xi32>
      %or3A = arith.constant 1065353216 : i32
      %or3A_22 = vector.broadcast %or3A : i32 to vector<16xi32>
      %or3A_23 = arith.ori %shift_right_logical3A_21, %or3A_22 : vector<16xi32>
      %bitcast_convert_type3A_24 = tpu.bitcast %or3A_23 : vector<16xi32> -> vector<16xf32>
      %sub3A = arith.constant 1.000000e+00 : f32
      %sub3A_25 = vector.broadcast %sub3A : f32 to vector<16xf32>
      %sub3A_26 = arith.subf %bitcast_convert_type3A_24, %sub3A_25 : vector<16xf32>
      %lt3A = arith.cmpf olt, %sub3A_26, %bitcast_convert_type3A : vector<16xf32>
      %select_n3A = arith.select %lt3A, %add3A_16, %mul3A_13 : vector<16xi1>, vector<16xf32>
      %xor3A = arith.constant 8 : i32
      %xor3A_27 = vector.broadcast %xor3A : i32 to vector<16xi32>
      %xor3A_28 = arith.xori %iota3A, %xor3A_27 : vector<16xi32>
      %lt3A_29 = arith.constant 0 : i32
      %lt3A_30 = vector.broadcast %lt3A_29 : i32 to vector<16xi32>
      %lt3A_31 = arith.cmpi slt, %xor3A_28, %lt3A_30 : vector<16xi32>
      %add3A_32 = arith.constant 16 : i32
      %add3A_33 = vector.broadcast %add3A_32 : i32 to vector<16xi32>
      %add3A_34 = arith.addi %xor3A_28, %add3A_33 : vector<16xi32>
      %select_n3A_35 = arith.select %lt3A_31, %add3A_34, %xor3A_28 : vector<16xi1>, vector<16xi32>
      %broadcast_in_dim3A = vector.shape_cast %select_n3A_35 : vector<16xi32> to vector<16x1xi32>
      %gather3A = vector.shape_cast %broadcast_in_dim3A : vector<16x1xi32> to vector<16xi32>
      %gather3A_36 = tpu.dynamic_gather %select_n3A[%gather3A] in [0] : vector<16xf32>, vector<16xi32> -> vector<16xf32>
      %add3A_37 = arith.addf %select_n3A, %gather3A_36 : vector<16xf32>
      %xor3A_38 = arith.constant 4 : i32
      %xor3A_39 = vector.broadcast %xor3A_38 : i32 to vector<16xi32>
      %xor3A_40 = arith.xori %iota3A, %xor3A_39 : vector<16xi32>
      %lt3A_41 = arith.constant 0 : i32
      %lt3A_42 = vector.broadcast %lt3A_41 : i32 to vector<16xi32>
      %lt3A_43 = arith.cmpi slt, %xor3A_40, %lt3A_42 : vector<16xi32>
      %add3A_44 = arith.constant 16 : i32
      %add3A_45 = vector.broadcast %add3A_44 : i32 to vector<16xi32>
      %add3A_46 = arith.addi %xor3A_40, %add3A_45 : vector<16xi32>
      %select_n3A_47 = arith.select %lt3A_43, %add3A_46, %xor3A_40 : vector<16xi1>, vector<16xi32>
      %broadcast_in_dim3A_48 = vector.shape_cast %select_n3A_47 : vector<16xi32> to vector<16x1xi32>
      %gather3A_49 = vector.shape_cast %broadcast_in_dim3A_48 : vector<16x1xi32> to vector<16xi32>
      %gather3A_50 = tpu.dynamic_gather %add3A_37[%gather3A_49] in [0] : vector<16xf32>, vector<16xi32> -> vector<16xf32>
      %add3A_51 = arith.addf %add3A_37, %gather3A_50 : vector<16xf32>
      %xor3A_52 = arith.constant 2 : i32
      %xor3A_53 = vector.broadcast %xor3A_52 : i32 to vector<16xi32>
      %xor3A_54 = arith.xori %iota3A, %xor3A_53 : vector<16xi32>
      %lt3A_55 = arith.constant 0 : i32
      %lt3A_56 = vector.broadcast %lt3A_55 : i32 to vector<16xi32>
      %lt3A_57 = arith.cmpi slt, %xor3A_54, %lt3A_56 : vector<16xi32>
      %add3A_58 = arith.constant 16 : i32
      %add3A_59 = vector.broadcast %add3A_58 : i32 to vector<16xi32>
      %add3A_60 = arith.addi %xor3A_54, %add3A_59 : vector<16xi32>
      %select_n3A_61 = arith.select %lt3A_57, %add3A_60, %xor3A_54 : vector<16xi1>, vector<16xi32>
      %broadcast_in_dim3A_62 = vector.shape_cast %select_n3A_61 : vector<16xi32> to vector<16x1xi32>
      %gather3A_63 = vector.shape_cast %broadcast_in_dim3A_62 : vector<16x1xi32> to vector<16xi32>
      %gather3A_64 = tpu.dynamic_gather %add3A_51[%gather3A_63] in [0] : vector<16xf32>, vector<16xi32> -> vector<16xf32>
      %add3A_65 = arith.addf %add3A_51, %gather3A_64 : vector<16xf32>
      %xor3A_66 = arith.constant 1 : i32
      %xor3A_67 = vector.broadcast %xor3A_66 : i32 to vector<16xi32>
      %xor3A_68 = arith.xori %iota3A, %xor3A_67 : vector<16xi32>
      %lt3A_69 = arith.constant 0 : i32
      %lt3A_70 = vector.broadcast %lt3A_69 : i32 to vector<16xi32>
      %lt3A_71 = arith.cmpi slt, %xor3A_68, %lt3A_70 : vector<16xi32>
      %add3A_72 = arith.constant 16 : i32
      %add3A_73 = vector.broadcast %add3A_72 : i32 to vector<16xi32>
      %add3A_74 = arith.addi %xor3A_68, %add3A_73 : vector<16xi32>
      %select_n3A_75 = arith.select %lt3A_71, %add3A_74, %xor3A_68 : vector<16xi1>, vector<16xi32>
      %broadcast_in_dim3A_76 = vector.shape_cast %select_n3A_75 : vector<16xi32> to vector<16x1xi32>
      %gather3A_77 = vector.shape_cast %broadcast_in_dim3A_76 : vector<16x1xi32> to vector<16xi32>
      %gather3A_78 = tpu.dynamic_gather %add3A_65[%gather3A_77] in [0] : vector<16xf32>, vector<16xi32> -> vector<16xf32>
      %add3A_79 = arith.addf %add3A_65, %gather3A_78 : vector<16xf32>
      %div3A = arith.constant 9.000000e+00 : f32
      %div3A_80 = vector.broadcast %div3A : f32 to vector<16xf32>
      %div3A_81 = arith.divf %add3A_79, %div3A_80 : vector<16xf32>
      %get3A_82 = arith.constant 64 : index
      %get3A_83 = tpu.vector_load %arg5[%get3A_82] {strides = array<i32>} : memref<608xi32, #tpu.memory_space<vmem>>, vector<16xi32>,
      %get3A_84 = vector.shape_cast %get3A_83 : vector<16xi32> to vector<16xi32>
      %shift_right_logical3A_85 = arith.constant 9 : i32
      %shift_right_logical3A_86 = vector.broadcast %shift_right_logical3A_85 : i32 to vector<16xi32>
      %shift_right_logical3A_87 = arith.shrui %get3A_84, %shift_right_logical3A_86 : vector<16xi32>
      %or3A_88 = arith.constant 1065353216 : i32
      %or3A_89 = vector.broadcast %or3A_88 : i32 to vector<16xi32>
      %or3A_90 = arith.ori %shift_right_logical3A_87, %or3A_89 : vector<16xi32>
      %bitcast_convert_type3A_91 = tpu.bitcast %or3A_90 : vector<16xi32> -> vector<16xf32>
      %sub3A_92 = arith.constant 1.000000e+00 : f32
      %sub3A_93 = vector.broadcast %sub3A_92 : f32 to vector<16xf32>
      %sub3A_94 = arith.subf %bitcast_convert_type3A_91, %sub3A_93 : vector<16xf32>
      %lt3A_95 = arith.cmpf olt, %sub3A_94, %bitcast_convert_type3A : vector<16xf32>
      %select_n3A_96 = arith.select %lt3A_95, %add3A_16, %mul3A_13 : vector<16xi1>, vector<16xf32>
      %xor3A_97 = arith.constant 8 : i32
      %xor3A_98 = vector.broadcast %xor3A_97 : i32 to vector<16xi32>
      %xor3A_99 = arith.xori %iota3A, %xor3A_98 : vector<16xi32>
      %lt3A_100 = arith.constant 0 : i32
      %lt3A_101 = vector.broadcast %lt3A_100 : i32 to vector<16xi32>
      %lt3A_102 = arith.cmpi slt, %xor3A_99, %lt3A_101 : vector<16xi32>
      %add3A_103 = arith.constant 16 : i32
      %add3A_104 = vector.broadcast %add3A_103 : i32 to vector<16xi32>
      %add3A_105 = arith.addi %xor3A_99, %add3A_104 : vector<16xi32>
      %select_n3A_106 = arith.select %lt3A_102, %add3A_105, %xor3A_99 : vector<16xi1>, vector<16xi32>
      %broadcast_in_dim3A_107 = vector.shape_cast %select_n3A_106 : vector<16xi32> to vector<16x1xi32>
      %gather3A_108 = vector.shape_cast %broadcast_in_dim3A_107 : vector<16x1xi32> to vector<16xi32>
      %gather3A_109 = tpu.dynamic_gather %select_n3A_96[%gather3A_108] in [0] : vector<16xf32>, vector<16xi32> -> vector<16xf32>
      %add3A_110 = arith.addf %select_n3A_96, %gather3A_109 : vector<16xf32>
      %xor3A_111 = arith.constant 4 : i32
      %xor3A_112 = vector.broadcast %xor3A_111 : i32 to vector<16xi32>
      %xor3A_113 = arith.xori %iota3A, %xor3A_112 : vector<16xi32>
      %lt3A_114 = arith.constant 0 : i32
      %lt3A_115 = vector.broadcast %lt3A_114 : i32 to vector<16xi32>
      %lt3A_116 = arith.cmpi slt, %xor3A_113, %lt3A_115 : vector<16xi32>
      %add3A_117 = arith.constant 16 : i32
      %add3A_118 = vector.broadcast %add3A_117 : i32 to vector<16xi32>
      %add3A_119 = arith.addi %xor3A_113, %add3A_118 : vector<16xi32>
      %select_n3A_120 = arith.select %lt3A_116, %add3A_119, %xor3A_113 : vector<16xi1>, vector<16xi32>
      %broadcast_in_dim3A_121 = vector.shape_cast %select_n3A_120 : vector<16xi32> to vector<16x1xi32>
      %gather3A_122 = vector.shape_cast %broadcast_in_dim3A_121 : vector<16x1xi32> to vector<16xi32>
      %gather3A_123 = tpu.dynamic_gather %add3A_110[%gather3A_122] in [0] : vector<16xf32>, vector<16xi32> -> vector<16xf32>
      %add3A_124 = arith.addf %add3A_110, %gather3A_123 : vector<16xf32>
      %xor3A_125 = arith.constant 2 : i32
      %xor3A_126 = vector.broadcast %xor3A_125 : i32 to vector<16xi32>
      %xor3A_127 = arith.xori %iota3A, %xor3A_126 : vector<16xi32>
      %lt3A_128 = arith.constant 0 : i32
      %lt3A_129 = vector.broadcast %lt3A_128 : i32 to vector<16xi32>
      %lt3A_130 = arith.cmpi slt, %xor3A_127, %lt3A_129 : vector<16xi32>
      %add3A_131 = arith.constant 16 : i32
      %add3A_132 = vector.broadcast %add3A_131 : i32 to vector<16xi32>
      %add3A_133 = arith.addi %xor3A_127, %add3A_132 : vector<16xi32>
      %select_n3A_134 = arith.select %lt3A_130, %add3A_133, %xor3A_127 : vector<16xi1>, vector<16xi32>
      %broadcast_in_dim3A_135 = vector.shape_cast %select_n3A_134 : vector<16xi32> to vector<16x1xi32>
      %gather3A_136 = vector.shape_cast %broadcast_in_dim3A_135 : vector<16x1xi32> to vector<16xi32>
      %gather3A_137 = tpu.dynamic_gather %add3A_124[%gather3A_136] in [0] : vector<16xf32>, vector<16xi32> -> vector<16xf32>
      %add3A_138 = arith.addf %add3A_124, %gather3A_137 : vector<16xf32>
      %xor3A_139 = arith.constant 1 : i32
      %xor3A_140 = vector.broadcast %xor3A_139 : i32 to vector<16xi32>
      %xor3A_141 = arith.xori %iota3A, %xor3A_140 : vector<16xi32>
      %lt3A_142 = arith.constant 0 : i32
      %lt3A_143 = vector.broadcast %lt3A_142 : i32 to vector<16xi32>
      %lt3A_144 = arith.cmpi slt, %xor3A_141, %lt3A_143 : vector<16xi32>
      %add3A_145 = arith.constant 16 : i32
      %add3A_146 = vector.broadcast %add3A_145 : i32 to vector<16xi32>
      %add3A_147 = arith.addi %xor3A_141, %add3A_146 : vector<16xi32>
      %select_n3A_148 = arith.select %lt3A_144, %add3A_147, %xor3A_141 : vector<16xi1>, vector<16xi32>
      %broadcast_in_dim3A_149 = vector.shape_cast %select_n3A_148 : vector<16xi32> to vector<16x1xi32>
      %gather3A_150 = vector.shape_cast %broadcast_in_dim3A_149 : vector<16x1xi32> to vector<16xi32>
      %gather3A_151 = tpu.dynamic_gather %add3A_138[%gather3A_150] in [0] : vector<16xf32>, vector<16xi32> -> vector<16xf32>
      %add3A_152 = arith.addf %add3A_138, %gather3A_151 : vector<16xf32>
      %div3A_153 = arith.constant 9.000000e+00 : f32
      %div3A_154 = vector.broadcast %div3A_153 : f32 to vector<16xf32>
      %div3A_155 = arith.divf %add3A_152, %div3A_154 : vector<16xf32>
      %get3A_156 = arith.constant 192 : index
      %get3A_157 = tpu.vector_load %arg5[%get3A_156] {strides = array<i32>} : memref<608xi32, #tpu.memory_space<vmem>>, vector<16xi32>,
      %get3A_158 = vector.shape_cast %get3A_157 : vector<16xi32> to vector<16xi32>
      %shift_right_logical3A_159 = arith.constant 9 : i32
      %shift_right_logical3A_160 = vector.broadcast %shift_right_logical3A_159 : i32 to vector<16xi32>
      %shift_right_logical3A_161 = arith.shrui %get3A_158, %shift_right_logical3A_160 : vector<16xi32>
      %or3A_162 = arith.constant 1065353216 : i32
      %or3A_163 = vector.broadcast %or3A_162 : i32 to vector<16xi32>
      %or3A_164 = arith.ori %shift_right_logical3A_161, %or3A_163 : vector<16xi32>
      %bitcast_convert_type3A_165 = tpu.bitcast %or3A_164 : vector<16xi32> -> vector<16xf32>
      %sub3A_166 = arith.constant 1.000000e+00 : f32
      %sub3A_167 = vector.broadcast %sub3A_166 : f32 to vector<16xf32>
      %sub3A_168 = arith.subf %bitcast_convert_type3A_165, %sub3A_167 : vector<16xf32>
      %get3A_169 = arith.constant 192 : index
      %get3A_170 = tpu.vector_load %arg5[%get3A_169] {strides = array<i32>} : memref<608xi32, #tpu.memory_space<vmem>>, vector<16xi32>,
      %get3A_171 = vector.shape_cast %get3A_170 : vector<16xi32> to vector<16xi32>
      %max3A = arith.constant 9.99999996E-13 : f32
      %max3A_172 = vector.broadcast %max3A : f32 to vector<16xf32>
      %max3A_173 = arith.maximumf %sub3A_168, %max3A_172 : vector<16xf32>
      %min3A = arith.constant 1.000000e+00 : f32
      %min3A_174 = vector.broadcast %min3A : f32 to vector<16xf32>
      %min3A_175 = arith.minimumf %max3A_173, %min3A_174 : vector<16xf32>
      %bitcast_convert_type3A_176 = tpu.bitcast %min3A_175 : vector<16xf32> -> vector<16xi32>
      %shift_right_logical3A_177 = arith.constant 23 : i32
      %shift_right_logical3A_178 = vector.broadcast %shift_right_logical3A_177 : i32 to vector<16xi32>
      %shift_right_logical3A_179 = arith.shrui %bitcast_convert_type3A_176, %shift_right_logical3A_178 : vector<16xi32>
      %and3A = arith.constant 255 : i32
      %and3A_180 = vector.broadcast %and3A : i32 to vector<16xi32>
      %and3A_181 = arith.andi %shift_right_logical3A_179, %and3A_180 : vector<16xi32>
      %sub3A_182 = arith.constant 127 : i32
      %sub3A_183 = vector.broadcast %sub3A_182 : i32 to vector<16xi32>
      %sub3A_184 = arith.subi %and3A_181, %sub3A_183 : vector<16xi32>
      %and3A_185 = arith.constant 8388607 : i32
      %and3A_186 = vector.broadcast %and3A_185 : i32 to vector<16xi32>
      %and3A_187 = arith.andi %bitcast_convert_type3A_176, %and3A_186 : vector<16xi32>
      %or3A_188 = arith.constant 1065353216 : i32
      %or3A_189 = vector.broadcast %or3A_188 : i32 to vector<16xi32>
      %or3A_190 = arith.ori %and3A_187, %or3A_189 : vector<16xi32>
      %bitcast_convert_type3A_191 = tpu.bitcast %or3A_190 : vector<16xi32> -> vector<16xf32>
      %sub3A_192 = arith.constant 1.000000e+00 : f32
      %sub3A_193 = vector.broadcast %sub3A_192 : f32 to vector<16xf32>
      %sub3A_194 = arith.subf %bitcast_convert_type3A_191, %sub3A_193 : vector<16xf32>
      %add3A_195 = arith.constant 1.000000e+00 : f32
      %add3A_196 = vector.broadcast %add3A_195 : f32 to vector<16xf32>
      %add3A_197 = arith.addf %bitcast_convert_type3A_191, %add3A_196 : vector<16xf32>
      %div3A_198 = arith.divf %sub3A_194, %add3A_197 : vector<16xf32>
      %mul3A_199 = arith.mulf %div3A_198, %div3A_198 : vector<16xf32>
      %mul3A_200 = arith.constant 2.000000e+00 : f32
      %mul3A_201 = vector.broadcast %mul3A_200 : f32 to vector<16xf32>
      %mul3A_202 = arith.mulf %mul3A_201, %div3A_198 : vector<16xf32>
      %mul3A_203 = arith.constant 0.111111112 : f32
      %mul3A_204 = vector.broadcast %mul3A_203 : f32 to vector<16xf32>
      %mul3A_205 = arith.mulf %mul3A_199, %mul3A_204 : vector<16xf32>
      %add3A_206 = arith.constant 0.142857149 : f32
      %add3A_207 = vector.broadcast %add3A_206 : f32 to vector<16xf32>
      %add3A_208 = arith.addf %add3A_207, %mul3A_205 : vector<16xf32>
      %mul3A_209 = arith.mulf %mul3A_199, %add3A_208 : vector<16xf32>
      %add3A_210 = arith.constant 2.000000e-01 : f32
      %add3A_211 = vector.broadcast %add3A_210 : f32 to vector<16xf32>
      %add3A_212 = arith.addf %add3A_211, %mul3A_209 : vector<16xf32>
      %mul3A_213 = arith.mulf %mul3A_199, %add3A_212 : vector<16xf32>
      %add3A_214 = arith.constant 0.333333343 : f32
      %add3A_215 = vector.broadcast %add3A_214 : f32 to vector<16xf32>
      %add3A_216 = arith.addf %add3A_215, %mul3A_213 : vector<16xf32>
      %mul3A_217 = arith.mulf %mul3A_199, %add3A_216 : vector<16xf32>
      %add3A_218 = arith.constant 1.000000e+00 : f32
      %add3A_219 = vector.broadcast %add3A_218 : f32 to vector<16xf32>
      %add3A_220 = arith.addf %add3A_219, %mul3A_217 : vector<16xf32>
      %mul3A_221 = arith.mulf %mul3A_202, %add3A_220 : vector<16xf32>
      %convert_element_type3A_222 = arith.sitofp %sub3A_184 : vector<16xi32> to vector<16xf32>
      %mul3A_223 = arith.constant 0.693147182 : f32
      %mul3A_224 = vector.broadcast %mul3A_223 : f32 to vector<16xf32>
      %mul3A_225 = arith.mulf %convert_element_type3A_222, %mul3A_224 : vector<16xf32>
      %add3A_226 = arith.addf %mul3A_225, %mul3A_221 : vector<16xf32>
      %neg3A = arith.constant 0.000000e+00 : f32
      %neg3A_227 = vector.broadcast %neg3A : f32 to vector<16xf32>
      %neg3A_228 = arith.subf %neg3A_227, %add3A_226 : vector<16xf32>
      %bitcast_convert_type3A_229 = tpu.bitcast %neg3A_228 : vector<16xf32> -> vector<16xi32>
      %shift_right_logical3A_230 = arith.constant 23 : i32
      %shift_right_logical3A_231 = vector.broadcast %shift_right_logical3A_230 : i32 to vector<16xi32>
      %shift_right_logical3A_232 = arith.shrui %bitcast_convert_type3A_229, %shift_right_logical3A_231 : vector<16xi32>
      %and3A_233 = arith.constant 255 : i32
      %and3A_234 = vector.broadcast %and3A_233 : i32 to vector<16xi32>
      %and3A_235 = arith.andi %shift_right_logical3A_232, %and3A_234 : vector<16xi32>
      %sub3A_236 = arith.constant 127 : i32
      %sub3A_237 = vector.broadcast %sub3A_236 : i32 to vector<16xi32>
      %sub3A_238 = arith.subi %and3A_235, %sub3A_237 : vector<16xi32>
      %and3A_239 = arith.constant 8388607 : i32
      %and3A_240 = vector.broadcast %and3A_239 : i32 to vector<16xi32>
      %and3A_241 = arith.andi %bitcast_convert_type3A_229, %and3A_240 : vector<16xi32>
      %or3A_242 = arith.constant 1065353216 : i32
      %or3A_243 = vector.broadcast %or3A_242 : i32 to vector<16xi32>
      %or3A_244 = arith.ori %and3A_241, %or3A_243 : vector<16xi32>
      %bitcast_convert_type3A_245 = tpu.bitcast %or3A_244 : vector<16xi32> -> vector<16xf32>
      %sub3A_246 = arith.constant 1.000000e+00 : f32
      %sub3A_247 = vector.broadcast %sub3A_246 : f32 to vector<16xf32>
      %sub3A_248 = arith.subf %bitcast_convert_type3A_245, %sub3A_247 : vector<16xf32>
      %add3A_249 = arith.constant 1.000000e+00 : f32
      %add3A_250 = vector.broadcast %add3A_249 : f32 to vector<16xf32>
      %add3A_251 = arith.addf %bitcast_convert_type3A_245, %add3A_250 : vector<16xf32>
      %div3A_252 = arith.divf %sub3A_248, %add3A_251 : vector<16xf32>
      %mul3A_253 = arith.mulf %div3A_252, %div3A_252 : vector<16xf32>
      %mul3A_254 = arith.constant 2.000000e+00 : f32
      %mul3A_255 = vector.broadcast %mul3A_254 : f32 to vector<16xf32>
      %mul3A_256 = arith.mulf %mul3A_255, %div3A_252 : vector<16xf32>
      %mul3A_257 = arith.constant 0.111111112 : f32
      %mul3A_258 = vector.broadcast %mul3A_257 : f32 to vector<16xf32>
      %mul3A_259 = arith.mulf %mul3A_253, %mul3A_258 : vector<16xf32>
      %add3A_260 = arith.constant 0.142857149 : f32
      %add3A_261 = vector.broadcast %add3A_260 : f32 to vector<16xf32>
      %add3A_262 = arith.addf %add3A_261, %mul3A_259 : vector<16xf32>
      %mul3A_263 = arith.mulf %mul3A_253, %add3A_262 : vector<16xf32>
      %add3A_264 = arith.constant 2.000000e-01 : f32
      %add3A_265 = vector.broadcast %add3A_264 : f32 to vector<16xf32>
      %add3A_266 = arith.addf %add3A_265, %mul3A_263 : vector<16xf32>
      %mul3A_267 = arith.mulf %mul3A_253, %add3A_266 : vector<16xf32>
      %add3A_268 = arith.constant 0.333333343 : f32
      %add3A_269 = vector.broadcast %add3A_268 : f32 to vector<16xf32>
      %add3A_270 = arith.addf %add3A_269, %mul3A_267 : vector<16xf32>
      %mul3A_271 = arith.mulf %mul3A_253, %add3A_270 : vector<16xf32>
      %add3A_272 = arith.constant 1.000000e+00 : f32
      %add3A_273 = vector.broadcast %add3A_272 : f32 to vector<16xf32>
      %add3A_274 = arith.addf %add3A_273, %mul3A_271 : vector<16xf32>
      %mul3A_275 = arith.mulf %mul3A_256, %add3A_274 : vector<16xf32>
      %convert_element_type3A_276 = arith.sitofp %sub3A_238 : vector<16xi32> to vector<16xf32>
      %mul3A_277 = arith.constant 0.693147182 : f32
      %mul3A_278 = vector.broadcast %mul3A_277 : f32 to vector<16xf32>
      %mul3A_279 = arith.mulf %convert_element_type3A_276, %mul3A_278 : vector<16xf32>
      %add3A_280 = arith.addf %mul3A_279, %mul3A_275 : vector<16xf32>
      %neg3A_281 = arith.constant 0.000000e+00 : f32
      %neg3A_282 = vector.broadcast %neg3A_281 : f32 to vector<16xf32>
      %neg3A_283 = arith.subf %neg3A_282, %add3A_280 : vector<16xf32>
      %eq3A_284 = arith.constant 1 : i32
      %eq3A_285 = vector.broadcast %eq3A_284 : i32 to vector<16xi32>
      %eq3A_286 = arith.cmpi eq, %iota3A, %eq3A_285 : vector<16xi32>
      %add3A_287 = arith.constant 2.30258512 : f32
      %add3A_288 = vector.broadcast %add3A_287 : f32 to vector<16xf32>
      %add3A_289 = arith.addf %mul3A_13, %add3A_288 : vector<16xf32>
      %eq3A_290 = arith.constant 2 : i32
      %eq3A_291 = vector.broadcast %eq3A_290 : i32 to vector<16xi32>
      %eq3A_292 = arith.cmpi eq, %iota3A, %eq3A_291 : vector<16xi32>
      %add3A_293 = arith.constant 1.09861231 : f32
      %add3A_294 = vector.broadcast %add3A_293 : f32 to vector<16xf32>
      %add3A_295 = arith.addf %mul3A_13, %add3A_294 : vector<16xf32>
      %sub3A_296 = arith.constant 1.000000e+30 : f32
      %sub3A_297 = vector.broadcast %sub3A_296 : f32 to vector<16xf32>
      %sub3A_298 = arith.subf %mul3A_13, %sub3A_297 : vector<16xf32>
      %select_n3A_299 = arith.select %eq3A_292, %add3A_295, %sub3A_298 : vector<16xi1>, vector<16xf32>
      %select_n3A_300 = arith.select %eq3A_286, %add3A_289, %select_n3A_299 : vector<16xi1>, vector<16xf32>
      %lt3A_301 = arith.constant 4 : i32
      %lt3A_302 = vector.broadcast %lt3A_301 : i32 to vector<16xi32>
      %lt3A_303 = arith.cmpi slt, %iota3A, %lt3A_302 : vector<16xi32>
      %add3A_304 = arith.addf %select_n3A_300, %neg3A_283 : vector<16xf32>
      %sub3A_305 = arith.constant 3.000000e+38 : f32
      %sub3A_306 = vector.broadcast %sub3A_305 : f32 to vector<16xf32>
      %sub3A_307 = arith.subf %mul3A_13, %sub3A_306 : vector<16xf32>
      %select_n3A_308 = arith.select %lt3A_303, %add3A_304, %sub3A_307 : vector<16xi1>, vector<16xf32>
      %xor3A_309 = arith.constant 8 : i32
      %xor3A_310 = vector.broadcast %xor3A_309 : i32 to vector<16xi32>
      %xor3A_311 = arith.xori %iota3A, %xor3A_310 : vector<16xi32>
      %lt3A_312 = arith.constant 0 : i32
      %lt3A_313 = vector.broadcast %lt3A_312 : i32 to vector<16xi32>
      %lt3A_314 = arith.cmpi slt, %xor3A_311, %lt3A_313 : vector<16xi32>
      %add3A_315 = arith.constant 16 : i32
      %add3A_316 = vector.broadcast %add3A_315 : i32 to vector<16xi32>
      %add3A_317 = arith.addi %xor3A_311, %add3A_316 : vector<16xi32>
      %select_n3A_318 = arith.select %lt3A_314, %add3A_317, %xor3A_311 : vector<16xi1>, vector<16xi32>
      %broadcast_in_dim3A_319 = vector.shape_cast %select_n3A_318 : vector<16xi32> to vector<16x1xi32>
      %gather3A_320 = vector.shape_cast %broadcast_in_dim3A_319 : vector<16x1xi32> to vector<16xi32>
      %gather3A_321 = tpu.dynamic_gather %select_n3A_308[%gather3A_320] in [0] : vector<16xf32>, vector<16xi32> -> vector<16xf32>
      %max3A_322 = arith.maximumf %select_n3A_308, %gather3A_321 : vector<16xf32>
      %xor3A_323 = arith.constant 4 : i32
      %xor3A_324 = vector.broadcast %xor3A_323 : i32 to vector<16xi32>
      %xor3A_325 = arith.xori %iota3A, %xor3A_324 : vector<16xi32>
      %lt3A_326 = arith.constant 0 : i32
      %lt3A_327 = vector.broadcast %lt3A_326 : i32 to vector<16xi32>
      %lt3A_328 = arith.cmpi slt, %xor3A_325, %lt3A_327 : vector<16xi32>
      %add3A_329 = arith.constant 16 : i32
      %add3A_330 = vector.broadcast %add3A_329 : i32 to vector<16xi32>
      %add3A_331 = arith.addi %xor3A_325, %add3A_330 : vector<16xi32>
      %select_n3A_332 = arith.select %lt3A_328, %add3A_331, %xor3A_325 : vector<16xi1>, vector<16xi32>
      %broadcast_in_dim3A_333 = vector.shape_cast %select_n3A_332 : vector<16xi32> to vector<16x1xi32>
      %gather3A_334 = vector.shape_cast %broadcast_in_dim3A_333 : vector<16x1xi32> to vector<16xi32>
      %gather3A_335 = tpu.dynamic_gather %max3A_322[%gather3A_334] in [0] : vector<16xf32>, vector<16xi32> -> vector<16xf32>
      %max3A_336 = arith.maximumf %max3A_322, %gather3A_335 : vector<16xf32>
      %xor3A_337 = arith.constant 2 : i32
      %xor3A_338 = vector.broadcast %xor3A_337 : i32 to vector<16xi32>
      %xor3A_339 = arith.xori %iota3A, %xor3A_338 : vector<16xi32>
      %lt3A_340 = arith.constant 0 : i32
      %lt3A_341 = vector.broadcast %lt3A_340 : i32 to vector<16xi32>
      %lt3A_342 = arith.cmpi slt, %xor3A_339, %lt3A_341 : vector<16xi32>
      %add3A_343 = arith.constant 16 : i32
      %add3A_344 = vector.broadcast %add3A_343 : i32 to vector<16xi32>
      %add3A_345 = arith.addi %xor3A_339, %add3A_344 : vector<16xi32>
      %select_n3A_346 = arith.select %lt3A_342, %add3A_345, %xor3A_339 : vector<16xi1>, vector<16xi32>
      %broadcast_in_dim3A_347 = vector.shape_cast %select_n3A_346 : vector<16xi32> to vector<16x1xi32>
      %gather3A_348 = vector.shape_cast %broadcast_in_dim3A_347 : vector<16x1xi32> to vector<16xi32>
      %gather3A_349 = tpu.dynamic_gather %max3A_336[%gather3A_348] in [0] : vector<16xf32>, vector<16xi32> -> vector<16xf32>
      %max3A_350 = arith.maximumf %max3A_336, %gather3A_349 : vector<16xf32>
      %xor3A_351 = arith.constant 1 : i32
      %xor3A_352 = vector.broadcast %xor3A_351 : i32 to vector<16xi32>
      %xor3A_353 = arith.xori %iota3A, %xor3A_352 : vector<16xi32>
      %lt3A_354 = arith.constant 0 : i32
      %lt3A_355 = vector.broadcast %lt3A_354 : i32 to vector<16xi32>
      %lt3A_356 = arith.cmpi slt, %xor3A_353, %lt3A_355 : vector<16xi32>
      %add3A_357 = arith.constant 16 : i32
      %add3A_358 = vector.broadcast %add3A_357 : i32 to vector<16xi32>
      %add3A_359 = arith.addi %xor3A_353, %add3A_358 : vector<16xi32>
      %select_n3A_360 = arith.select %lt3A_356, %add3A_359, %xor3A_353 : vector<16xi1>, vector<16xi32>
      %broadcast_in_dim3A_361 = vector.shape_cast %select_n3A_360 : vector<16xi32> to vector<16x1xi32>
      %gather3A_362 = vector.shape_cast %broadcast_in_dim3A_361 : vector<16x1xi32> to vector<16xi32>
      %gather3A_363 = tpu.dynamic_gather %max3A_350[%gather3A_362] in [0] : vector<16xf32>, vector<16xi32> -> vector<16xf32>
      %max3A_364 = arith.maximumf %max3A_350, %gather3A_363 : vector<16xf32>
      %eq3A_365 = arith.cmpf oeq, %select_n3A_308, %max3A_364 : vector<16xf32>
      %select_n3A_366 = arith.select %eq3A_365, %convert_element_type3A_10, %mul3A_13 : vector<16xi1>, vector<16xf32>
      %xor3A_367 = arith.constant 8 : i32
      %xor3A_368 = vector.broadcast %xor3A_367 : i32 to vector<16xi32>
      %xor3A_369 = arith.xori %iota3A, %xor3A_368 : vector<16xi32>
      %lt3A_370 = arith.constant 0 : i32
      %lt3A_371 = vector.broadcast %lt3A_370 : i32 to vector<16xi32>
      %lt3A_372 = arith.cmpi slt, %xor3A_369, %lt3A_371 : vector<16xi32>
      %add3A_373 = arith.constant 16 : i32
      %add3A_374 = vector.broadcast %add3A_373 : i32 to vector<16xi32>
      %add3A_375 = arith.addi %xor3A_369, %add3A_374 : vector<16xi32>
      %select_n3A_376 = arith.select %lt3A_372, %add3A_375, %xor3A_369 : vector<16xi1>, vector<16xi32>
      %broadcast_in_dim3A_377 = vector.shape_cast %select_n3A_376 : vector<16xi32> to vector<16x1xi32>
      %gather3A_378 = vector.shape_cast %broadcast_in_dim3A_377 : vector<16x1xi32> to vector<16xi32>
      %gather3A_379 = tpu.dynamic_gather %select_n3A_366[%gather3A_378] in [0] : vector<16xf32>, vector<16xi32> -> vector<16xf32>
      %add3A_380 = arith.addf %select_n3A_366, %gather3A_379 : vector<16xf32>
      %xor3A_381 = arith.constant 4 : i32
      %xor3A_382 = vector.broadcast %xor3A_381 : i32 to vector<16xi32>
      %xor3A_383 = arith.xori %iota3A, %xor3A_382 : vector<16xi32>
      %lt3A_384 = arith.constant 0 : i32
      %lt3A_385 = vector.broadcast %lt3A_384 : i32 to vector<16xi32>
      %lt3A_386 = arith.cmpi slt, %xor3A_383, %lt3A_385 : vector<16xi32>
      %add3A_387 = arith.constant 16 : i32
      %add3A_388 = vector.broadcast %add3A_387 : i32 to vector<16xi32>
      %add3A_389 = arith.addi %xor3A_383, %add3A_388 : vector<16xi32>
      %select_n3A_390 = arith.select %lt3A_386, %add3A_389, %xor3A_383 : vector<16xi1>, vector<16xi32>
      %broadcast_in_dim3A_391 = vector.shape_cast %select_n3A_390 : vector<16xi32> to vector<16x1xi32>
      %gather3A_392 = vector.shape_cast %broadcast_in_dim3A_391 : vector<16x1xi32> to vector<16xi32>
      %gather3A_393 = tpu.dynamic_gather %add3A_380[%gather3A_392] in [0] : vector<16xf32>, vector<16xi32> -> vector<16xf32>
      %add3A_394 = arith.addf %add3A_380, %gather3A_393 : vector<16xf32>
      %xor3A_395 = arith.constant 2 : i32
      %xor3A_396 = vector.broadcast %xor3A_395 : i32 to vector<16xi32>
      %xor3A_397 = arith.xori %iota3A, %xor3A_396 : vector<16xi32>
      %lt3A_398 = arith.constant 0 : i32
      %lt3A_399 = vector.broadcast %lt3A_398 : i32 to vector<16xi32>
      %lt3A_400 = arith.cmpi slt, %xor3A_397, %lt3A_399 : vector<16xi32>
      %add3A_401 = arith.constant 16 : i32
      %add3A_402 = vector.broadcast %add3A_401 : i32 to vector<16xi32>
      %add3A_403 = arith.addi %xor3A_397, %add3A_402 : vector<16xi32>
      %select_n3A_404 = arith.select %lt3A_400, %add3A_403, %xor3A_397 : vector<16xi1>, vector<16xi32>
      %broadcast_in_dim3A_405 = vector.shape_cast %select_n3A_404 : vector<16xi32> to vector<16x1xi32>
      %gather3A_406 = vector.shape_cast %broadcast_in_dim3A_405 : vector<16x1xi32> to vector<16xi32>
      %gather3A_407 = tpu.dynamic_gather %add3A_394[%gather3A_406] in [0] : vector<16xf32>, vector<16xi32> -> vector<16xf32>
      %add3A_408 = arith.addf %add3A_394, %gather3A_407 : vector<16xf32>
      %xor3A_409 = arith.constant 1 : i32
      %xor3A_410 = vector.broadcast %xor3A_409 : i32 to vector<16xi32>
      %xor3A_411 = arith.xori %iota3A, %xor3A_410 : vector<16xi32>
      %lt3A_412 = arith.constant 0 : i32
      %lt3A_413 = vector.broadcast %lt3A_412 : i32 to vector<16xi32>
      %lt3A_414 = arith.cmpi slt, %xor3A_411, %lt3A_413 : vector<16xi32>
      %add3A_415 = arith.constant 16 : i32
      %add3A_416 = vector.broadcast %add3A_415 : i32 to vector<16xi32>
      %add3A_417 = arith.addi %xor3A_411, %add3A_416 : vector<16xi32>
      %select_n3A_418 = arith.select %lt3A_414, %add3A_417, %xor3A_411 : vector<16xi1>, vector<16xi32>
      %broadcast_in_dim3A_419 = vector.shape_cast %select_n3A_418 : vector<16xi32> to vector<16x1xi32>
      %gather3A_420 = vector.shape_cast %broadcast_in_dim3A_419 : vector<16x1xi32> to vector<16xi32>
      %gather3A_421 = tpu.dynamic_gather %add3A_408[%gather3A_420] in [0] : vector<16xf32>, vector<16xi32> -> vector<16xf32>
      %add3A_422 = arith.addf %add3A_408, %gather3A_421 : vector<16xf32>
      %eq3A_423 = arith.cmpf oeq, %select_n3A_308, %max3A_364 : vector<16xf32>
      %sub3A_424 = arith.constant 3.000000e+38 : f32
      %sub3A_425 = vector.broadcast %sub3A_424 : f32 to vector<16xf32>
      %sub3A_426 = arith.subf %mul3A_13, %sub3A_425 : vector<16xf32>
      %select_n3A_427 = arith.select %eq3A_423, %sub3A_426, %select_n3A_308 : vector<16xi1>, vector<16xf32>
      %xor3A_428 = arith.constant 8 : i32
      %xor3A_429 = vector.broadcast %xor3A_428 : i32 to vector<16xi32>
      %xor3A_430 = arith.xori %iota3A, %xor3A_429 : vector<16xi32>
      %lt3A_431 = arith.constant 0 : i32
      %lt3A_432 = vector.broadcast %lt3A_431 : i32 to vector<16xi32>
      %lt3A_433 = arith.cmpi slt, %xor3A_430, %lt3A_432 : vector<16xi32>
      %add3A_434 = arith.constant 16 : i32
      %add3A_435 = vector.broadcast %add3A_434 : i32 to vector<16xi32>
      %add3A_436 = arith.addi %xor3A_430, %add3A_435 : vector<16xi32>
      %select_n3A_437 = arith.select %lt3A_433, %add3A_436, %xor3A_430 : vector<16xi1>, vector<16xi32>
      %broadcast_in_dim3A_438 = vector.shape_cast %select_n3A_437 : vector<16xi32> to vector<16x1xi32>
      %gather3A_439 = vector.shape_cast %broadcast_in_dim3A_438 : vector<16x1xi32> to vector<16xi32>
      %gather3A_440 = tpu.dynamic_gather %select_n3A_427[%gather3A_439] in [0] : vector<16xf32>, vector<16xi32> -> vector<16xf32>
      %max3A_441 = arith.maximumf %select_n3A_427, %gather3A_440 : vector<16xf32>
      %xor3A_442 = arith.constant 4 : i32
      %xor3A_443 = vector.broadcast %xor3A_442 : i32 to vector<16xi32>
      %xor3A_444 = arith.xori %iota3A, %xor3A_443 : vector<16xi32>
      %lt3A_445 = arith.constant 0 : i32
      %lt3A_446 = vector.broadcast %lt3A_445 : i32 to vector<16xi32>
      %lt3A_447 = arith.cmpi slt, %xor3A_444, %lt3A_446 : vector<16xi32>
      %add3A_448 = arith.constant 16 : i32
      %add3A_449 = vector.broadcast %add3A_448 : i32 to vector<16xi32>
      %add3A_450 = arith.addi %xor3A_444, %add3A_449 : vector<16xi32>
      %select_n3A_451 = arith.select %lt3A_447, %add3A_450, %xor3A_444 : vector<16xi1>, vector<16xi32>
      %broadcast_in_dim3A_452 = vector.shape_cast %select_n3A_451 : vector<16xi32> to vector<16x1xi32>
      %gather3A_453 = vector.shape_cast %broadcast_in_dim3A_452 : vector<16x1xi32> to vector<16xi32>
      %gather3A_454 = tpu.dynamic_gather %max3A_441[%gather3A_453] in [0] : vector<16xf32>, vector<16xi32> -> vector<16xf32>
      %max3A_455 = arith.maximumf %max3A_441, %gather3A_454 : vector<16xf32>
      %xor3A_456 = arith.constant 2 : i32
      %xor3A_457 = vector.broadcast %xor3A_456 : i32 to vector<16xi32>
      %xor3A_458 = arith.xori %iota3A, %xor3A_457 : vector<16xi32>
      %lt3A_459 = arith.constant 0 : i32
      %lt3A_460 = vector.broadcast %lt3A_459 : i32 to vector<16xi32>
      %lt3A_461 = arith.cmpi slt, %xor3A_458, %lt3A_460 : vector<16xi32>
      %add3A_462 = arith.constant 16 : i32
      %add3A_463 = vector.broadcast %add3A_462 : i32 to vector<16xi32>
      %add3A_464 = arith.addi %xor3A_458, %add3A_463 : vector<16xi32>
      %select_n3A_465 = arith.select %lt3A_461, %add3A_464, %xor3A_458 : vector<16xi1>, vector<16xi32>
      %broadcast_in_dim3A_466 = vector.shape_cast %select_n3A_465 : vector<16xi32> to vector<16x1xi32>
      %gather3A_467 = vector.shape_cast %broadcast_in_dim3A_466 : vector<16x1xi32> to vector<16xi32>
      %gather3A_468 = tpu.dynamic_gather %max3A_455[%gather3A_467] in [0] : vector<16xf32>, vector<16xi32> -> vector<16xf32>
      %max3A_469 = arith.maximumf %max3A_455, %gather3A_468 : vector<16xf32>
      %xor3A_470 = arith.constant 1 : i32
      %xor3A_471 = vector.broadcast %xor3A_470 : i32 to vector<16xi32>
      %xor3A_472 = arith.xori %iota3A, %xor3A_471 : vector<16xi32>
      %lt3A_473 = arith.constant 0 : i32
      %lt3A_474 = vector.broadcast %lt3A_473 : i32 to vector<16xi32>
      %lt3A_475 = arith.cmpi slt, %xor3A_472, %lt3A_474 : vector<16xi32>
      %add3A_476 = arith.constant 16 : i32
      %add3A_477 = vector.broadcast %add3A_476 : i32 to vector<16xi32>
      %add3A_478 = arith.addi %xor3A_472, %add3A_477 : vector<16xi32>
      %select_n3A_479 = arith.select %lt3A_475, %add3A_478, %xor3A_472 : vector<16xi1>, vector<16xi32>
      %broadcast_in_dim3A_480 = vector.shape_cast %select_n3A_479 : vector<16xi32> to vector<16x1xi32>
      %gather3A_481 = vector.shape_cast %broadcast_in_dim3A_480 : vector<16x1xi32> to vector<16xi32>
      %gather3A_482 = tpu.dynamic_gather %max3A_469[%gather3A_481] in [0] : vector<16xf32>, vector<16xi32> -> vector<16xf32>
      %max3A_483 = arith.maximumf %max3A_469, %gather3A_482 : vector<16xf32>
      %eq3A_484 = arith.cmpf oeq, %select_n3A_427, %max3A_483 : vector<16xf32>
      %select_n3A_485 = arith.select %eq3A_484, %convert_element_type3A_10, %mul3A_13 : vector<16xi1>, vector<16xf32>
      %xor3A_486 = arith.constant 8 : i32
      %xor3A_487 = vector.broadcast %xor3A_486 : i32 to vector<16xi32>
      %xor3A_488 = arith.xori %iota3A, %xor3A_487 : vector<16xi32>
      %lt3A_489 = arith.constant 0 : i32
      %lt3A_490 = vector.broadcast %lt3A_489 : i32 to vector<16xi32>
      %lt3A_491 = arith.cmpi slt, %xor3A_488, %lt3A_490 : vector<16xi32>
      %add3A_492 = arith.constant 16 : i32
      %add3A_493 = vector.broadcast %add3A_492 : i32 to vector<16xi32>
      %add3A_494 = arith.addi %xor3A_488, %add3A_493 : vector<16xi32>
      %select_n3A_495 = arith.select %lt3A_491, %add3A_494, %xor3A_488 : vector<16xi1>, vector<16xi32>
      %broadcast_in_dim3A_496 = vector.shape_cast %select_n3A_495 : vector<16xi32> to vector<16x1xi32>
      %gather3A_497 = vector.shape_cast %broadcast_in_dim3A_496 : vector<16x1xi32> to vector<16xi32>
      %gather3A_498 = tpu.dynamic_gather %select_n3A_485[%gather3A_497] in [0] : vector<16xf32>, vector<16xi32> -> vector<16xf32>
      %add3A_499 = arith.addf %select_n3A_485, %gather3A_498 : vector<16xf32>
      %xor3A_500 = arith.constant 4 : i32
      %xor3A_501 = vector.broadcast %xor3A_500 : i32 to vector<16xi32>
      %xor3A_502 = arith.xori %iota3A, %xor3A_501 : vector<16xi32>
      %lt3A_503 = arith.constant 0 : i32
      %lt3A_504 = vector.broadcast %lt3A_503 : i32 to vector<16xi32>
      %lt3A_505 = arith.cmpi slt, %xor3A_502, %lt3A_504 : vector<16xi32>
      %add3A_506 = arith.constant 16 : i32
      %add3A_507 = vector.broadcast %add3A_506 : i32 to vector<16xi32>
      %add3A_508 = arith.addi %xor3A_502, %add3A_507 : vector<16xi32>
      %select_n3A_509 = arith.select %lt3A_505, %add3A_508, %xor3A_502 : vector<16xi1>, vector<16xi32>
      %broadcast_in_dim3A_510 = vector.shape_cast %select_n3A_509 : vector<16xi32> to vector<16x1xi32>
      %gather3A_511 = vector.shape_cast %broadcast_in_dim3A_510 : vector<16x1xi32> to vector<16xi32>
      %gather3A_512 = tpu.dynamic_gather %add3A_499[%gather3A_511] in [0] : vector<16xf32>, vector<16xi32> -> vector<16xf32>
      %add3A_513 = arith.addf %add3A_499, %gather3A_512 : vector<16xf32>
      %xor3A_514 = arith.constant 2 : i32
      %xor3A_515 = vector.broadcast %xor3A_514 : i32 to vector<16xi32>
      %xor3A_516 = arith.xori %iota3A, %xor3A_515 : vector<16xi32>
      %lt3A_517 = arith.constant 0 : i32
      %lt3A_518 = vector.broadcast %lt3A_517 : i32 to vector<16xi32>
      %lt3A_519 = arith.cmpi slt, %xor3A_516, %lt3A_518 : vector<16xi32>
      %add3A_520 = arith.constant 16 : i32
      %add3A_521 = vector.broadcast %add3A_520 : i32 to vector<16xi32>
      %add3A_522 = arith.addi %xor3A_516, %add3A_521 : vector<16xi32>
      %select_n3A_523 = arith.select %lt3A_519, %add3A_522, %xor3A_516 : vector<16xi1>, vector<16xi32>
      %broadcast_in_dim3A_524 = vector.shape_cast %select_n3A_523 : vector<16xi32> to vector<16x1xi32>
      %gather3A_525 = vector.shape_cast %broadcast_in_dim3A_524 : vector<16x1xi32> to vector<16xi32>
      %gather3A_526 = tpu.dynamic_gather %add3A_513[%gather3A_525] in [0] : vector<16xf32>, vector<16xi32> -> vector<16xf32>
      %add3A_527 = arith.addf %add3A_513, %gather3A_526 : vector<16xf32>
      %xor3A_528 = arith.constant 1 : i32
      %xor3A_529 = vector.broadcast %xor3A_528 : i32 to vector<16xi32>
      %xor3A_530 = arith.xori %iota3A, %xor3A_529 : vector<16xi32>
      %lt3A_531 = arith.constant 0 : i32
      %lt3A_532 = vector.broadcast %lt3A_531 : i32 to vector<16xi32>
      %lt3A_533 = arith.cmpi slt, %xor3A_530, %lt3A_532 : vector<16xi32>
      %add3A_534 = arith.constant 16 : i32
      %add3A_535 = vector.broadcast %add3A_534 : i32 to vector<16xi32>
      %add3A_536 = arith.addi %xor3A_530, %add3A_535 : vector<16xi32>
      %select_n3A_537 = arith.select %lt3A_533, %add3A_536, %xor3A_530 : vector<16xi1>, vector<16xi32>
      %broadcast_in_dim3A_538 = vector.shape_cast %select_n3A_537 : vector<16xi32> to vector<16x1xi32>
      %gather3A_539 = vector.shape_cast %broadcast_in_dim3A_538 : vector<16x1xi32> to vector<16xi32>
      %gather3A_540 = tpu.dynamic_gather %add3A_527[%gather3A_539] in [0] : vector<16xf32>, vector<16xi32> -> vector<16xf32>
      %add3A_541 = arith.addf %add3A_527, %gather3A_540 : vector<16xf32>
      %add3A_542 = arith.addf %add3A_422, %add3A_541 : vector<16xf32>
      %mul3A_543 = arith.constant 5.000000e-01 : f32
      %mul3A_544 = vector.broadcast %mul3A_543 : f32 to vector<16xf32>
      %mul3A_545 = arith.mulf %add3A_542, %mul3A_544 : vector<16xf32>
      %mul3A_546 = arith.constant 2.000000e+00 : f32
      %mul3A_547 = vector.broadcast %mul3A_546 : f32 to vector<16xf32>
      %mul3A_548 = arith.mulf %sub3A_168, %mul3A_547 : vector<16xf32>
      %add3A_549 = arith.constant -0.99999994 : f32
      %add3A_550 = vector.broadcast %add3A_549 : f32 to vector<16xf32>
      %add3A_551 = arith.addf %mul3A_548, %add3A_550 : vector<16xf32>
      %max3A_552 = arith.constant -0.99999994 : f32
      %max3A_553 = vector.broadcast %max3A_552 : f32 to vector<16xf32>
      %max3A_554 = arith.maximumf %max3A_553, %add3A_551 : vector<16xf32>
      %sub3A_555 = arith.constant 1.000000e+00 : f32
      %sub3A_556 = vector.broadcast %sub3A_555 : f32 to vector<16xf32>
      %sub3A_557 = arith.subf %sub3A_556, %max3A_554 : vector<16xf32>
      %add3A_558 = arith.constant 1.000000e+00 : f32
      %add3A_559 = vector.broadcast %add3A_558 : f32 to vector<16xf32>
      %add3A_560 = arith.addf %add3A_559, %max3A_554 : vector<16xf32>
      %mul3A_561 = arith.mulf %sub3A_557, %add3A_560 : vector<16xf32>
      %bitcast_convert_type3A_562 = tpu.bitcast %mul3A_561 : vector<16xf32> -> vector<16xi32>
      %shift_right_logical3A_563 = arith.constant 23 : i32
      %shift_right_logical3A_564 = vector.broadcast %shift_right_logical3A_563 : i32 to vector<16xi32>
      %shift_right_logical3A_565 = arith.shrui %bitcast_convert_type3A_562, %shift_right_logical3A_564 : vector<16xi32>
      %and3A_566 = arith.constant 255 : i32
      %and3A_567 = vector.broadcast %and3A_566 : i32 to vector<16xi32>
      %and3A_568 = arith.andi %shift_right_logical3A_565, %and3A_567 : vector<16xi32>
      %sub3A_569 = arith.constant 127 : i32
      %sub3A_570 = vector.broadcast %sub3A_569 : i32 to vector<16xi32>
      %sub3A_571 = arith.subi %and3A_568, %sub3A_570 : vector<16xi32>
      %and3A_572 = arith.constant 8388607 : i32
      %and3A_573 = vector.broadcast %and3A_572 : i32 to vector<16xi32>
      %and3A_574 = arith.andi %bitcast_convert_type3A_562, %and3A_573 : vector<16xi32>
      %or3A_575 = arith.constant 1065353216 : i32
      %or3A_576 = vector.broadcast %or3A_575 : i32 to vector<16xi32>
      %or3A_577 = arith.ori %and3A_574, %or3A_576 : vector<16xi32>
      %bitcast_convert_type3A_578 = tpu.bitcast %or3A_577 : vector<16xi32> -> vector<16xf32>
      %sub3A_579 = arith.constant 1.000000e+00 : f32
      %sub3A_580 = vector.broadcast %sub3A_579 : f32 to vector<16xf32>
      %sub3A_581 = arith.subf %bitcast_convert_type3A_578, %sub3A_580 : vector<16xf32>
      %add3A_582 = arith.constant 1.000000e+00 : f32
      %add3A_583 = vector.broadcast %add3A_582 : f32 to vector<16xf32>
      %add3A_584 = arith.addf %bitcast_convert_type3A_578, %add3A_583 : vector<16xf32>
      %div3A_585 = arith.divf %sub3A_581, %add3A_584 : vector<16xf32>
      %mul3A_586 = arith.mulf %div3A_585, %div3A_585 : vector<16xf32>
      %mul3A_587 = arith.constant 2.000000e+00 : f32
      %mul3A_588 = vector.broadcast %mul3A_587 : f32 to vector<16xf32>
      %mul3A_589 = arith.mulf %mul3A_588, %div3A_585 : vector<16xf32>
      %mul3A_590 = arith.constant 0.111111112 : f32
      %mul3A_591 = vector.broadcast %mul3A_590 : f32 to vector<16xf32>
      %mul3A_592 = arith.mulf %mul3A_586, %mul3A_591 : vector<16xf32>
      %add3A_593 = arith.constant 0.142857149 : f32
      %add3A_594 = vector.broadcast %add3A_593 : f32 to vector<16xf32>
      %add3A_595 = arith.addf %add3A_594, %mul3A_592 : vector<16xf32>
      %mul3A_596 = arith.mulf %mul3A_586, %add3A_595 : vector<16xf32>
      %add3A_597 = arith.constant 2.000000e-01 : f32
      %add3A_598 = vector.broadcast %add3A_597 : f32 to vector<16xf32>
      %add3A_599 = arith.addf %add3A_598, %mul3A_596 : vector<16xf32>
      %mul3A_600 = arith.mulf %mul3A_586, %add3A_599 : vector<16xf32>
      %add3A_601 = arith.constant 0.333333343 : f32
      %add3A_602 = vector.broadcast %add3A_601 : f32 to vector<16xf32>
      %add3A_603 = arith.addf %add3A_602, %mul3A_600 : vector<16xf32>
      %mul3A_604 = arith.mulf %mul3A_586, %add3A_603 : vector<16xf32>
      %add3A_605 = arith.constant 1.000000e+00 : f32
      %add3A_606 = vector.broadcast %add3A_605 : f32 to vector<16xf32>
      %add3A_607 = arith.addf %add3A_606, %mul3A_604 : vector<16xf32>
      %mul3A_608 = arith.mulf %mul3A_589, %add3A_607 : vector<16xf32>
      %convert_element_type3A_609 = arith.sitofp %sub3A_571 : vector<16xi32> to vector<16xf32>
      %mul3A_610 = arith.constant 0.693147182 : f32
      %mul3A_611 = vector.broadcast %mul3A_610 : f32 to vector<16xf32>
      %mul3A_612 = arith.mulf %convert_element_type3A_609, %mul3A_611 : vector<16xf32>
      %add3A_613 = arith.addf %mul3A_612, %mul3A_608 : vector<16xf32>
      %neg3A_614 = arith.constant 0.000000e+00 : f32
      %neg3A_615 = vector.broadcast %neg3A_614 : f32 to vector<16xf32>
      %neg3A_616 = arith.subf %neg3A_615, %add3A_613 : vector<16xf32>
      %sub3A_617 = arith.constant 2.500000e+00 : f32
      %sub3A_618 = vector.broadcast %sub3A_617 : f32 to vector<16xf32>
      %sub3A_619 = arith.subf %neg3A_616, %sub3A_618 : vector<16xf32>
      %mul3A_620 = arith.constant 0.000000e+00 : f32
      %mul3A_621 = vector.broadcast %mul3A_620 : f32 to vector<16xf32>
      %mul3A_622 = arith.mulf %max3A_554, %mul3A_621 : vector<16xf32>
      %add3A_623 = arith.constant 2.81022636E-8 : f32
      %add3A_624 = vector.broadcast %add3A_623 : f32 to vector<16xf32>
      %add3A_625 = arith.addf %mul3A_622, %add3A_624 : vector<16xf32>
      %mul3A_626 = arith.mulf %add3A_625, %sub3A_619 : vector<16xf32>
      %add3A_627 = arith.constant 3.43273939E-7 : f32
      %add3A_628 = vector.broadcast %add3A_627 : f32 to vector<16xf32>
      %add3A_629 = arith.addf %add3A_628, %mul3A_626 : vector<16xf32>
      %mul3A_630 = arith.mulf %add3A_629, %sub3A_619 : vector<16xf32>
      %add3A_631 = arith.constant -3.5233877E-6 : f32
      %add3A_632 = vector.broadcast %add3A_631 : f32 to vector<16xf32>
      %add3A_633 = arith.addf %add3A_632, %mul3A_630 : vector<16xf32>
      %mul3A_634 = arith.mulf %add3A_633, %sub3A_619 : vector<16xf32>
      %add3A_635 = arith.constant -4.39150654E-6 : f32
      %add3A_636 = vector.broadcast %add3A_635 : f32 to vector<16xf32>
      %add3A_637 = arith.addf %add3A_636, %mul3A_634 : vector<16xf32>
      %mul3A_638 = arith.mulf %add3A_637, %sub3A_619 : vector<16xf32>
      %add3A_639 = arith.constant 2.1858087E-4 : f32
      %add3A_640 = vector.broadcast %add3A_639 : f32 to vector<16xf32>
      %add3A_641 = arith.addf %add3A_640, %mul3A_638 : vector<16xf32>
      %mul3A_642 = arith.mulf %add3A_641, %sub3A_619 : vector<16xf32>
      %add3A_643 = arith.constant -0.00125372503 : f32
      %add3A_644 = vector.broadcast %add3A_643 : f32 to vector<16xf32>
      %add3A_645 = arith.addf %add3A_644, %mul3A_642 : vector<16xf32>
      %mul3A_646 = arith.mulf %add3A_645, %sub3A_619 : vector<16xf32>
      %add3A_647 = arith.constant -0.00417768164 : f32
      %add3A_648 = vector.broadcast %add3A_647 : f32 to vector<16xf32>
      %add3A_649 = arith.addf %add3A_648, %mul3A_646 : vector<16xf32>
      %mul3A_650 = arith.mulf %add3A_649, %sub3A_619 : vector<16xf32>
      %add3A_651 = arith.constant 0.246640727 : f32
      %add3A_652 = vector.broadcast %add3A_651 : f32 to vector<16xf32>
      %add3A_653 = arith.addf %add3A_652, %mul3A_650 : vector<16xf32>
      %mul3A_654 = arith.mulf %add3A_653, %sub3A_619 : vector<16xf32>
      %add3A_655 = arith.constant 1.50140941 : f32
      %add3A_656 = vector.broadcast %add3A_655 : f32 to vector<16xf32>
      %add3A_657 = arith.addf %add3A_656, %mul3A_654 : vector<16xf32>
      %mul3A_658 = arith.mulf %add3A_657, %max3A_554 : vector<16xf32>
      %mul3A_659 = arith.constant 1.41421354 : f32
      %mul3A_660 = vector.broadcast %mul3A_659 : f32 to vector<16xf32>
      %mul3A_661 = arith.mulf %mul3A_660, %mul3A_658 : vector<16xf32>
      %ge3A = arith.constant 4 : i32
      %ge3A_662 = vector.broadcast %ge3A : i32 to vector<16xi32>
      %ge3A_663 = arith.cmpi sge, %iota3A, %ge3A_662 : vector<16xi32>
      %lt3A_664 = arith.constant 8 : i32
      %lt3A_665 = vector.broadcast %lt3A_664 : i32 to vector<16xi32>
      %lt3A_666 = arith.cmpi slt, %iota3A, %lt3A_665 : vector<16xi32>
      %and3A_667 = arith.andi %ge3A_663, %lt3A_666 : vector<16xi1>
      %mul3A_668 = arith.constant 3.000000e+00 : f32
      %mul3A_669 = vector.broadcast %mul3A_668 : f32 to vector<16xf32>
      %mul3A_670 = arith.mulf %mul3A_669, %mul3A_661 : vector<16xf32>
      %add3A_671 = arith.constant 2.000000e+00 : f32
      %add3A_672 = vector.broadcast %add3A_671 : f32 to vector<16xf32>
      %add3A_673 = arith.addf %add3A_672, %mul3A_670 : vector<16xf32>
      %select_n3A_674 = arith.select %and3A_667, %add3A_673, %mul3A_13 : vector<16xi1>, vector<16xf32>
      %xor3A_675 = arith.constant 8 : i32
      %xor3A_676 = vector.broadcast %xor3A_675 : i32 to vector<16xi32>
      %xor3A_677 = arith.xori %iota3A, %xor3A_676 : vector<16xi32>
      %lt3A_678 = arith.constant 0 : i32
      %lt3A_679 = vector.broadcast %lt3A_678 : i32 to vector<16xi32>
      %lt3A_680 = arith.cmpi slt, %xor3A_677, %lt3A_679 : vector<16xi32>
      %add3A_681 = arith.constant 16 : i32
      %add3A_682 = vector.broadcast %add3A_681 : i32 to vector<16xi32>
      %add3A_683 = arith.addi %xor3A_677, %add3A_682 : vector<16xi32>
      %select_n3A_684 = arith.select %lt3A_680, %add3A_683, %xor3A_677 : vector<16xi1>, vector<16xi32>
      %broadcast_in_dim3A_685 = vector.shape_cast %select_n3A_684 : vector<16xi32> to vector<16x1xi32>
      %gather3A_686 = vector.shape_cast %broadcast_in_dim3A_685 : vector<16x1xi32> to vector<16xi32>
      %gather3A_687 = tpu.dynamic_gather %select_n3A_674[%gather3A_686] in [0] : vector<16xf32>, vector<16xi32> -> vector<16xf32>
      %add3A_688 = arith.addf %select_n3A_674, %gather3A_687 : vector<16xf32>
      %xor3A_689 = arith.constant 4 : i32
      %xor3A_690 = vector.broadcast %xor3A_689 : i32 to vector<16xi32>
      %xor3A_691 = arith.xori %iota3A, %xor3A_690 : vector<16xi32>
      %lt3A_692 = arith.constant 0 : i32
      %lt3A_693 = vector.broadcast %lt3A_692 : i32 to vector<16xi32>
      %lt3A_694 = arith.cmpi slt, %xor3A_691, %lt3A_693 : vector<16xi32>
      %add3A_695 = arith.constant 16 : i32
      %add3A_696 = vector.broadcast %add3A_695 : i32 to vector<16xi32>
      %add3A_697 = arith.addi %xor3A_691, %add3A_696 : vector<16xi32>
      %select_n3A_698 = arith.select %lt3A_694, %add3A_697, %xor3A_691 : vector<16xi1>, vector<16xi32>
      %broadcast_in_dim3A_699 = vector.shape_cast %select_n3A_698 : vector<16xi32> to vector<16x1xi32>
      %gather3A_700 = vector.shape_cast %broadcast_in_dim3A_699 : vector<16x1xi32> to vector<16xi32>
      %gather3A_701 = tpu.dynamic_gather %add3A_688[%gather3A_700] in [0] : vector<16xf32>, vector<16xi32> -> vector<16xf32>
      %add3A_702 = arith.addf %add3A_688, %gather3A_701 : vector<16xf32>
      %xor3A_703 = arith.constant 2 : i32
      %xor3A_704 = vector.broadcast %xor3A_703 : i32 to vector<16xi32>
      %xor3A_705 = arith.xori %iota3A, %xor3A_704 : vector<16xi32>
      %lt3A_706 = arith.constant 0 : i32
      %lt3A_707 = vector.broadcast %lt3A_706 : i32 to vector<16xi32>
      %lt3A_708 = arith.cmpi slt, %xor3A_705, %lt3A_707 : vector<16xi32>
      %add3A_709 = arith.constant 16 : i32
      %add3A_710 = vector.broadcast %add3A_709 : i32 to vector<16xi32>
      %add3A_711 = arith.addi %xor3A_705, %add3A_710 : vector<16xi32>
      %select_n3A_712 = arith.select %lt3A_708, %add3A_711, %xor3A_705 : vector<16xi1>, vector<16xi32>
      %broadcast_in_dim3A_713 = vector.shape_cast %select_n3A_712 : vector<16xi32> to vector<16x1xi32>
      %gather3A_714 = vector.shape_cast %broadcast_in_dim3A_713 : vector<16x1xi32> to vector<16xi32>
      %gather3A_715 = tpu.dynamic_gather %add3A_702[%gather3A_714] in [0] : vector<16xf32>, vector<16xi32> -> vector<16xf32>
      %add3A_716 = arith.addf %add3A_702, %gather3A_715 : vector<16xf32>
      %xor3A_717 = arith.constant 1 : i32
      %xor3A_718 = vector.broadcast %xor3A_717 : i32 to vector<16xi32>
      %xor3A_719 = arith.xori %iota3A, %xor3A_718 : vector<16xi32>
      %lt3A_720 = arith.constant 0 : i32
      %lt3A_721 = vector.broadcast %lt3A_720 : i32 to vector<16xi32>
      %lt3A_722 = arith.cmpi slt, %xor3A_719, %lt3A_721 : vector<16xi32>
      %add3A_723 = arith.constant 16 : i32
      %add3A_724 = vector.broadcast %add3A_723 : i32 to vector<16xi32>
      %add3A_725 = arith.addi %xor3A_719, %add3A_724 : vector<16xi32>
      %select_n3A_726 = arith.select %lt3A_722, %add3A_725, %xor3A_719 : vector<16xi1>, vector<16xi32>
      %broadcast_in_dim3A_727 = vector.shape_cast %select_n3A_726 : vector<16xi32> to vector<16x1xi32>
      %gather3A_728 = vector.shape_cast %broadcast_in_dim3A_727 : vector<16x1xi32> to vector<16xi32>
      %gather3A_729 = tpu.dynamic_gather %add3A_716[%gather3A_728] in [0] : vector<16xf32>, vector<16xi32> -> vector<16xf32>
      %add3A_730 = arith.addf %add3A_716, %gather3A_729 : vector<16xf32>
      %div3A_731 = arith.constant 4.000000e+00 : f32
      %div3A_732 = vector.broadcast %div3A_731 : f32 to vector<16xf32>
      %div3A_733 = arith.divf %add3A_730, %div3A_732 : vector<16xf32>
      %jit3A = arith.constant 10 : i32
      %eq3A_734 = arith.constant 0 : i32
      %eq3A_735 = arith.cmpi eq, %jit3A, %eq3A_734 : i32
      %jit3A_736 = arith.constant 1 : i32
      %select_n3A_737 = arith.select %eq3A_735, %jit3A_736, %jit3A : i32
      %rem3A = vector.broadcast %select_n3A_737 : i32 to vector<16xi32>
      %rem3A_738 = arith.remui %get3A_171, %rem3A : vector<16xi32>
      %ne3A = arith.constant 0 : i32
      %ne3A_739 = vector.broadcast %ne3A : i32 to vector<16xi32>
      %ne3A_740 = arith.cmpi ne, %rem3A_738, %ne3A_739 : vector<16xi32>
      %lt3A_741 = arith.constant 0 : i32
      %lt3A_742 = vector.broadcast %lt3A_741 : i32 to vector<16xi32>
      %lt3A_743 = arith.cmpi ult, %rem3A_738, %lt3A_742 : vector<16xi32>
      %lt3A_744 = arith.constant 0 : i32
      %lt3A_745 = arith.cmpi ult, %select_n3A_737, %lt3A_744 : i32
      %ne3A_746 = vector.broadcast %lt3A_745 : i1 to vector<16xi1>
      %ne3A_747 = vector.broadcast %ne3A_746 : vector<16xi1> to vector<16xi1>
      %ne3A_748 = arith.xori %lt3A_743, %ne3A_747 : vector<16xi1>
      %and3A_749 = arith.andi %ne3A_748, %ne3A_740 : vector<16xi1>
      %add3A_750 = vector.broadcast %select_n3A_737 : i32 to vector<16xi32>
      %add3A_751 = arith.addi %rem3A_738, %add3A_750 : vector<16xi32>
      %select_n3A_752 = arith.select %and3A_749, %add3A_751, %rem3A_738 : vector<16xi1>, vector<16xi32>
      %convert_element_type3A_753 = arith.uitofp %select_n3A_752 : vector<16xi32> to vector<16xf32>
      %add3A_754 = arith.constant 4 : i32
      %add3A_755 = vector.broadcast %add3A_754 : i32 to vector<16xi32>
      %add3A_756 = arith.addi %iota3A, %add3A_755 : vector<16xi32>
      %min3A_757 = arith.constant 15 : i32
      %min3A_758 = vector.broadcast %min3A_757 : i32 to vector<16xi32>
      %min3A_759 = arith.minsi %add3A_756, %min3A_758 : vector<16xi32>
      %lt3A_760 = arith.constant 0 : i32
      %lt3A_761 = vector.broadcast %lt3A_760 : i32 to vector<16xi32>
      %lt3A_762 = arith.cmpi slt, %min3A_759, %lt3A_761 : vector<16xi32>
      %add3A_763 = arith.constant 16 : i32
      %add3A_764 = vector.broadcast %add3A_763 : i32 to vector<16xi32>
      %add3A_765 = arith.addi %min3A_759, %add3A_764 : vector<16xi32>
      %select_n3A_766 = arith.select %lt3A_762, %add3A_765, %min3A_759 : vector<16xi1>, vector<16xi32>
      %broadcast_in_dim3A_767 = vector.shape_cast %select_n3A_766 : vector<16xi32> to vector<16x1xi32>
      %gather3A_768 = vector.shape_cast %broadcast_in_dim3A_767 : vector<16x1xi32> to vector<16xi32>
      %gather3A_769 = tpu.dynamic_gather %convert_element_type3A_753[%gather3A_768] in [0] : vector<16xf32>, vector<16xi32> -> vector<16xf32>
      %mul3A_770 = arith.constant 6.000000e+00 : f32
      %mul3A_771 = vector.broadcast %mul3A_770 : f32 to vector<16xf32>
      %mul3A_772 = arith.mulf %convert_element_type3A_753, %mul3A_771 : vector<16xf32>
      %add3A_773 = arith.addf %mul3A_772, %gather3A_769 : vector<16xf32>
      %convert_element_type3A_774 = arith.fptosi %add3A_773 : vector<16xf32> to vector<16xi32>
      %jit3A_775 = arith.constant 10 : i32
      %eq3A_776 = arith.constant 0 : i32
      %eq3A_777 = arith.cmpi eq, %jit3A_775, %eq3A_776 : i32
      %jit3A_778 = arith.constant 1 : i32
      %select_n3A_779 = arith.select %eq3A_777, %jit3A_778, %jit3A_775 : i32
      %rem3A_780 = vector.broadcast %select_n3A_779 : i32 to vector<16xi32>
      %rem3A_781 = arith.remsi %convert_element_type3A_774, %rem3A_780 : vector<16xi32>
      %ne3A_782 = arith.constant 0 : i32
      %ne3A_783 = vector.broadcast %ne3A_782 : i32 to vector<16xi32>
      %ne3A_784 = arith.cmpi ne, %rem3A_781, %ne3A_783 : vector<16xi32>
      %lt3A_785 = arith.constant 0 : i32
      %lt3A_786 = vector.broadcast %lt3A_785 : i32 to vector<16xi32>
      %lt3A_787 = arith.cmpi slt, %rem3A_781, %lt3A_786 : vector<16xi32>
      %lt3A_788 = arith.constant 0 : i32
      %lt3A_789 = arith.cmpi slt, %select_n3A_779, %lt3A_788 : i32
      %ne3A_790 = vector.broadcast %lt3A_789 : i1 to vector<16xi1>
      %ne3A_791 = vector.broadcast %ne3A_790 : vector<16xi1> to vector<16xi1>
      %ne3A_792 = arith.xori %lt3A_787, %ne3A_791 : vector<16xi1>
      %and3A_793 = arith.andi %ne3A_792, %ne3A_784 : vector<16xi1>
      %add3A_794 = vector.broadcast %select_n3A_779 : i32 to vector<16xi32>
      %add3A_795 = arith.addi %rem3A_781, %add3A_794 : vector<16xi32>
      %select_n3A_796 = arith.select %and3A_793, %add3A_795, %rem3A_781 : vector<16xi1>, vector<16xi32>
      %convert_element_type3A_797 = arith.sitofp %select_n3A_796 : vector<16xi32> to vector<16xf32>
      %ge3A_798 = arith.constant 8 : i32
      %ge3A_799 = vector.broadcast %ge3A_798 : i32 to vector<16xi32>
      %ge3A_800 = arith.cmpi sge, %iota3A, %ge3A_799 : vector<16xi32>
      %lt3A_801 = arith.constant 12 : i32
      %lt3A_802 = vector.broadcast %lt3A_801 : i32 to vector<16xi32>
      %lt3A_803 = arith.cmpi slt, %iota3A, %lt3A_802 : vector<16xi32>
      %and3A_804 = arith.andi %ge3A_800, %lt3A_803 : vector<16xi1>
      %select_n3A_805 = arith.select %and3A_804, %convert_element_type3A_797, %mul3A_13 : vector<16xi1>, vector<16xf32>
      %xor3A_806 = arith.constant 8 : i32
      %xor3A_807 = vector.broadcast %xor3A_806 : i32 to vector<16xi32>
      %xor3A_808 = arith.xori %iota3A, %xor3A_807 : vector<16xi32>
      %lt3A_809 = arith.constant 0 : i32
      %lt3A_810 = vector.broadcast %lt3A_809 : i32 to vector<16xi32>
      %lt3A_811 = arith.cmpi slt, %xor3A_808, %lt3A_810 : vector<16xi32>
      %add3A_812 = arith.constant 16 : i32
      %add3A_813 = vector.broadcast %add3A_812 : i32 to vector<16xi32>
      %add3A_814 = arith.addi %xor3A_808, %add3A_813 : vector<16xi32>
      %select_n3A_815 = arith.select %lt3A_811, %add3A_814, %xor3A_808 : vector<16xi1>, vector<16xi32>
      %broadcast_in_dim3A_816 = vector.shape_cast %select_n3A_815 : vector<16xi32> to vector<16x1xi32>
      %gather3A_817 = vector.shape_cast %broadcast_in_dim3A_816 : vector<16x1xi32> to vector<16xi32>
      %gather3A_818 = tpu.dynamic_gather %select_n3A_805[%gather3A_817] in [0] : vector<16xf32>, vector<16xi32> -> vector<16xf32>
      %add3A_819 = arith.addf %select_n3A_805, %gather3A_818 : vector<16xf32>
      %xor3A_820 = arith.constant 4 : i32
      %xor3A_821 = vector.broadcast %xor3A_820 : i32 to vector<16xi32>
      %xor3A_822 = arith.xori %iota3A, %xor3A_821 : vector<16xi32>
      %lt3A_823 = arith.constant 0 : i32
      %lt3A_824 = vector.broadcast %lt3A_823 : i32 to vector<16xi32>
      %lt3A_825 = arith.cmpi slt, %xor3A_822, %lt3A_824 : vector<16xi32>
      %add3A_826 = arith.constant 16 : i32
      %add3A_827 = vector.broadcast %add3A_826 : i32 to vector<16xi32>
      %add3A_828 = arith.addi %xor3A_822, %add3A_827 : vector<16xi32>
      %select_n3A_829 = arith.select %lt3A_825, %add3A_828, %xor3A_822 : vector<16xi1>, vector<16xi32>
      %broadcast_in_dim3A_830 = vector.shape_cast %select_n3A_829 : vector<16xi32> to vector<16x1xi32>
      %gather3A_831 = vector.shape_cast %broadcast_in_dim3A_830 : vector<16x1xi32> to vector<16xi32>
      %gather3A_832 = tpu.dynamic_gather %add3A_819[%gather3A_831] in [0] : vector<16xf32>, vector<16xi32> -> vector<16xf32>
      %add3A_833 = arith.addf %add3A_819, %gather3A_832 : vector<16xf32>
      %xor3A_834 = arith.constant 2 : i32
      %xor3A_835 = vector.broadcast %xor3A_834 : i32 to vector<16xi32>
      %xor3A_836 = arith.xori %iota3A, %xor3A_835 : vector<16xi32>
      %lt3A_837 = arith.constant 0 : i32
      %lt3A_838 = vector.broadcast %lt3A_837 : i32 to vector<16xi32>
      %lt3A_839 = arith.cmpi slt, %xor3A_836, %lt3A_838 : vector<16xi32>
      %add3A_840 = arith.constant 16 : i32
      %add3A_841 = vector.broadcast %add3A_840 : i32 to vector<16xi32>
      %add3A_842 = arith.addi %xor3A_836, %add3A_841 : vector<16xi32>
      %select_n3A_843 = arith.select %lt3A_839, %add3A_842, %xor3A_836 : vector<16xi1>, vector<16xi32>
      %broadcast_in_dim3A_844 = vector.shape_cast %select_n3A_843 : vector<16xi32> to vector<16x1xi32>
      %gather3A_845 = vector.shape_cast %broadcast_in_dim3A_844 : vector<16x1xi32> to vector<16xi32>
      %gather3A_846 = tpu.dynamic_gather %add3A_833[%gather3A_845] in [0] : vector<16xf32>, vector<16xi32> -> vector<16xf32>
      %add3A_847 = arith.addf %add3A_833, %gather3A_846 : vector<16xf32>
      %xor3A_848 = arith.constant 1 : i32
      %xor3A_849 = vector.broadcast %xor3A_848 : i32 to vector<16xi32>
      %xor3A_850 = arith.xori %iota3A, %xor3A_849 : vector<16xi32>
      %lt3A_851 = arith.constant 0 : i32
      %lt3A_852 = vector.broadcast %lt3A_851 : i32 to vector<16xi32>
      %lt3A_853 = arith.cmpi slt, %xor3A_850, %lt3A_852 : vector<16xi32>
      %add3A_854 = arith.constant 16 : i32
      %add3A_855 = vector.broadcast %add3A_854 : i32 to vector<16xi32>
      %add3A_856 = arith.addi %xor3A_850, %add3A_855 : vector<16xi32>
      %select_n3A_857 = arith.select %lt3A_853, %add3A_856, %xor3A_850 : vector<16xi1>, vector<16xi32>
      %broadcast_in_dim3A_858 = vector.shape_cast %select_n3A_857 : vector<16xi32> to vector<16x1xi32>
      %gather3A_859 = vector.shape_cast %broadcast_in_dim3A_858 : vector<16x1xi32> to vector<16xi32>
      %gather3A_860 = tpu.dynamic_gather %add3A_847[%gather3A_859] in [0] : vector<16xf32>, vector<16xi32> -> vector<16xf32>
      %add3A_861 = arith.addf %add3A_847, %gather3A_860 : vector<16xf32>
      %div3A_862 = arith.constant 4.000000e+00 : f32
      %div3A_863 = vector.broadcast %div3A_862 : f32 to vector<16xf32>
      %div3A_864 = arith.divf %add3A_861, %div3A_863 : vector<16xf32>
      %get3A_865 = arith.constant 208 : index
      %get3A_866 = tpu.vector_load %arg5[%get3A_865] {strides = array<i32>} : memref<608xi32, #tpu.memory_space<vmem>>, vector<16xi32>,
      %get3A_867 = vector.shape_cast %get3A_866 : vector<16xi32> to vector<16xi32>
      %shift_right_logical3A_868 = arith.constant 9 : i32
      %shift_right_logical3A_869 = vector.broadcast %shift_right_logical3A_868 : i32 to vector<16xi32>
      %shift_right_logical3A_870 = arith.shrui %get3A_867, %shift_right_logical3A_869 : vector<16xi32>
      %or3A_871 = arith.constant 1065353216 : i32
      %or3A_872 = vector.broadcast %or3A_871 : i32 to vector<16xi32>
      %or3A_873 = arith.ori %shift_right_logical3A_870, %or3A_872 : vector<16xi32>
      %bitcast_convert_type3A_874 = tpu.bitcast %or3A_873 : vector<16xi32> -> vector<16xf32>
      %sub3A_875 = arith.constant 1.000000e+00 : f32
      %sub3A_876 = vector.broadcast %sub3A_875 : f32 to vector<16xf32>
      %sub3A_877 = arith.subf %bitcast_convert_type3A_874, %sub3A_876 : vector<16xf32>
      %lt3A_878 = arith.constant 4 : i32
      %lt3A_879 = vector.broadcast %lt3A_878 : i32 to vector<16xi32>
      %lt3A_880 = arith.cmpi slt, %iota3A, %lt3A_879 : vector<16xi32>
      %select_n3A_881 = arith.select %lt3A_880, %sub3A_877, %mul3A_13 : vector<16xi1>, vector<16xf32>
      %xor3A_882 = arith.constant 8 : i32
      %xor3A_883 = vector.broadcast %xor3A_882 : i32 to vector<16xi32>
      %xor3A_884 = arith.xori %iota3A, %xor3A_883 : vector<16xi32>
      %lt3A_885 = arith.constant 0 : i32
      %lt3A_886 = vector.broadcast %lt3A_885 : i32 to vector<16xi32>
      %lt3A_887 = arith.cmpi slt, %xor3A_884, %lt3A_886 : vector<16xi32>
      %add3A_888 = arith.constant 16 : i32
      %add3A_889 = vector.broadcast %add3A_888 : i32 to vector<16xi32>
      %add3A_890 = arith.addi %xor3A_884, %add3A_889 : vector<16xi32>
      %select_n3A_891 = arith.select %lt3A_887, %add3A_890, %xor3A_884 : vector<16xi1>, vector<16xi32>
      %broadcast_in_dim3A_892 = vector.shape_cast %select_n3A_891 : vector<16xi32> to vector<16x1xi32>
      %gather3A_893 = vector.shape_cast %broadcast_in_dim3A_892 : vector<16x1xi32> to vector<16xi32>
      %gather3A_894 = tpu.dynamic_gather %select_n3A_881[%gather3A_893] in [0] : vector<16xf32>, vector<16xi32> -> vector<16xf32>
      %add3A_895 = arith.addf %select_n3A_881, %gather3A_894 : vector<16xf32>
      %xor3A_896 = arith.constant 4 : i32
      %xor3A_897 = vector.broadcast %xor3A_896 : i32 to vector<16xi32>
      %xor3A_898 = arith.xori %iota3A, %xor3A_897 : vector<16xi32>
      %lt3A_899 = arith.constant 0 : i32
      %lt3A_900 = vector.broadcast %lt3A_899 : i32 to vector<16xi32>
      %lt3A_901 = arith.cmpi slt, %xor3A_898, %lt3A_900 : vector<16xi32>
      %add3A_902 = arith.constant 16 : i32
      %add3A_903 = vector.broadcast %add3A_902 : i32 to vector<16xi32>
      %add3A_904 = arith.addi %xor3A_898, %add3A_903 : vector<16xi32>
      %select_n3A_905 = arith.select %lt3A_901, %add3A_904, %xor3A_898 : vector<16xi1>, vector<16xi32>
      %broadcast_in_dim3A_906 = vector.shape_cast %select_n3A_905 : vector<16xi32> to vector<16x1xi32>
      %gather3A_907 = vector.shape_cast %broadcast_in_dim3A_906 : vector<16x1xi32> to vector<16xi32>
      %gather3A_908 = tpu.dynamic_gather %add3A_895[%gather3A_907] in [0] : vector<16xf32>, vector<16xi32> -> vector<16xf32>
      %add3A_909 = arith.addf %add3A_895, %gather3A_908 : vector<16xf32>
      %xor3A_910 = arith.constant 2 : i32
      %xor3A_911 = vector.broadcast %xor3A_910 : i32 to vector<16xi32>
      %xor3A_912 = arith.xori %iota3A, %xor3A_911 : vector<16xi32>
      %lt3A_913 = arith.constant 0 : i32
      %lt3A_914 = vector.broadcast %lt3A_913 : i32 to vector<16xi32>
      %lt3A_915 = arith.cmpi slt, %xor3A_912, %lt3A_914 : vector<16xi32>
      %add3A_916 = arith.constant 16 : i32
      %add3A_917 = vector.broadcast %add3A_916 : i32 to vector<16xi32>
      %add3A_918 = arith.addi %xor3A_912, %add3A_917 : vector<16xi32>
      %select_n3A_919 = arith.select %lt3A_915, %add3A_918, %xor3A_912 : vector<16xi1>, vector<16xi32>
      %broadcast_in_dim3A_920 = vector.shape_cast %select_n3A_919 : vector<16xi32> to vector<16x1xi32>
      %gather3A_921 = vector.shape_cast %broadcast_in_dim3A_920 : vector<16x1xi32> to vector<16xi32>
      %gather3A_922 = tpu.dynamic_gather %add3A_909[%gather3A_921] in [0] : vector<16xf32>, vector<16xi32> -> vector<16xf32>
      %add3A_923 = arith.addf %add3A_909, %gather3A_922 : vector<16xf32>
      %xor3A_924 = arith.constant 1 : i32
      %xor3A_925 = vector.broadcast %xor3A_924 : i32 to vector<16xi32>
      %xor3A_926 = arith.xori %iota3A, %xor3A_925 : vector<16xi32>
      %lt3A_927 = arith.constant 0 : i32
      %lt3A_928 = vector.broadcast %lt3A_927 : i32 to vector<16xi32>
      %lt3A_929 = arith.cmpi slt, %xor3A_926, %lt3A_928 : vector<16xi32>
      %add3A_930 = arith.constant 16 : i32
      %add3A_931 = vector.broadcast %add3A_930 : i32 to vector<16xi32>
      %add3A_932 = arith.addi %xor3A_926, %add3A_931 : vector<16xi32>
      %select_n3A_933 = arith.select %lt3A_929, %add3A_932, %xor3A_926 : vector<16xi1>, vector<16xi32>
      %broadcast_in_dim3A_934 = vector.shape_cast %select_n3A_933 : vector<16xi32> to vector<16x1xi32>
      %gather3A_935 = vector.shape_cast %broadcast_in_dim3A_934 : vector<16x1xi32> to vector<16xi32>
      %gather3A_936 = tpu.dynamic_gather %add3A_923[%gather3A_935] in [0] : vector<16xf32>, vector<16xi32> -> vector<16xf32>
      %add3A_937 = arith.addf %add3A_923, %gather3A_936 : vector<16xf32>
      %div3A_938 = arith.constant 4.000000e+00 : f32
      %div3A_939 = vector.broadcast %div3A_938 : f32 to vector<16xf32>
      %div3A_940 = arith.divf %add3A_937, %div3A_939 : vector<16xf32>
      %ge3A_941 = arith.constant 4 : i32
      %ge3A_942 = vector.broadcast %ge3A_941 : i32 to vector<16xi32>
      %ge3A_943 = arith.cmpi sge, %iota3A, %ge3A_942 : vector<16xi32>
      %lt3A_944 = arith.constant 10 : i32
      %lt3A_945 = vector.broadcast %lt3A_944 : i32 to vector<16xi32>
      %lt3A_946 = arith.cmpi slt, %iota3A, %lt3A_945 : vector<16xi32>
      %and3A_947 = arith.andi %ge3A_943, %lt3A_946 : vector<16xi1>
      %select_n3A_948 = arith.select %and3A_947, %sub3A_877, %mul3A_13 : vector<16xi1>, vector<16xf32>
      %xor3A_949 = arith.constant 8 : i32
      %xor3A_950 = vector.broadcast %xor3A_949 : i32 to vector<16xi32>
      %xor3A_951 = arith.xori %iota3A, %xor3A_950 : vector<16xi32>
      %lt3A_952 = arith.constant 0 : i32
      %lt3A_953 = vector.broadcast %lt3A_952 : i32 to vector<16xi32>
      %lt3A_954 = arith.cmpi slt, %xor3A_951, %lt3A_953 : vector<16xi32>
      %add3A_955 = arith.constant 16 : i32
      %add3A_956 = vector.broadcast %add3A_955 : i32 to vector<16xi32>
      %add3A_957 = arith.addi %xor3A_951, %add3A_956 : vector<16xi32>
      %select_n3A_958 = arith.select %lt3A_954, %add3A_957, %xor3A_951 : vector<16xi1>, vector<16xi32>
      %broadcast_in_dim3A_959 = vector.shape_cast %select_n3A_958 : vector<16xi32> to vector<16x1xi32>
      %gather3A_960 = vector.shape_cast %broadcast_in_dim3A_959 : vector<16x1xi32> to vector<16xi32>
      %gather3A_961 = tpu.dynamic_gather %select_n3A_948[%gather3A_960] in [0] : vector<16xf32>, vector<16xi32> -> vector<16xf32>
      %add3A_962 = arith.addf %select_n3A_948, %gather3A_961 : vector<16xf32>
      %xor3A_963 = arith.constant 4 : i32
      %xor3A_964 = vector.broadcast %xor3A_963 : i32 to vector<16xi32>
      %xor3A_965 = arith.xori %iota3A, %xor3A_964 : vector<16xi32>
      %lt3A_966 = arith.constant 0 : i32
      %lt3A_967 = vector.broadcast %lt3A_966 : i32 to vector<16xi32>
      %lt3A_968 = arith.cmpi slt, %xor3A_965, %lt3A_967 : vector<16xi32>
      %add3A_969 = arith.constant 16 : i32
      %add3A_970 = vector.broadcast %add3A_969 : i32 to vector<16xi32>
      %add3A_971 = arith.addi %xor3A_965, %add3A_970 : vector<16xi32>
      %select_n3A_972 = arith.select %lt3A_968, %add3A_971, %xor3A_965 : vector<16xi1>, vector<16xi32>
      %broadcast_in_dim3A_973 = vector.shape_cast %select_n3A_972 : vector<16xi32> to vector<16x1xi32>
      %gather3A_974 = vector.shape_cast %broadcast_in_dim3A_973 : vector<16x1xi32> to vector<16xi32>
      %gather3A_975 = tpu.dynamic_gather %add3A_962[%gather3A_974] in [0] : vector<16xf32>, vector<16xi32> -> vector<16xf32>
      %add3A_976 = arith.addf %add3A_962, %gather3A_975 : vector<16xf32>
      %xor3A_977 = arith.constant 2 : i32
      %xor3A_978 = vector.broadcast %xor3A_977 : i32 to vector<16xi32>
      %xor3A_979 = arith.xori %iota3A, %xor3A_978 : vector<16xi32>
      %lt3A_980 = arith.constant 0 : i32
      %lt3A_981 = vector.broadcast %lt3A_980 : i32 to vector<16xi32>
      %lt3A_982 = arith.cmpi slt, %xor3A_979, %lt3A_981 : vector<16xi32>
      %add3A_983 = arith.constant 16 : i32
      %add3A_984 = vector.broadcast %add3A_983 : i32 to vector<16xi32>
      %add3A_985 = arith.addi %xor3A_979, %add3A_984 : vector<16xi32>
      %select_n3A_986 = arith.select %lt3A_982, %add3A_985, %xor3A_979 : vector<16xi1>, vector<16xi32>
      %broadcast_in_dim3A_987 = vector.shape_cast %select_n3A_986 : vector<16xi32> to vector<16x1xi32>
      %gather3A_988 = vector.shape_cast %broadcast_in_dim3A_987 : vector<16x1xi32> to vector<16xi32>
      %gather3A_989 = tpu.dynamic_gather %add3A_976[%gather3A_988] in [0] : vector<16xf32>, vector<16xi32> -> vector<16xf32>
      %add3A_990 = arith.addf %add3A_976, %gather3A_989 : vector<16xf32>
      %xor3A_991 = arith.constant 1 : i32
      %xor3A_992 = vector.broadcast %xor3A_991 : i32 to vector<16xi32>
      %xor3A_993 = arith.xori %iota3A, %xor3A_992 : vector<16xi32>
      %lt3A_994 = arith.constant 0 : i32
      %lt3A_995 = vector.broadcast %lt3A_994 : i32 to vector<16xi32>
      %lt3A_996 = arith.cmpi slt, %xor3A_993, %lt3A_995 : vector<16xi32>
      %add3A_997 = arith.constant 16 : i32
      %add3A_998 = vector.broadcast %add3A_997 : i32 to vector<16xi32>
      %add3A_999 = arith.addi %xor3A_993, %add3A_998 : vector<16xi32>
      %select_n3A_1000 = arith.select %lt3A_996, %add3A_999, %xor3A_993 : vector<16xi1>, vector<16xi32>
      %broadcast_in_dim3A_1001 = vector.shape_cast %select_n3A_1000 : vector<16xi32> to vector<16x1xi32>
      %gather3A_1002 = vector.shape_cast %broadcast_in_dim3A_1001 : vector<16x1xi32> to vector<16xi32>
      %gather3A_1003 = tpu.dynamic_gather %add3A_990[%gather3A_1002] in [0] : vector<16xf32>, vector<16xi32> -> vector<16xf32>
      %add3A_1004 = arith.addf %add3A_990, %gather3A_1003 : vector<16xf32>
      %div3A_1005 = arith.constant 6.000000e+00 : f32
      %div3A_1006 = vector.broadcast %div3A_1005 : f32 to vector<16xf32>
      %div3A_1007 = arith.divf %add3A_1004, %div3A_1006 : vector<16xf32>
      %get3A_1008 = arith.constant 16 : index
      %get3A_1009 = tpu.vector_load %arg5[%get3A_1008] {strides = array<i32>} : memref<608xi32, #tpu.memory_space<vmem>>, vector<16xi32>,
      %get3A_1010 = vector.shape_cast %get3A_1009 : vector<16xi32> to vector<16xi32>
      %shift_right_logical3A_1011 = arith.constant 9 : i32
      %shift_right_logical3A_1012 = vector.broadcast %shift_right_logical3A_1011 : i32 to vector<16xi32>
      %shift_right_logical3A_1013 = arith.shrui %get3A_1010, %shift_right_logical3A_1012 : vector<16xi32>
      %or3A_1014 = arith.constant 1065353216 : i32
      %or3A_1015 = vector.broadcast %or3A_1014 : i32 to vector<16xi32>
      %or3A_1016 = arith.ori %shift_right_logical3A_1013, %or3A_1015 : vector<16xi32>
      %bitcast_convert_type3A_1017 = tpu.bitcast %or3A_1016 : vector<16xi32> -> vector<16xf32>
      %sub3A_1018 = arith.constant 1.000000e+00 : f32
      %sub3A_1019 = vector.broadcast %sub3A_1018 : f32 to vector<16xf32>
      %sub3A_1020 = arith.subf %bitcast_convert_type3A_1017, %sub3A_1019 : vector<16xf32>
      %lt3A_1021 = arith.constant 9 : i32
      %lt3A_1022 = vector.broadcast %lt3A_1021 : i32 to vector<16xi32>
      %lt3A_1023 = arith.cmpi slt, %iota3A, %lt3A_1022 : vector<16xi32>
      %select_n3A_1024 = arith.select %lt3A_1023, %sub3A_1020, %mul3A_13 : vector<16xi1>, vector<16xf32>
      %xor3A_1025 = arith.constant 8 : i32
      %xor3A_1026 = vector.broadcast %xor3A_1025 : i32 to vector<16xi32>
      %xor3A_1027 = arith.xori %iota3A, %xor3A_1026 : vector<16xi32>
      %lt3A_1028 = arith.constant 0 : i32
      %lt3A_1029 = vector.broadcast %lt3A_1028 : i32 to vector<16xi32>
      %lt3A_1030 = arith.cmpi slt, %xor3A_1027, %lt3A_1029 : vector<16xi32>
      %add3A_1031 = arith.constant 16 : i32
      %add3A_1032 = vector.broadcast %add3A_1031 : i32 to vector<16xi32>
      %add3A_1033 = arith.addi %xor3A_1027, %add3A_1032 : vector<16xi32>
      %select_n3A_1034 = arith.select %lt3A_1030, %add3A_1033, %xor3A_1027 : vector<16xi1>, vector<16xi32>
      %broadcast_in_dim3A_1035 = vector.shape_cast %select_n3A_1034 : vector<16xi32> to vector<16x1xi32>
      %gather3A_1036 = vector.shape_cast %broadcast_in_dim3A_1035 : vector<16x1xi32> to vector<16xi32>
      %gather3A_1037 = tpu.dynamic_gather %select_n3A_1024[%gather3A_1036] in [0] : vector<16xf32>, vector<16xi32> -> vector<16xf32>
      %add3A_1038 = arith.addf %select_n3A_1024, %gather3A_1037 : vector<16xf32>
      %xor3A_1039 = arith.constant 4 : i32
      %xor3A_1040 = vector.broadcast %xor3A_1039 : i32 to vector<16xi32>
      %xor3A_1041 = arith.xori %iota3A, %xor3A_1040 : vector<16xi32>
      %lt3A_1042 = arith.constant 0 : i32
      %lt3A_1043 = vector.broadcast %lt3A_1042 : i32 to vector<16xi32>
      %lt3A_1044 = arith.cmpi slt, %xor3A_1041, %lt3A_1043 : vector<16xi32>
      %add3A_1045 = arith.constant 16 : i32
      %add3A_1046 = vector.broadcast %add3A_1045 : i32 to vector<16xi32>
      %add3A_1047 = arith.addi %xor3A_1041, %add3A_1046 : vector<16xi32>
      %select_n3A_1048 = arith.select %lt3A_1044, %add3A_1047, %xor3A_1041 : vector<16xi1>, vector<16xi32>
      %broadcast_in_dim3A_1049 = vector.shape_cast %select_n3A_1048 : vector<16xi32> to vector<16x1xi32>
      %gather3A_1050 = vector.shape_cast %broadcast_in_dim3A_1049 : vector<16x1xi32> to vector<16xi32>
      %gather3A_1051 = tpu.dynamic_gather %add3A_1038[%gather3A_1050] in [0] : vector<16xf32>, vector<16xi32> -> vector<16xf32>
      %add3A_1052 = arith.addf %add3A_1038, %gather3A_1051 : vector<16xf32>
      %xor3A_1053 = arith.constant 2 : i32
      %xor3A_1054 = vector.broadcast %xor3A_1053 : i32 to vector<16xi32>
      %xor3A_1055 = arith.xori %iota3A, %xor3A_1054 : vector<16xi32>
      %lt3A_1056 = arith.constant 0 : i32
      %lt3A_1057 = vector.broadcast %lt3A_1056 : i32 to vector<16xi32>
      %lt3A_1058 = arith.cmpi slt, %xor3A_1055, %lt3A_1057 : vector<16xi32>
      %add3A_1059 = arith.constant 16 : i32
      %add3A_1060 = vector.broadcast %add3A_1059 : i32 to vector<16xi32>
      %add3A_1061 = arith.addi %xor3A_1055, %add3A_1060 : vector<16xi32>
      %select_n3A_1062 = arith.select %lt3A_1058, %add3A_1061, %xor3A_1055 : vector<16xi1>, vector<16xi32>
      %broadcast_in_dim3A_1063 = vector.shape_cast %select_n3A_1062 : vector<16xi32> to vector<16x1xi32>
      %gather3A_1064 = vector.shape_cast %broadcast_in_dim3A_1063 : vector<16x1xi32> to vector<16xi32>
      %gather3A_1065 = tpu.dynamic_gather %add3A_1052[%gather3A_1064] in [0] : vector<16xf32>, vector<16xi32> -> vector<16xf32>
      %add3A_1066 = arith.addf %add3A_1052, %gather3A_1065 : vector<16xf32>
      %xor3A_1067 = arith.constant 1 : i32
      %xor3A_1068 = vector.broadcast %xor3A_1067 : i32 to vector<16xi32>
      %xor3A_1069 = arith.xori %iota3A, %xor3A_1068 : vector<16xi32>
      %lt3A_1070 = arith.constant 0 : i32
      %lt3A_1071 = vector.broadcast %lt3A_1070 : i32 to vector<16xi32>
      %lt3A_1072 = arith.cmpi slt, %xor3A_1069, %lt3A_1071 : vector<16xi32>
      %add3A_1073 = arith.constant 16 : i32
      %add3A_1074 = vector.broadcast %add3A_1073 : i32 to vector<16xi32>
      %add3A_1075 = arith.addi %xor3A_1069, %add3A_1074 : vector<16xi32>
      %select_n3A_1076 = arith.select %lt3A_1072, %add3A_1075, %xor3A_1069 : vector<16xi1>, vector<16xi32>
      %broadcast_in_dim3A_1077 = vector.shape_cast %select_n3A_1076 : vector<16xi32> to vector<16x1xi32>
      %gather3A_1078 = vector.shape_cast %broadcast_in_dim3A_1077 : vector<16x1xi32> to vector<16xi32>
      %gather3A_1079 = tpu.dynamic_gather %add3A_1066[%gather3A_1078] in [0] : vector<16xf32>, vector<16xi32> -> vector<16xf32>
      %add3A_1080 = arith.addf %add3A_1066, %gather3A_1079 : vector<16xf32>
      %div3A_1081 = arith.constant 9.000000e+00 : f32
      %div3A_1082 = vector.broadcast %div3A_1081 : f32 to vector<16xf32>
      %div3A_1083 = arith.divf %add3A_1080, %div3A_1082 : vector<16xf32>
      %get3A_1084 = arith.constant 176 : index
      %get3A_1085 = tpu.vector_load %arg5[%get3A_1084] {strides = array<i32>} : memref<608xi32, #tpu.memory_space<vmem>>, vector<16xi32>,
      %get3A_1086 = vector.shape_cast %get3A_1085 : vector<16xi32> to vector<16xi32>
      %shift_right_logical3A_1087 = arith.constant 9 : i32
      %shift_right_logical3A_1088 = vector.broadcast %shift_right_logical3A_1087 : i32 to vector<16xi32>
      %shift_right_logical3A_1089 = arith.shrui %get3A_1086, %shift_right_logical3A_1088 : vector<16xi32>
      %or3A_1090 = arith.constant 1065353216 : i32
      %or3A_1091 = vector.broadcast %or3A_1090 : i32 to vector<16xi32>
      %or3A_1092 = arith.ori %shift_right_logical3A_1089, %or3A_1091 : vector<16xi32>
      %bitcast_convert_type3A_1093 = tpu.bitcast %or3A_1092 : vector<16xi32> -> vector<16xf32>
      %sub3A_1094 = arith.constant 1.000000e+00 : f32
      %sub3A_1095 = vector.broadcast %sub3A_1094 : f32 to vector<16xf32>
      %sub3A_1096 = arith.subf %bitcast_convert_type3A_1093, %sub3A_1095 : vector<16xf32>
      %lt3A_1097 = arith.constant 9 : i32
      %lt3A_1098 = vector.broadcast %lt3A_1097 : i32 to vector<16xi32>
      %lt3A_1099 = arith.cmpi slt, %iota3A, %lt3A_1098 : vector<16xi32>
      %select_n3A_1100 = arith.select %lt3A_1099, %sub3A_1096, %mul3A_13 : vector<16xi1>, vector<16xf32>
      %xor3A_1101 = arith.constant 8 : i32
      %xor3A_1102 = vector.broadcast %xor3A_1101 : i32 to vector<16xi32>
      %xor3A_1103 = arith.xori %iota3A, %xor3A_1102 : vector<16xi32>
      %lt3A_1104 = arith.constant 0 : i32
      %lt3A_1105 = vector.broadcast %lt3A_1104 : i32 to vector<16xi32>
      %lt3A_1106 = arith.cmpi slt, %xor3A_1103, %lt3A_1105 : vector<16xi32>
      %add3A_1107 = arith.constant 16 : i32
      %add3A_1108 = vector.broadcast %add3A_1107 : i32 to vector<16xi32>
      %add3A_1109 = arith.addi %xor3A_1103, %add3A_1108 : vector<16xi32>
      %select_n3A_1110 = arith.select %lt3A_1106, %add3A_1109, %xor3A_1103 : vector<16xi1>, vector<16xi32>
      %broadcast_in_dim3A_1111 = vector.shape_cast %select_n3A_1110 : vector<16xi32> to vector<16x1xi32>
      %gather3A_1112 = vector.shape_cast %broadcast_in_dim3A_1111 : vector<16x1xi32> to vector<16xi32>
      %gather3A_1113 = tpu.dynamic_gather %select_n3A_1100[%gather3A_1112] in [0] : vector<16xf32>, vector<16xi32> -> vector<16xf32>
      %add3A_1114 = arith.addf %select_n3A_1100, %gather3A_1113 : vector<16xf32>
      %xor3A_1115 = arith.constant 4 : i32
      %xor3A_1116 = vector.broadcast %xor3A_1115 : i32 to vector<16xi32>
      %xor3A_1117 = arith.xori %iota3A, %xor3A_1116 : vector<16xi32>
      %lt3A_1118 = arith.constant 0 : i32
      %lt3A_1119 = vector.broadcast %lt3A_1118 : i32 to vector<16xi32>
      %lt3A_1120 = arith.cmpi slt, %xor3A_1117, %lt3A_1119 : vector<16xi32>
      %add3A_1121 = arith.constant 16 : i32
      %add3A_1122 = vector.broadcast %add3A_1121 : i32 to vector<16xi32>
      %add3A_1123 = arith.addi %xor3A_1117, %add3A_1122 : vector<16xi32>
      %select_n3A_1124 = arith.select %lt3A_1120, %add3A_1123, %xor3A_1117 : vector<16xi1>, vector<16xi32>
      %broadcast_in_dim3A_1125 = vector.shape_cast %select_n3A_1124 : vector<16xi32> to vector<16x1xi32>
      %gather3A_1126 = vector.shape_cast %broadcast_in_dim3A_1125 : vector<16x1xi32> to vector<16xi32>
      %gather3A_1127 = tpu.dynamic_gather %add3A_1114[%gather3A_1126] in [0] : vector<16xf32>, vector<16xi32> -> vector<16xf32>
      %add3A_1128 = arith.addf %add3A_1114, %gather3A_1127 : vector<16xf32>
      %xor3A_1129 = arith.constant 2 : i32
      %xor3A_1130 = vector.broadcast %xor3A_1129 : i32 to vector<16xi32>
      %xor3A_1131 = arith.xori %iota3A, %xor3A_1130 : vector<16xi32>
      %lt3A_1132 = arith.constant 0 : i32
      %lt3A_1133 = vector.broadcast %lt3A_1132 : i32 to vector<16xi32>
      %lt3A_1134 = arith.cmpi slt, %xor3A_1131, %lt3A_1133 : vector<16xi32>
      %add3A_1135 = arith.constant 16 : i32
      %add3A_1136 = vector.broadcast %add3A_1135 : i32 to vector<16xi32>
      %add3A_1137 = arith.addi %xor3A_1131, %add3A_1136 : vector<16xi32>
      %select_n3A_1138 = arith.select %lt3A_1134, %add3A_1137, %xor3A_1131 : vector<16xi1>, vector<16xi32>
      %broadcast_in_dim3A_1139 = vector.shape_cast %select_n3A_1138 : vector<16xi32> to vector<16x1xi32>
      %gather3A_1140 = vector.shape_cast %broadcast_in_dim3A_1139 : vector<16x1xi32> to vector<16xi32>
      %gather3A_1141 = tpu.dynamic_gather %add3A_1128[%gather3A_1140] in [0] : vector<16xf32>, vector<16xi32> -> vector<16xf32>
      %add3A_1142 = arith.addf %add3A_1128, %gather3A_1141 : vector<16xf32>
      %xor3A_1143 = arith.constant 1 : i32
      %xor3A_1144 = vector.broadcast %xor3A_1143 : i32 to vector<16xi32>
      %xor3A_1145 = arith.xori %iota3A, %xor3A_1144 : vector<16xi32>
      %lt3A_1146 = arith.constant 0 : i32
      %lt3A_1147 = vector.broadcast %lt3A_1146 : i32 to vector<16xi32>
      %lt3A_1148 = arith.cmpi slt, %xor3A_1145, %lt3A_1147 : vector<16xi32>
      %add3A_1149 = arith.constant 16 : i32
      %add3A_1150 = vector.broadcast %add3A_1149 : i32 to vector<16xi32>
      %add3A_1151 = arith.addi %xor3A_1145, %add3A_1150 : vector<16xi32>
      %select_n3A_1152 = arith.select %lt3A_1148, %add3A_1151, %xor3A_1145 : vector<16xi1>, vector<16xi32>
      %broadcast_in_dim3A_1153 = vector.shape_cast %select_n3A_1152 : vector<16xi32> to vector<16x1xi32>
      %gather3A_1154 = vector.shape_cast %broadcast_in_dim3A_1153 : vector<16x1xi32> to vector<16xi32>
      %gather3A_1155 = tpu.dynamic_gather %add3A_1142[%gather3A_1154] in [0] : vector<16xf32>, vector<16xi32> -> vector<16xf32>
      %add3A_1156 = arith.addf %add3A_1142, %gather3A_1155 : vector<16xf32>
      %div3A_1157 = arith.constant 9.000000e+00 : f32
      %div3A_1158 = vector.broadcast %div3A_1157 : f32 to vector<16xf32>
      %div3A_1159 = arith.divf %add3A_1156, %div3A_1158 : vector<16xf32>
      %get3A_1160 = arith.constant 32 : index
      %get3A_1161 = tpu.vector_load %arg5[%get3A_1160] {strides = array<i32>} : memref<608xi32, #tpu.memory_space<vmem>>, vector<16xi32>,
      %get3A_1162 = vector.shape_cast %get3A_1161 : vector<16xi32> to vector<16xi32>
      %and3A_1163 = arith.constant 3 : i32
      %and3A_1164 = vector.broadcast %and3A_1163 : i32 to vector<16xi32>
      %and3A_1165 = arith.andi %get3A_1162, %and3A_1164 : vector<16xi32>
      %convert_element_type3A_1166 = arith.uitofp %and3A_1165 : vector<16xi32> to vector<16xf32>
      %lt3A_1167 = arith.constant 9 : i32
      %lt3A_1168 = vector.broadcast %lt3A_1167 : i32 to vector<16xi32>
      %lt3A_1169 = arith.cmpi slt, %iota3A, %lt3A_1168 : vector<16xi32>
      %select_n3A_1170 = arith.select %lt3A_1169, %convert_element_type3A_1166, %mul3A_13 : vector<16xi1>, vector<16xf32>
      %xor3A_1171 = arith.constant 8 : i32
      %xor3A_1172 = vector.broadcast %xor3A_1171 : i32 to vector<16xi32>
      %xor3A_1173 = arith.xori %iota3A, %xor3A_1172 : vector<16xi32>
      %lt3A_1174 = arith.constant 0 : i32
      %lt3A_1175 = vector.broadcast %lt3A_1174 : i32 to vector<16xi32>
      %lt3A_1176 = arith.cmpi slt, %xor3A_1173, %lt3A_1175 : vector<16xi32>
      %add3A_1177 = arith.constant 16 : i32
      %add3A_1178 = vector.broadcast %add3A_1177 : i32 to vector<16xi32>
      %add3A_1179 = arith.addi %xor3A_1173, %add3A_1178 : vector<16xi32>
      %select_n3A_1180 = arith.select %lt3A_1176, %add3A_1179, %xor3A_1173 : vector<16xi1>, vector<16xi32>
      %broadcast_in_dim3A_1181 = vector.shape_cast %select_n3A_1180 : vector<16xi32> to vector<16x1xi32>
      %gather3A_1182 = vector.shape_cast %broadcast_in_dim3A_1181 : vector<16x1xi32> to vector<16xi32>
      %gather3A_1183 = tpu.dynamic_gather %select_n3A_1170[%gather3A_1182] in [0] : vector<16xf32>, vector<16xi32> -> vector<16xf32>
      %add3A_1184 = arith.addf %select_n3A_1170, %gather3A_1183 : vector<16xf32>
      %xor3A_1185 = arith.constant 4 : i32
      %xor3A_1186 = vector.broadcast %xor3A_1185 : i32 to vector<16xi32>
      %xor3A_1187 = arith.xori %iota3A, %xor3A_1186 : vector<16xi32>
      %lt3A_1188 = arith.constant 0 : i32
      %lt3A_1189 = vector.broadcast %lt3A_1188 : i32 to vector<16xi32>
      %lt3A_1190 = arith.cmpi slt, %xor3A_1187, %lt3A_1189 : vector<16xi32>
      %add3A_1191 = arith.constant 16 : i32
      %add3A_1192 = vector.broadcast %add3A_1191 : i32 to vector<16xi32>
      %add3A_1193 = arith.addi %xor3A_1187, %add3A_1192 : vector<16xi32>
      %select_n3A_1194 = arith.select %lt3A_1190, %add3A_1193, %xor3A_1187 : vector<16xi1>, vector<16xi32>
      %broadcast_in_dim3A_1195 = vector.shape_cast %select_n3A_1194 : vector<16xi32> to vector<16x1xi32>
      %gather3A_1196 = vector.shape_cast %broadcast_in_dim3A_1195 : vector<16x1xi32> to vector<16xi32>
      %gather3A_1197 = tpu.dynamic_gather %add3A_1184[%gather3A_1196] in [0] : vector<16xf32>, vector<16xi32> -> vector<16xf32>
      %add3A_1198 = arith.addf %add3A_1184, %gather3A_1197 : vector<16xf32>
      %xor3A_1199 = arith.constant 2 : i32
      %xor3A_1200 = vector.broadcast %xor3A_1199 : i32 to vector<16xi32>
      %xor3A_1201 = arith.xori %iota3A, %xor3A_1200 : vector<16xi32>
      %lt3A_1202 = arith.constant 0 : i32
      %lt3A_1203 = vector.broadcast %lt3A_1202 : i32 to vector<16xi32>
      %lt3A_1204 = arith.cmpi slt, %xor3A_1201, %lt3A_1203 : vector<16xi32>
      %add3A_1205 = arith.constant 16 : i32
      %add3A_1206 = vector.broadcast %add3A_1205 : i32 to vector<16xi32>
      %add3A_1207 = arith.addi %xor3A_1201, %add3A_1206 : vector<16xi32>
      %select_n3A_1208 = arith.select %lt3A_1204, %add3A_1207, %xor3A_1201 : vector<16xi1>, vector<16xi32>
      %broadcast_in_dim3A_1209 = vector.shape_cast %select_n3A_1208 : vector<16xi32> to vector<16x1xi32>
      %gather3A_1210 = vector.shape_cast %broadcast_in_dim3A_1209 : vector<16x1xi32> to vector<16xi32>
      %gather3A_1211 = tpu.dynamic_gather %add3A_1198[%gather3A_1210] in [0] : vector<16xf32>, vector<16xi32> -> vector<16xf32>
      %add3A_1212 = arith.addf %add3A_1198, %gather3A_1211 : vector<16xf32>
      %xor3A_1213 = arith.constant 1 : i32
      %xor3A_1214 = vector.broadcast %xor3A_1213 : i32 to vector<16xi32>
      %xor3A_1215 = arith.xori %iota3A, %xor3A_1214 : vector<16xi32>
      %lt3A_1216 = arith.constant 0 : i32
      %lt3A_1217 = vector.broadcast %lt3A_1216 : i32 to vector<16xi32>
      %lt3A_1218 = arith.cmpi slt, %xor3A_1215, %lt3A_1217 : vector<16xi32>
      %add3A_1219 = arith.constant 16 : i32
      %add3A_1220 = vector.broadcast %add3A_1219 : i32 to vector<16xi32>
      %add3A_1221 = arith.addi %xor3A_1215, %add3A_1220 : vector<16xi32>
      %select_n3A_1222 = arith.select %lt3A_1218, %add3A_1221, %xor3A_1215 : vector<16xi1>, vector<16xi32>
      %broadcast_in_dim3A_1223 = vector.shape_cast %select_n3A_1222 : vector<16xi32> to vector<16x1xi32>
      %gather3A_1224 = vector.shape_cast %broadcast_in_dim3A_1223 : vector<16x1xi32> to vector<16xi32>
      %gather3A_1225 = tpu.dynamic_gather %add3A_1212[%gather3A_1224] in [0] : vector<16xf32>, vector<16xi32> -> vector<16xf32>
      %add3A_1226 = arith.addf %add3A_1212, %gather3A_1225 : vector<16xf32>
      %div3A_1227 = arith.constant 9.000000e+00 : f32
      %div3A_1228 = vector.broadcast %div3A_1227 : f32 to vector<16xf32>
      %div3A_1229 = arith.divf %add3A_1226, %div3A_1228 : vector<16xf32>
      %get3A_1230 = arith.constant 160 : index
      %get3A_1231 = tpu.vector_load %arg5[%get3A_1230] {strides = array<i32>} : memref<608xi32, #tpu.memory_space<vmem>>, vector<16xi32>,
      %get3A_1232 = vector.shape_cast %get3A_1231 : vector<16xi32> to vector<16xi32>
      %and3A_1233 = arith.constant 16777215 : i32
      %and3A_1234 = vector.broadcast %and3A_1233 : i32 to vector<16xi32>
      %and3A_1235 = arith.andi %get3A_1232, %and3A_1234 : vector<16xi32>
      %convert_element_type3A_1236 = arith.uitofp %and3A_1235 : vector<16xi32> to vector<16xf32>
      %lt3A_1237 = arith.constant 9 : i32
      %lt3A_1238 = vector.broadcast %lt3A_1237 : i32 to vector<16xi32>
      %lt3A_1239 = arith.cmpi slt, %iota3A, %lt3A_1238 : vector<16xi32>
      %select_n3A_1240 = arith.select %lt3A_1239, %convert_element_type3A_1236, %mul3A_13 : vector<16xi1>, vector<16xf32>
      %xor3A_1241 = arith.constant 8 : i32
      %xor3A_1242 = vector.broadcast %xor3A_1241 : i32 to vector<16xi32>
      %xor3A_1243 = arith.xori %iota3A, %xor3A_1242 : vector<16xi32>
      %lt3A_1244 = arith.constant 0 : i32
      %lt3A_1245 = vector.broadcast %lt3A_1244 : i32 to vector<16xi32>
      %lt3A_1246 = arith.cmpi slt, %xor3A_1243, %lt3A_1245 : vector<16xi32>
      %add3A_1247 = arith.constant 16 : i32
      %add3A_1248 = vector.broadcast %add3A_1247 : i32 to vector<16xi32>
      %add3A_1249 = arith.addi %xor3A_1243, %add3A_1248 : vector<16xi32>
      %select_n3A_1250 = arith.select %lt3A_1246, %add3A_1249, %xor3A_1243 : vector<16xi1>, vector<16xi32>
      %broadcast_in_dim3A_1251 = vector.shape_cast %select_n3A_1250 : vector<16xi32> to vector<16x1xi32>
      %gather3A_1252 = vector.shape_cast %broadcast_in_dim3A_1251 : vector<16x1xi32> to vector<16xi32>
      %gather3A_1253 = tpu.dynamic_gather %select_n3A_1240[%gather3A_1252] in [0] : vector<16xf32>, vector<16xi32> -> vector<16xf32>
      %add3A_1254 = arith.addf %select_n3A_1240, %gather3A_1253 : vector<16xf32>
      %xor3A_1255 = arith.constant 4 : i32
      %xor3A_1256 = vector.broadcast %xor3A_1255 : i32 to vector<16xi32>
      %xor3A_1257 = arith.xori %iota3A, %xor3A_1256 : vector<16xi32>
      %lt3A_1258 = arith.constant 0 : i32
      %lt3A_1259 = vector.broadcast %lt3A_1258 : i32 to vector<16xi32>
      %lt3A_1260 = arith.cmpi slt, %xor3A_1257, %lt3A_1259 : vector<16xi32>
      %add3A_1261 = arith.constant 16 : i32
      %add3A_1262 = vector.broadcast %add3A_1261 : i32 to vector<16xi32>
      %add3A_1263 = arith.addi %xor3A_1257, %add3A_1262 : vector<16xi32>
      %select_n3A_1264 = arith.select %lt3A_1260, %add3A_1263, %xor3A_1257 : vector<16xi1>, vector<16xi32>
      %broadcast_in_dim3A_1265 = vector.shape_cast %select_n3A_1264 : vector<16xi32> to vector<16x1xi32>
      %gather3A_1266 = vector.shape_cast %broadcast_in_dim3A_1265 : vector<16x1xi32> to vector<16xi32>
      %gather3A_1267 = tpu.dynamic_gather %add3A_1254[%gather3A_1266] in [0] : vector<16xf32>, vector<16xi32> -> vector<16xf32>
      %add3A_1268 = arith.addf %add3A_1254, %gather3A_1267 : vector<16xf32>
      %xor3A_1269 = arith.constant 2 : i32
      %xor3A_1270 = vector.broadcast %xor3A_1269 : i32 to vector<16xi32>
      %xor3A_1271 = arith.xori %iota3A, %xor3A_1270 : vector<16xi32>
      %lt3A_1272 = arith.constant 0 : i32
      %lt3A_1273 = vector.broadcast %lt3A_1272 : i32 to vector<16xi32>
      %lt3A_1274 = arith.cmpi slt, %xor3A_1271, %lt3A_1273 : vector<16xi32>
      %add3A_1275 = arith.constant 16 : i32
      %add3A_1276 = vector.broadcast %add3A_1275 : i32 to vector<16xi32>
      %add3A_1277 = arith.addi %xor3A_1271, %add3A_1276 : vector<16xi32>
      %select_n3A_1278 = arith.select %lt3A_1274, %add3A_1277, %xor3A_1271 : vector<16xi1>, vector<16xi32>
      %broadcast_in_dim3A_1279 = vector.shape_cast %select_n3A_1278 : vector<16xi32> to vector<16x1xi32>
      %gather3A_1280 = vector.shape_cast %broadcast_in_dim3A_1279 : vector<16x1xi32> to vector<16xi32>
      %gather3A_1281 = tpu.dynamic_gather %add3A_1268[%gather3A_1280] in [0] : vector<16xf32>, vector<16xi32> -> vector<16xf32>
      %add3A_1282 = arith.addf %add3A_1268, %gather3A_1281 : vector<16xf32>
      %xor3A_1283 = arith.constant 1 : i32
      %xor3A_1284 = vector.broadcast %xor3A_1283 : i32 to vector<16xi32>
      %xor3A_1285 = arith.xori %iota3A, %xor3A_1284 : vector<16xi32>
      %lt3A_1286 = arith.constant 0 : i32
      %lt3A_1287 = vector.broadcast %lt3A_1286 : i32 to vector<16xi32>
      %lt3A_1288 = arith.cmpi slt, %xor3A_1285, %lt3A_1287 : vector<16xi32>
      %add3A_1289 = arith.constant 16 : i32
      %add3A_1290 = vector.broadcast %add3A_1289 : i32 to vector<16xi32>
      %add3A_1291 = arith.addi %xor3A_1285, %add3A_1290 : vector<16xi32>
      %select_n3A_1292 = arith.select %lt3A_1288, %add3A_1291, %xor3A_1285 : vector<16xi1>, vector<16xi32>
      %broadcast_in_dim3A_1293 = vector.shape_cast %select_n3A_1292 : vector<16xi32> to vector<16x1xi32>
      %gather3A_1294 = vector.shape_cast %broadcast_in_dim3A_1293 : vector<16x1xi32> to vector<16xi32>
      %gather3A_1295 = tpu.dynamic_gather %add3A_1282[%gather3A_1294] in [0] : vector<16xf32>, vector<16xi32> -> vector<16xf32>
      %add3A_1296 = arith.addf %add3A_1282, %gather3A_1295 : vector<16xf32>
      %div3A_1297 = arith.constant 9.000000e+00 : f32
      %div3A_1298 = vector.broadcast %div3A_1297 : f32 to vector<16xf32>
      %div3A_1299 = arith.divf %add3A_1296, %div3A_1298 : vector<16xf32>
      %get3A_1300 = arith.constant 48 : index
      %get3A_1301 = tpu.vector_load %arg5[%get3A_1300] {strides = array<i32>} : memref<608xi32, #tpu.memory_space<vmem>>, vector<16xi32>,
      %get3A_1302 = vector.shape_cast %get3A_1301 : vector<16xi32> to vector<16xi32>
      %shift_right_logical3A_1303 = arith.constant 9 : i32
      %shift_right_logical3A_1304 = vector.broadcast %shift_right_logical3A_1303 : i32 to vector<16xi32>
      %shift_right_logical3A_1305 = arith.shrui %get3A_1302, %shift_right_logical3A_1304 : vector<16xi32>
      %or3A_1306 = arith.constant 1065353216 : i32
      %or3A_1307 = vector.broadcast %or3A_1306 : i32 to vector<16xi32>
      %or3A_1308 = arith.ori %shift_right_logical3A_1305, %or3A_1307 : vector<16xi32>
      %bitcast_convert_type3A_1309 = tpu.bitcast %or3A_1308 : vector<16xi32> -> vector<16xf32>
      %sub3A_1310 = arith.constant 1.000000e+00 : f32
      %sub3A_1311 = vector.broadcast %sub3A_1310 : f32 to vector<16xf32>
      %sub3A_1312 = arith.subf %bitcast_convert_type3A_1309, %sub3A_1311 : vector<16xf32>
      %mul3A_1313 = arith.constant 2.000000e+00 : f32
      %mul3A_1314 = vector.broadcast %mul3A_1313 : f32 to vector<16xf32>
      %mul3A_1315 = arith.mulf %sub3A_1312, %mul3A_1314 : vector<16xf32>
      %add3A_1316 = arith.constant -0.99999994 : f32
      %add3A_1317 = vector.broadcast %add3A_1316 : f32 to vector<16xf32>
      %add3A_1318 = arith.addf %mul3A_1315, %add3A_1317 : vector<16xf32>
      %max3A_1319 = arith.constant -0.99999994 : f32
      %max3A_1320 = vector.broadcast %max3A_1319 : f32 to vector<16xf32>
      %max3A_1321 = arith.maximumf %max3A_1320, %add3A_1318 : vector<16xf32>
      %sub3A_1322 = arith.constant 1.000000e+00 : f32
      %sub3A_1323 = vector.broadcast %sub3A_1322 : f32 to vector<16xf32>
      %sub3A_1324 = arith.subf %sub3A_1323, %max3A_1321 : vector<16xf32>
      %add3A_1325 = arith.constant 1.000000e+00 : f32
      %add3A_1326 = vector.broadcast %add3A_1325 : f32 to vector<16xf32>
      %add3A_1327 = arith.addf %add3A_1326, %max3A_1321 : vector<16xf32>
      %mul3A_1328 = arith.mulf %sub3A_1324, %add3A_1327 : vector<16xf32>
      %bitcast_convert_type3A_1329 = tpu.bitcast %mul3A_1328 : vector<16xf32> -> vector<16xi32>
      %shift_right_logical3A_1330 = arith.constant 23 : i32
      %shift_right_logical3A_1331 = vector.broadcast %shift_right_logical3A_1330 : i32 to vector<16xi32>
      %shift_right_logical3A_1332 = arith.shrui %bitcast_convert_type3A_1329, %shift_right_logical3A_1331 : vector<16xi32>
      %and3A_1333 = arith.constant 255 : i32
      %and3A_1334 = vector.broadcast %and3A_1333 : i32 to vector<16xi32>
      %and3A_1335 = arith.andi %shift_right_logical3A_1332, %and3A_1334 : vector<16xi32>
      %sub3A_1336 = arith.constant 127 : i32
      %sub3A_1337 = vector.broadcast %sub3A_1336 : i32 to vector<16xi32>
      %sub3A_1338 = arith.subi %and3A_1335, %sub3A_1337 : vector<16xi32>
      %and3A_1339 = arith.constant 8388607 : i32
      %and3A_1340 = vector.broadcast %and3A_1339 : i32 to vector<16xi32>
      %and3A_1341 = arith.andi %bitcast_convert_type3A_1329, %and3A_1340 : vector<16xi32>
      %or3A_1342 = arith.constant 1065353216 : i32
      %or3A_1343 = vector.broadcast %or3A_1342 : i32 to vector<16xi32>
      %or3A_1344 = arith.ori %and3A_1341, %or3A_1343 : vector<16xi32>
      %bitcast_convert_type3A_1345 = tpu.bitcast %or3A_1344 : vector<16xi32> -> vector<16xf32>
      %sub3A_1346 = arith.constant 1.000000e+00 : f32
      %sub3A_1347 = vector.broadcast %sub3A_1346 : f32 to vector<16xf32>
      %sub3A_1348 = arith.subf %bitcast_convert_type3A_1345, %sub3A_1347 : vector<16xf32>
      %add3A_1349 = arith.constant 1.000000e+00 : f32
      %add3A_1350 = vector.broadcast %add3A_1349 : f32 to vector<16xf32>
      %add3A_1351 = arith.addf %bitcast_convert_type3A_1345, %add3A_1350 : vector<16xf32>
      %div3A_1352 = arith.divf %sub3A_1348, %add3A_1351 : vector<16xf32>
      %mul3A_1353 = arith.mulf %div3A_1352, %div3A_1352 : vector<16xf32>
      %mul3A_1354 = arith.constant 2.000000e+00 : f32
      %mul3A_1355 = vector.broadcast %mul3A_1354 : f32 to vector<16xf32>
      %mul3A_1356 = arith.mulf %mul3A_1355, %div3A_1352 : vector<16xf32>
      %mul3A_1357 = arith.constant 0.111111112 : f32
      %mul3A_1358 = vector.broadcast %mul3A_1357 : f32 to vector<16xf32>
      %mul3A_1359 = arith.mulf %mul3A_1353, %mul3A_1358 : vector<16xf32>
      %add3A_1360 = arith.constant 0.142857149 : f32
      %add3A_1361 = vector.broadcast %add3A_1360 : f32 to vector<16xf32>
      %add3A_1362 = arith.addf %add3A_1361, %mul3A_1359 : vector<16xf32>
      %mul3A_1363 = arith.mulf %mul3A_1353, %add3A_1362 : vector<16xf32>
      %add3A_1364 = arith.constant 2.000000e-01 : f32
      %add3A_1365 = vector.broadcast %add3A_1364 : f32 to vector<16xf32>
      %add3A_1366 = arith.addf %add3A_1365, %mul3A_1363 : vector<16xf32>
      %mul3A_1367 = arith.mulf %mul3A_1353, %add3A_1366 : vector<16xf32>
      %add3A_1368 = arith.constant 0.333333343 : f32
      %add3A_1369 = vector.broadcast %add3A_1368 : f32 to vector<16xf32>
      %add3A_1370 = arith.addf %add3A_1369, %mul3A_1367 : vector<16xf32>
      %mul3A_1371 = arith.mulf %mul3A_1353, %add3A_1370 : vector<16xf32>
      %add3A_1372 = arith.constant 1.000000e+00 : f32
      %add3A_1373 = vector.broadcast %add3A_1372 : f32 to vector<16xf32>
      %add3A_1374 = arith.addf %add3A_1373, %mul3A_1371 : vector<16xf32>
      %mul3A_1375 = arith.mulf %mul3A_1356, %add3A_1374 : vector<16xf32>
      %convert_element_type3A_1376 = arith.sitofp %sub3A_1338 : vector<16xi32> to vector<16xf32>
      %mul3A_1377 = arith.constant 0.693147182 : f32
      %mul3A_1378 = vector.broadcast %mul3A_1377 : f32 to vector<16xf32>
      %mul3A_1379 = arith.mulf %convert_element_type3A_1376, %mul3A_1378 : vector<16xf32>
      %add3A_1380 = arith.addf %mul3A_1379, %mul3A_1375 : vector<16xf32>
      %neg3A_1381 = arith.constant 0.000000e+00 : f32
      %neg3A_1382 = vector.broadcast %neg3A_1381 : f32 to vector<16xf32>
      %neg3A_1383 = arith.subf %neg3A_1382, %add3A_1380 : vector<16xf32>
      %sub3A_1384 = arith.constant 2.500000e+00 : f32
      %sub3A_1385 = vector.broadcast %sub3A_1384 : f32 to vector<16xf32>
      %sub3A_1386 = arith.subf %neg3A_1383, %sub3A_1385 : vector<16xf32>
      %mul3A_1387 = arith.constant 0.000000e+00 : f32
      %mul3A_1388 = vector.broadcast %mul3A_1387 : f32 to vector<16xf32>
      %mul3A_1389 = arith.mulf %max3A_1321, %mul3A_1388 : vector<16xf32>
      %add3A_1390 = arith.constant 2.81022636E-8 : f32
      %add3A_1391 = vector.broadcast %add3A_1390 : f32 to vector<16xf32>
      %add3A_1392 = arith.addf %mul3A_1389, %add3A_1391 : vector<16xf32>
      %mul3A_1393 = arith.mulf %add3A_1392, %sub3A_1386 : vector<16xf32>
      %add3A_1394 = arith.constant 3.43273939E-7 : f32
      %add3A_1395 = vector.broadcast %add3A_1394 : f32 to vector<16xf32>
      %add3A_1396 = arith.addf %add3A_1395, %mul3A_1393 : vector<16xf32>
      %mul3A_1397 = arith.mulf %add3A_1396, %sub3A_1386 : vector<16xf32>
      %add3A_1398 = arith.constant -3.5233877E-6 : f32
      %add3A_1399 = vector.broadcast %add3A_1398 : f32 to vector<16xf32>
      %add3A_1400 = arith.addf %add3A_1399, %mul3A_1397 : vector<16xf32>
      %mul3A_1401 = arith.mulf %add3A_1400, %sub3A_1386 : vector<16xf32>
      %add3A_1402 = arith.constant -4.39150654E-6 : f32
      %add3A_1403 = vector.broadcast %add3A_1402 : f32 to vector<16xf32>
      %add3A_1404 = arith.addf %add3A_1403, %mul3A_1401 : vector<16xf32>
      %mul3A_1405 = arith.mulf %add3A_1404, %sub3A_1386 : vector<16xf32>
      %add3A_1406 = arith.constant 2.1858087E-4 : f32
      %add3A_1407 = vector.broadcast %add3A_1406 : f32 to vector<16xf32>
      %add3A_1408 = arith.addf %add3A_1407, %mul3A_1405 : vector<16xf32>
      %mul3A_1409 = arith.mulf %add3A_1408, %sub3A_1386 : vector<16xf32>
      %add3A_1410 = arith.constant -0.00125372503 : f32
      %add3A_1411 = vector.broadcast %add3A_1410 : f32 to vector<16xf32>
      %add3A_1412 = arith.addf %add3A_1411, %mul3A_1409 : vector<16xf32>
      %mul3A_1413 = arith.mulf %add3A_1412, %sub3A_1386 : vector<16xf32>
      %add3A_1414 = arith.constant -0.00417768164 : f32
      %add3A_1415 = vector.broadcast %add3A_1414 : f32 to vector<16xf32>
      %add3A_1416 = arith.addf %add3A_1415, %mul3A_1413 : vector<16xf32>
      %mul3A_1417 = arith.mulf %add3A_1416, %sub3A_1386 : vector<16xf32>
      %add3A_1418 = arith.constant 0.246640727 : f32
      %add3A_1419 = vector.broadcast %add3A_1418 : f32 to vector<16xf32>
      %add3A_1420 = arith.addf %add3A_1419, %mul3A_1417 : vector<16xf32>
      %mul3A_1421 = arith.mulf %add3A_1420, %sub3A_1386 : vector<16xf32>
      %add3A_1422 = arith.constant 1.50140941 : f32
      %add3A_1423 = vector.broadcast %add3A_1422 : f32 to vector<16xf32>
      %add3A_1424 = arith.addf %add3A_1423, %mul3A_1421 : vector<16xf32>
      %mul3A_1425 = arith.mulf %add3A_1424, %max3A_1321 : vector<16xf32>
      %mul3A_1426 = arith.constant 1.41421354 : f32
      %mul3A_1427 = vector.broadcast %mul3A_1426 : f32 to vector<16xf32>
      %mul3A_1428 = arith.mulf %mul3A_1427, %mul3A_1425 : vector<16xf32>
      %lt3A_1429 = arith.constant 9 : i32
      %lt3A_1430 = vector.broadcast %lt3A_1429 : i32 to vector<16xi32>
      %lt3A_1431 = arith.cmpi slt, %iota3A, %lt3A_1430 : vector<16xi32>
      %select_n3A_1432 = arith.select %lt3A_1431, %mul3A_1428, %mul3A_13 : vector<16xi1>, vector<16xf32>
      %xor3A_1433 = arith.constant 8 : i32
      %xor3A_1434 = vector.broadcast %xor3A_1433 : i32 to vector<16xi32>
      %xor3A_1435 = arith.xori %iota3A, %xor3A_1434 : vector<16xi32>
      %lt3A_1436 = arith.constant 0 : i32
      %lt3A_1437 = vector.broadcast %lt3A_1436 : i32 to vector<16xi32>
      %lt3A_1438 = arith.cmpi slt, %xor3A_1435, %lt3A_1437 : vector<16xi32>
      %add3A_1439 = arith.constant 16 : i32
      %add3A_1440 = vector.broadcast %add3A_1439 : i32 to vector<16xi32>
      %add3A_1441 = arith.addi %xor3A_1435, %add3A_1440 : vector<16xi32>
      %select_n3A_1442 = arith.select %lt3A_1438, %add3A_1441, %xor3A_1435 : vector<16xi1>, vector<16xi32>
      %broadcast_in_dim3A_1443 = vector.shape_cast %select_n3A_1442 : vector<16xi32> to vector<16x1xi32>
      %gather3A_1444 = vector.shape_cast %broadcast_in_dim3A_1443 : vector<16x1xi32> to vector<16xi32>
      %gather3A_1445 = tpu.dynamic_gather %select_n3A_1432[%gather3A_1444] in [0] : vector<16xf32>, vector<16xi32> -> vector<16xf32>
      %add3A_1446 = arith.addf %select_n3A_1432, %gather3A_1445 : vector<16xf32>
      %xor3A_1447 = arith.constant 4 : i32
      %xor3A_1448 = vector.broadcast %xor3A_1447 : i32 to vector<16xi32>
      %xor3A_1449 = arith.xori %iota3A, %xor3A_1448 : vector<16xi32>
      %lt3A_1450 = arith.constant 0 : i32
      %lt3A_1451 = vector.broadcast %lt3A_1450 : i32 to vector<16xi32>
      %lt3A_1452 = arith.cmpi slt, %xor3A_1449, %lt3A_1451 : vector<16xi32>
      %add3A_1453 = arith.constant 16 : i32
      %add3A_1454 = vector.broadcast %add3A_1453 : i32 to vector<16xi32>
      %add3A_1455 = arith.addi %xor3A_1449, %add3A_1454 : vector<16xi32>
      %select_n3A_1456 = arith.select %lt3A_1452, %add3A_1455, %xor3A_1449 : vector<16xi1>, vector<16xi32>
      %broadcast_in_dim3A_1457 = vector.shape_cast %select_n3A_1456 : vector<16xi32> to vector<16x1xi32>
      %gather3A_1458 = vector.shape_cast %broadcast_in_dim3A_1457 : vector<16x1xi32> to vector<16xi32>
      %gather3A_1459 = tpu.dynamic_gather %add3A_1446[%gather3A_1458] in [0] : vector<16xf32>, vector<16xi32> -> vector<16xf32>
      %add3A_1460 = arith.addf %add3A_1446, %gather3A_1459 : vector<16xf32>
      %xor3A_1461 = arith.constant 2 : i32
      %xor3A_1462 = vector.broadcast %xor3A_1461 : i32 to vector<16xi32>
      %xor3A_1463 = arith.xori %iota3A, %xor3A_1462 : vector<16xi32>
      %lt3A_1464 = arith.constant 0 : i32
      %lt3A_1465 = vector.broadcast %lt3A_1464 : i32 to vector<16xi32>
      %lt3A_1466 = arith.cmpi slt, %xor3A_1463, %lt3A_1465 : vector<16xi32>
      %add3A_1467 = arith.constant 16 : i32
      %add3A_1468 = vector.broadcast %add3A_1467 : i32 to vector<16xi32>
      %add3A_1469 = arith.addi %xor3A_1463, %add3A_1468 : vector<16xi32>
      %select_n3A_1470 = arith.select %lt3A_1466, %add3A_1469, %xor3A_1463 : vector<16xi1>, vector<16xi32>
      %broadcast_in_dim3A_1471 = vector.shape_cast %select_n3A_1470 : vector<16xi32> to vector<16x1xi32>
      %gather3A_1472 = vector.shape_cast %broadcast_in_dim3A_1471 : vector<16x1xi32> to vector<16xi32>
      %gather3A_1473 = tpu.dynamic_gather %add3A_1460[%gather3A_1472] in [0] : vector<16xf32>, vector<16xi32> -> vector<16xf32>
      %add3A_1474 = arith.addf %add3A_1460, %gather3A_1473 : vector<16xf32>
      %xor3A_1475 = arith.constant 1 : i32
      %xor3A_1476 = vector.broadcast %xor3A_1475 : i32 to vector<16xi32>
      %xor3A_1477 = arith.xori %iota3A, %xor3A_1476 : vector<16xi32>
      %lt3A_1478 = arith.constant 0 : i32
      %lt3A_1479 = vector.broadcast %lt3A_1478 : i32 to vector<16xi32>
      %lt3A_1480 = arith.cmpi slt, %xor3A_1477, %lt3A_1479 : vector<16xi32>
      %add3A_1481 = arith.constant 16 : i32
      %add3A_1482 = vector.broadcast %add3A_1481 : i32 to vector<16xi32>
      %add3A_1483 = arith.addi %xor3A_1477, %add3A_1482 : vector<16xi32>
      %select_n3A_1484 = arith.select %lt3A_1480, %add3A_1483, %xor3A_1477 : vector<16xi1>, vector<16xi32>
      %broadcast_in_dim3A_1485 = vector.shape_cast %select_n3A_1484 : vector<16xi32> to vector<16x1xi32>
      %gather3A_1486 = vector.shape_cast %broadcast_in_dim3A_1485 : vector<16x1xi32> to vector<16xi32>
      %gather3A_1487 = tpu.dynamic_gather %add3A_1474[%gather3A_1486] in [0] : vector<16xf32>, vector<16xi32> -> vector<16xf32>
      %add3A_1488 = arith.addf %add3A_1474, %gather3A_1487 : vector<16xf32>
      %div3A_1489 = arith.constant 9.000000e+00 : f32
      %div3A_1490 = vector.broadcast %div3A_1489 : f32 to vector<16xf32>
      %div3A_1491 = arith.divf %add3A_1488, %div3A_1490 : vector<16xf32>
      %get3A_1492 = arith.constant 144 : index
      %get3A_1493 = tpu.vector_load %arg5[%get3A_1492] {strides = array<i32>} : memref<608xi32, #tpu.memory_space<vmem>>, vector<16xi32>,
      %get3A_1494 = vector.shape_cast %get3A_1493 : vector<16xi32> to vector<16xi32>
      %shift_right_logical3A_1495 = arith.constant 9 : i32
      %shift_right_logical3A_1496 = vector.broadcast %shift_right_logical3A_1495 : i32 to vector<16xi32>
      %shift_right_logical3A_1497 = arith.shrui %get3A_1494, %shift_right_logical3A_1496 : vector<16xi32>
      %or3A_1498 = arith.constant 1065353216 : i32
      %or3A_1499 = vector.broadcast %or3A_1498 : i32 to vector<16xi32>
      %or3A_1500 = arith.ori %shift_right_logical3A_1497, %or3A_1499 : vector<16xi32>
      %bitcast_convert_type3A_1501 = tpu.bitcast %or3A_1500 : vector<16xi32> -> vector<16xf32>
      %sub3A_1502 = arith.constant 1.000000e+00 : f32
      %sub3A_1503 = vector.broadcast %sub3A_1502 : f32 to vector<16xf32>
      %sub3A_1504 = arith.subf %bitcast_convert_type3A_1501, %sub3A_1503 : vector<16xf32>
      %mul3A_1505 = arith.constant 2.000000e+00 : f32
      %mul3A_1506 = vector.broadcast %mul3A_1505 : f32 to vector<16xf32>
      %mul3A_1507 = arith.mulf %sub3A_1504, %mul3A_1506 : vector<16xf32>
      %add3A_1508 = arith.constant -0.99999994 : f32
      %add3A_1509 = vector.broadcast %add3A_1508 : f32 to vector<16xf32>
      %add3A_1510 = arith.addf %mul3A_1507, %add3A_1509 : vector<16xf32>
      %max3A_1511 = arith.constant -0.99999994 : f32
      %max3A_1512 = vector.broadcast %max3A_1511 : f32 to vector<16xf32>
      %max3A_1513 = arith.maximumf %max3A_1512, %add3A_1510 : vector<16xf32>
      %sub3A_1514 = arith.constant 1.000000e+00 : f32
      %sub3A_1515 = vector.broadcast %sub3A_1514 : f32 to vector<16xf32>
      %sub3A_1516 = arith.subf %sub3A_1515, %max3A_1513 : vector<16xf32>
      %add3A_1517 = arith.constant 1.000000e+00 : f32
      %add3A_1518 = vector.broadcast %add3A_1517 : f32 to vector<16xf32>
      %add3A_1519 = arith.addf %add3A_1518, %max3A_1513 : vector<16xf32>
      %mul3A_1520 = arith.mulf %sub3A_1516, %add3A_1519 : vector<16xf32>
      %bitcast_convert_type3A_1521 = tpu.bitcast %mul3A_1520 : vector<16xf32> -> vector<16xi32>
      %shift_right_logical3A_1522 = arith.constant 23 : i32
      %shift_right_logical3A_1523 = vector.broadcast %shift_right_logical3A_1522 : i32 to vector<16xi32>
      %shift_right_logical3A_1524 = arith.shrui %bitcast_convert_type3A_1521, %shift_right_logical3A_1523 : vector<16xi32>
      %and3A_1525 = arith.constant 255 : i32
      %and3A_1526 = vector.broadcast %and3A_1525 : i32 to vector<16xi32>
      %and3A_1527 = arith.andi %shift_right_logical3A_1524, %and3A_1526 : vector<16xi32>
      %sub3A_1528 = arith.constant 127 : i32
      %sub3A_1529 = vector.broadcast %sub3A_1528 : i32 to vector<16xi32>
      %sub3A_1530 = arith.subi %and3A_1527, %sub3A_1529 : vector<16xi32>
      %and3A_1531 = arith.constant 8388607 : i32
      %and3A_1532 = vector.broadcast %and3A_1531 : i32 to vector<16xi32>
      %and3A_1533 = arith.andi %bitcast_convert_type3A_1521, %and3A_1532 : vector<16xi32>
      %or3A_1534 = arith.constant 1065353216 : i32
      %or3A_1535 = vector.broadcast %or3A_1534 : i32 to vector<16xi32>
      %or3A_1536 = arith.ori %and3A_1533, %or3A_1535 : vector<16xi32>
      %bitcast_convert_type3A_1537 = tpu.bitcast %or3A_1536 : vector<16xi32> -> vector<16xf32>
      %sub3A_1538 = arith.constant 1.000000e+00 : f32
      %sub3A_1539 = vector.broadcast %sub3A_1538 : f32 to vector<16xf32>
      %sub3A_1540 = arith.subf %bitcast_convert_type3A_1537, %sub3A_1539 : vector<16xf32>
      %add3A_1541 = arith.constant 1.000000e+00 : f32
      %add3A_1542 = vector.broadcast %add3A_1541 : f32 to vector<16xf32>
      %add3A_1543 = arith.addf %bitcast_convert_type3A_1537, %add3A_1542 : vector<16xf32>
      %div3A_1544 = arith.divf %sub3A_1540, %add3A_1543 : vector<16xf32>
      %mul3A_1545 = arith.mulf %div3A_1544, %div3A_1544 : vector<16xf32>
      %mul3A_1546 = arith.constant 2.000000e+00 : f32
      %mul3A_1547 = vector.broadcast %mul3A_1546 : f32 to vector<16xf32>
      %mul3A_1548 = arith.mulf %mul3A_1547, %div3A_1544 : vector<16xf32>
      %mul3A_1549 = arith.constant 0.111111112 : f32
      %mul3A_1550 = vector.broadcast %mul3A_1549 : f32 to vector<16xf32>
      %mul3A_1551 = arith.mulf %mul3A_1545, %mul3A_1550 : vector<16xf32>
      %add3A_1552 = arith.constant 0.142857149 : f32
      %add3A_1553 = vector.broadcast %add3A_1552 : f32 to vector<16xf32>
      %add3A_1554 = arith.addf %add3A_1553, %mul3A_1551 : vector<16xf32>
      %mul3A_1555 = arith.mulf %mul3A_1545, %add3A_1554 : vector<16xf32>
      %add3A_1556 = arith.constant 2.000000e-01 : f32
      %add3A_1557 = vector.broadcast %add3A_1556 : f32 to vector<16xf32>
      %add3A_1558 = arith.addf %add3A_1557, %mul3A_1555 : vector<16xf32>
      %mul3A_1559 = arith.mulf %mul3A_1545, %add3A_1558 : vector<16xf32>
      %add3A_1560 = arith.constant 0.333333343 : f32
      %add3A_1561 = vector.broadcast %add3A_1560 : f32 to vector<16xf32>
      %add3A_1562 = arith.addf %add3A_1561, %mul3A_1559 : vector<16xf32>
      %mul3A_1563 = arith.mulf %mul3A_1545, %add3A_1562 : vector<16xf32>
      %add3A_1564 = arith.constant 1.000000e+00 : f32
      %add3A_1565 = vector.broadcast %add3A_1564 : f32 to vector<16xf32>
      %add3A_1566 = arith.addf %add3A_1565, %mul3A_1563 : vector<16xf32>
      %mul3A_1567 = arith.mulf %mul3A_1548, %add3A_1566 : vector<16xf32>
      %convert_element_type3A_1568 = arith.sitofp %sub3A_1530 : vector<16xi32> to vector<16xf32>
      %mul3A_1569 = arith.constant 0.693147182 : f32
      %mul3A_1570 = vector.broadcast %mul3A_1569 : f32 to vector<16xf32>
      %mul3A_1571 = arith.mulf %convert_element_type3A_1568, %mul3A_1570 : vector<16xf32>
      %add3A_1572 = arith.addf %mul3A_1571, %mul3A_1567 : vector<16xf32>
      %neg3A_1573 = arith.constant 0.000000e+00 : f32
      %neg3A_1574 = vector.broadcast %neg3A_1573 : f32 to vector<16xf32>
      %neg3A_1575 = arith.subf %neg3A_1574, %add3A_1572 : vector<16xf32>
      %sub3A_1576 = arith.constant 2.500000e+00 : f32
      %sub3A_1577 = vector.broadcast %sub3A_1576 : f32 to vector<16xf32>
      %sub3A_1578 = arith.subf %neg3A_1575, %sub3A_1577 : vector<16xf32>
      %mul3A_1579 = arith.constant 0.000000e+00 : f32
      %mul3A_1580 = vector.broadcast %mul3A_1579 : f32 to vector<16xf32>
      %mul3A_1581 = arith.mulf %max3A_1513, %mul3A_1580 : vector<16xf32>
      %add3A_1582 = arith.constant 2.81022636E-8 : f32
      %add3A_1583 = vector.broadcast %add3A_1582 : f32 to vector<16xf32>
      %add3A_1584 = arith.addf %mul3A_1581, %add3A_1583 : vector<16xf32>
      %mul3A_1585 = arith.mulf %add3A_1584, %sub3A_1578 : vector<16xf32>
      %add3A_1586 = arith.constant 3.43273939E-7 : f32
      %add3A_1587 = vector.broadcast %add3A_1586 : f32 to vector<16xf32>
      %add3A_1588 = arith.addf %add3A_1587, %mul3A_1585 : vector<16xf32>
      %mul3A_1589 = arith.mulf %add3A_1588, %sub3A_1578 : vector<16xf32>
      %add3A_1590 = arith.constant -3.5233877E-6 : f32
      %add3A_1591 = vector.broadcast %add3A_1590 : f32 to vector<16xf32>
      %add3A_1592 = arith.addf %add3A_1591, %mul3A_1589 : vector<16xf32>
      %mul3A_1593 = arith.mulf %add3A_1592, %sub3A_1578 : vector<16xf32>
      %add3A_1594 = arith.constant -4.39150654E-6 : f32
      %add3A_1595 = vector.broadcast %add3A_1594 : f32 to vector<16xf32>
      %add3A_1596 = arith.addf %add3A_1595, %mul3A_1593 : vector<16xf32>
      %mul3A_1597 = arith.mulf %add3A_1596, %sub3A_1578 : vector<16xf32>
      %add3A_1598 = arith.constant 2.1858087E-4 : f32
      %add3A_1599 = vector.broadcast %add3A_1598 : f32 to vector<16xf32>
      %add3A_1600 = arith.addf %add3A_1599, %mul3A_1597 : vector<16xf32>
      %mul3A_1601 = arith.mulf %add3A_1600, %sub3A_1578 : vector<16xf32>
      %add3A_1602 = arith.constant -0.00125372503 : f32
      %add3A_1603 = vector.broadcast %add3A_1602 : f32 to vector<16xf32>
      %add3A_1604 = arith.addf %add3A_1603, %mul3A_1601 : vector<16xf32>
      %mul3A_1605 = arith.mulf %add3A_1604, %sub3A_1578 : vector<16xf32>
      %add3A_1606 = arith.constant -0.00417768164 : f32
      %add3A_1607 = vector.broadcast %add3A_1606 : f32 to vector<16xf32>
      %add3A_1608 = arith.addf %add3A_1607, %mul3A_1605 : vector<16xf32>
      %mul3A_1609 = arith.mulf %add3A_1608, %sub3A_1578 : vector<16xf32>
      %add3A_1610 = arith.constant 0.246640727 : f32
      %add3A_1611 = vector.broadcast %add3A_1610 : f32 to vector<16xf32>
      %add3A_1612 = arith.addf %add3A_1611, %mul3A_1609 : vector<16xf32>
      %mul3A_1613 = arith.mulf %add3A_1612, %sub3A_1578 : vector<16xf32>
      %add3A_1614 = arith.constant 1.50140941 : f32
      %add3A_1615 = vector.broadcast %add3A_1614 : f32 to vector<16xf32>
      %add3A_1616 = arith.addf %add3A_1615, %mul3A_1613 : vector<16xf32>
      %mul3A_1617 = arith.mulf %add3A_1616, %max3A_1513 : vector<16xf32>
      %mul3A_1618 = arith.constant 1.41421354 : f32
      %mul3A_1619 = vector.broadcast %mul3A_1618 : f32 to vector<16xf32>
      %mul3A_1620 = arith.mulf %mul3A_1619, %mul3A_1617 : vector<16xf32>
      %lt3A_1621 = arith.constant 9 : i32
      %lt3A_1622 = vector.broadcast %lt3A_1621 : i32 to vector<16xi32>
      %lt3A_1623 = arith.cmpi slt, %iota3A, %lt3A_1622 : vector<16xi32>
      %select_n3A_1624 = arith.select %lt3A_1623, %mul3A_1620, %mul3A_13 : vector<16xi1>, vector<16xf32>
      %xor3A_1625 = arith.constant 8 : i32
      %xor3A_1626 = vector.broadcast %xor3A_1625 : i32 to vector<16xi32>
      %xor3A_1627 = arith.xori %iota3A, %xor3A_1626 : vector<16xi32>
      %lt3A_1628 = arith.constant 0 : i32
      %lt3A_1629 = vector.broadcast %lt3A_1628 : i32 to vector<16xi32>
      %lt3A_1630 = arith.cmpi slt, %xor3A_1627, %lt3A_1629 : vector<16xi32>
      %add3A_1631 = arith.constant 16 : i32
      %add3A_1632 = vector.broadcast %add3A_1631 : i32 to vector<16xi32>
      %add3A_1633 = arith.addi %xor3A_1627, %add3A_1632 : vector<16xi32>
      %select_n3A_1634 = arith.select %lt3A_1630, %add3A_1633, %xor3A_1627 : vector<16xi1>, vector<16xi32>
      %broadcast_in_dim3A_1635 = vector.shape_cast %select_n3A_1634 : vector<16xi32> to vector<16x1xi32>
      %gather3A_1636 = vector.shape_cast %broadcast_in_dim3A_1635 : vector<16x1xi32> to vector<16xi32>
      %gather3A_1637 = tpu.dynamic_gather %select_n3A_1624[%gather3A_1636] in [0] : vector<16xf32>, vector<16xi32> -> vector<16xf32>
      %add3A_1638 = arith.addf %select_n3A_1624, %gather3A_1637 : vector<16xf32>
      %xor3A_1639 = arith.constant 4 : i32
      %xor3A_1640 = vector.broadcast %xor3A_1639 : i32 to vector<16xi32>
      %xor3A_1641 = arith.xori %iota3A, %xor3A_1640 : vector<16xi32>
      %lt3A_1642 = arith.constant 0 : i32
      %lt3A_1643 = vector.broadcast %lt3A_1642 : i32 to vector<16xi32>
      %lt3A_1644 = arith.cmpi slt, %xor3A_1641, %lt3A_1643 : vector<16xi32>
      %add3A_1645 = arith.constant 16 : i32
      %add3A_1646 = vector.broadcast %add3A_1645 : i32 to vector<16xi32>
      %add3A_1647 = arith.addi %xor3A_1641, %add3A_1646 : vector<16xi32>
      %select_n3A_1648 = arith.select %lt3A_1644, %add3A_1647, %xor3A_1641 : vector<16xi1>, vector<16xi32>
      %broadcast_in_dim3A_1649 = vector.shape_cast %select_n3A_1648 : vector<16xi32> to vector<16x1xi32>
      %gather3A_1650 = vector.shape_cast %broadcast_in_dim3A_1649 : vector<16x1xi32> to vector<16xi32>
      %gather3A_1651 = tpu.dynamic_gather %add3A_1638[%gather3A_1650] in [0] : vector<16xf32>, vector<16xi32> -> vector<16xf32>
      %add3A_1652 = arith.addf %add3A_1638, %gather3A_1651 : vector<16xf32>
      %xor3A_1653 = arith.constant 2 : i32
      %xor3A_1654 = vector.broadcast %xor3A_1653 : i32 to vector<16xi32>
      %xor3A_1655 = arith.xori %iota3A, %xor3A_1654 : vector<16xi32>
      %lt3A_1656 = arith.constant 0 : i32
      %lt3A_1657 = vector.broadcast %lt3A_1656 : i32 to vector<16xi32>
      %lt3A_1658 = arith.cmpi slt, %xor3A_1655, %lt3A_1657 : vector<16xi32>
      %add3A_1659 = arith.constant 16 : i32
      %add3A_1660 = vector.broadcast %add3A_1659 : i32 to vector<16xi32>
      %add3A_1661 = arith.addi %xor3A_1655, %add3A_1660 : vector<16xi32>
      %select_n3A_1662 = arith.select %lt3A_1658, %add3A_1661, %xor3A_1655 : vector<16xi1>, vector<16xi32>
      %broadcast_in_dim3A_1663 = vector.shape_cast %select_n3A_1662 : vector<16xi32> to vector<16x1xi32>
      %gather3A_1664 = vector.shape_cast %broadcast_in_dim3A_1663 : vector<16x1xi32> to vector<16xi32>
      %gather3A_1665 = tpu.dynamic_gather %add3A_1652[%gather3A_1664] in [0] : vector<16xf32>, vector<16xi32> -> vector<16xf32>
      %add3A_1666 = arith.addf %add3A_1652, %gather3A_1665 : vector<16xf32>
      %xor3A_1667 = arith.constant 1 : i32
      %xor3A_1668 = vector.broadcast %xor3A_1667 : i32 to vector<16xi32>
      %xor3A_1669 = arith.xori %iota3A, %xor3A_1668 : vector<16xi32>
      %lt3A_1670 = arith.constant 0 : i32
      %lt3A_1671 = vector.broadcast %lt3A_1670 : i32 to vector<16xi32>
      %lt3A_1672 = arith.cmpi slt, %xor3A_1669, %lt3A_1671 : vector<16xi32>
      %add3A_1673 = arith.constant 16 : i32
      %add3A_1674 = vector.broadcast %add3A_1673 : i32 to vector<16xi32>
      %add3A_1675 = arith.addi %xor3A_1669, %add3A_1674 : vector<16xi32>
      %select_n3A_1676 = arith.select %lt3A_1672, %add3A_1675, %xor3A_1669 : vector<16xi1>, vector<16xi32>
      %broadcast_in_dim3A_1677 = vector.shape_cast %select_n3A_1676 : vector<16xi32> to vector<16x1xi32>
      %gather3A_1678 = vector.shape_cast %broadcast_in_dim3A_1677 : vector<16x1xi32> to vector<16xi32>
      %gather3A_1679 = tpu.dynamic_gather %add3A_1666[%gather3A_1678] in [0] : vector<16xf32>, vector<16xi32> -> vector<16xf32>
      %add3A_1680 = arith.addf %add3A_1666, %gather3A_1679 : vector<16xf32>
      %div3A_1681 = arith.constant 9.000000e+00 : f32
      %div3A_1682 = vector.broadcast %div3A_1681 : f32 to vector<16xf32>
      %div3A_1683 = arith.divf %add3A_1680, %div3A_1682 : vector<16xf32>
      %add3A_1684 = arith.constant 1.500000e+00 : f32
      %add3A_1685 = vector.broadcast %add3A_1684 : f32 to vector<16xf32>
      %add3A_1686 = arith.addf %mul3A_13, %add3A_1685 : vector<16xf32>
      %get3A_1687 = arith.constant 80 : index
      %get3A_1688 = tpu.vector_load %arg5[%get3A_1687] {strides = array<i32>} : memref<608xi32, #tpu.memory_space<vmem>>, vector<16xi32>,
      %get3A_1689 = vector.shape_cast %get3A_1688 : vector<16xi32> to vector<16xi32>
      %shift_right_logical3A_1690 = arith.constant 9 : i32
      %shift_right_logical3A_1691 = vector.broadcast %shift_right_logical3A_1690 : i32 to vector<16xi32>
      %shift_right_logical3A_1692 = arith.shrui %get3A_1689, %shift_right_logical3A_1691 : vector<16xi32>
      %or3A_1693 = arith.constant 1065353216 : i32
      %or3A_1694 = vector.broadcast %or3A_1693 : i32 to vector<16xi32>
      %or3A_1695 = arith.ori %shift_right_logical3A_1692, %or3A_1694 : vector<16xi32>
      %bitcast_convert_type3A_1696 = tpu.bitcast %or3A_1695 : vector<16xi32> -> vector<16xf32>
      %sub3A_1697 = arith.constant 1.000000e+00 : f32
      %sub3A_1698 = vector.broadcast %sub3A_1697 : f32 to vector<16xf32>
      %sub3A_1699 = arith.subf %bitcast_convert_type3A_1696, %sub3A_1698 : vector<16xf32>
      %max3A_1700 = arith.constant 9.99999996E-13 : f32
      %max3A_1701 = vector.broadcast %max3A_1700 : f32 to vector<16xf32>
      %max3A_1702 = arith.maximumf %sub3A_1699, %max3A_1701 : vector<16xf32>
      %min3A_1703 = arith.constant 1.000000e+00 : f32
      %min3A_1704 = vector.broadcast %min3A_1703 : f32 to vector<16xf32>
      %min3A_1705 = arith.minimumf %max3A_1702, %min3A_1704 : vector<16xf32>
      %sub3A_1706 = arith.constant 5.000000e-01 : f32
      %sub3A_1707 = vector.broadcast %sub3A_1706 : f32 to vector<16xf32>
      %sub3A_1708 = arith.subf %min3A_1705, %sub3A_1707 : vector<16xf32>
      %mul3A_1709 = arith.constant 3.14159274 : f32
      %mul3A_1710 = vector.broadcast %mul3A_1709 : f32 to vector<16xf32>
      %mul3A_1711 = arith.mulf %mul3A_1710, %sub3A_1708 : vector<16xf32>
      %mul3A_1712 = arith.mulf %mul3A_1711, %mul3A_1711 : vector<16xf32>
      %mul3A_1713 = arith.constant 2.75573188E-6 : f32
      %mul3A_1714 = vector.broadcast %mul3A_1713 : f32 to vector<16xf32>
      %mul3A_1715 = arith.mulf %mul3A_1712, %mul3A_1714 : vector<16xf32>
      %add3A_1716 = arith.constant -1.98412701E-4 : f32
      %add3A_1717 = vector.broadcast %add3A_1716 : f32 to vector<16xf32>
      %add3A_1718 = arith.addf %add3A_1717, %mul3A_1715 : vector<16xf32>
      %mul3A_1719 = arith.mulf %mul3A_1712, %add3A_1718 : vector<16xf32>
      %add3A_1720 = arith.constant 0.00833333377 : f32
      %add3A_1721 = vector.broadcast %add3A_1720 : f32 to vector<16xf32>
      %add3A_1722 = arith.addf %add3A_1721, %mul3A_1719 : vector<16xf32>
      %mul3A_1723 = arith.mulf %mul3A_1712, %add3A_1722 : vector<16xf32>
      %add3A_1724 = arith.constant -0.166666672 : f32
      %add3A_1725 = vector.broadcast %add3A_1724 : f32 to vector<16xf32>
      %add3A_1726 = arith.addf %add3A_1725, %mul3A_1723 : vector<16xf32>
      %mul3A_1727 = arith.mulf %mul3A_1712, %add3A_1726 : vector<16xf32>
      %add3A_1728 = arith.constant 1.000000e+00 : f32
      %add3A_1729 = vector.broadcast %add3A_1728 : f32 to vector<16xf32>
      %add3A_1730 = arith.addf %add3A_1729, %mul3A_1727 : vector<16xf32>
      %mul3A_1731 = arith.mulf %mul3A_1711, %add3A_1730 : vector<16xf32>
      %mul3A_1732 = arith.constant -2.755732E-7 : f32
      %mul3A_1733 = vector.broadcast %mul3A_1732 : f32 to vector<16xf32>
      %mul3A_1734 = arith.mulf %mul3A_1712, %mul3A_1733 : vector<16xf32>
      %add3A_1735 = arith.constant 2.48015876E-5 : f32
      %add3A_1736 = vector.broadcast %add3A_1735 : f32 to vector<16xf32>
      %add3A_1737 = arith.addf %add3A_1736, %mul3A_1734 : vector<16xf32>
      %mul3A_1738 = arith.mulf %mul3A_1712, %add3A_1737 : vector<16xf32>
      %add3A_1739 = arith.constant -0.00138888892 : f32
      %add3A_1740 = vector.broadcast %add3A_1739 : f32 to vector<16xf32>
      %add3A_1741 = arith.addf %add3A_1740, %mul3A_1738 : vector<16xf32>
      %mul3A_1742 = arith.mulf %mul3A_1712, %add3A_1741 : vector<16xf32>
      %add3A_1743 = arith.constant 0.0416666679 : f32
      %add3A_1744 = vector.broadcast %add3A_1743 : f32 to vector<16xf32>
      %add3A_1745 = arith.addf %add3A_1744, %mul3A_1742 : vector<16xf32>
      %mul3A_1746 = arith.mulf %mul3A_1712, %add3A_1745 : vector<16xf32>
      %add3A_1747 = arith.constant -5.000000e-01 : f32
      %add3A_1748 = vector.broadcast %add3A_1747 : f32 to vector<16xf32>
      %add3A_1749 = arith.addf %add3A_1748, %mul3A_1746 : vector<16xf32>
      %mul3A_1750 = arith.mulf %mul3A_1712, %add3A_1749 : vector<16xf32>
      %add3A_1751 = arith.constant 1.000000e+00 : f32
      %add3A_1752 = vector.broadcast %add3A_1751 : f32 to vector<16xf32>
      %add3A_1753 = arith.addf %add3A_1752, %mul3A_1750 : vector<16xf32>
      %div3A_1754 = arith.divf %mul3A_1731, %add3A_1753 : vector<16xf32>
      %lt3A_1755 = arith.constant 9 : i32
      %lt3A_1756 = vector.broadcast %lt3A_1755 : i32 to vector<16xi32>
      %lt3A_1757 = arith.cmpi slt, %iota3A, %lt3A_1756 : vector<16xi32>
      %select_n3A_1758 = arith.select %lt3A_1757, %div3A_1754, %mul3A_13 : vector<16xi1>, vector<16xf32>
      %xor3A_1759 = arith.constant 8 : i32
      %xor3A_1760 = vector.broadcast %xor3A_1759 : i32 to vector<16xi32>
      %xor3A_1761 = arith.xori %iota3A, %xor3A_1760 : vector<16xi32>
      %lt3A_1762 = arith.constant 0 : i32
      %lt3A_1763 = vector.broadcast %lt3A_1762 : i32 to vector<16xi32>
      %lt3A_1764 = arith.cmpi slt, %xor3A_1761, %lt3A_1763 : vector<16xi32>
      %add3A_1765 = arith.constant 16 : i32
      %add3A_1766 = vector.broadcast %add3A_1765 : i32 to vector<16xi32>
      %add3A_1767 = arith.addi %xor3A_1761, %add3A_1766 : vector<16xi32>
      %select_n3A_1768 = arith.select %lt3A_1764, %add3A_1767, %xor3A_1761 : vector<16xi1>, vector<16xi32>
      %broadcast_in_dim3A_1769 = vector.shape_cast %select_n3A_1768 : vector<16xi32> to vector<16x1xi32>
      %gather3A_1770 = vector.shape_cast %broadcast_in_dim3A_1769 : vector<16x1xi32> to vector<16xi32>
      %gather3A_1771 = tpu.dynamic_gather %select_n3A_1758[%gather3A_1770] in [0] : vector<16xf32>, vector<16xi32> -> vector<16xf32>
      %add3A_1772 = arith.addf %select_n3A_1758, %gather3A_1771 : vector<16xf32>
      %xor3A_1773 = arith.constant 4 : i32
      %xor3A_1774 = vector.broadcast %xor3A_1773 : i32 to vector<16xi32>
      %xor3A_1775 = arith.xori %iota3A, %xor3A_1774 : vector<16xi32>
      %lt3A_1776 = arith.constant 0 : i32
      %lt3A_1777 = vector.broadcast %lt3A_1776 : i32 to vector<16xi32>
      %lt3A_1778 = arith.cmpi slt, %xor3A_1775, %lt3A_1777 : vector<16xi32>
      %add3A_1779 = arith.constant 16 : i32
      %add3A_1780 = vector.broadcast %add3A_1779 : i32 to vector<16xi32>
      %add3A_1781 = arith.addi %xor3A_1775, %add3A_1780 : vector<16xi32>
      %select_n3A_1782 = arith.select %lt3A_1778, %add3A_1781, %xor3A_1775 : vector<16xi1>, vector<16xi32>
      %broadcast_in_dim3A_1783 = vector.shape_cast %select_n3A_1782 : vector<16xi32> to vector<16x1xi32>
      %gather3A_1784 = vector.shape_cast %broadcast_in_dim3A_1783 : vector<16x1xi32> to vector<16xi32>
      %gather3A_1785 = tpu.dynamic_gather %add3A_1772[%gather3A_1784] in [0] : vector<16xf32>, vector<16xi32> -> vector<16xf32>
      %add3A_1786 = arith.addf %add3A_1772, %gather3A_1785 : vector<16xf32>
      %xor3A_1787 = arith.constant 2 : i32
      %xor3A_1788 = vector.broadcast %xor3A_1787 : i32 to vector<16xi32>
      %xor3A_1789 = arith.xori %iota3A, %xor3A_1788 : vector<16xi32>
      %lt3A_1790 = arith.constant 0 : i32
      %lt3A_1791 = vector.broadcast %lt3A_1790 : i32 to vector<16xi32>
      %lt3A_1792 = arith.cmpi slt, %xor3A_1789, %lt3A_1791 : vector<16xi32>
      %add3A_1793 = arith.constant 16 : i32
      %add3A_1794 = vector.broadcast %add3A_1793 : i32 to vector<16xi32>
      %add3A_1795 = arith.addi %xor3A_1789, %add3A_1794 : vector<16xi32>
      %select_n3A_1796 = arith.select %lt3A_1792, %add3A_1795, %xor3A_1789 : vector<16xi1>, vector<16xi32>
      %broadcast_in_dim3A_1797 = vector.shape_cast %select_n3A_1796 : vector<16xi32> to vector<16x1xi32>
      %gather3A_1798 = vector.shape_cast %broadcast_in_dim3A_1797 : vector<16x1xi32> to vector<16xi32>
      %gather3A_1799 = tpu.dynamic_gather %add3A_1786[%gather3A_1798] in [0] : vector<16xf32>, vector<16xi32> -> vector<16xf32>
      %add3A_1800 = arith.addf %add3A_1786, %gather3A_1799 : vector<16xf32>
      %xor3A_1801 = arith.constant 1 : i32
      %xor3A_1802 = vector.broadcast %xor3A_1801 : i32 to vector<16xi32>
      %xor3A_1803 = arith.xori %iota3A, %xor3A_1802 : vector<16xi32>
      %lt3A_1804 = arith.constant 0 : i32
      %lt3A_1805 = vector.broadcast %lt3A_1804 : i32 to vector<16xi32>
      %lt3A_1806 = arith.cmpi slt, %xor3A_1803, %lt3A_1805 : vector<16xi32>
      %add3A_1807 = arith.constant 16 : i32
      %add3A_1808 = vector.broadcast %add3A_1807 : i32 to vector<16xi32>
      %add3A_1809 = arith.addi %xor3A_1803, %add3A_1808 : vector<16xi32>
      %select_n3A_1810 = arith.select %lt3A_1806, %add3A_1809, %xor3A_1803 : vector<16xi1>, vector<16xi32>
      %broadcast_in_dim3A_1811 = vector.shape_cast %select_n3A_1810 : vector<16xi32> to vector<16x1xi32>
      %gather3A_1812 = vector.shape_cast %broadcast_in_dim3A_1811 : vector<16x1xi32> to vector<16xi32>
      %gather3A_1813 = tpu.dynamic_gather %add3A_1800[%gather3A_1812] in [0] : vector<16xf32>, vector<16xi32> -> vector<16xf32>
      %add3A_1814 = arith.addf %add3A_1800, %gather3A_1813 : vector<16xf32>
      %div3A_1815 = arith.constant 9.000000e+00 : f32
      %div3A_1816 = vector.broadcast %div3A_1815 : f32 to vector<16xf32>
      %div3A_1817 = arith.divf %add3A_1814, %div3A_1816 : vector<16xf32>
      %get3A_1818 = arith.constant 96 : index
      %get3A_1819 = tpu.vector_load %arg5[%get3A_1818] {strides = array<i32>} : memref<608xi32, #tpu.memory_space<vmem>>, vector<16xi32>,
      %get3A_1820 = vector.shape_cast %get3A_1819 : vector<16xi32> to vector<16xi32>
      %shift_right_logical3A_1821 = arith.constant 9 : i32
      %shift_right_logical3A_1822 = vector.broadcast %shift_right_logical3A_1821 : i32 to vector<16xi32>
      %shift_right_logical3A_1823 = arith.shrui %get3A_1820, %shift_right_logical3A_1822 : vector<16xi32>
      %or3A_1824 = arith.constant 1065353216 : i32
      %or3A_1825 = vector.broadcast %or3A_1824 : i32 to vector<16xi32>
      %or3A_1826 = arith.ori %shift_right_logical3A_1823, %or3A_1825 : vector<16xi32>
      %bitcast_convert_type3A_1827 = tpu.bitcast %or3A_1826 : vector<16xi32> -> vector<16xf32>
      %sub3A_1828 = arith.constant 1.000000e+00 : f32
      %sub3A_1829 = vector.broadcast %sub3A_1828 : f32 to vector<16xf32>
      %sub3A_1830 = arith.subf %bitcast_convert_type3A_1827, %sub3A_1829 : vector<16xf32>
      %sub3A_1831 = arith.constant 1.000000e+00 : f32
      %sub3A_1832 = vector.broadcast %sub3A_1831 : f32 to vector<16xf32>
      %sub3A_1833 = arith.subf %sub3A_1832, %sub3A_1830 : vector<16xf32>
      %bitcast_convert_type3A_1834 = tpu.bitcast %sub3A_1833 : vector<16xf32> -> vector<16xi32>
      %shift_right_logical3A_1835 = arith.constant 23 : i32
      %shift_right_logical3A_1836 = vector.broadcast %shift_right_logical3A_1835 : i32 to vector<16xi32>
      %shift_right_logical3A_1837 = arith.shrui %bitcast_convert_type3A_1834, %shift_right_logical3A_1836 : vector<16xi32>
      %and3A_1838 = arith.constant 255 : i32
      %and3A_1839 = vector.broadcast %and3A_1838 : i32 to vector<16xi32>
      %and3A_1840 = arith.andi %shift_right_logical3A_1837, %and3A_1839 : vector<16xi32>
      %sub3A_1841 = arith.constant 127 : i32
      %sub3A_1842 = vector.broadcast %sub3A_1841 : i32 to vector<16xi32>
      %sub3A_1843 = arith.subi %and3A_1840, %sub3A_1842 : vector<16xi32>
      %and3A_1844 = arith.constant 8388607 : i32
      %and3A_1845 = vector.broadcast %and3A_1844 : i32 to vector<16xi32>
      %and3A_1846 = arith.andi %bitcast_convert_type3A_1834, %and3A_1845 : vector<16xi32>
      %or3A_1847 = arith.constant 1065353216 : i32
      %or3A_1848 = vector.broadcast %or3A_1847 : i32 to vector<16xi32>
      %or3A_1849 = arith.ori %and3A_1846, %or3A_1848 : vector<16xi32>
      %bitcast_convert_type3A_1850 = tpu.bitcast %or3A_1849 : vector<16xi32> -> vector<16xf32>
      %sub3A_1851 = arith.constant 1.000000e+00 : f32
      %sub3A_1852 = vector.broadcast %sub3A_1851 : f32 to vector<16xf32>
      %sub3A_1853 = arith.subf %bitcast_convert_type3A_1850, %sub3A_1852 : vector<16xf32>
      %add3A_1854 = arith.constant 1.000000e+00 : f32
      %add3A_1855 = vector.broadcast %add3A_1854 : f32 to vector<16xf32>
      %add3A_1856 = arith.addf %bitcast_convert_type3A_1850, %add3A_1855 : vector<16xf32>
      %div3A_1857 = arith.divf %sub3A_1853, %add3A_1856 : vector<16xf32>
      %mul3A_1858 = arith.mulf %div3A_1857, %div3A_1857 : vector<16xf32>
      %mul3A_1859 = arith.constant 2.000000e+00 : f32
      %mul3A_1860 = vector.broadcast %mul3A_1859 : f32 to vector<16xf32>
      %mul3A_1861 = arith.mulf %mul3A_1860, %div3A_1857 : vector<16xf32>
      %mul3A_1862 = arith.constant 0.111111112 : f32
      %mul3A_1863 = vector.broadcast %mul3A_1862 : f32 to vector<16xf32>
      %mul3A_1864 = arith.mulf %mul3A_1858, %mul3A_1863 : vector<16xf32>
      %add3A_1865 = arith.constant 0.142857149 : f32
      %add3A_1866 = vector.broadcast %add3A_1865 : f32 to vector<16xf32>
      %add3A_1867 = arith.addf %add3A_1866, %mul3A_1864 : vector<16xf32>
      %mul3A_1868 = arith.mulf %mul3A_1858, %add3A_1867 : vector<16xf32>
      %add3A_1869 = arith.constant 2.000000e-01 : f32
      %add3A_1870 = vector.broadcast %add3A_1869 : f32 to vector<16xf32>
      %add3A_1871 = arith.addf %add3A_1870, %mul3A_1868 : vector<16xf32>
      %mul3A_1872 = arith.mulf %mul3A_1858, %add3A_1871 : vector<16xf32>
      %add3A_1873 = arith.constant 0.333333343 : f32
      %add3A_1874 = vector.broadcast %add3A_1873 : f32 to vector<16xf32>
      %add3A_1875 = arith.addf %add3A_1874, %mul3A_1872 : vector<16xf32>
      %mul3A_1876 = arith.mulf %mul3A_1858, %add3A_1875 : vector<16xf32>
      %add3A_1877 = arith.constant 1.000000e+00 : f32
      %add3A_1878 = vector.broadcast %add3A_1877 : f32 to vector<16xf32>
      %add3A_1879 = arith.addf %add3A_1878, %mul3A_1876 : vector<16xf32>
      %mul3A_1880 = arith.mulf %mul3A_1861, %add3A_1879 : vector<16xf32>
      %convert_element_type3A_1881 = arith.sitofp %sub3A_1843 : vector<16xi32> to vector<16xf32>
      %mul3A_1882 = arith.constant 0.693147182 : f32
      %mul3A_1883 = vector.broadcast %mul3A_1882 : f32 to vector<16xf32>
      %mul3A_1884 = arith.mulf %convert_element_type3A_1881, %mul3A_1883 : vector<16xf32>
      %add3A_1885 = arith.addf %mul3A_1884, %mul3A_1880 : vector<16xf32>
      %neg3A_1886 = arith.constant 0.000000e+00 : f32
      %neg3A_1887 = vector.broadcast %neg3A_1886 : f32 to vector<16xf32>
      %neg3A_1888 = arith.subf %neg3A_1887, %add3A_1885 : vector<16xf32>
      %lt3A_1889 = arith.constant 9 : i32
      %lt3A_1890 = vector.broadcast %lt3A_1889 : i32 to vector<16xi32>
      %lt3A_1891 = arith.cmpi slt, %iota3A, %lt3A_1890 : vector<16xi32>
      %select_n3A_1892 = arith.select %lt3A_1891, %neg3A_1888, %mul3A_13 : vector<16xi1>, vector<16xf32>
      %xor3A_1893 = arith.constant 8 : i32
      %xor3A_1894 = vector.broadcast %xor3A_1893 : i32 to vector<16xi32>
      %xor3A_1895 = arith.xori %iota3A, %xor3A_1894 : vector<16xi32>
      %lt3A_1896 = arith.constant 0 : i32
      %lt3A_1897 = vector.broadcast %lt3A_1896 : i32 to vector<16xi32>
      %lt3A_1898 = arith.cmpi slt, %xor3A_1895, %lt3A_1897 : vector<16xi32>
      %add3A_1899 = arith.constant 16 : i32
      %add3A_1900 = vector.broadcast %add3A_1899 : i32 to vector<16xi32>
      %add3A_1901 = arith.addi %xor3A_1895, %add3A_1900 : vector<16xi32>
      %select_n3A_1902 = arith.select %lt3A_1898, %add3A_1901, %xor3A_1895 : vector<16xi1>, vector<16xi32>
      %broadcast_in_dim3A_1903 = vector.shape_cast %select_n3A_1902 : vector<16xi32> to vector<16x1xi32>
      %gather3A_1904 = vector.shape_cast %broadcast_in_dim3A_1903 : vector<16x1xi32> to vector<16xi32>
      %gather3A_1905 = tpu.dynamic_gather %select_n3A_1892[%gather3A_1904] in [0] : vector<16xf32>, vector<16xi32> -> vector<16xf32>
      %add3A_1906 = arith.addf %select_n3A_1892, %gather3A_1905 : vector<16xf32>
      %xor3A_1907 = arith.constant 4 : i32
      %xor3A_1908 = vector.broadcast %xor3A_1907 : i32 to vector<16xi32>
      %xor3A_1909 = arith.xori %iota3A, %xor3A_1908 : vector<16xi32>
      %lt3A_1910 = arith.constant 0 : i32
      %lt3A_1911 = vector.broadcast %lt3A_1910 : i32 to vector<16xi32>
      %lt3A_1912 = arith.cmpi slt, %xor3A_1909, %lt3A_1911 : vector<16xi32>
      %add3A_1913 = arith.constant 16 : i32
      %add3A_1914 = vector.broadcast %add3A_1913 : i32 to vector<16xi32>
      %add3A_1915 = arith.addi %xor3A_1909, %add3A_1914 : vector<16xi32>
      %select_n3A_1916 = arith.select %lt3A_1912, %add3A_1915, %xor3A_1909 : vector<16xi1>, vector<16xi32>
      %broadcast_in_dim3A_1917 = vector.shape_cast %select_n3A_1916 : vector<16xi32> to vector<16x1xi32>
      %gather3A_1918 = vector.shape_cast %broadcast_in_dim3A_1917 : vector<16x1xi32> to vector<16xi32>
      %gather3A_1919 = tpu.dynamic_gather %add3A_1906[%gather3A_1918] in [0] : vector<16xf32>, vector<16xi32> -> vector<16xf32>
      %add3A_1920 = arith.addf %add3A_1906, %gather3A_1919 : vector<16xf32>
      %xor3A_1921 = arith.constant 2 : i32
      %xor3A_1922 = vector.broadcast %xor3A_1921 : i32 to vector<16xi32>
      %xor3A_1923 = arith.xori %iota3A, %xor3A_1922 : vector<16xi32>
      %lt3A_1924 = arith.constant 0 : i32
      %lt3A_1925 = vector.broadcast %lt3A_1924 : i32 to vector<16xi32>
      %lt3A_1926 = arith.cmpi slt, %xor3A_1923, %lt3A_1925 : vector<16xi32>
      %add3A_1927 = arith.constant 16 : i32
      %add3A_1928 = vector.broadcast %add3A_1927 : i32 to vector<16xi32>
      %add3A_1929 = arith.addi %xor3A_1923, %add3A_1928 : vector<16xi32>
      %select_n3A_1930 = arith.select %lt3A_1926, %add3A_1929, %xor3A_1923 : vector<16xi1>, vector<16xi32>
      %broadcast_in_dim3A_1931 = vector.shape_cast %select_n3A_1930 : vector<16xi32> to vector<16x1xi32>
      %gather3A_1932 = vector.shape_cast %broadcast_in_dim3A_1931 : vector<16x1xi32> to vector<16xi32>
      %gather3A_1933 = tpu.dynamic_gather %add3A_1920[%gather3A_1932] in [0] : vector<16xf32>, vector<16xi32> -> vector<16xf32>
      %add3A_1934 = arith.addf %add3A_1920, %gather3A_1933 : vector<16xf32>
      %xor3A_1935 = arith.constant 1 : i32
      %xor3A_1936 = vector.broadcast %xor3A_1935 : i32 to vector<16xi32>
      %xor3A_1937 = arith.xori %iota3A, %xor3A_1936 : vector<16xi32>
      %lt3A_1938 = arith.constant 0 : i32
      %lt3A_1939 = vector.broadcast %lt3A_1938 : i32 to vector<16xi32>
      %lt3A_1940 = arith.cmpi slt, %xor3A_1937, %lt3A_1939 : vector<16xi32>
      %add3A_1941 = arith.constant 16 : i32
      %add3A_1942 = vector.broadcast %add3A_1941 : i32 to vector<16xi32>
      %add3A_1943 = arith.addi %xor3A_1937, %add3A_1942 : vector<16xi32>
      %select_n3A_1944 = arith.select %lt3A_1940, %add3A_1943, %xor3A_1937 : vector<16xi1>, vector<16xi32>
      %broadcast_in_dim3A_1945 = vector.shape_cast %select_n3A_1944 : vector<16xi32> to vector<16x1xi32>
      %gather3A_1946 = vector.shape_cast %broadcast_in_dim3A_1945 : vector<16x1xi32> to vector<16xi32>
      %gather3A_1947 = tpu.dynamic_gather %add3A_1934[%gather3A_1946] in [0] : vector<16xf32>, vector<16xi32> -> vector<16xf32>
      %add3A_1948 = arith.addf %add3A_1934, %gather3A_1947 : vector<16xf32>
      %div3A_1949 = arith.constant 9.000000e+00 : f32
      %div3A_1950 = vector.broadcast %div3A_1949 : f32 to vector<16xf32>
      %div3A_1951 = arith.divf %add3A_1948, %div3A_1950 : vector<16xf32>
      %get3A_1952 = arith.constant 112 : index
      %get3A_1953 = tpu.vector_load %arg5[%get3A_1952] {strides = array<i32>} : memref<608xi32, #tpu.memory_space<vmem>>, vector<16xi32>,
      %get3A_1954 = vector.shape_cast %get3A_1953 : vector<16xi32> to vector<16xi32>
      %shift_right_logical3A_1955 = arith.constant 9 : i32
      %shift_right_logical3A_1956 = vector.broadcast %shift_right_logical3A_1955 : i32 to vector<16xi32>
      %shift_right_logical3A_1957 = arith.shrui %get3A_1954, %shift_right_logical3A_1956 : vector<16xi32>
      %or3A_1958 = arith.constant 1065353216 : i32
      %or3A_1959 = vector.broadcast %or3A_1958 : i32 to vector<16xi32>
      %or3A_1960 = arith.ori %shift_right_logical3A_1957, %or3A_1959 : vector<16xi32>
      %bitcast_convert_type3A_1961 = tpu.bitcast %or3A_1960 : vector<16xi32> -> vector<16xf32>
      %sub3A_1962 = arith.constant 1.000000e+00 : f32
      %sub3A_1963 = vector.broadcast %sub3A_1962 : f32 to vector<16xf32>
      %sub3A_1964 = arith.subf %bitcast_convert_type3A_1961, %sub3A_1963 : vector<16xf32>
      %max3A_1965 = arith.constant 9.99999996E-13 : f32
      %max3A_1966 = vector.broadcast %max3A_1965 : f32 to vector<16xf32>
      %max3A_1967 = arith.maximumf %sub3A_1964, %max3A_1966 : vector<16xf32>
      %min3A_1968 = arith.constant 1.000000e+00 : f32
      %min3A_1969 = vector.broadcast %min3A_1968 : f32 to vector<16xf32>
      %min3A_1970 = arith.minimumf %max3A_1967, %min3A_1969 : vector<16xf32>
      %bitcast_convert_type3A_1971 = tpu.bitcast %min3A_1970 : vector<16xf32> -> vector<16xi32>
      %shift_right_logical3A_1972 = arith.constant 23 : i32
      %shift_right_logical3A_1973 = vector.broadcast %shift_right_logical3A_1972 : i32 to vector<16xi32>
      %shift_right_logical3A_1974 = arith.shrui %bitcast_convert_type3A_1971, %shift_right_logical3A_1973 : vector<16xi32>
      %and3A_1975 = arith.constant 255 : i32
      %and3A_1976 = vector.broadcast %and3A_1975 : i32 to vector<16xi32>
      %and3A_1977 = arith.andi %shift_right_logical3A_1974, %and3A_1976 : vector<16xi32>
      %sub3A_1978 = arith.constant 127 : i32
      %sub3A_1979 = vector.broadcast %sub3A_1978 : i32 to vector<16xi32>
      %sub3A_1980 = arith.subi %and3A_1977, %sub3A_1979 : vector<16xi32>
      %and3A_1981 = arith.constant 8388607 : i32
      %and3A_1982 = vector.broadcast %and3A_1981 : i32 to vector<16xi32>
      %and3A_1983 = arith.andi %bitcast_convert_type3A_1971, %and3A_1982 : vector<16xi32>
      %or3A_1984 = arith.constant 1065353216 : i32
      %or3A_1985 = vector.broadcast %or3A_1984 : i32 to vector<16xi32>
      %or3A_1986 = arith.ori %and3A_1983, %or3A_1985 : vector<16xi32>
      %bitcast_convert_type3A_1987 = tpu.bitcast %or3A_1986 : vector<16xi32> -> vector<16xf32>
      %sub3A_1988 = arith.constant 1.000000e+00 : f32
      %sub3A_1989 = vector.broadcast %sub3A_1988 : f32 to vector<16xf32>
      %sub3A_1990 = arith.subf %bitcast_convert_type3A_1987, %sub3A_1989 : vector<16xf32>
      %add3A_1991 = arith.constant 1.000000e+00 : f32
      %add3A_1992 = vector.broadcast %add3A_1991 : f32 to vector<16xf32>
      %add3A_1993 = arith.addf %bitcast_convert_type3A_1987, %add3A_1992 : vector<16xf32>
      %div3A_1994 = arith.divf %sub3A_1990, %add3A_1993 : vector<16xf32>
      %mul3A_1995 = arith.mulf %div3A_1994, %div3A_1994 : vector<16xf32>
      %mul3A_1996 = arith.constant 2.000000e+00 : f32
      %mul3A_1997 = vector.broadcast %mul3A_1996 : f32 to vector<16xf32>
      %mul3A_1998 = arith.mulf %mul3A_1997, %div3A_1994 : vector<16xf32>
      %mul3A_1999 = arith.constant 0.111111112 : f32
      %mul3A_2000 = vector.broadcast %mul3A_1999 : f32 to vector<16xf32>
      %mul3A_2001 = arith.mulf %mul3A_1995, %mul3A_2000 : vector<16xf32>
      %add3A_2002 = arith.constant 0.142857149 : f32
      %add3A_2003 = vector.broadcast %add3A_2002 : f32 to vector<16xf32>
      %add3A_2004 = arith.addf %add3A_2003, %mul3A_2001 : vector<16xf32>
      %mul3A_2005 = arith.mulf %mul3A_1995, %add3A_2004 : vector<16xf32>
      %add3A_2006 = arith.constant 2.000000e-01 : f32
      %add3A_2007 = vector.broadcast %add3A_2006 : f32 to vector<16xf32>
      %add3A_2008 = arith.addf %add3A_2007, %mul3A_2005 : vector<16xf32>
      %mul3A_2009 = arith.mulf %mul3A_1995, %add3A_2008 : vector<16xf32>
      %add3A_2010 = arith.constant 0.333333343 : f32
      %add3A_2011 = vector.broadcast %add3A_2010 : f32 to vector<16xf32>
      %add3A_2012 = arith.addf %add3A_2011, %mul3A_2009 : vector<16xf32>
      %mul3A_2013 = arith.mulf %mul3A_1995, %add3A_2012 : vector<16xf32>
      %add3A_2014 = arith.constant 1.000000e+00 : f32
      %add3A_2015 = vector.broadcast %add3A_2014 : f32 to vector<16xf32>
      %add3A_2016 = arith.addf %add3A_2015, %mul3A_2013 : vector<16xf32>
      %mul3A_2017 = arith.mulf %mul3A_1998, %add3A_2016 : vector<16xf32>
      %convert_element_type3A_2018 = arith.sitofp %sub3A_1980 : vector<16xi32> to vector<16xf32>
      %mul3A_2019 = arith.constant 0.693147182 : f32
      %mul3A_2020 = vector.broadcast %mul3A_2019 : f32 to vector<16xf32>
      %mul3A_2021 = arith.mulf %convert_element_type3A_2018, %mul3A_2020 : vector<16xf32>
      %add3A_2022 = arith.addf %mul3A_2021, %mul3A_2017 : vector<16xf32>
      %div3A_2023 = arith.constant -0.693147182 : f32
      %div3A_2024 = vector.broadcast %div3A_2023 : f32 to vector<16xf32>
      %div3A_2025 = arith.divf %add3A_2022, %div3A_2024 : vector<16xf32>
      %convert_element_type3A_2026 = arith.fptosi %div3A_2025 : vector<16xf32> to vector<16xi32>
      %convert_element_type3A_2027 = arith.sitofp %convert_element_type3A_2026 : vector<16xi32> to vector<16xf32>
      %add3A_2028 = arith.constant 1.000000e+00 : f32
      %add3A_2029 = vector.broadcast %add3A_2028 : f32 to vector<16xf32>
      %add3A_2030 = arith.addf %convert_element_type3A_2027, %add3A_2029 : vector<16xf32>
      %lt3A_2031 = arith.constant 9 : i32
      %lt3A_2032 = vector.broadcast %lt3A_2031 : i32 to vector<16xi32>
      %lt3A_2033 = arith.cmpi slt, %iota3A, %lt3A_2032 : vector<16xi32>
      %select_n3A_2034 = arith.select %lt3A_2033, %add3A_2030, %mul3A_13 : vector<16xi1>, vector<16xf32>
      %xor3A_2035 = arith.constant 8 : i32
      %xor3A_2036 = vector.broadcast %xor3A_2035 : i32 to vector<16xi32>
      %xor3A_2037 = arith.xori %iota3A, %xor3A_2036 : vector<16xi32>
      %lt3A_2038 = arith.constant 0 : i32
      %lt3A_2039 = vector.broadcast %lt3A_2038 : i32 to vector<16xi32>
      %lt3A_2040 = arith.cmpi slt, %xor3A_2037, %lt3A_2039 : vector<16xi32>
      %add3A_2041 = arith.constant 16 : i32
      %add3A_2042 = vector.broadcast %add3A_2041 : i32 to vector<16xi32>
      %add3A_2043 = arith.addi %xor3A_2037, %add3A_2042 : vector<16xi32>
      %select_n3A_2044 = arith.select %lt3A_2040, %add3A_2043, %xor3A_2037 : vector<16xi1>, vector<16xi32>
      %broadcast_in_dim3A_2045 = vector.shape_cast %select_n3A_2044 : vector<16xi32> to vector<16x1xi32>
      %gather3A_2046 = vector.shape_cast %broadcast_in_dim3A_2045 : vector<16x1xi32> to vector<16xi32>
      %gather3A_2047 = tpu.dynamic_gather %select_n3A_2034[%gather3A_2046] in [0] : vector<16xf32>, vector<16xi32> -> vector<16xf32>
      %add3A_2048 = arith.addf %select_n3A_2034, %gather3A_2047 : vector<16xf32>
      %xor3A_2049 = arith.constant 4 : i32
      %xor3A_2050 = vector.broadcast %xor3A_2049 : i32 to vector<16xi32>
      %xor3A_2051 = arith.xori %iota3A, %xor3A_2050 : vector<16xi32>
      %lt3A_2052 = arith.constant 0 : i32
      %lt3A_2053 = vector.broadcast %lt3A_2052 : i32 to vector<16xi32>
      %lt3A_2054 = arith.cmpi slt, %xor3A_2051, %lt3A_2053 : vector<16xi32>
      %add3A_2055 = arith.constant 16 : i32
      %add3A_2056 = vector.broadcast %add3A_2055 : i32 to vector<16xi32>
      %add3A_2057 = arith.addi %xor3A_2051, %add3A_2056 : vector<16xi32>
      %select_n3A_2058 = arith.select %lt3A_2054, %add3A_2057, %xor3A_2051 : vector<16xi1>, vector<16xi32>
      %broadcast_in_dim3A_2059 = vector.shape_cast %select_n3A_2058 : vector<16xi32> to vector<16x1xi32>
      %gather3A_2060 = vector.shape_cast %broadcast_in_dim3A_2059 : vector<16x1xi32> to vector<16xi32>
      %gather3A_2061 = tpu.dynamic_gather %add3A_2048[%gather3A_2060] in [0] : vector<16xf32>, vector<16xi32> -> vector<16xf32>
      %add3A_2062 = arith.addf %add3A_2048, %gather3A_2061 : vector<16xf32>
      %xor3A_2063 = arith.constant 2 : i32
      %xor3A_2064 = vector.broadcast %xor3A_2063 : i32 to vector<16xi32>
      %xor3A_2065 = arith.xori %iota3A, %xor3A_2064 : vector<16xi32>
      %lt3A_2066 = arith.constant 0 : i32
      %lt3A_2067 = vector.broadcast %lt3A_2066 : i32 to vector<16xi32>
      %lt3A_2068 = arith.cmpi slt, %xor3A_2065, %lt3A_2067 : vector<16xi32>
      %add3A_2069 = arith.constant 16 : i32
      %add3A_2070 = vector.broadcast %add3A_2069 : i32 to vector<16xi32>
      %add3A_2071 = arith.addi %xor3A_2065, %add3A_2070 : vector<16xi32>
      %select_n3A_2072 = arith.select %lt3A_2068, %add3A_2071, %xor3A_2065 : vector<16xi1>, vector<16xi32>
      %broadcast_in_dim3A_2073 = vector.shape_cast %select_n3A_2072 : vector<16xi32> to vector<16x1xi32>
      %gather3A_2074 = vector.shape_cast %broadcast_in_dim3A_2073 : vector<16x1xi32> to vector<16xi32>
      %gather3A_2075 = tpu.dynamic_gather %add3A_2062[%gather3A_2074] in [0] : vector<16xf32>, vector<16xi32> -> vector<16xf32>
      %add3A_2076 = arith.addf %add3A_2062, %gather3A_2075 : vector<16xf32>
      %xor3A_2077 = arith.constant 1 : i32
      %xor3A_2078 = vector.broadcast %xor3A_2077 : i32 to vector<16xi32>
      %xor3A_2079 = arith.xori %iota3A, %xor3A_2078 : vector<16xi32>
      %lt3A_2080 = arith.constant 0 : i32
      %lt3A_2081 = vector.broadcast %lt3A_2080 : i32 to vector<16xi32>
      %lt3A_2082 = arith.cmpi slt, %xor3A_2079, %lt3A_2081 : vector<16xi32>
      %add3A_2083 = arith.constant 16 : i32
      %add3A_2084 = vector.broadcast %add3A_2083 : i32 to vector<16xi32>
      %add3A_2085 = arith.addi %xor3A_2079, %add3A_2084 : vector<16xi32>
      %select_n3A_2086 = arith.select %lt3A_2082, %add3A_2085, %xor3A_2079 : vector<16xi1>, vector<16xi32>
      %broadcast_in_dim3A_2087 = vector.shape_cast %select_n3A_2086 : vector<16xi32> to vector<16x1xi32>
      %gather3A_2088 = vector.shape_cast %broadcast_in_dim3A_2087 : vector<16x1xi32> to vector<16xi32>
      %gather3A_2089 = tpu.dynamic_gather %add3A_2076[%gather3A_2088] in [0] : vector<16xf32>, vector<16xi32> -> vector<16xf32>
      %add3A_2090 = arith.addf %add3A_2076, %gather3A_2089 : vector<16xf32>
      %div3A_2091 = arith.constant 9.000000e+00 : f32
      %div3A_2092 = vector.broadcast %div3A_2091 : f32 to vector<16xf32>
      %div3A_2093 = arith.divf %add3A_2090, %div3A_2092 : vector<16xf32>
      %get3A_2094 = arith.constant 128 : index
      %get3A_2095 = tpu.vector_load %arg5[%get3A_2094] {strides = array<i32>} : memref<608xi32, #tpu.memory_space<vmem>>, vector<16xi32>,
      %get3A_2096 = vector.shape_cast %get3A_2095 : vector<16xi32> to vector<16xi32>
      %shift_right_logical3A_2097 = arith.constant 9 : i32
      %shift_right_logical3A_2098 = vector.broadcast %shift_right_logical3A_2097 : i32 to vector<16xi32>
      %shift_right_logical3A_2099 = arith.shrui %get3A_2096, %shift_right_logical3A_2098 : vector<16xi32>
      %or3A_2100 = arith.constant 1065353216 : i32
      %or3A_2101 = vector.broadcast %or3A_2100 : i32 to vector<16xi32>
      %or3A_2102 = arith.ori %shift_right_logical3A_2099, %or3A_2101 : vector<16xi32>
      %bitcast_convert_type3A_2103 = tpu.bitcast %or3A_2102 : vector<16xi32> -> vector<16xf32>
      %sub3A_2104 = arith.constant 1.000000e+00 : f32
      %sub3A_2105 = vector.broadcast %sub3A_2104 : f32 to vector<16xf32>
      %sub3A_2106 = arith.subf %bitcast_convert_type3A_2103, %sub3A_2105 : vector<16xf32>
      %mul3A_2107 = arith.constant 2.000000e+00 : f32
      %mul3A_2108 = vector.broadcast %mul3A_2107 : f32 to vector<16xf32>
      %mul3A_2109 = arith.mulf %sub3A_2106, %mul3A_2108 : vector<16xf32>
      %add3A_2110 = arith.constant -0.99999994 : f32
      %add3A_2111 = vector.broadcast %add3A_2110 : f32 to vector<16xf32>
      %add3A_2112 = arith.addf %mul3A_2109, %add3A_2111 : vector<16xf32>
      %max3A_2113 = arith.constant -0.99999994 : f32
      %max3A_2114 = vector.broadcast %max3A_2113 : f32 to vector<16xf32>
      %max3A_2115 = arith.maximumf %max3A_2114, %add3A_2112 : vector<16xf32>
      %sub3A_2116 = arith.constant 1.000000e+00 : f32
      %sub3A_2117 = vector.broadcast %sub3A_2116 : f32 to vector<16xf32>
      %sub3A_2118 = arith.subf %sub3A_2117, %max3A_2115 : vector<16xf32>
      %add3A_2119 = arith.constant 1.000000e+00 : f32
      %add3A_2120 = vector.broadcast %add3A_2119 : f32 to vector<16xf32>
      %add3A_2121 = arith.addf %add3A_2120, %max3A_2115 : vector<16xf32>
      %mul3A_2122 = arith.mulf %sub3A_2118, %add3A_2121 : vector<16xf32>
      %bitcast_convert_type3A_2123 = tpu.bitcast %mul3A_2122 : vector<16xf32> -> vector<16xi32>
      %shift_right_logical3A_2124 = arith.constant 23 : i32
      %shift_right_logical3A_2125 = vector.broadcast %shift_right_logical3A_2124 : i32 to vector<16xi32>
      %shift_right_logical3A_2126 = arith.shrui %bitcast_convert_type3A_2123, %shift_right_logical3A_2125 : vector<16xi32>
      %and3A_2127 = arith.constant 255 : i32
      %and3A_2128 = vector.broadcast %and3A_2127 : i32 to vector<16xi32>
      %and3A_2129 = arith.andi %shift_right_logical3A_2126, %and3A_2128 : vector<16xi32>
      %sub3A_2130 = arith.constant 127 : i32
      %sub3A_2131 = vector.broadcast %sub3A_2130 : i32 to vector<16xi32>
      %sub3A_2132 = arith.subi %and3A_2129, %sub3A_2131 : vector<16xi32>
      %and3A_2133 = arith.constant 8388607 : i32
      %and3A_2134 = vector.broadcast %and3A_2133 : i32 to vector<16xi32>
      %and3A_2135 = arith.andi %bitcast_convert_type3A_2123, %and3A_2134 : vector<16xi32>
      %or3A_2136 = arith.constant 1065353216 : i32
      %or3A_2137 = vector.broadcast %or3A_2136 : i32 to vector<16xi32>
      %or3A_2138 = arith.ori %and3A_2135, %or3A_2137 : vector<16xi32>
      %bitcast_convert_type3A_2139 = tpu.bitcast %or3A_2138 : vector<16xi32> -> vector<16xf32>
      %sub3A_2140 = arith.constant 1.000000e+00 : f32
      %sub3A_2141 = vector.broadcast %sub3A_2140 : f32 to vector<16xf32>
      %sub3A_2142 = arith.subf %bitcast_convert_type3A_2139, %sub3A_2141 : vector<16xf32>
      %add3A_2143 = arith.constant 1.000000e+00 : f32
      %add3A_2144 = vector.broadcast %add3A_2143 : f32 to vector<16xf32>
      %add3A_2145 = arith.addf %bitcast_convert_type3A_2139, %add3A_2144 : vector<16xf32>
      %div3A_2146 = arith.divf %sub3A_2142, %add3A_2145 : vector<16xf32>
      %mul3A_2147 = arith.mulf %div3A_2146, %div3A_2146 : vector<16xf32>
      %mul3A_2148 = arith.constant 2.000000e+00 : f32
      %mul3A_2149 = vector.broadcast %mul3A_2148 : f32 to vector<16xf32>
      %mul3A_2150 = arith.mulf %mul3A_2149, %div3A_2146 : vector<16xf32>
      %mul3A_2151 = arith.constant 0.111111112 : f32
      %mul3A_2152 = vector.broadcast %mul3A_2151 : f32 to vector<16xf32>
      %mul3A_2153 = arith.mulf %mul3A_2147, %mul3A_2152 : vector<16xf32>
      %add3A_2154 = arith.constant 0.142857149 : f32
      %add3A_2155 = vector.broadcast %add3A_2154 : f32 to vector<16xf32>
      %add3A_2156 = arith.addf %add3A_2155, %mul3A_2153 : vector<16xf32>
      %mul3A_2157 = arith.mulf %mul3A_2147, %add3A_2156 : vector<16xf32>
      %add3A_2158 = arith.constant 2.000000e-01 : f32
      %add3A_2159 = vector.broadcast %add3A_2158 : f32 to vector<16xf32>
      %add3A_2160 = arith.addf %add3A_2159, %mul3A_2157 : vector<16xf32>
      %mul3A_2161 = arith.mulf %mul3A_2147, %add3A_2160 : vector<16xf32>
      %add3A_2162 = arith.constant 0.333333343 : f32
      %add3A_2163 = vector.broadcast %add3A_2162 : f32 to vector<16xf32>
      %add3A_2164 = arith.addf %add3A_2163, %mul3A_2161 : vector<16xf32>
      %mul3A_2165 = arith.mulf %mul3A_2147, %add3A_2164 : vector<16xf32>
      %add3A_2166 = arith.constant 1.000000e+00 : f32
      %add3A_2167 = vector.broadcast %add3A_2166 : f32 to vector<16xf32>
      %add3A_2168 = arith.addf %add3A_2167, %mul3A_2165 : vector<16xf32>
      %mul3A_2169 = arith.mulf %mul3A_2150, %add3A_2168 : vector<16xf32>
      %convert_element_type3A_2170 = arith.sitofp %sub3A_2132 : vector<16xi32> to vector<16xf32>
      %mul3A_2171 = arith.constant 0.693147182 : f32
      %mul3A_2172 = vector.broadcast %mul3A_2171 : f32 to vector<16xf32>
      %mul3A_2173 = arith.mulf %convert_element_type3A_2170, %mul3A_2172 : vector<16xf32>
      %add3A_2174 = arith.addf %mul3A_2173, %mul3A_2169 : vector<16xf32>
      %neg3A_2175 = arith.constant 0.000000e+00 : f32
      %neg3A_2176 = vector.broadcast %neg3A_2175 : f32 to vector<16xf32>
      %neg3A_2177 = arith.subf %neg3A_2176, %add3A_2174 : vector<16xf32>
      %sub3A_2178 = arith.constant 2.500000e+00 : f32
      %sub3A_2179 = vector.broadcast %sub3A_2178 : f32 to vector<16xf32>
      %sub3A_2180 = arith.subf %neg3A_2177, %sub3A_2179 : vector<16xf32>
      %mul3A_2181 = arith.constant 0.000000e+00 : f32
      %mul3A_2182 = vector.broadcast %mul3A_2181 : f32 to vector<16xf32>
      %mul3A_2183 = arith.mulf %max3A_2115, %mul3A_2182 : vector<16xf32>
      %add3A_2184 = arith.constant 2.81022636E-8 : f32
      %add3A_2185 = vector.broadcast %add3A_2184 : f32 to vector<16xf32>
      %add3A_2186 = arith.addf %mul3A_2183, %add3A_2185 : vector<16xf32>
      %mul3A_2187 = arith.mulf %add3A_2186, %sub3A_2180 : vector<16xf32>
      %add3A_2188 = arith.constant 3.43273939E-7 : f32
      %add3A_2189 = vector.broadcast %add3A_2188 : f32 to vector<16xf32>
      %add3A_2190 = arith.addf %add3A_2189, %mul3A_2187 : vector<16xf32>
      %mul3A_2191 = arith.mulf %add3A_2190, %sub3A_2180 : vector<16xf32>
      %add3A_2192 = arith.constant -3.5233877E-6 : f32
      %add3A_2193 = vector.broadcast %add3A_2192 : f32 to vector<16xf32>
      %add3A_2194 = arith.addf %add3A_2193, %mul3A_2191 : vector<16xf32>
      %mul3A_2195 = arith.mulf %add3A_2194, %sub3A_2180 : vector<16xf32>
      %add3A_2196 = arith.constant -4.39150654E-6 : f32
      %add3A_2197 = vector.broadcast %add3A_2196 : f32 to vector<16xf32>
      %add3A_2198 = arith.addf %add3A_2197, %mul3A_2195 : vector<16xf32>
      %mul3A_2199 = arith.mulf %add3A_2198, %sub3A_2180 : vector<16xf32>
      %add3A_2200 = arith.constant 2.1858087E-4 : f32
      %add3A_2201 = vector.broadcast %add3A_2200 : f32 to vector<16xf32>
      %add3A_2202 = arith.addf %add3A_2201, %mul3A_2199 : vector<16xf32>
      %mul3A_2203 = arith.mulf %add3A_2202, %sub3A_2180 : vector<16xf32>
      %add3A_2204 = arith.constant -0.00125372503 : f32
      %add3A_2205 = vector.broadcast %add3A_2204 : f32 to vector<16xf32>
      %add3A_2206 = arith.addf %add3A_2205, %mul3A_2203 : vector<16xf32>
      %mul3A_2207 = arith.mulf %add3A_2206, %sub3A_2180 : vector<16xf32>
      %add3A_2208 = arith.constant -0.00417768164 : f32
      %add3A_2209 = vector.broadcast %add3A_2208 : f32 to vector<16xf32>
      %add3A_2210 = arith.addf %add3A_2209, %mul3A_2207 : vector<16xf32>
      %mul3A_2211 = arith.mulf %add3A_2210, %sub3A_2180 : vector<16xf32>
      %add3A_2212 = arith.constant 0.246640727 : f32
      %add3A_2213 = vector.broadcast %add3A_2212 : f32 to vector<16xf32>
      %add3A_2214 = arith.addf %add3A_2213, %mul3A_2211 : vector<16xf32>
      %mul3A_2215 = arith.mulf %add3A_2214, %sub3A_2180 : vector<16xf32>
      %add3A_2216 = arith.constant 1.50140941 : f32
      %add3A_2217 = vector.broadcast %add3A_2216 : f32 to vector<16xf32>
      %add3A_2218 = arith.addf %add3A_2217, %mul3A_2215 : vector<16xf32>
      %mul3A_2219 = arith.mulf %add3A_2218, %max3A_2115 : vector<16xf32>
      %mul3A_2220 = arith.constant 1.41421354 : f32
      %mul3A_2221 = vector.broadcast %mul3A_2220 : f32 to vector<16xf32>
      %mul3A_2222 = arith.mulf %mul3A_2221, %mul3A_2219 : vector<16xf32>
      %mul3A_2223 = arith.constant 2.000000e+00 : f32
      %mul3A_2224 = vector.broadcast %mul3A_2223 : f32 to vector<16xf32>
      %mul3A_2225 = arith.mulf %mul3A_2224, %mul3A_2222 : vector<16xf32>
      %add3A_2226 = arith.constant 1.000000e+00 : f32
      %add3A_2227 = vector.broadcast %add3A_2226 : f32 to vector<16xf32>
      %add3A_2228 = arith.addf %add3A_2227, %mul3A_2225 : vector<16xf32>
      %exp3A = math.exp %add3A_2228 : vector<16xf32>
      %lt3A_2229 = arith.constant 9 : i32
      %lt3A_2230 = vector.broadcast %lt3A_2229 : i32 to vector<16xi32>
      %lt3A_2231 = arith.cmpi slt, %iota3A, %lt3A_2230 : vector<16xi32>
      %select_n3A_2232 = arith.select %lt3A_2231, %exp3A, %mul3A_13 : vector<16xi1>, vector<16xf32>
      %xor3A_2233 = arith.constant 8 : i32
      %xor3A_2234 = vector.broadcast %xor3A_2233 : i32 to vector<16xi32>
      %xor3A_2235 = arith.xori %iota3A, %xor3A_2234 : vector<16xi32>
      %lt3A_2236 = arith.constant 0 : i32
      %lt3A_2237 = vector.broadcast %lt3A_2236 : i32 to vector<16xi32>
      %lt3A_2238 = arith.cmpi slt, %xor3A_2235, %lt3A_2237 : vector<16xi32>
      %add3A_2239 = arith.constant 16 : i32
      %add3A_2240 = vector.broadcast %add3A_2239 : i32 to vector<16xi32>
      %add3A_2241 = arith.addi %xor3A_2235, %add3A_2240 : vector<16xi32>
      %select_n3A_2242 = arith.select %lt3A_2238, %add3A_2241, %xor3A_2235 : vector<16xi1>, vector<16xi32>
      %broadcast_in_dim3A_2243 = vector.shape_cast %select_n3A_2242 : vector<16xi32> to vector<16x1xi32>
      %gather3A_2244 = vector.shape_cast %broadcast_in_dim3A_2243 : vector<16x1xi32> to vector<16xi32>
      %gather3A_2245 = tpu.dynamic_gather %select_n3A_2232[%gather3A_2244] in [0] : vector<16xf32>, vector<16xi32> -> vector<16xf32>
      %add3A_2246 = arith.addf %select_n3A_2232, %gather3A_2245 : vector<16xf32>
      %xor3A_2247 = arith.constant 4 : i32
      %xor3A_2248 = vector.broadcast %xor3A_2247 : i32 to vector<16xi32>
      %xor3A_2249 = arith.xori %iota3A, %xor3A_2248 : vector<16xi32>
      %lt3A_2250 = arith.constant 0 : i32
      %lt3A_2251 = vector.broadcast %lt3A_2250 : i32 to vector<16xi32>
      %lt3A_2252 = arith.cmpi slt, %xor3A_2249, %lt3A_2251 : vector<16xi32>
      %add3A_2253 = arith.constant 16 : i32
      %add3A_2254 = vector.broadcast %add3A_2253 : i32 to vector<16xi32>
      %add3A_2255 = arith.addi %xor3A_2249, %add3A_2254 : vector<16xi32>
      %select_n3A_2256 = arith.select %lt3A_2252, %add3A_2255, %xor3A_2249 : vector<16xi1>, vector<16xi32>
      %broadcast_in_dim3A_2257 = vector.shape_cast %select_n3A_2256 : vector<16xi32> to vector<16x1xi32>
      %gather3A_2258 = vector.shape_cast %broadcast_in_dim3A_2257 : vector<16x1xi32> to vector<16xi32>
      %gather3A_2259 = tpu.dynamic_gather %add3A_2246[%gather3A_2258] in [0] : vector<16xf32>, vector<16xi32> -> vector<16xf32>
      %add3A_2260 = arith.addf %add3A_2246, %gather3A_2259 : vector<16xf32>
      %xor3A_2261 = arith.constant 2 : i32
      %xor3A_2262 = vector.broadcast %xor3A_2261 : i32 to vector<16xi32>
      %xor3A_2263 = arith.xori %iota3A, %xor3A_2262 : vector<16xi32>
      %lt3A_2264 = arith.constant 0 : i32
      %lt3A_2265 = vector.broadcast %lt3A_2264 : i32 to vector<16xi32>
      %lt3A_2266 = arith.cmpi slt, %xor3A_2263, %lt3A_2265 : vector<16xi32>
      %add3A_2267 = arith.constant 16 : i32
      %add3A_2268 = vector.broadcast %add3A_2267 : i32 to vector<16xi32>
      %add3A_2269 = arith.addi %xor3A_2263, %add3A_2268 : vector<16xi32>
      %select_n3A_2270 = arith.select %lt3A_2266, %add3A_2269, %xor3A_2263 : vector<16xi1>, vector<16xi32>
      %broadcast_in_dim3A_2271 = vector.shape_cast %select_n3A_2270 : vector<16xi32> to vector<16x1xi32>
      %gather3A_2272 = vector.shape_cast %broadcast_in_dim3A_2271 : vector<16x1xi32> to vector<16xi32>
      %gather3A_2273 = tpu.dynamic_gather %add3A_2260[%gather3A_2272] in [0] : vector<16xf32>, vector<16xi32> -> vector<16xf32>
      %add3A_2274 = arith.addf %add3A_2260, %gather3A_2273 : vector<16xf32>
      %xor3A_2275 = arith.constant 1 : i32
      %xor3A_2276 = vector.broadcast %xor3A_2275 : i32 to vector<16xi32>
      %xor3A_2277 = arith.xori %iota3A, %xor3A_2276 : vector<16xi32>
      %lt3A_2278 = arith.constant 0 : i32
      %lt3A_2279 = vector.broadcast %lt3A_2278 : i32 to vector<16xi32>
      %lt3A_2280 = arith.cmpi slt, %xor3A_2277, %lt3A_2279 : vector<16xi32>
      %add3A_2281 = arith.constant 16 : i32
      %add3A_2282 = vector.broadcast %add3A_2281 : i32 to vector<16xi32>
      %add3A_2283 = arith.addi %xor3A_2277, %add3A_2282 : vector<16xi32>
      %select_n3A_2284 = arith.select %lt3A_2280, %add3A_2283, %xor3A_2277 : vector<16xi1>, vector<16xi32>
      %broadcast_in_dim3A_2285 = vector.shape_cast %select_n3A_2284 : vector<16xi32> to vector<16x1xi32>
      %gather3A_2286 = vector.shape_cast %broadcast_in_dim3A_2285 : vector<16x1xi32> to vector<16xi32>
      %gather3A_2287 = tpu.dynamic_gather %add3A_2274[%gather3A_2286] in [0] : vector<16xf32>, vector<16xi32> -> vector<16xf32>
      %add3A_2288 = arith.addf %add3A_2274, %gather3A_2287 : vector<16xf32>
      %div3A_2289 = arith.constant 9.000000e+00 : f32
      %div3A_2290 = vector.broadcast %div3A_2289 : f32 to vector<16xf32>
      %div3A_2291 = arith.divf %add3A_2288, %div3A_2290 : vector<16xf32>
      %neg3A_2292 = arith.constant 0.000000e+00 : f32
      %neg3A_2293 = vector.broadcast %neg3A_2292 : f32 to vector<16xf32>
      %neg3A_2294 = arith.subf %neg3A_2293, %bitcast_convert_type3A : vector<16xf32>
      %gt3A = arith.cmpf ogt, %mul3A_13, %neg3A_2294 : vector<16xf32>
      %lt3A_2295 = arith.constant 9 : i32
      %lt3A_2296 = vector.broadcast %lt3A_2295 : i32 to vector<16xi32>
      %lt3A_2297 = arith.cmpi slt, %iota3A, %lt3A_2296 : vector<16xi32>
      %and3A_2298 = arith.andi %gt3A, %lt3A_2297 : vector<16xi1>
      %select_n3A_2299 = arith.select %and3A_2298, %add3A_16, %mul3A_13 : vector<16xi1>, vector<16xf32>
      %add3A_2300 = arith.addf %mul3A_13, %select_n3A_2299 : vector<16xf32>
      %get3A_2301 = arith.constant 224 : index
      %get3A_2302 = tpu.vector_load %arg5[%get3A_2301] {strides = array<i32>} : memref<608xi32, #tpu.memory_space<vmem>>, vector<16xi32>,
      %get3A_2303 = vector.shape_cast %get3A_2302 : vector<16xi32> to vector<16xi32>
      %shift_right_logical3A_2304 = arith.constant 9 : i32
      %shift_right_logical3A_2305 = vector.broadcast %shift_right_logical3A_2304 : i32 to vector<16xi32>
      %shift_right_logical3A_2306 = arith.shrui %get3A_2303, %shift_right_logical3A_2305 : vector<16xi32>
      %or3A_2307 = arith.constant 1065353216 : i32
      %or3A_2308 = vector.broadcast %or3A_2307 : i32 to vector<16xi32>
      %or3A_2309 = arith.ori %shift_right_logical3A_2306, %or3A_2308 : vector<16xi32>
      %bitcast_convert_type3A_2310 = tpu.bitcast %or3A_2309 : vector<16xi32> -> vector<16xf32>
      %sub3A_2311 = arith.constant 1.000000e+00 : f32
      %sub3A_2312 = vector.broadcast %sub3A_2311 : f32 to vector<16xf32>
      %sub3A_2313 = arith.subf %bitcast_convert_type3A_2310, %sub3A_2312 : vector<16xf32>
      %bitcast_convert_type3A_2314 = tpu.bitcast %sub3A_2313 : vector<16xf32> -> vector<16xi32>
      %shift_right_logical3A_2315 = arith.constant 23 : i32
      %shift_right_logical3A_2316 = vector.broadcast %shift_right_logical3A_2315 : i32 to vector<16xi32>
      %shift_right_logical3A_2317 = arith.shrui %bitcast_convert_type3A_2314, %shift_right_logical3A_2316 : vector<16xi32>
      %and3A_2318 = arith.constant 255 : i32
      %and3A_2319 = vector.broadcast %and3A_2318 : i32 to vector<16xi32>
      %and3A_2320 = arith.andi %shift_right_logical3A_2317, %and3A_2319 : vector<16xi32>
      %sub3A_2321 = arith.constant 127 : i32
      %sub3A_2322 = vector.broadcast %sub3A_2321 : i32 to vector<16xi32>
      %sub3A_2323 = arith.subi %and3A_2320, %sub3A_2322 : vector<16xi32>
      %and3A_2324 = arith.constant 8388607 : i32
      %and3A_2325 = vector.broadcast %and3A_2324 : i32 to vector<16xi32>
      %and3A_2326 = arith.andi %bitcast_convert_type3A_2314, %and3A_2325 : vector<16xi32>
      %or3A_2327 = arith.constant 1065353216 : i32
      %or3A_2328 = vector.broadcast %or3A_2327 : i32 to vector<16xi32>
      %or3A_2329 = arith.ori %and3A_2326, %or3A_2328 : vector<16xi32>
      %bitcast_convert_type3A_2330 = tpu.bitcast %or3A_2329 : vector<16xi32> -> vector<16xf32>
      %sub3A_2331 = arith.constant 1.000000e+00 : f32
      %sub3A_2332 = vector.broadcast %sub3A_2331 : f32 to vector<16xf32>
      %sub3A_2333 = arith.subf %bitcast_convert_type3A_2330, %sub3A_2332 : vector<16xf32>
      %add3A_2334 = arith.constant 1.000000e+00 : f32
      %add3A_2335 = vector.broadcast %add3A_2334 : f32 to vector<16xf32>
      %add3A_2336 = arith.addf %bitcast_convert_type3A_2330, %add3A_2335 : vector<16xf32>
      %div3A_2337 = arith.divf %sub3A_2333, %add3A_2336 : vector<16xf32>
      %mul3A_2338 = arith.mulf %div3A_2337, %div3A_2337 : vector<16xf32>
      %mul3A_2339 = arith.constant 2.000000e+00 : f32
      %mul3A_2340 = vector.broadcast %mul3A_2339 : f32 to vector<16xf32>
      %mul3A_2341 = arith.mulf %mul3A_2340, %div3A_2337 : vector<16xf32>
      %mul3A_2342 = arith.constant 0.111111112 : f32
      %mul3A_2343 = vector.broadcast %mul3A_2342 : f32 to vector<16xf32>
      %mul3A_2344 = arith.mulf %mul3A_2338, %mul3A_2343 : vector<16xf32>
      %add3A_2345 = arith.constant 0.142857149 : f32
      %add3A_2346 = vector.broadcast %add3A_2345 : f32 to vector<16xf32>
      %add3A_2347 = arith.addf %add3A_2346, %mul3A_2344 : vector<16xf32>
      %mul3A_2348 = arith.mulf %mul3A_2338, %add3A_2347 : vector<16xf32>
      %add3A_2349 = arith.constant 2.000000e-01 : f32
      %add3A_2350 = vector.broadcast %add3A_2349 : f32 to vector<16xf32>
      %add3A_2351 = arith.addf %add3A_2350, %mul3A_2348 : vector<16xf32>
      %mul3A_2352 = arith.mulf %mul3A_2338, %add3A_2351 : vector<16xf32>
      %add3A_2353 = arith.constant 0.333333343 : f32
      %add3A_2354 = vector.broadcast %add3A_2353 : f32 to vector<16xf32>
      %add3A_2355 = arith.addf %add3A_2354, %mul3A_2352 : vector<16xf32>
      %mul3A_2356 = arith.mulf %mul3A_2338, %add3A_2355 : vector<16xf32>
      %add3A_2357 = arith.constant 1.000000e+00 : f32
      %add3A_2358 = vector.broadcast %add3A_2357 : f32 to vector<16xf32>
      %add3A_2359 = arith.addf %add3A_2358, %mul3A_2356 : vector<16xf32>
      %mul3A_2360 = arith.mulf %mul3A_2341, %add3A_2359 : vector<16xf32>
      %convert_element_type3A_2361 = arith.sitofp %sub3A_2323 : vector<16xi32> to vector<16xf32>
      %mul3A_2362 = arith.constant 0.693147182 : f32
      %mul3A_2363 = vector.broadcast %mul3A_2362 : f32 to vector<16xf32>
      %mul3A_2364 = arith.mulf %convert_element_type3A_2361, %mul3A_2363 : vector<16xf32>
      %add3A_2365 = arith.addf %mul3A_2364, %mul3A_2360 : vector<16xf32>
      %add3A_2366 = arith.addf %mul3A_13, %add3A_2365 : vector<16xf32>
      %neg3A_2367 = arith.constant 0.000000e+00 : f32
      %neg3A_2368 = vector.broadcast %neg3A_2367 : f32 to vector<16xf32>
      %neg3A_2369 = arith.subf %neg3A_2368, %bitcast_convert_type3A : vector<16xf32>
      %gt3A_2370 = arith.cmpf ogt, %add3A_2366, %neg3A_2369 : vector<16xf32>
      %lt3A_2371 = arith.constant 9 : i32
      %lt3A_2372 = vector.broadcast %lt3A_2371 : i32 to vector<16xi32>
      %lt3A_2373 = arith.cmpi slt, %iota3A, %lt3A_2372 : vector<16xi32>
      %and3A_2374 = arith.andi %gt3A_2370, %lt3A_2373 : vector<16xi1>
      %select_n3A_2375 = arith.select %and3A_2374, %add3A_16, %mul3A_13 : vector<16xi1>, vector<16xf32>
      %add3A_2376 = arith.addf %add3A_2300, %select_n3A_2375 : vector<16xf32>
      %get3A_2377 = arith.constant 240 : index
      %get3A_2378 = tpu.vector_load %arg5[%get3A_2377] {strides = array<i32>} : memref<608xi32, #tpu.memory_space<vmem>>, vector<16xi32>,
      %get3A_2379 = vector.shape_cast %get3A_2378 : vector<16xi32> to vector<16xi32>
      %shift_right_logical3A_2380 = arith.constant 9 : i32
      %shift_right_logical3A_2381 = vector.broadcast %shift_right_logical3A_2380 : i32 to vector<16xi32>
      %shift_right_logical3A_2382 = arith.shrui %get3A_2379, %shift_right_logical3A_2381 : vector<16xi32>
      %or3A_2383 = arith.constant 1065353216 : i32
      %or3A_2384 = vector.broadcast %or3A_2383 : i32 to vector<16xi32>
      %or3A_2385 = arith.ori %shift_right_logical3A_2382, %or3A_2384 : vector<16xi32>
      %bitcast_convert_type3A_2386 = tpu.bitcast %or3A_2385 : vector<16xi32> -> vector<16xf32>
      %sub3A_2387 = arith.constant 1.000000e+00 : f32
      %sub3A_2388 = vector.broadcast %sub3A_2387 : f32 to vector<16xf32>
      %sub3A_2389 = arith.subf %bitcast_convert_type3A_2386, %sub3A_2388 : vector<16xf32>
      %bitcast_convert_type3A_2390 = tpu.bitcast %sub3A_2389 : vector<16xf32> -> vector<16xi32>
      %shift_right_logical3A_2391 = arith.constant 23 : i32
      %shift_right_logical3A_2392 = vector.broadcast %shift_right_logical3A_2391 : i32 to vector<16xi32>
      %shift_right_logical3A_2393 = arith.shrui %bitcast_convert_type3A_2390, %shift_right_logical3A_2392 : vector<16xi32>
      %and3A_2394 = arith.constant 255 : i32
      %and3A_2395 = vector.broadcast %and3A_2394 : i32 to vector<16xi32>
      %and3A_2396 = arith.andi %shift_right_logical3A_2393, %and3A_2395 : vector<16xi32>
      %sub3A_2397 = arith.constant 127 : i32
      %sub3A_2398 = vector.broadcast %sub3A_2397 : i32 to vector<16xi32>
      %sub3A_2399 = arith.subi %and3A_2396, %sub3A_2398 : vector<16xi32>
      %and3A_2400 = arith.constant 8388607 : i32
      %and3A_2401 = vector.broadcast %and3A_2400 : i32 to vector<16xi32>
      %and3A_2402 = arith.andi %bitcast_convert_type3A_2390, %and3A_2401 : vector<16xi32>
      %or3A_2403 = arith.constant 1065353216 : i32
      %or3A_2404 = vector.broadcast %or3A_2403 : i32 to vector<16xi32>
      %or3A_2405 = arith.ori %and3A_2402, %or3A_2404 : vector<16xi32>
      %bitcast_convert_type3A_2406 = tpu.bitcast %or3A_2405 : vector<16xi32> -> vector<16xf32>
      %sub3A_2407 = arith.constant 1.000000e+00 : f32
      %sub3A_2408 = vector.broadcast %sub3A_2407 : f32 to vector<16xf32>
      %sub3A_2409 = arith.subf %bitcast_convert_type3A_2406, %sub3A_2408 : vector<16xf32>
      %add3A_2410 = arith.constant 1.000000e+00 : f32
      %add3A_2411 = vector.broadcast %add3A_2410 : f32 to vector<16xf32>
      %add3A_2412 = arith.addf %bitcast_convert_type3A_2406, %add3A_2411 : vector<16xf32>
      %div3A_2413 = arith.divf %sub3A_2409, %add3A_2412 : vector<16xf32>
      %mul3A_2414 = arith.mulf %div3A_2413, %div3A_2413 : vector<16xf32>
      %mul3A_2415 = arith.constant 2.000000e+00 : f32
      %mul3A_2416 = vector.broadcast %mul3A_2415 : f32 to vector<16xf32>
      %mul3A_2417 = arith.mulf %mul3A_2416, %div3A_2413 : vector<16xf32>
      %mul3A_2418 = arith.constant 0.111111112 : f32
      %mul3A_2419 = vector.broadcast %mul3A_2418 : f32 to vector<16xf32>
      %mul3A_2420 = arith.mulf %mul3A_2414, %mul3A_2419 : vector<16xf32>
      %add3A_2421 = arith.constant 0.142857149 : f32
      %add3A_2422 = vector.broadcast %add3A_2421 : f32 to vector<16xf32>
      %add3A_2423 = arith.addf %add3A_2422, %mul3A_2420 : vector<16xf32>
      %mul3A_2424 = arith.mulf %mul3A_2414, %add3A_2423 : vector<16xf32>
      %add3A_2425 = arith.constant 2.000000e-01 : f32
      %add3A_2426 = vector.broadcast %add3A_2425 : f32 to vector<16xf32>
      %add3A_2427 = arith.addf %add3A_2426, %mul3A_2424 : vector<16xf32>
      %mul3A_2428 = arith.mulf %mul3A_2414, %add3A_2427 : vector<16xf32>
      %add3A_2429 = arith.constant 0.333333343 : f32
      %add3A_2430 = vector.broadcast %add3A_2429 : f32 to vector<16xf32>
      %add3A_2431 = arith.addf %add3A_2430, %mul3A_2428 : vector<16xf32>
      %mul3A_2432 = arith.mulf %mul3A_2414, %add3A_2431 : vector<16xf32>
      %add3A_2433 = arith.constant 1.000000e+00 : f32
      %add3A_2434 = vector.broadcast %add3A_2433 : f32 to vector<16xf32>
      %add3A_2435 = arith.addf %add3A_2434, %mul3A_2432 : vector<16xf32>
      %mul3A_2436 = arith.mulf %mul3A_2417, %add3A_2435 : vector<16xf32>
      %convert_element_type3A_2437 = arith.sitofp %sub3A_2399 : vector<16xi32> to vector<16xf32>
      %mul3A_2438 = arith.constant 0.693147182 : f32
      %mul3A_2439 = vector.broadcast %mul3A_2438 : f32 to vector<16xf32>
      %mul3A_2440 = arith.mulf %convert_element_type3A_2437, %mul3A_2439 : vector<16xf32>
      %add3A_2441 = arith.addf %mul3A_2440, %mul3A_2436 : vector<16xf32>
      %add3A_2442 = arith.addf %add3A_2366, %add3A_2441 : vector<16xf32>
      %neg3A_2443 = arith.constant 0.000000e+00 : f32
      %neg3A_2444 = vector.broadcast %neg3A_2443 : f32 to vector<16xf32>
      %neg3A_2445 = arith.subf %neg3A_2444, %bitcast_convert_type3A : vector<16xf32>
      %gt3A_2446 = arith.cmpf ogt, %add3A_2442, %neg3A_2445 : vector<16xf32>
      %lt3A_2447 = arith.constant 9 : i32
      %lt3A_2448 = vector.broadcast %lt3A_2447 : i32 to vector<16xi32>
      %lt3A_2449 = arith.cmpi slt, %iota3A, %lt3A_2448 : vector<16xi32>
      %and3A_2450 = arith.andi %gt3A_2446, %lt3A_2449 : vector<16xi1>
      %select_n3A_2451 = arith.select %and3A_2450, %add3A_16, %mul3A_13 : vector<16xi1>, vector<16xf32>
      %add3A_2452 = arith.addf %add3A_2376, %select_n3A_2451 : vector<16xf32>
      %get3A_2453 = arith.constant 256 : index
      %get3A_2454 = tpu.vector_load %arg5[%get3A_2453] {strides = array<i32>} : memref<608xi32, #tpu.memory_space<vmem>>, vector<16xi32>,
      %get3A_2455 = vector.shape_cast %get3A_2454 : vector<16xi32> to vector<16xi32>
      %shift_right_logical3A_2456 = arith.constant 9 : i32
      %shift_right_logical3A_2457 = vector.broadcast %shift_right_logical3A_2456 : i32 to vector<16xi32>
      %shift_right_logical3A_2458 = arith.shrui %get3A_2455, %shift_right_logical3A_2457 : vector<16xi32>
      %or3A_2459 = arith.constant 1065353216 : i32
      %or3A_2460 = vector.broadcast %or3A_2459 : i32 to vector<16xi32>
      %or3A_2461 = arith.ori %shift_right_logical3A_2458, %or3A_2460 : vector<16xi32>
      %bitcast_convert_type3A_2462 = tpu.bitcast %or3A_2461 : vector<16xi32> -> vector<16xf32>
      %sub3A_2463 = arith.constant 1.000000e+00 : f32
      %sub3A_2464 = vector.broadcast %sub3A_2463 : f32 to vector<16xf32>
      %sub3A_2465 = arith.subf %bitcast_convert_type3A_2462, %sub3A_2464 : vector<16xf32>
      %bitcast_convert_type3A_2466 = tpu.bitcast %sub3A_2465 : vector<16xf32> -> vector<16xi32>
      %shift_right_logical3A_2467 = arith.constant 23 : i32
      %shift_right_logical3A_2468 = vector.broadcast %shift_right_logical3A_2467 : i32 to vector<16xi32>
      %shift_right_logical3A_2469 = arith.shrui %bitcast_convert_type3A_2466, %shift_right_logical3A_2468 : vector<16xi32>
      %and3A_2470 = arith.constant 255 : i32
      %and3A_2471 = vector.broadcast %and3A_2470 : i32 to vector<16xi32>
      %and3A_2472 = arith.andi %shift_right_logical3A_2469, %and3A_2471 : vector<16xi32>
      %sub3A_2473 = arith.constant 127 : i32
      %sub3A_2474 = vector.broadcast %sub3A_2473 : i32 to vector<16xi32>
      %sub3A_2475 = arith.subi %and3A_2472, %sub3A_2474 : vector<16xi32>
      %and3A_2476 = arith.constant 8388607 : i32
      %and3A_2477 = vector.broadcast %and3A_2476 : i32 to vector<16xi32>
      %and3A_2478 = arith.andi %bitcast_convert_type3A_2466, %and3A_2477 : vector<16xi32>
      %or3A_2479 = arith.constant 1065353216 : i32
      %or3A_2480 = vector.broadcast %or3A_2479 : i32 to vector<16xi32>
      %or3A_2481 = arith.ori %and3A_2478, %or3A_2480 : vector<16xi32>
      %bitcast_convert_type3A_2482 = tpu.bitcast %or3A_2481 : vector<16xi32> -> vector<16xf32>
      %sub3A_2483 = arith.constant 1.000000e+00 : f32
      %sub3A_2484 = vector.broadcast %sub3A_2483 : f32 to vector<16xf32>
      %sub3A_2485 = arith.subf %bitcast_convert_type3A_2482, %sub3A_2484 : vector<16xf32>
      %add3A_2486 = arith.constant 1.000000e+00 : f32
      %add3A_2487 = vector.broadcast %add3A_2486 : f32 to vector<16xf32>
      %add3A_2488 = arith.addf %bitcast_convert_type3A_2482, %add3A_2487 : vector<16xf32>
      %div3A_2489 = arith.divf %sub3A_2485, %add3A_2488 : vector<16xf32>
      %mul3A_2490 = arith.mulf %div3A_2489, %div3A_2489 : vector<16xf32>
      %mul3A_2491 = arith.constant 2.000000e+00 : f32
      %mul3A_2492 = vector.broadcast %mul3A_2491 : f32 to vector<16xf32>
      %mul3A_2493 = arith.mulf %mul3A_2492, %div3A_2489 : vector<16xf32>
      %mul3A_2494 = arith.constant 0.111111112 : f32
      %mul3A_2495 = vector.broadcast %mul3A_2494 : f32 to vector<16xf32>
      %mul3A_2496 = arith.mulf %mul3A_2490, %mul3A_2495 : vector<16xf32>
      %add3A_2497 = arith.constant 0.142857149 : f32
      %add3A_2498 = vector.broadcast %add3A_2497 : f32 to vector<16xf32>
      %add3A_2499 = arith.addf %add3A_2498, %mul3A_2496 : vector<16xf32>
      %mul3A_2500 = arith.mulf %mul3A_2490, %add3A_2499 : vector<16xf32>
      %add3A_2501 = arith.constant 2.000000e-01 : f32
      %add3A_2502 = vector.broadcast %add3A_2501 : f32 to vector<16xf32>
      %add3A_2503 = arith.addf %add3A_2502, %mul3A_2500 : vector<16xf32>
      %mul3A_2504 = arith.mulf %mul3A_2490, %add3A_2503 : vector<16xf32>
      %add3A_2505 = arith.constant 0.333333343 : f32
      %add3A_2506 = vector.broadcast %add3A_2505 : f32 to vector<16xf32>
      %add3A_2507 = arith.addf %add3A_2506, %mul3A_2504 : vector<16xf32>
      %mul3A_2508 = arith.mulf %mul3A_2490, %add3A_2507 : vector<16xf32>
      %add3A_2509 = arith.constant 1.000000e+00 : f32
      %add3A_2510 = vector.broadcast %add3A_2509 : f32 to vector<16xf32>
      %add3A_2511 = arith.addf %add3A_2510, %mul3A_2508 : vector<16xf32>
      %mul3A_2512 = arith.mulf %mul3A_2493, %add3A_2511 : vector<16xf32>
      %convert_element_type3A_2513 = arith.sitofp %sub3A_2475 : vector<16xi32> to vector<16xf32>
      %mul3A_2514 = arith.constant 0.693147182 : f32
      %mul3A_2515 = vector.broadcast %mul3A_2514 : f32 to vector<16xf32>
      %mul3A_2516 = arith.mulf %convert_element_type3A_2513, %mul3A_2515 : vector<16xf32>
      %add3A_2517 = arith.addf %mul3A_2516, %mul3A_2512 : vector<16xf32>
      %add3A_2518 = arith.addf %add3A_2442, %add3A_2517 : vector<16xf32>
      %neg3A_2519 = arith.constant 0.000000e+00 : f32
      %neg3A_2520 = vector.broadcast %neg3A_2519 : f32 to vector<16xf32>
      %neg3A_2521 = arith.subf %neg3A_2520, %bitcast_convert_type3A : vector<16xf32>
      %gt3A_2522 = arith.cmpf ogt, %add3A_2518, %neg3A_2521 : vector<16xf32>
      %lt3A_2523 = arith.constant 9 : i32
      %lt3A_2524 = vector.broadcast %lt3A_2523 : i32 to vector<16xi32>
      %lt3A_2525 = arith.cmpi slt, %iota3A, %lt3A_2524 : vector<16xi32>
      %and3A_2526 = arith.andi %gt3A_2522, %lt3A_2525 : vector<16xi1>
      %select_n3A_2527 = arith.select %and3A_2526, %add3A_16, %mul3A_13 : vector<16xi1>, vector<16xf32>
      %add3A_2528 = arith.addf %add3A_2452, %select_n3A_2527 : vector<16xf32>
      %get3A_2529 = arith.constant 272 : index
      %get3A_2530 = tpu.vector_load %arg5[%get3A_2529] {strides = array<i32>} : memref<608xi32, #tpu.memory_space<vmem>>, vector<16xi32>,
      %get3A_2531 = vector.shape_cast %get3A_2530 : vector<16xi32> to vector<16xi32>
      %shift_right_logical3A_2532 = arith.constant 9 : i32
      %shift_right_logical3A_2533 = vector.broadcast %shift_right_logical3A_2532 : i32 to vector<16xi32>
      %shift_right_logical3A_2534 = arith.shrui %get3A_2531, %shift_right_logical3A_2533 : vector<16xi32>
      %or3A_2535 = arith.constant 1065353216 : i32
      %or3A_2536 = vector.broadcast %or3A_2535 : i32 to vector<16xi32>
      %or3A_2537 = arith.ori %shift_right_logical3A_2534, %or3A_2536 : vector<16xi32>
      %bitcast_convert_type3A_2538 = tpu.bitcast %or3A_2537 : vector<16xi32> -> vector<16xf32>
      %sub3A_2539 = arith.constant 1.000000e+00 : f32
      %sub3A_2540 = vector.broadcast %sub3A_2539 : f32 to vector<16xf32>
      %sub3A_2541 = arith.subf %bitcast_convert_type3A_2538, %sub3A_2540 : vector<16xf32>
      %bitcast_convert_type3A_2542 = tpu.bitcast %sub3A_2541 : vector<16xf32> -> vector<16xi32>
      %shift_right_logical3A_2543 = arith.constant 23 : i32
      %shift_right_logical3A_2544 = vector.broadcast %shift_right_logical3A_2543 : i32 to vector<16xi32>
      %shift_right_logical3A_2545 = arith.shrui %bitcast_convert_type3A_2542, %shift_right_logical3A_2544 : vector<16xi32>
      %and3A_2546 = arith.constant 255 : i32
      %and3A_2547 = vector.broadcast %and3A_2546 : i32 to vector<16xi32>
      %and3A_2548 = arith.andi %shift_right_logical3A_2545, %and3A_2547 : vector<16xi32>
      %sub3A_2549 = arith.constant 127 : i32
      %sub3A_2550 = vector.broadcast %sub3A_2549 : i32 to vector<16xi32>
      %sub3A_2551 = arith.subi %and3A_2548, %sub3A_2550 : vector<16xi32>
      %and3A_2552 = arith.constant 8388607 : i32
      %and3A_2553 = vector.broadcast %and3A_2552 : i32 to vector<16xi32>
      %and3A_2554 = arith.andi %bitcast_convert_type3A_2542, %and3A_2553 : vector<16xi32>
      %or3A_2555 = arith.constant 1065353216 : i32
      %or3A_2556 = vector.broadcast %or3A_2555 : i32 to vector<16xi32>
      %or3A_2557 = arith.ori %and3A_2554, %or3A_2556 : vector<16xi32>
      %bitcast_convert_type3A_2558 = tpu.bitcast %or3A_2557 : vector<16xi32> -> vector<16xf32>
      %sub3A_2559 = arith.constant 1.000000e+00 : f32
      %sub3A_2560 = vector.broadcast %sub3A_2559 : f32 to vector<16xf32>
      %sub3A_2561 = arith.subf %bitcast_convert_type3A_2558, %sub3A_2560 : vector<16xf32>
      %add3A_2562 = arith.constant 1.000000e+00 : f32
      %add3A_2563 = vector.broadcast %add3A_2562 : f32 to vector<16xf32>
      %add3A_2564 = arith.addf %bitcast_convert_type3A_2558, %add3A_2563 : vector<16xf32>
      %div3A_2565 = arith.divf %sub3A_2561, %add3A_2564 : vector<16xf32>
      %mul3A_2566 = arith.mulf %div3A_2565, %div3A_2565 : vector<16xf32>
      %mul3A_2567 = arith.constant 2.000000e+00 : f32
      %mul3A_2568 = vector.broadcast %mul3A_2567 : f32 to vector<16xf32>
      %mul3A_2569 = arith.mulf %mul3A_2568, %div3A_2565 : vector<16xf32>
      %mul3A_2570 = arith.constant 0.111111112 : f32
      %mul3A_2571 = vector.broadcast %mul3A_2570 : f32 to vector<16xf32>
      %mul3A_2572 = arith.mulf %mul3A_2566, %mul3A_2571 : vector<16xf32>
      %add3A_2573 = arith.constant 0.142857149 : f32
      %add3A_2574 = vector.broadcast %add3A_2573 : f32 to vector<16xf32>
      %add3A_2575 = arith.addf %add3A_2574, %mul3A_2572 : vector<16xf32>
      %mul3A_2576 = arith.mulf %mul3A_2566, %add3A_2575 : vector<16xf32>
      %add3A_2577 = arith.constant 2.000000e-01 : f32
      %add3A_2578 = vector.broadcast %add3A_2577 : f32 to vector<16xf32>
      %add3A_2579 = arith.addf %add3A_2578, %mul3A_2576 : vector<16xf32>
      %mul3A_2580 = arith.mulf %mul3A_2566, %add3A_2579 : vector<16xf32>
      %add3A_2581 = arith.constant 0.333333343 : f32
      %add3A_2582 = vector.broadcast %add3A_2581 : f32 to vector<16xf32>
      %add3A_2583 = arith.addf %add3A_2582, %mul3A_2580 : vector<16xf32>
      %mul3A_2584 = arith.mulf %mul3A_2566, %add3A_2583 : vector<16xf32>
      %add3A_2585 = arith.constant 1.000000e+00 : f32
      %add3A_2586 = vector.broadcast %add3A_2585 : f32 to vector<16xf32>
      %add3A_2587 = arith.addf %add3A_2586, %mul3A_2584 : vector<16xf32>
      %mul3A_2588 = arith.mulf %mul3A_2569, %add3A_2587 : vector<16xf32>
      %convert_element_type3A_2589 = arith.sitofp %sub3A_2551 : vector<16xi32> to vector<16xf32>
      %mul3A_2590 = arith.constant 0.693147182 : f32
      %mul3A_2591 = vector.broadcast %mul3A_2590 : f32 to vector<16xf32>
      %mul3A_2592 = arith.mulf %convert_element_type3A_2589, %mul3A_2591 : vector<16xf32>
      %add3A_2593 = arith.addf %mul3A_2592, %mul3A_2588 : vector<16xf32>
      %add3A_2594 = arith.addf %add3A_2518, %add3A_2593 : vector<16xf32>
      %neg3A_2595 = arith.constant 0.000000e+00 : f32
      %neg3A_2596 = vector.broadcast %neg3A_2595 : f32 to vector<16xf32>
      %neg3A_2597 = arith.subf %neg3A_2596, %bitcast_convert_type3A : vector<16xf32>
      %gt3A_2598 = arith.cmpf ogt, %add3A_2594, %neg3A_2597 : vector<16xf32>
      %lt3A_2599 = arith.constant 9 : i32
      %lt3A_2600 = vector.broadcast %lt3A_2599 : i32 to vector<16xi32>
      %lt3A_2601 = arith.cmpi slt, %iota3A, %lt3A_2600 : vector<16xi32>
      %and3A_2602 = arith.andi %gt3A_2598, %lt3A_2601 : vector<16xi1>
      %select_n3A_2603 = arith.select %and3A_2602, %add3A_16, %mul3A_13 : vector<16xi1>, vector<16xf32>
      %add3A_2604 = arith.addf %add3A_2528, %select_n3A_2603 : vector<16xf32>
      %get3A_2605 = arith.constant 288 : index
      %get3A_2606 = tpu.vector_load %arg5[%get3A_2605] {strides = array<i32>} : memref<608xi32, #tpu.memory_space<vmem>>, vector<16xi32>,
      %get3A_2607 = vector.shape_cast %get3A_2606 : vector<16xi32> to vector<16xi32>
      %shift_right_logical3A_2608 = arith.constant 9 : i32
      %shift_right_logical3A_2609 = vector.broadcast %shift_right_logical3A_2608 : i32 to vector<16xi32>
      %shift_right_logical3A_2610 = arith.shrui %get3A_2607, %shift_right_logical3A_2609 : vector<16xi32>
      %or3A_2611 = arith.constant 1065353216 : i32
      %or3A_2612 = vector.broadcast %or3A_2611 : i32 to vector<16xi32>
      %or3A_2613 = arith.ori %shift_right_logical3A_2610, %or3A_2612 : vector<16xi32>
      %bitcast_convert_type3A_2614 = tpu.bitcast %or3A_2613 : vector<16xi32> -> vector<16xf32>
      %sub3A_2615 = arith.constant 1.000000e+00 : f32
      %sub3A_2616 = vector.broadcast %sub3A_2615 : f32 to vector<16xf32>
      %sub3A_2617 = arith.subf %bitcast_convert_type3A_2614, %sub3A_2616 : vector<16xf32>
      %bitcast_convert_type3A_2618 = tpu.bitcast %sub3A_2617 : vector<16xf32> -> vector<16xi32>
      %shift_right_logical3A_2619 = arith.constant 23 : i32
      %shift_right_logical3A_2620 = vector.broadcast %shift_right_logical3A_2619 : i32 to vector<16xi32>
      %shift_right_logical3A_2621 = arith.shrui %bitcast_convert_type3A_2618, %shift_right_logical3A_2620 : vector<16xi32>
      %and3A_2622 = arith.constant 255 : i32
      %and3A_2623 = vector.broadcast %and3A_2622 : i32 to vector<16xi32>
      %and3A_2624 = arith.andi %shift_right_logical3A_2621, %and3A_2623 : vector<16xi32>
      %sub3A_2625 = arith.constant 127 : i32
      %sub3A_2626 = vector.broadcast %sub3A_2625 : i32 to vector<16xi32>
      %sub3A_2627 = arith.subi %and3A_2624, %sub3A_2626 : vector<16xi32>
      %and3A_2628 = arith.constant 8388607 : i32
      %and3A_2629 = vector.broadcast %and3A_2628 : i32 to vector<16xi32>
      %and3A_2630 = arith.andi %bitcast_convert_type3A_2618, %and3A_2629 : vector<16xi32>
      %or3A_2631 = arith.constant 1065353216 : i32
      %or3A_2632 = vector.broadcast %or3A_2631 : i32 to vector<16xi32>
      %or3A_2633 = arith.ori %and3A_2630, %or3A_2632 : vector<16xi32>
      %bitcast_convert_type3A_2634 = tpu.bitcast %or3A_2633 : vector<16xi32> -> vector<16xf32>
      %sub3A_2635 = arith.constant 1.000000e+00 : f32
      %sub3A_2636 = vector.broadcast %sub3A_2635 : f32 to vector<16xf32>
      %sub3A_2637 = arith.subf %bitcast_convert_type3A_2634, %sub3A_2636 : vector<16xf32>
      %add3A_2638 = arith.constant 1.000000e+00 : f32
      %add3A_2639 = vector.broadcast %add3A_2638 : f32 to vector<16xf32>
      %add3A_2640 = arith.addf %bitcast_convert_type3A_2634, %add3A_2639 : vector<16xf32>
      %div3A_2641 = arith.divf %sub3A_2637, %add3A_2640 : vector<16xf32>
      %mul3A_2642 = arith.mulf %div3A_2641, %div3A_2641 : vector<16xf32>
      %mul3A_2643 = arith.constant 2.000000e+00 : f32
      %mul3A_2644 = vector.broadcast %mul3A_2643 : f32 to vector<16xf32>
      %mul3A_2645 = arith.mulf %mul3A_2644, %div3A_2641 : vector<16xf32>
      %mul3A_2646 = arith.constant 0.111111112 : f32
      %mul3A_2647 = vector.broadcast %mul3A_2646 : f32 to vector<16xf32>
      %mul3A_2648 = arith.mulf %mul3A_2642, %mul3A_2647 : vector<16xf32>
      %add3A_2649 = arith.constant 0.142857149 : f32
      %add3A_2650 = vector.broadcast %add3A_2649 : f32 to vector<16xf32>
      %add3A_2651 = arith.addf %add3A_2650, %mul3A_2648 : vector<16xf32>
      %mul3A_2652 = arith.mulf %mul3A_2642, %add3A_2651 : vector<16xf32>
      %add3A_2653 = arith.constant 2.000000e-01 : f32
      %add3A_2654 = vector.broadcast %add3A_2653 : f32 to vector<16xf32>
      %add3A_2655 = arith.addf %add3A_2654, %mul3A_2652 : vector<16xf32>
      %mul3A_2656 = arith.mulf %mul3A_2642, %add3A_2655 : vector<16xf32>
      %add3A_2657 = arith.constant 0.333333343 : f32
      %add3A_2658 = vector.broadcast %add3A_2657 : f32 to vector<16xf32>
      %add3A_2659 = arith.addf %add3A_2658, %mul3A_2656 : vector<16xf32>
      %mul3A_2660 = arith.mulf %mul3A_2642, %add3A_2659 : vector<16xf32>
      %add3A_2661 = arith.constant 1.000000e+00 : f32
      %add3A_2662 = vector.broadcast %add3A_2661 : f32 to vector<16xf32>
      %add3A_2663 = arith.addf %add3A_2662, %mul3A_2660 : vector<16xf32>
      %mul3A_2664 = arith.mulf %mul3A_2645, %add3A_2663 : vector<16xf32>
      %convert_element_type3A_2665 = arith.sitofp %sub3A_2627 : vector<16xi32> to vector<16xf32>
      %mul3A_2666 = arith.constant 0.693147182 : f32
      %mul3A_2667 = vector.broadcast %mul3A_2666 : f32 to vector<16xf32>
      %mul3A_2668 = arith.mulf %convert_element_type3A_2665, %mul3A_2667 : vector<16xf32>
      %add3A_2669 = arith.addf %mul3A_2668, %mul3A_2664 : vector<16xf32>
      %add3A_2670 = arith.addf %add3A_2594, %add3A_2669 : vector<16xf32>
      %neg3A_2671 = arith.constant 0.000000e+00 : f32
      %neg3A_2672 = vector.broadcast %neg3A_2671 : f32 to vector<16xf32>
      %neg3A_2673 = arith.subf %neg3A_2672, %bitcast_convert_type3A : vector<16xf32>
      %gt3A_2674 = arith.cmpf ogt, %add3A_2670, %neg3A_2673 : vector<16xf32>
      %lt3A_2675 = arith.constant 9 : i32
      %lt3A_2676 = vector.broadcast %lt3A_2675 : i32 to vector<16xi32>
      %lt3A_2677 = arith.cmpi slt, %iota3A, %lt3A_2676 : vector<16xi32>
      %and3A_2678 = arith.andi %gt3A_2674, %lt3A_2677 : vector<16xi1>
      %select_n3A_2679 = arith.select %and3A_2678, %add3A_16, %mul3A_13 : vector<16xi1>, vector<16xf32>
      %add3A_2680 = arith.addf %add3A_2604, %select_n3A_2679 : vector<16xf32>
      %get3A_2681 = arith.constant 304 : index
      %get3A_2682 = tpu.vector_load %arg5[%get3A_2681] {strides = array<i32>} : memref<608xi32, #tpu.memory_space<vmem>>, vector<16xi32>,
      %get3A_2683 = vector.shape_cast %get3A_2682 : vector<16xi32> to vector<16xi32>
      %shift_right_logical3A_2684 = arith.constant 9 : i32
      %shift_right_logical3A_2685 = vector.broadcast %shift_right_logical3A_2684 : i32 to vector<16xi32>
      %shift_right_logical3A_2686 = arith.shrui %get3A_2683, %shift_right_logical3A_2685 : vector<16xi32>
      %or3A_2687 = arith.constant 1065353216 : i32
      %or3A_2688 = vector.broadcast %or3A_2687 : i32 to vector<16xi32>
      %or3A_2689 = arith.ori %shift_right_logical3A_2686, %or3A_2688 : vector<16xi32>
      %bitcast_convert_type3A_2690 = tpu.bitcast %or3A_2689 : vector<16xi32> -> vector<16xf32>
      %sub3A_2691 = arith.constant 1.000000e+00 : f32
      %sub3A_2692 = vector.broadcast %sub3A_2691 : f32 to vector<16xf32>
      %sub3A_2693 = arith.subf %bitcast_convert_type3A_2690, %sub3A_2692 : vector<16xf32>
      %bitcast_convert_type3A_2694 = tpu.bitcast %sub3A_2693 : vector<16xf32> -> vector<16xi32>
      %shift_right_logical3A_2695 = arith.constant 23 : i32
      %shift_right_logical3A_2696 = vector.broadcast %shift_right_logical3A_2695 : i32 to vector<16xi32>
      %shift_right_logical3A_2697 = arith.shrui %bitcast_convert_type3A_2694, %shift_right_logical3A_2696 : vector<16xi32>
      %and3A_2698 = arith.constant 255 : i32
      %and3A_2699 = vector.broadcast %and3A_2698 : i32 to vector<16xi32>
      %and3A_2700 = arith.andi %shift_right_logical3A_2697, %and3A_2699 : vector<16xi32>
      %sub3A_2701 = arith.constant 127 : i32
      %sub3A_2702 = vector.broadcast %sub3A_2701 : i32 to vector<16xi32>
      %sub3A_2703 = arith.subi %and3A_2700, %sub3A_2702 : vector<16xi32>
      %and3A_2704 = arith.constant 8388607 : i32
      %and3A_2705 = vector.broadcast %and3A_2704 : i32 to vector<16xi32>
      %and3A_2706 = arith.andi %bitcast_convert_type3A_2694, %and3A_2705 : vector<16xi32>
      %or3A_2707 = arith.constant 1065353216 : i32
      %or3A_2708 = vector.broadcast %or3A_2707 : i32 to vector<16xi32>
      %or3A_2709 = arith.ori %and3A_2706, %or3A_2708 : vector<16xi32>
      %bitcast_convert_type3A_2710 = tpu.bitcast %or3A_2709 : vector<16xi32> -> vector<16xf32>
      %sub3A_2711 = arith.constant 1.000000e+00 : f32
      %sub3A_2712 = vector.broadcast %sub3A_2711 : f32 to vector<16xf32>
      %sub3A_2713 = arith.subf %bitcast_convert_type3A_2710, %sub3A_2712 : vector<16xf32>
      %add3A_2714 = arith.constant 1.000000e+00 : f32
      %add3A_2715 = vector.broadcast %add3A_2714 : f32 to vector<16xf32>
      %add3A_2716 = arith.addf %bitcast_convert_type3A_2710, %add3A_2715 : vector<16xf32>
      %div3A_2717 = arith.divf %sub3A_2713, %add3A_2716 : vector<16xf32>
      %mul3A_2718 = arith.mulf %div3A_2717, %div3A_2717 : vector<16xf32>
      %mul3A_2719 = arith.constant 2.000000e+00 : f32
      %mul3A_2720 = vector.broadcast %mul3A_2719 : f32 to vector<16xf32>
      %mul3A_2721 = arith.mulf %mul3A_2720, %div3A_2717 : vector<16xf32>
      %mul3A_2722 = arith.constant 0.111111112 : f32
      %mul3A_2723 = vector.broadcast %mul3A_2722 : f32 to vector<16xf32>
      %mul3A_2724 = arith.mulf %mul3A_2718, %mul3A_2723 : vector<16xf32>
      %add3A_2725 = arith.constant 0.142857149 : f32
      %add3A_2726 = vector.broadcast %add3A_2725 : f32 to vector<16xf32>
      %add3A_2727 = arith.addf %add3A_2726, %mul3A_2724 : vector<16xf32>
      %mul3A_2728 = arith.mulf %mul3A_2718, %add3A_2727 : vector<16xf32>
      %add3A_2729 = arith.constant 2.000000e-01 : f32
      %add3A_2730 = vector.broadcast %add3A_2729 : f32 to vector<16xf32>
      %add3A_2731 = arith.addf %add3A_2730, %mul3A_2728 : vector<16xf32>
      %mul3A_2732 = arith.mulf %mul3A_2718, %add3A_2731 : vector<16xf32>
      %add3A_2733 = arith.constant 0.333333343 : f32
      %add3A_2734 = vector.broadcast %add3A_2733 : f32 to vector<16xf32>
      %add3A_2735 = arith.addf %add3A_2734, %mul3A_2732 : vector<16xf32>
      %mul3A_2736 = arith.mulf %mul3A_2718, %add3A_2735 : vector<16xf32>
      %add3A_2737 = arith.constant 1.000000e+00 : f32
      %add3A_2738 = vector.broadcast %add3A_2737 : f32 to vector<16xf32>
      %add3A_2739 = arith.addf %add3A_2738, %mul3A_2736 : vector<16xf32>
      %mul3A_2740 = arith.mulf %mul3A_2721, %add3A_2739 : vector<16xf32>
      %convert_element_type3A_2741 = arith.sitofp %sub3A_2703 : vector<16xi32> to vector<16xf32>
      %mul3A_2742 = arith.constant 0.693147182 : f32
      %mul3A_2743 = vector.broadcast %mul3A_2742 : f32 to vector<16xf32>
      %mul3A_2744 = arith.mulf %convert_element_type3A_2741, %mul3A_2743 : vector<16xf32>
      %add3A_2745 = arith.addf %mul3A_2744, %mul3A_2740 : vector<16xf32>
      %add3A_2746 = arith.addf %add3A_2670, %add3A_2745 : vector<16xf32>
      %neg3A_2747 = arith.constant 0.000000e+00 : f32
      %neg3A_2748 = vector.broadcast %neg3A_2747 : f32 to vector<16xf32>
      %neg3A_2749 = arith.subf %neg3A_2748, %bitcast_convert_type3A : vector<16xf32>
      %gt3A_2750 = arith.cmpf ogt, %add3A_2746, %neg3A_2749 : vector<16xf32>
      %lt3A_2751 = arith.constant 9 : i32
      %lt3A_2752 = vector.broadcast %lt3A_2751 : i32 to vector<16xi32>
      %lt3A_2753 = arith.cmpi slt, %iota3A, %lt3A_2752 : vector<16xi32>
      %and3A_2754 = arith.andi %gt3A_2750, %lt3A_2753 : vector<16xi1>
      %select_n3A_2755 = arith.select %and3A_2754, %add3A_16, %mul3A_13 : vector<16xi1>, vector<16xf32>
      %add3A_2756 = arith.addf %add3A_2680, %select_n3A_2755 : vector<16xf32>
      %get3A_2757 = arith.constant 320 : index
      %get3A_2758 = tpu.vector_load %arg5[%get3A_2757] {strides = array<i32>} : memref<608xi32, #tpu.memory_space<vmem>>, vector<16xi32>,
      %get3A_2759 = vector.shape_cast %get3A_2758 : vector<16xi32> to vector<16xi32>
      %shift_right_logical3A_2760 = arith.constant 9 : i32
      %shift_right_logical3A_2761 = vector.broadcast %shift_right_logical3A_2760 : i32 to vector<16xi32>
      %shift_right_logical3A_2762 = arith.shrui %get3A_2759, %shift_right_logical3A_2761 : vector<16xi32>
      %or3A_2763 = arith.constant 1065353216 : i32
      %or3A_2764 = vector.broadcast %or3A_2763 : i32 to vector<16xi32>
      %or3A_2765 = arith.ori %shift_right_logical3A_2762, %or3A_2764 : vector<16xi32>
      %bitcast_convert_type3A_2766 = tpu.bitcast %or3A_2765 : vector<16xi32> -> vector<16xf32>
      %sub3A_2767 = arith.constant 1.000000e+00 : f32
      %sub3A_2768 = vector.broadcast %sub3A_2767 : f32 to vector<16xf32>
      %sub3A_2769 = arith.subf %bitcast_convert_type3A_2766, %sub3A_2768 : vector<16xf32>
      %bitcast_convert_type3A_2770 = tpu.bitcast %sub3A_2769 : vector<16xf32> -> vector<16xi32>
      %shift_right_logical3A_2771 = arith.constant 23 : i32
      %shift_right_logical3A_2772 = vector.broadcast %shift_right_logical3A_2771 : i32 to vector<16xi32>
      %shift_right_logical3A_2773 = arith.shrui %bitcast_convert_type3A_2770, %shift_right_logical3A_2772 : vector<16xi32>
      %and3A_2774 = arith.constant 255 : i32
      %and3A_2775 = vector.broadcast %and3A_2774 : i32 to vector<16xi32>
      %and3A_2776 = arith.andi %shift_right_logical3A_2773, %and3A_2775 : vector<16xi32>
      %sub3A_2777 = arith.constant 127 : i32
      %sub3A_2778 = vector.broadcast %sub3A_2777 : i32 to vector<16xi32>
      %sub3A_2779 = arith.subi %and3A_2776, %sub3A_2778 : vector<16xi32>
      %and3A_2780 = arith.constant 8388607 : i32
      %and3A_2781 = vector.broadcast %and3A_2780 : i32 to vector<16xi32>
      %and3A_2782 = arith.andi %bitcast_convert_type3A_2770, %and3A_2781 : vector<16xi32>
      %or3A_2783 = arith.constant 1065353216 : i32
      %or3A_2784 = vector.broadcast %or3A_2783 : i32 to vector<16xi32>
      %or3A_2785 = arith.ori %and3A_2782, %or3A_2784 : vector<16xi32>
      %bitcast_convert_type3A_2786 = tpu.bitcast %or3A_2785 : vector<16xi32> -> vector<16xf32>
      %sub3A_2787 = arith.constant 1.000000e+00 : f32
      %sub3A_2788 = vector.broadcast %sub3A_2787 : f32 to vector<16xf32>
      %sub3A_2789 = arith.subf %bitcast_convert_type3A_2786, %sub3A_2788 : vector<16xf32>
      %add3A_2790 = arith.constant 1.000000e+00 : f32
      %add3A_2791 = vector.broadcast %add3A_2790 : f32 to vector<16xf32>
      %add3A_2792 = arith.addf %bitcast_convert_type3A_2786, %add3A_2791 : vector<16xf32>
      %div3A_2793 = arith.divf %sub3A_2789, %add3A_2792 : vector<16xf32>
      %mul3A_2794 = arith.mulf %div3A_2793, %div3A_2793 : vector<16xf32>
      %mul3A_2795 = arith.constant 2.000000e+00 : f32
      %mul3A_2796 = vector.broadcast %mul3A_2795 : f32 to vector<16xf32>
      %mul3A_2797 = arith.mulf %mul3A_2796, %div3A_2793 : vector<16xf32>
      %mul3A_2798 = arith.constant 0.111111112 : f32
      %mul3A_2799 = vector.broadcast %mul3A_2798 : f32 to vector<16xf32>
      %mul3A_2800 = arith.mulf %mul3A_2794, %mul3A_2799 : vector<16xf32>
      %add3A_2801 = arith.constant 0.142857149 : f32
      %add3A_2802 = vector.broadcast %add3A_2801 : f32 to vector<16xf32>
      %add3A_2803 = arith.addf %add3A_2802, %mul3A_2800 : vector<16xf32>
      %mul3A_2804 = arith.mulf %mul3A_2794, %add3A_2803 : vector<16xf32>
      %add3A_2805 = arith.constant 2.000000e-01 : f32
      %add3A_2806 = vector.broadcast %add3A_2805 : f32 to vector<16xf32>
      %add3A_2807 = arith.addf %add3A_2806, %mul3A_2804 : vector<16xf32>
      %mul3A_2808 = arith.mulf %mul3A_2794, %add3A_2807 : vector<16xf32>
      %add3A_2809 = arith.constant 0.333333343 : f32
      %add3A_2810 = vector.broadcast %add3A_2809 : f32 to vector<16xf32>
      %add3A_2811 = arith.addf %add3A_2810, %mul3A_2808 : vector<16xf32>
      %mul3A_2812 = arith.mulf %mul3A_2794, %add3A_2811 : vector<16xf32>
      %add3A_2813 = arith.constant 1.000000e+00 : f32
      %add3A_2814 = vector.broadcast %add3A_2813 : f32 to vector<16xf32>
      %add3A_2815 = arith.addf %add3A_2814, %mul3A_2812 : vector<16xf32>
      %mul3A_2816 = arith.mulf %mul3A_2797, %add3A_2815 : vector<16xf32>
      %convert_element_type3A_2817 = arith.sitofp %sub3A_2779 : vector<16xi32> to vector<16xf32>
      %mul3A_2818 = arith.constant 0.693147182 : f32
      %mul3A_2819 = vector.broadcast %mul3A_2818 : f32 to vector<16xf32>
      %mul3A_2820 = arith.mulf %convert_element_type3A_2817, %mul3A_2819 : vector<16xf32>
      %add3A_2821 = arith.addf %mul3A_2820, %mul3A_2816 : vector<16xf32>
      %add3A_2822 = arith.addf %add3A_2746, %add3A_2821 : vector<16xf32>
      %neg3A_2823 = arith.constant 0.000000e+00 : f32
      %neg3A_2824 = vector.broadcast %neg3A_2823 : f32 to vector<16xf32>
      %neg3A_2825 = arith.subf %neg3A_2824, %bitcast_convert_type3A : vector<16xf32>
      %gt3A_2826 = arith.cmpf ogt, %add3A_2822, %neg3A_2825 : vector<16xf32>
      %lt3A_2827 = arith.constant 9 : i32
      %lt3A_2828 = vector.broadcast %lt3A_2827 : i32 to vector<16xi32>
      %lt3A_2829 = arith.cmpi slt, %iota3A, %lt3A_2828 : vector<16xi32>
      %and3A_2830 = arith.andi %gt3A_2826, %lt3A_2829 : vector<16xi1>
      %select_n3A_2831 = arith.select %and3A_2830, %add3A_16, %mul3A_13 : vector<16xi1>, vector<16xf32>
      %add3A_2832 = arith.addf %add3A_2756, %select_n3A_2831 : vector<16xf32>
      %get3A_2833 = arith.constant 336 : index
      %get3A_2834 = tpu.vector_load %arg5[%get3A_2833] {strides = array<i32>} : memref<608xi32, #tpu.memory_space<vmem>>, vector<16xi32>,
      %get3A_2835 = vector.shape_cast %get3A_2834 : vector<16xi32> to vector<16xi32>
      %shift_right_logical3A_2836 = arith.constant 9 : i32
      %shift_right_logical3A_2837 = vector.broadcast %shift_right_logical3A_2836 : i32 to vector<16xi32>
      %shift_right_logical3A_2838 = arith.shrui %get3A_2835, %shift_right_logical3A_2837 : vector<16xi32>
      %or3A_2839 = arith.constant 1065353216 : i32
      %or3A_2840 = vector.broadcast %or3A_2839 : i32 to vector<16xi32>
      %or3A_2841 = arith.ori %shift_right_logical3A_2838, %or3A_2840 : vector<16xi32>
      %bitcast_convert_type3A_2842 = tpu.bitcast %or3A_2841 : vector<16xi32> -> vector<16xf32>
      %sub3A_2843 = arith.constant 1.000000e+00 : f32
      %sub3A_2844 = vector.broadcast %sub3A_2843 : f32 to vector<16xf32>
      %sub3A_2845 = arith.subf %bitcast_convert_type3A_2842, %sub3A_2844 : vector<16xf32>
      %bitcast_convert_type3A_2846 = tpu.bitcast %sub3A_2845 : vector<16xf32> -> vector<16xi32>
      %shift_right_logical3A_2847 = arith.constant 23 : i32
      %shift_right_logical3A_2848 = vector.broadcast %shift_right_logical3A_2847 : i32 to vector<16xi32>
      %shift_right_logical3A_2849 = arith.shrui %bitcast_convert_type3A_2846, %shift_right_logical3A_2848 : vector<16xi32>
      %and3A_2850 = arith.constant 255 : i32
      %and3A_2851 = vector.broadcast %and3A_2850 : i32 to vector<16xi32>
      %and3A_2852 = arith.andi %shift_right_logical3A_2849, %and3A_2851 : vector<16xi32>
      %sub3A_2853 = arith.constant 127 : i32
      %sub3A_2854 = vector.broadcast %sub3A_2853 : i32 to vector<16xi32>
      %sub3A_2855 = arith.subi %and3A_2852, %sub3A_2854 : vector<16xi32>
      %and3A_2856 = arith.constant 8388607 : i32
      %and3A_2857 = vector.broadcast %and3A_2856 : i32 to vector<16xi32>
      %and3A_2858 = arith.andi %bitcast_convert_type3A_2846, %and3A_2857 : vector<16xi32>
      %or3A_2859 = arith.constant 1065353216 : i32
      %or3A_2860 = vector.broadcast %or3A_2859 : i32 to vector<16xi32>
      %or3A_2861 = arith.ori %and3A_2858, %or3A_2860 : vector<16xi32>
      %bitcast_convert_type3A_2862 = tpu.bitcast %or3A_2861 : vector<16xi32> -> vector<16xf32>
      %sub3A_2863 = arith.constant 1.000000e+00 : f32
      %sub3A_2864 = vector.broadcast %sub3A_2863 : f32 to vector<16xf32>
      %sub3A_2865 = arith.subf %bitcast_convert_type3A_2862, %sub3A_2864 : vector<16xf32>
      %add3A_2866 = arith.constant 1.000000e+00 : f32
      %add3A_2867 = vector.broadcast %add3A_2866 : f32 to vector<16xf32>
      %add3A_2868 = arith.addf %bitcast_convert_type3A_2862, %add3A_2867 : vector<16xf32>
      %div3A_2869 = arith.divf %sub3A_2865, %add3A_2868 : vector<16xf32>
      %mul3A_2870 = arith.mulf %div3A_2869, %div3A_2869 : vector<16xf32>
      %mul3A_2871 = arith.constant 2.000000e+00 : f32
      %mul3A_2872 = vector.broadcast %mul3A_2871 : f32 to vector<16xf32>
      %mul3A_2873 = arith.mulf %mul3A_2872, %div3A_2869 : vector<16xf32>
      %mul3A_2874 = arith.constant 0.111111112 : f32
      %mul3A_2875 = vector.broadcast %mul3A_2874 : f32 to vector<16xf32>
      %mul3A_2876 = arith.mulf %mul3A_2870, %mul3A_2875 : vector<16xf32>
      %add3A_2877 = arith.constant 0.142857149 : f32
      %add3A_2878 = vector.broadcast %add3A_2877 : f32 to vector<16xf32>
      %add3A_2879 = arith.addf %add3A_2878, %mul3A_2876 : vector<16xf32>
      %mul3A_2880 = arith.mulf %mul3A_2870, %add3A_2879 : vector<16xf32>
      %add3A_2881 = arith.constant 2.000000e-01 : f32
      %add3A_2882 = vector.broadcast %add3A_2881 : f32 to vector<16xf32>
      %add3A_2883 = arith.addf %add3A_2882, %mul3A_2880 : vector<16xf32>
      %mul3A_2884 = arith.mulf %mul3A_2870, %add3A_2883 : vector<16xf32>
      %add3A_2885 = arith.constant 0.333333343 : f32
      %add3A_2886 = vector.broadcast %add3A_2885 : f32 to vector<16xf32>
      %add3A_2887 = arith.addf %add3A_2886, %mul3A_2884 : vector<16xf32>
      %mul3A_2888 = arith.mulf %mul3A_2870, %add3A_2887 : vector<16xf32>
      %add3A_2889 = arith.constant 1.000000e+00 : f32
      %add3A_2890 = vector.broadcast %add3A_2889 : f32 to vector<16xf32>
      %add3A_2891 = arith.addf %add3A_2890, %mul3A_2888 : vector<16xf32>
      %mul3A_2892 = arith.mulf %mul3A_2873, %add3A_2891 : vector<16xf32>
      %convert_element_type3A_2893 = arith.sitofp %sub3A_2855 : vector<16xi32> to vector<16xf32>
      %mul3A_2894 = arith.constant 0.693147182 : f32
      %mul3A_2895 = vector.broadcast %mul3A_2894 : f32 to vector<16xf32>
      %mul3A_2896 = arith.mulf %convert_element_type3A_2893, %mul3A_2895 : vector<16xf32>
      %add3A_2897 = arith.addf %mul3A_2896, %mul3A_2892 : vector<16xf32>
      %add3A_2898 = arith.addf %add3A_2822, %add3A_2897 : vector<16xf32>
      %neg3A_2899 = arith.constant 0.000000e+00 : f32
      %neg3A_2900 = vector.broadcast %neg3A_2899 : f32 to vector<16xf32>
      %neg3A_2901 = arith.subf %neg3A_2900, %bitcast_convert_type3A : vector<16xf32>
      %gt3A_2902 = arith.cmpf ogt, %add3A_2898, %neg3A_2901 : vector<16xf32>
      %lt3A_2903 = arith.constant 9 : i32
      %lt3A_2904 = vector.broadcast %lt3A_2903 : i32 to vector<16xi32>
      %lt3A_2905 = arith.cmpi slt, %iota3A, %lt3A_2904 : vector<16xi32>
      %and3A_2906 = arith.andi %gt3A_2902, %lt3A_2905 : vector<16xi1>
      %select_n3A_2907 = arith.select %and3A_2906, %add3A_16, %mul3A_13 : vector<16xi1>, vector<16xf32>
      %add3A_2908 = arith.addf %add3A_2832, %select_n3A_2907 : vector<16xf32>
      %get3A_2909 = arith.constant 352 : index
      %get3A_2910 = tpu.vector_load %arg5[%get3A_2909] {strides = array<i32>} : memref<608xi32, #tpu.memory_space<vmem>>, vector<16xi32>,
      %get3A_2911 = vector.shape_cast %get3A_2910 : vector<16xi32> to vector<16xi32>
      %shift_right_logical3A_2912 = arith.constant 9 : i32
      %shift_right_logical3A_2913 = vector.broadcast %shift_right_logical3A_2912 : i32 to vector<16xi32>
      %shift_right_logical3A_2914 = arith.shrui %get3A_2911, %shift_right_logical3A_2913 : vector<16xi32>
      %or3A_2915 = arith.constant 1065353216 : i32
      %or3A_2916 = vector.broadcast %or3A_2915 : i32 to vector<16xi32>
      %or3A_2917 = arith.ori %shift_right_logical3A_2914, %or3A_2916 : vector<16xi32>
      %bitcast_convert_type3A_2918 = tpu.bitcast %or3A_2917 : vector<16xi32> -> vector<16xf32>
      %sub3A_2919 = arith.constant 1.000000e+00 : f32
      %sub3A_2920 = vector.broadcast %sub3A_2919 : f32 to vector<16xf32>
      %sub3A_2921 = arith.subf %bitcast_convert_type3A_2918, %sub3A_2920 : vector<16xf32>
      %bitcast_convert_type3A_2922 = tpu.bitcast %sub3A_2921 : vector<16xf32> -> vector<16xi32>
      %shift_right_logical3A_2923 = arith.constant 23 : i32
      %shift_right_logical3A_2924 = vector.broadcast %shift_right_logical3A_2923 : i32 to vector<16xi32>
      %shift_right_logical3A_2925 = arith.shrui %bitcast_convert_type3A_2922, %shift_right_logical3A_2924 : vector<16xi32>
      %and3A_2926 = arith.constant 255 : i32
      %and3A_2927 = vector.broadcast %and3A_2926 : i32 to vector<16xi32>
      %and3A_2928 = arith.andi %shift_right_logical3A_2925, %and3A_2927 : vector<16xi32>
      %sub3A_2929 = arith.constant 127 : i32
      %sub3A_2930 = vector.broadcast %sub3A_2929 : i32 to vector<16xi32>
      %sub3A_2931 = arith.subi %and3A_2928, %sub3A_2930 : vector<16xi32>
      %and3A_2932 = arith.constant 8388607 : i32
      %and3A_2933 = vector.broadcast %and3A_2932 : i32 to vector<16xi32>
      %and3A_2934 = arith.andi %bitcast_convert_type3A_2922, %and3A_2933 : vector<16xi32>
      %or3A_2935 = arith.constant 1065353216 : i32
      %or3A_2936 = vector.broadcast %or3A_2935 : i32 to vector<16xi32>
      %or3A_2937 = arith.ori %and3A_2934, %or3A_2936 : vector<16xi32>
      %bitcast_convert_type3A_2938 = tpu.bitcast %or3A_2937 : vector<16xi32> -> vector<16xf32>
      %sub3A_2939 = arith.constant 1.000000e+00 : f32
      %sub3A_2940 = vector.broadcast %sub3A_2939 : f32 to vector<16xf32>
      %sub3A_2941 = arith.subf %bitcast_convert_type3A_2938, %sub3A_2940 : vector<16xf32>
      %add3A_2942 = arith.constant 1.000000e+00 : f32
      %add3A_2943 = vector.broadcast %add3A_2942 : f32 to vector<16xf32>
      %add3A_2944 = arith.addf %bitcast_convert_type3A_2938, %add3A_2943 : vector<16xf32>
      %div3A_2945 = arith.divf %sub3A_2941, %add3A_2944 : vector<16xf32>
      %mul3A_2946 = arith.mulf %div3A_2945, %div3A_2945 : vector<16xf32>
      %mul3A_2947 = arith.constant 2.000000e+00 : f32
      %mul3A_2948 = vector.broadcast %mul3A_2947 : f32 to vector<16xf32>
      %mul3A_2949 = arith.mulf %mul3A_2948, %div3A_2945 : vector<16xf32>
      %mul3A_2950 = arith.constant 0.111111112 : f32
      %mul3A_2951 = vector.broadcast %mul3A_2950 : f32 to vector<16xf32>
      %mul3A_2952 = arith.mulf %mul3A_2946, %mul3A_2951 : vector<16xf32>
      %add3A_2953 = arith.constant 0.142857149 : f32
      %add3A_2954 = vector.broadcast %add3A_2953 : f32 to vector<16xf32>
      %add3A_2955 = arith.addf %add3A_2954, %mul3A_2952 : vector<16xf32>
      %mul3A_2956 = arith.mulf %mul3A_2946, %add3A_2955 : vector<16xf32>
      %add3A_2957 = arith.constant 2.000000e-01 : f32
      %add3A_2958 = vector.broadcast %add3A_2957 : f32 to vector<16xf32>
      %add3A_2959 = arith.addf %add3A_2958, %mul3A_2956 : vector<16xf32>
      %mul3A_2960 = arith.mulf %mul3A_2946, %add3A_2959 : vector<16xf32>
      %add3A_2961 = arith.constant 0.333333343 : f32
      %add3A_2962 = vector.broadcast %add3A_2961 : f32 to vector<16xf32>
      %add3A_2963 = arith.addf %add3A_2962, %mul3A_2960 : vector<16xf32>
      %mul3A_2964 = arith.mulf %mul3A_2946, %add3A_2963 : vector<16xf32>
      %add3A_2965 = arith.constant 1.000000e+00 : f32
      %add3A_2966 = vector.broadcast %add3A_2965 : f32 to vector<16xf32>
      %add3A_2967 = arith.addf %add3A_2966, %mul3A_2964 : vector<16xf32>
      %mul3A_2968 = arith.mulf %mul3A_2949, %add3A_2967 : vector<16xf32>
      %convert_element_type3A_2969 = arith.sitofp %sub3A_2931 : vector<16xi32> to vector<16xf32>
      %mul3A_2970 = arith.constant 0.693147182 : f32
      %mul3A_2971 = vector.broadcast %mul3A_2970 : f32 to vector<16xf32>
      %mul3A_2972 = arith.mulf %convert_element_type3A_2969, %mul3A_2971 : vector<16xf32>
      %add3A_2973 = arith.addf %mul3A_2972, %mul3A_2968 : vector<16xf32>
      %add3A_2974 = arith.addf %add3A_2898, %add3A_2973 : vector<16xf32>
      %neg3A_2975 = arith.constant 0.000000e+00 : f32
      %neg3A_2976 = vector.broadcast %neg3A_2975 : f32 to vector<16xf32>
      %neg3A_2977 = arith.subf %neg3A_2976, %bitcast_convert_type3A : vector<16xf32>
      %gt3A_2978 = arith.cmpf ogt, %add3A_2974, %neg3A_2977 : vector<16xf32>
      %lt3A_2979 = arith.constant 9 : i32
      %lt3A_2980 = vector.broadcast %lt3A_2979 : i32 to vector<16xi32>
      %lt3A_2981 = arith.cmpi slt, %iota3A, %lt3A_2980 : vector<16xi32>
      %and3A_2982 = arith.andi %gt3A_2978, %lt3A_2981 : vector<16xi1>
      %select_n3A_2983 = arith.select %and3A_2982, %add3A_16, %mul3A_13 : vector<16xi1>, vector<16xf32>
      %add3A_2984 = arith.addf %add3A_2908, %select_n3A_2983 : vector<16xf32>
      %get3A_2985 = arith.constant 368 : index
      %get3A_2986 = tpu.vector_load %arg5[%get3A_2985] {strides = array<i32>} : memref<608xi32, #tpu.memory_space<vmem>>, vector<16xi32>,
      %get3A_2987 = vector.shape_cast %get3A_2986 : vector<16xi32> to vector<16xi32>
      %shift_right_logical3A_2988 = arith.constant 9 : i32
      %shift_right_logical3A_2989 = vector.broadcast %shift_right_logical3A_2988 : i32 to vector<16xi32>
      %shift_right_logical3A_2990 = arith.shrui %get3A_2987, %shift_right_logical3A_2989 : vector<16xi32>
      %or3A_2991 = arith.constant 1065353216 : i32
      %or3A_2992 = vector.broadcast %or3A_2991 : i32 to vector<16xi32>
      %or3A_2993 = arith.ori %shift_right_logical3A_2990, %or3A_2992 : vector<16xi32>
      %bitcast_convert_type3A_2994 = tpu.bitcast %or3A_2993 : vector<16xi32> -> vector<16xf32>
      %sub3A_2995 = arith.constant 1.000000e+00 : f32
      %sub3A_2996 = vector.broadcast %sub3A_2995 : f32 to vector<16xf32>
      %sub3A_2997 = arith.subf %bitcast_convert_type3A_2994, %sub3A_2996 : vector<16xf32>
      %bitcast_convert_type3A_2998 = tpu.bitcast %sub3A_2997 : vector<16xf32> -> vector<16xi32>
      %shift_right_logical3A_2999 = arith.constant 23 : i32
      %shift_right_logical3A_3000 = vector.broadcast %shift_right_logical3A_2999 : i32 to vector<16xi32>
      %shift_right_logical3A_3001 = arith.shrui %bitcast_convert_type3A_2998, %shift_right_logical3A_3000 : vector<16xi32>
      %and3A_3002 = arith.constant 255 : i32
      %and3A_3003 = vector.broadcast %and3A_3002 : i32 to vector<16xi32>
      %and3A_3004 = arith.andi %shift_right_logical3A_3001, %and3A_3003 : vector<16xi32>
      %sub3A_3005 = arith.constant 127 : i32
      %sub3A_3006 = vector.broadcast %sub3A_3005 : i32 to vector<16xi32>
      %sub3A_3007 = arith.subi %and3A_3004, %sub3A_3006 : vector<16xi32>
      %and3A_3008 = arith.constant 8388607 : i32
      %and3A_3009 = vector.broadcast %and3A_3008 : i32 to vector<16xi32>
      %and3A_3010 = arith.andi %bitcast_convert_type3A_2998, %and3A_3009 : vector<16xi32>
      %or3A_3011 = arith.constant 1065353216 : i32
      %or3A_3012 = vector.broadcast %or3A_3011 : i32 to vector<16xi32>
      %or3A_3013 = arith.ori %and3A_3010, %or3A_3012 : vector<16xi32>
      %bitcast_convert_type3A_3014 = tpu.bitcast %or3A_3013 : vector<16xi32> -> vector<16xf32>
      %sub3A_3015 = arith.constant 1.000000e+00 : f32
      %sub3A_3016 = vector.broadcast %sub3A_3015 : f32 to vector<16xf32>
      %sub3A_3017 = arith.subf %bitcast_convert_type3A_3014, %sub3A_3016 : vector<16xf32>
      %add3A_3018 = arith.constant 1.000000e+00 : f32
      %add3A_3019 = vector.broadcast %add3A_3018 : f32 to vector<16xf32>
      %add3A_3020 = arith.addf %bitcast_convert_type3A_3014, %add3A_3019 : vector<16xf32>
      %div3A_3021 = arith.divf %sub3A_3017, %add3A_3020 : vector<16xf32>
      %mul3A_3022 = arith.mulf %div3A_3021, %div3A_3021 : vector<16xf32>
      %mul3A_3023 = arith.constant 2.000000e+00 : f32
      %mul3A_3024 = vector.broadcast %mul3A_3023 : f32 to vector<16xf32>
      %mul3A_3025 = arith.mulf %mul3A_3024, %div3A_3021 : vector<16xf32>
      %mul3A_3026 = arith.constant 0.111111112 : f32
      %mul3A_3027 = vector.broadcast %mul3A_3026 : f32 to vector<16xf32>
      %mul3A_3028 = arith.mulf %mul3A_3022, %mul3A_3027 : vector<16xf32>
      %add3A_3029 = arith.constant 0.142857149 : f32
      %add3A_3030 = vector.broadcast %add3A_3029 : f32 to vector<16xf32>
      %add3A_3031 = arith.addf %add3A_3030, %mul3A_3028 : vector<16xf32>
      %mul3A_3032 = arith.mulf %mul3A_3022, %add3A_3031 : vector<16xf32>
      %add3A_3033 = arith.constant 2.000000e-01 : f32
      %add3A_3034 = vector.broadcast %add3A_3033 : f32 to vector<16xf32>
      %add3A_3035 = arith.addf %add3A_3034, %mul3A_3032 : vector<16xf32>
      %mul3A_3036 = arith.mulf %mul3A_3022, %add3A_3035 : vector<16xf32>
      %add3A_3037 = arith.constant 0.333333343 : f32
      %add3A_3038 = vector.broadcast %add3A_3037 : f32 to vector<16xf32>
      %add3A_3039 = arith.addf %add3A_3038, %mul3A_3036 : vector<16xf32>
      %mul3A_3040 = arith.mulf %mul3A_3022, %add3A_3039 : vector<16xf32>
      %add3A_3041 = arith.constant 1.000000e+00 : f32
      %add3A_3042 = vector.broadcast %add3A_3041 : f32 to vector<16xf32>
      %add3A_3043 = arith.addf %add3A_3042, %mul3A_3040 : vector<16xf32>
      %mul3A_3044 = arith.mulf %mul3A_3025, %add3A_3043 : vector<16xf32>
      %convert_element_type3A_3045 = arith.sitofp %sub3A_3007 : vector<16xi32> to vector<16xf32>
      %mul3A_3046 = arith.constant 0.693147182 : f32
      %mul3A_3047 = vector.broadcast %mul3A_3046 : f32 to vector<16xf32>
      %mul3A_3048 = arith.mulf %convert_element_type3A_3045, %mul3A_3047 : vector<16xf32>
      %add3A_3049 = arith.addf %mul3A_3048, %mul3A_3044 : vector<16xf32>
      %add3A_3050 = arith.addf %add3A_2974, %add3A_3049 : vector<16xf32>
      %neg3A_3051 = arith.constant 0.000000e+00 : f32
      %neg3A_3052 = vector.broadcast %neg3A_3051 : f32 to vector<16xf32>
      %neg3A_3053 = arith.subf %neg3A_3052, %bitcast_convert_type3A : vector<16xf32>
      %gt3A_3054 = arith.cmpf ogt, %add3A_3050, %neg3A_3053 : vector<16xf32>
      %lt3A_3055 = arith.constant 9 : i32
      %lt3A_3056 = vector.broadcast %lt3A_3055 : i32 to vector<16xi32>
      %lt3A_3057 = arith.cmpi slt, %iota3A, %lt3A_3056 : vector<16xi32>
      %and3A_3058 = arith.andi %gt3A_3054, %lt3A_3057 : vector<16xi1>
      %select_n3A_3059 = arith.select %and3A_3058, %add3A_16, %mul3A_13 : vector<16xi1>, vector<16xf32>
      %add3A_3060 = arith.addf %add3A_2984, %select_n3A_3059 : vector<16xf32>
      %get3A_3061 = arith.constant 384 : index
      %get3A_3062 = tpu.vector_load %arg5[%get3A_3061] {strides = array<i32>} : memref<608xi32, #tpu.memory_space<vmem>>, vector<16xi32>,
      %get3A_3063 = vector.shape_cast %get3A_3062 : vector<16xi32> to vector<16xi32>
      %shift_right_logical3A_3064 = arith.constant 9 : i32
      %shift_right_logical3A_3065 = vector.broadcast %shift_right_logical3A_3064 : i32 to vector<16xi32>
      %shift_right_logical3A_3066 = arith.shrui %get3A_3063, %shift_right_logical3A_3065 : vector<16xi32>
      %or3A_3067 = arith.constant 1065353216 : i32
      %or3A_3068 = vector.broadcast %or3A_3067 : i32 to vector<16xi32>
      %or3A_3069 = arith.ori %shift_right_logical3A_3066, %or3A_3068 : vector<16xi32>
      %bitcast_convert_type3A_3070 = tpu.bitcast %or3A_3069 : vector<16xi32> -> vector<16xf32>
      %sub3A_3071 = arith.constant 1.000000e+00 : f32
      %sub3A_3072 = vector.broadcast %sub3A_3071 : f32 to vector<16xf32>
      %sub3A_3073 = arith.subf %bitcast_convert_type3A_3070, %sub3A_3072 : vector<16xf32>
      %bitcast_convert_type3A_3074 = tpu.bitcast %sub3A_3073 : vector<16xf32> -> vector<16xi32>
      %shift_right_logical3A_3075 = arith.constant 23 : i32
      %shift_right_logical3A_3076 = vector.broadcast %shift_right_logical3A_3075 : i32 to vector<16xi32>
      %shift_right_logical3A_3077 = arith.shrui %bitcast_convert_type3A_3074, %shift_right_logical3A_3076 : vector<16xi32>
      %and3A_3078 = arith.constant 255 : i32
      %and3A_3079 = vector.broadcast %and3A_3078 : i32 to vector<16xi32>
      %and3A_3080 = arith.andi %shift_right_logical3A_3077, %and3A_3079 : vector<16xi32>
      %sub3A_3081 = arith.constant 127 : i32
      %sub3A_3082 = vector.broadcast %sub3A_3081 : i32 to vector<16xi32>
      %sub3A_3083 = arith.subi %and3A_3080, %sub3A_3082 : vector<16xi32>
      %and3A_3084 = arith.constant 8388607 : i32
      %and3A_3085 = vector.broadcast %and3A_3084 : i32 to vector<16xi32>
      %and3A_3086 = arith.andi %bitcast_convert_type3A_3074, %and3A_3085 : vector<16xi32>
      %or3A_3087 = arith.constant 1065353216 : i32
      %or3A_3088 = vector.broadcast %or3A_3087 : i32 to vector<16xi32>
      %or3A_3089 = arith.ori %and3A_3086, %or3A_3088 : vector<16xi32>
      %bitcast_convert_type3A_3090 = tpu.bitcast %or3A_3089 : vector<16xi32> -> vector<16xf32>
      %sub3A_3091 = arith.constant 1.000000e+00 : f32
      %sub3A_3092 = vector.broadcast %sub3A_3091 : f32 to vector<16xf32>
      %sub3A_3093 = arith.subf %bitcast_convert_type3A_3090, %sub3A_3092 : vector<16xf32>
      %add3A_3094 = arith.constant 1.000000e+00 : f32
      %add3A_3095 = vector.broadcast %add3A_3094 : f32 to vector<16xf32>
      %add3A_3096 = arith.addf %bitcast_convert_type3A_3090, %add3A_3095 : vector<16xf32>
      %div3A_3097 = arith.divf %sub3A_3093, %add3A_3096 : vector<16xf32>
      %mul3A_3098 = arith.mulf %div3A_3097, %div3A_3097 : vector<16xf32>
      %mul3A_3099 = arith.constant 2.000000e+00 : f32
      %mul3A_3100 = vector.broadcast %mul3A_3099 : f32 to vector<16xf32>
      %mul3A_3101 = arith.mulf %mul3A_3100, %div3A_3097 : vector<16xf32>
      %mul3A_3102 = arith.constant 0.111111112 : f32
      %mul3A_3103 = vector.broadcast %mul3A_3102 : f32 to vector<16xf32>
      %mul3A_3104 = arith.mulf %mul3A_3098, %mul3A_3103 : vector<16xf32>
      %add3A_3105 = arith.constant 0.142857149 : f32
      %add3A_3106 = vector.broadcast %add3A_3105 : f32 to vector<16xf32>
      %add3A_3107 = arith.addf %add3A_3106, %mul3A_3104 : vector<16xf32>
      %mul3A_3108 = arith.mulf %mul3A_3098, %add3A_3107 : vector<16xf32>
      %add3A_3109 = arith.constant 2.000000e-01 : f32
      %add3A_3110 = vector.broadcast %add3A_3109 : f32 to vector<16xf32>
      %add3A_3111 = arith.addf %add3A_3110, %mul3A_3108 : vector<16xf32>
      %mul3A_3112 = arith.mulf %mul3A_3098, %add3A_3111 : vector<16xf32>
      %add3A_3113 = arith.constant 0.333333343 : f32
      %add3A_3114 = vector.broadcast %add3A_3113 : f32 to vector<16xf32>
      %add3A_3115 = arith.addf %add3A_3114, %mul3A_3112 : vector<16xf32>
      %mul3A_3116 = arith.mulf %mul3A_3098, %add3A_3115 : vector<16xf32>
      %add3A_3117 = arith.constant 1.000000e+00 : f32
      %add3A_3118 = vector.broadcast %add3A_3117 : f32 to vector<16xf32>
      %add3A_3119 = arith.addf %add3A_3118, %mul3A_3116 : vector<16xf32>
      %mul3A_3120 = arith.mulf %mul3A_3101, %add3A_3119 : vector<16xf32>
      %convert_element_type3A_3121 = arith.sitofp %sub3A_3083 : vector<16xi32> to vector<16xf32>
      %mul3A_3122 = arith.constant 0.693147182 : f32
      %mul3A_3123 = vector.broadcast %mul3A_3122 : f32 to vector<16xf32>
      %mul3A_3124 = arith.mulf %convert_element_type3A_3121, %mul3A_3123 : vector<16xf32>
      %add3A_3125 = arith.addf %mul3A_3124, %mul3A_3120 : vector<16xf32>
      %add3A_3126 = arith.addf %add3A_3050, %add3A_3125 : vector<16xf32>
      %neg3A_3127 = arith.constant 0.000000e+00 : f32
      %neg3A_3128 = vector.broadcast %neg3A_3127 : f32 to vector<16xf32>
      %neg3A_3129 = arith.subf %neg3A_3128, %bitcast_convert_type3A : vector<16xf32>
      %gt3A_3130 = arith.cmpf ogt, %add3A_3126, %neg3A_3129 : vector<16xf32>
      %lt3A_3131 = arith.constant 9 : i32
      %lt3A_3132 = vector.broadcast %lt3A_3131 : i32 to vector<16xi32>
      %lt3A_3133 = arith.cmpi slt, %iota3A, %lt3A_3132 : vector<16xi32>
      %and3A_3134 = arith.andi %gt3A_3130, %lt3A_3133 : vector<16xi1>
      %select_n3A_3135 = arith.select %and3A_3134, %add3A_16, %mul3A_13 : vector<16xi1>, vector<16xf32>
      %add3A_3136 = arith.addf %add3A_3060, %select_n3A_3135 : vector<16xf32>
      %get3A_3137 = arith.constant 400 : index
      %get3A_3138 = tpu.vector_load %arg5[%get3A_3137] {strides = array<i32>} : memref<608xi32, #tpu.memory_space<vmem>>, vector<16xi32>,
      %get3A_3139 = vector.shape_cast %get3A_3138 : vector<16xi32> to vector<16xi32>
      %shift_right_logical3A_3140 = arith.constant 9 : i32
      %shift_right_logical3A_3141 = vector.broadcast %shift_right_logical3A_3140 : i32 to vector<16xi32>
      %shift_right_logical3A_3142 = arith.shrui %get3A_3139, %shift_right_logical3A_3141 : vector<16xi32>
      %or3A_3143 = arith.constant 1065353216 : i32
      %or3A_3144 = vector.broadcast %or3A_3143 : i32 to vector<16xi32>
      %or3A_3145 = arith.ori %shift_right_logical3A_3142, %or3A_3144 : vector<16xi32>
      %bitcast_convert_type3A_3146 = tpu.bitcast %or3A_3145 : vector<16xi32> -> vector<16xf32>
      %sub3A_3147 = arith.constant 1.000000e+00 : f32
      %sub3A_3148 = vector.broadcast %sub3A_3147 : f32 to vector<16xf32>
      %sub3A_3149 = arith.subf %bitcast_convert_type3A_3146, %sub3A_3148 : vector<16xf32>
      %bitcast_convert_type3A_3150 = tpu.bitcast %sub3A_3149 : vector<16xf32> -> vector<16xi32>
      %shift_right_logical3A_3151 = arith.constant 23 : i32
      %shift_right_logical3A_3152 = vector.broadcast %shift_right_logical3A_3151 : i32 to vector<16xi32>
      %shift_right_logical3A_3153 = arith.shrui %bitcast_convert_type3A_3150, %shift_right_logical3A_3152 : vector<16xi32>
      %and3A_3154 = arith.constant 255 : i32
      %and3A_3155 = vector.broadcast %and3A_3154 : i32 to vector<16xi32>
      %and3A_3156 = arith.andi %shift_right_logical3A_3153, %and3A_3155 : vector<16xi32>
      %sub3A_3157 = arith.constant 127 : i32
      %sub3A_3158 = vector.broadcast %sub3A_3157 : i32 to vector<16xi32>
      %sub3A_3159 = arith.subi %and3A_3156, %sub3A_3158 : vector<16xi32>
      %and3A_3160 = arith.constant 8388607 : i32
      %and3A_3161 = vector.broadcast %and3A_3160 : i32 to vector<16xi32>
      %and3A_3162 = arith.andi %bitcast_convert_type3A_3150, %and3A_3161 : vector<16xi32>
      %or3A_3163 = arith.constant 1065353216 : i32
      %or3A_3164 = vector.broadcast %or3A_3163 : i32 to vector<16xi32>
      %or3A_3165 = arith.ori %and3A_3162, %or3A_3164 : vector<16xi32>
      %bitcast_convert_type3A_3166 = tpu.bitcast %or3A_3165 : vector<16xi32> -> vector<16xf32>
      %sub3A_3167 = arith.constant 1.000000e+00 : f32
      %sub3A_3168 = vector.broadcast %sub3A_3167 : f32 to vector<16xf32>
      %sub3A_3169 = arith.subf %bitcast_convert_type3A_3166, %sub3A_3168 : vector<16xf32>
      %add3A_3170 = arith.constant 1.000000e+00 : f32
      %add3A_3171 = vector.broadcast %add3A_3170 : f32 to vector<16xf32>
      %add3A_3172 = arith.addf %bitcast_convert_type3A_3166, %add3A_3171 : vector<16xf32>
      %div3A_3173 = arith.divf %sub3A_3169, %add3A_3172 : vector<16xf32>
      %mul3A_3174 = arith.mulf %div3A_3173, %div3A_3173 : vector<16xf32>
      %mul3A_3175 = arith.constant 2.000000e+00 : f32
      %mul3A_3176 = vector.broadcast %mul3A_3175 : f32 to vector<16xf32>
      %mul3A_3177 = arith.mulf %mul3A_3176, %div3A_3173 : vector<16xf32>
      %mul3A_3178 = arith.constant 0.111111112 : f32
      %mul3A_3179 = vector.broadcast %mul3A_3178 : f32 to vector<16xf32>
      %mul3A_3180 = arith.mulf %mul3A_3174, %mul3A_3179 : vector<16xf32>
      %add3A_3181 = arith.constant 0.142857149 : f32
      %add3A_3182 = vector.broadcast %add3A_3181 : f32 to vector<16xf32>
      %add3A_3183 = arith.addf %add3A_3182, %mul3A_3180 : vector<16xf32>
      %mul3A_3184 = arith.mulf %mul3A_3174, %add3A_3183 : vector<16xf32>
      %add3A_3185 = arith.constant 2.000000e-01 : f32
      %add3A_3186 = vector.broadcast %add3A_3185 : f32 to vector<16xf32>
      %add3A_3187 = arith.addf %add3A_3186, %mul3A_3184 : vector<16xf32>
      %mul3A_3188 = arith.mulf %mul3A_3174, %add3A_3187 : vector<16xf32>
      %add3A_3189 = arith.constant 0.333333343 : f32
      %add3A_3190 = vector.broadcast %add3A_3189 : f32 to vector<16xf32>
      %add3A_3191 = arith.addf %add3A_3190, %mul3A_3188 : vector<16xf32>
      %mul3A_3192 = arith.mulf %mul3A_3174, %add3A_3191 : vector<16xf32>
      %add3A_3193 = arith.constant 1.000000e+00 : f32
      %add3A_3194 = vector.broadcast %add3A_3193 : f32 to vector<16xf32>
      %add3A_3195 = arith.addf %add3A_3194, %mul3A_3192 : vector<16xf32>
      %mul3A_3196 = arith.mulf %mul3A_3177, %add3A_3195 : vector<16xf32>
      %convert_element_type3A_3197 = arith.sitofp %sub3A_3159 : vector<16xi32> to vector<16xf32>
      %mul3A_3198 = arith.constant 0.693147182 : f32
      %mul3A_3199 = vector.broadcast %mul3A_3198 : f32 to vector<16xf32>
      %mul3A_3200 = arith.mulf %convert_element_type3A_3197, %mul3A_3199 : vector<16xf32>
      %add3A_3201 = arith.addf %mul3A_3200, %mul3A_3196 : vector<16xf32>
      %add3A_3202 = arith.addf %add3A_3126, %add3A_3201 : vector<16xf32>
      %neg3A_3203 = arith.constant 0.000000e+00 : f32
      %neg3A_3204 = vector.broadcast %neg3A_3203 : f32 to vector<16xf32>
      %neg3A_3205 = arith.subf %neg3A_3204, %bitcast_convert_type3A : vector<16xf32>
      %gt3A_3206 = arith.cmpf ogt, %add3A_3202, %neg3A_3205 : vector<16xf32>
      %lt3A_3207 = arith.constant 9 : i32
      %lt3A_3208 = vector.broadcast %lt3A_3207 : i32 to vector<16xi32>
      %lt3A_3209 = arith.cmpi slt, %iota3A, %lt3A_3208 : vector<16xi32>
      %and3A_3210 = arith.andi %gt3A_3206, %lt3A_3209 : vector<16xi1>
      %select_n3A_3211 = arith.select %and3A_3210, %add3A_16, %mul3A_13 : vector<16xi1>, vector<16xf32>
      %add3A_3212 = arith.addf %add3A_3136, %select_n3A_3211 : vector<16xf32>
      %get3A_3213 = arith.constant 416 : index
      %get3A_3214 = tpu.vector_load %arg5[%get3A_3213] {strides = array<i32>} : memref<608xi32, #tpu.memory_space<vmem>>, vector<16xi32>,
      %get3A_3215 = vector.shape_cast %get3A_3214 : vector<16xi32> to vector<16xi32>
      %shift_right_logical3A_3216 = arith.constant 9 : i32
      %shift_right_logical3A_3217 = vector.broadcast %shift_right_logical3A_3216 : i32 to vector<16xi32>
      %shift_right_logical3A_3218 = arith.shrui %get3A_3215, %shift_right_logical3A_3217 : vector<16xi32>
      %or3A_3219 = arith.constant 1065353216 : i32
      %or3A_3220 = vector.broadcast %or3A_3219 : i32 to vector<16xi32>
      %or3A_3221 = arith.ori %shift_right_logical3A_3218, %or3A_3220 : vector<16xi32>
      %bitcast_convert_type3A_3222 = tpu.bitcast %or3A_3221 : vector<16xi32> -> vector<16xf32>
      %sub3A_3223 = arith.constant 1.000000e+00 : f32
      %sub3A_3224 = vector.broadcast %sub3A_3223 : f32 to vector<16xf32>
      %sub3A_3225 = arith.subf %bitcast_convert_type3A_3222, %sub3A_3224 : vector<16xf32>
      %bitcast_convert_type3A_3226 = tpu.bitcast %sub3A_3225 : vector<16xf32> -> vector<16xi32>
      %shift_right_logical3A_3227 = arith.constant 23 : i32
      %shift_right_logical3A_3228 = vector.broadcast %shift_right_logical3A_3227 : i32 to vector<16xi32>
      %shift_right_logical3A_3229 = arith.shrui %bitcast_convert_type3A_3226, %shift_right_logical3A_3228 : vector<16xi32>
      %and3A_3230 = arith.constant 255 : i32
      %and3A_3231 = vector.broadcast %and3A_3230 : i32 to vector<16xi32>
      %and3A_3232 = arith.andi %shift_right_logical3A_3229, %and3A_3231 : vector<16xi32>
      %sub3A_3233 = arith.constant 127 : i32
      %sub3A_3234 = vector.broadcast %sub3A_3233 : i32 to vector<16xi32>
      %sub3A_3235 = arith.subi %and3A_3232, %sub3A_3234 : vector<16xi32>
      %and3A_3236 = arith.constant 8388607 : i32
      %and3A_3237 = vector.broadcast %and3A_3236 : i32 to vector<16xi32>
      %and3A_3238 = arith.andi %bitcast_convert_type3A_3226, %and3A_3237 : vector<16xi32>
      %or3A_3239 = arith.constant 1065353216 : i32
      %or3A_3240 = vector.broadcast %or3A_3239 : i32 to vector<16xi32>
      %or3A_3241 = arith.ori %and3A_3238, %or3A_3240 : vector<16xi32>
      %bitcast_convert_type3A_3242 = tpu.bitcast %or3A_3241 : vector<16xi32> -> vector<16xf32>
      %sub3A_3243 = arith.constant 1.000000e+00 : f32
      %sub3A_3244 = vector.broadcast %sub3A_3243 : f32 to vector<16xf32>
      %sub3A_3245 = arith.subf %bitcast_convert_type3A_3242, %sub3A_3244 : vector<16xf32>
      %add3A_3246 = arith.constant 1.000000e+00 : f32
      %add3A_3247 = vector.broadcast %add3A_3246 : f32 to vector<16xf32>
      %add3A_3248 = arith.addf %bitcast_convert_type3A_3242, %add3A_3247 : vector<16xf32>
      %div3A_3249 = arith.divf %sub3A_3245, %add3A_3248 : vector<16xf32>
      %mul3A_3250 = arith.mulf %div3A_3249, %div3A_3249 : vector<16xf32>
      %mul3A_3251 = arith.constant 2.000000e+00 : f32
      %mul3A_3252 = vector.broadcast %mul3A_3251 : f32 to vector<16xf32>
      %mul3A_3253 = arith.mulf %mul3A_3252, %div3A_3249 : vector<16xf32>
      %mul3A_3254 = arith.constant 0.111111112 : f32
      %mul3A_3255 = vector.broadcast %mul3A_3254 : f32 to vector<16xf32>
      %mul3A_3256 = arith.mulf %mul3A_3250, %mul3A_3255 : vector<16xf32>
      %add3A_3257 = arith.constant 0.142857149 : f32
      %add3A_3258 = vector.broadcast %add3A_3257 : f32 to vector<16xf32>
      %add3A_3259 = arith.addf %add3A_3258, %mul3A_3256 : vector<16xf32>
      %mul3A_3260 = arith.mulf %mul3A_3250, %add3A_3259 : vector<16xf32>
      %add3A_3261 = arith.constant 2.000000e-01 : f32
      %add3A_3262 = vector.broadcast %add3A_3261 : f32 to vector<16xf32>
      %add3A_3263 = arith.addf %add3A_3262, %mul3A_3260 : vector<16xf32>
      %mul3A_3264 = arith.mulf %mul3A_3250, %add3A_3263 : vector<16xf32>
      %add3A_3265 = arith.constant 0.333333343 : f32
      %add3A_3266 = vector.broadcast %add3A_3265 : f32 to vector<16xf32>
      %add3A_3267 = arith.addf %add3A_3266, %mul3A_3264 : vector<16xf32>
      %mul3A_3268 = arith.mulf %mul3A_3250, %add3A_3267 : vector<16xf32>
      %add3A_3269 = arith.constant 1.000000e+00 : f32
      %add3A_3270 = vector.broadcast %add3A_3269 : f32 to vector<16xf32>
      %add3A_3271 = arith.addf %add3A_3270, %mul3A_3268 : vector<16xf32>
      %mul3A_3272 = arith.mulf %mul3A_3253, %add3A_3271 : vector<16xf32>
      %convert_element_type3A_3273 = arith.sitofp %sub3A_3235 : vector<16xi32> to vector<16xf32>
      %mul3A_3274 = arith.constant 0.693147182 : f32
      %mul3A_3275 = vector.broadcast %mul3A_3274 : f32 to vector<16xf32>
      %mul3A_3276 = arith.mulf %convert_element_type3A_3273, %mul3A_3275 : vector<16xf32>
      %add3A_3277 = arith.addf %mul3A_3276, %mul3A_3272 : vector<16xf32>
      %add3A_3278 = arith.addf %add3A_3202, %add3A_3277 : vector<16xf32>
      %neg3A_3279 = arith.constant 0.000000e+00 : f32
      %neg3A_3280 = vector.broadcast %neg3A_3279 : f32 to vector<16xf32>
      %neg3A_3281 = arith.subf %neg3A_3280, %bitcast_convert_type3A : vector<16xf32>
      %gt3A_3282 = arith.cmpf ogt, %add3A_3278, %neg3A_3281 : vector<16xf32>
      %lt3A_3283 = arith.constant 9 : i32
      %lt3A_3284 = vector.broadcast %lt3A_3283 : i32 to vector<16xi32>
      %lt3A_3285 = arith.cmpi slt, %iota3A, %lt3A_3284 : vector<16xi32>
      %and3A_3286 = arith.andi %gt3A_3282, %lt3A_3285 : vector<16xi1>
      %select_n3A_3287 = arith.select %and3A_3286, %add3A_16, %mul3A_13 : vector<16xi1>, vector<16xf32>
      %add3A_3288 = arith.addf %add3A_3212, %select_n3A_3287 : vector<16xf32>
      %get3A_3289 = arith.constant 432 : index
      %get3A_3290 = tpu.vector_load %arg5[%get3A_3289] {strides = array<i32>} : memref<608xi32, #tpu.memory_space<vmem>>, vector<16xi32>,
      %get3A_3291 = vector.shape_cast %get3A_3290 : vector<16xi32> to vector<16xi32>
      %shift_right_logical3A_3292 = arith.constant 9 : i32
      %shift_right_logical3A_3293 = vector.broadcast %shift_right_logical3A_3292 : i32 to vector<16xi32>
      %shift_right_logical3A_3294 = arith.shrui %get3A_3291, %shift_right_logical3A_3293 : vector<16xi32>
      %or3A_3295 = arith.constant 1065353216 : i32
      %or3A_3296 = vector.broadcast %or3A_3295 : i32 to vector<16xi32>
      %or3A_3297 = arith.ori %shift_right_logical3A_3294, %or3A_3296 : vector<16xi32>
      %bitcast_convert_type3A_3298 = tpu.bitcast %or3A_3297 : vector<16xi32> -> vector<16xf32>
      %sub3A_3299 = arith.constant 1.000000e+00 : f32
      %sub3A_3300 = vector.broadcast %sub3A_3299 : f32 to vector<16xf32>
      %sub3A_3301 = arith.subf %bitcast_convert_type3A_3298, %sub3A_3300 : vector<16xf32>
      %bitcast_convert_type3A_3302 = tpu.bitcast %sub3A_3301 : vector<16xf32> -> vector<16xi32>
      %shift_right_logical3A_3303 = arith.constant 23 : i32
      %shift_right_logical3A_3304 = vector.broadcast %shift_right_logical3A_3303 : i32 to vector<16xi32>
      %shift_right_logical3A_3305 = arith.shrui %bitcast_convert_type3A_3302, %shift_right_logical3A_3304 : vector<16xi32>
      %and3A_3306 = arith.constant 255 : i32
      %and3A_3307 = vector.broadcast %and3A_3306 : i32 to vector<16xi32>
      %and3A_3308 = arith.andi %shift_right_logical3A_3305, %and3A_3307 : vector<16xi32>
      %sub3A_3309 = arith.constant 127 : i32
      %sub3A_3310 = vector.broadcast %sub3A_3309 : i32 to vector<16xi32>
      %sub3A_3311 = arith.subi %and3A_3308, %sub3A_3310 : vector<16xi32>
      %and3A_3312 = arith.constant 8388607 : i32
      %and3A_3313 = vector.broadcast %and3A_3312 : i32 to vector<16xi32>
      %and3A_3314 = arith.andi %bitcast_convert_type3A_3302, %and3A_3313 : vector<16xi32>
      %or3A_3315 = arith.constant 1065353216 : i32
      %or3A_3316 = vector.broadcast %or3A_3315 : i32 to vector<16xi32>
      %or3A_3317 = arith.ori %and3A_3314, %or3A_3316 : vector<16xi32>
      %bitcast_convert_type3A_3318 = tpu.bitcast %or3A_3317 : vector<16xi32> -> vector<16xf32>
      %sub3A_3319 = arith.constant 1.000000e+00 : f32
      %sub3A_3320 = vector.broadcast %sub3A_3319 : f32 to vector<16xf32>
      %sub3A_3321 = arith.subf %bitcast_convert_type3A_3318, %sub3A_3320 : vector<16xf32>
      %add3A_3322 = arith.constant 1.000000e+00 : f32
      %add3A_3323 = vector.broadcast %add3A_3322 : f32 to vector<16xf32>
      %add3A_3324 = arith.addf %bitcast_convert_type3A_3318, %add3A_3323 : vector<16xf32>
      %div3A_3325 = arith.divf %sub3A_3321, %add3A_3324 : vector<16xf32>
      %mul3A_3326 = arith.mulf %div3A_3325, %div3A_3325 : vector<16xf32>
      %mul3A_3327 = arith.constant 2.000000e+00 : f32
      %mul3A_3328 = vector.broadcast %mul3A_3327 : f32 to vector<16xf32>
      %mul3A_3329 = arith.mulf %mul3A_3328, %div3A_3325 : vector<16xf32>
      %mul3A_3330 = arith.constant 0.111111112 : f32
      %mul3A_3331 = vector.broadcast %mul3A_3330 : f32 to vector<16xf32>
      %mul3A_3332 = arith.mulf %mul3A_3326, %mul3A_3331 : vector<16xf32>
      %add3A_3333 = arith.constant 0.142857149 : f32
      %add3A_3334 = vector.broadcast %add3A_3333 : f32 to vector<16xf32>
      %add3A_3335 = arith.addf %add3A_3334, %mul3A_3332 : vector<16xf32>
      %mul3A_3336 = arith.mulf %mul3A_3326, %add3A_3335 : vector<16xf32>
      %add3A_3337 = arith.constant 2.000000e-01 : f32
      %add3A_3338 = vector.broadcast %add3A_3337 : f32 to vector<16xf32>
      %add3A_3339 = arith.addf %add3A_3338, %mul3A_3336 : vector<16xf32>
      %mul3A_3340 = arith.mulf %mul3A_3326, %add3A_3339 : vector<16xf32>
      %add3A_3341 = arith.constant 0.333333343 : f32
      %add3A_3342 = vector.broadcast %add3A_3341 : f32 to vector<16xf32>
      %add3A_3343 = arith.addf %add3A_3342, %mul3A_3340 : vector<16xf32>
      %mul3A_3344 = arith.mulf %mul3A_3326, %add3A_3343 : vector<16xf32>
      %add3A_3345 = arith.constant 1.000000e+00 : f32
      %add3A_3346 = vector.broadcast %add3A_3345 : f32 to vector<16xf32>
      %add3A_3347 = arith.addf %add3A_3346, %mul3A_3344 : vector<16xf32>
      %mul3A_3348 = arith.mulf %mul3A_3329, %add3A_3347 : vector<16xf32>
      %convert_element_type3A_3349 = arith.sitofp %sub3A_3311 : vector<16xi32> to vector<16xf32>
      %mul3A_3350 = arith.constant 0.693147182 : f32
      %mul3A_3351 = vector.broadcast %mul3A_3350 : f32 to vector<16xf32>
      %mul3A_3352 = arith.mulf %convert_element_type3A_3349, %mul3A_3351 : vector<16xf32>
      %add3A_3353 = arith.addf %mul3A_3352, %mul3A_3348 : vector<16xf32>
      %add3A_3354 = arith.addf %add3A_3278, %add3A_3353 : vector<16xf32>
      %neg3A_3355 = arith.constant 0.000000e+00 : f32
      %neg3A_3356 = vector.broadcast %neg3A_3355 : f32 to vector<16xf32>
      %neg3A_3357 = arith.subf %neg3A_3356, %bitcast_convert_type3A : vector<16xf32>
      %gt3A_3358 = arith.cmpf ogt, %add3A_3354, %neg3A_3357 : vector<16xf32>
      %lt3A_3359 = arith.constant 9 : i32
      %lt3A_3360 = vector.broadcast %lt3A_3359 : i32 to vector<16xi32>
      %lt3A_3361 = arith.cmpi slt, %iota3A, %lt3A_3360 : vector<16xi32>
      %and3A_3362 = arith.andi %gt3A_3358, %lt3A_3361 : vector<16xi1>
      %select_n3A_3363 = arith.select %and3A_3362, %add3A_16, %mul3A_13 : vector<16xi1>, vector<16xf32>
      %add3A_3364 = arith.addf %add3A_3288, %select_n3A_3363 : vector<16xf32>
      %get3A_3365 = arith.constant 448 : index
      %get3A_3366 = tpu.vector_load %arg5[%get3A_3365] {strides = array<i32>} : memref<608xi32, #tpu.memory_space<vmem>>, vector<16xi32>,
      %get3A_3367 = vector.shape_cast %get3A_3366 : vector<16xi32> to vector<16xi32>
      %shift_right_logical3A_3368 = arith.constant 9 : i32
      %shift_right_logical3A_3369 = vector.broadcast %shift_right_logical3A_3368 : i32 to vector<16xi32>
      %shift_right_logical3A_3370 = arith.shrui %get3A_3367, %shift_right_logical3A_3369 : vector<16xi32>
      %or3A_3371 = arith.constant 1065353216 : i32
      %or3A_3372 = vector.broadcast %or3A_3371 : i32 to vector<16xi32>
      %or3A_3373 = arith.ori %shift_right_logical3A_3370, %or3A_3372 : vector<16xi32>
      %bitcast_convert_type3A_3374 = tpu.bitcast %or3A_3373 : vector<16xi32> -> vector<16xf32>
      %sub3A_3375 = arith.constant 1.000000e+00 : f32
      %sub3A_3376 = vector.broadcast %sub3A_3375 : f32 to vector<16xf32>
      %sub3A_3377 = arith.subf %bitcast_convert_type3A_3374, %sub3A_3376 : vector<16xf32>
      %bitcast_convert_type3A_3378 = tpu.bitcast %sub3A_3377 : vector<16xf32> -> vector<16xi32>
      %shift_right_logical3A_3379 = arith.constant 23 : i32
      %shift_right_logical3A_3380 = vector.broadcast %shift_right_logical3A_3379 : i32 to vector<16xi32>
      %shift_right_logical3A_3381 = arith.shrui %bitcast_convert_type3A_3378, %shift_right_logical3A_3380 : vector<16xi32>
      %and3A_3382 = arith.constant 255 : i32
      %and3A_3383 = vector.broadcast %and3A_3382 : i32 to vector<16xi32>
      %and3A_3384 = arith.andi %shift_right_logical3A_3381, %and3A_3383 : vector<16xi32>
      %sub3A_3385 = arith.constant 127 : i32
      %sub3A_3386 = vector.broadcast %sub3A_3385 : i32 to vector<16xi32>
      %sub3A_3387 = arith.subi %and3A_3384, %sub3A_3386 : vector<16xi32>
      %and3A_3388 = arith.constant 8388607 : i32
      %and3A_3389 = vector.broadcast %and3A_3388 : i32 to vector<16xi32>
      %and3A_3390 = arith.andi %bitcast_convert_type3A_3378, %and3A_3389 : vector<16xi32>
      %or3A_3391 = arith.constant 1065353216 : i32
      %or3A_3392 = vector.broadcast %or3A_3391 : i32 to vector<16xi32>
      %or3A_3393 = arith.ori %and3A_3390, %or3A_3392 : vector<16xi32>
      %bitcast_convert_type3A_3394 = tpu.bitcast %or3A_3393 : vector<16xi32> -> vector<16xf32>
      %sub3A_3395 = arith.constant 1.000000e+00 : f32
      %sub3A_3396 = vector.broadcast %sub3A_3395 : f32 to vector<16xf32>
      %sub3A_3397 = arith.subf %bitcast_convert_type3A_3394, %sub3A_3396 : vector<16xf32>
      %add3A_3398 = arith.constant 1.000000e+00 : f32
      %add3A_3399 = vector.broadcast %add3A_3398 : f32 to vector<16xf32>
      %add3A_3400 = arith.addf %bitcast_convert_type3A_3394, %add3A_3399 : vector<16xf32>
      %div3A_3401 = arith.divf %sub3A_3397, %add3A_3400 : vector<16xf32>
      %mul3A_3402 = arith.mulf %div3A_3401, %div3A_3401 : vector<16xf32>
      %mul3A_3403 = arith.constant 2.000000e+00 : f32
      %mul3A_3404 = vector.broadcast %mul3A_3403 : f32 to vector<16xf32>
      %mul3A_3405 = arith.mulf %mul3A_3404, %div3A_3401 : vector<16xf32>
      %mul3A_3406 = arith.constant 0.111111112 : f32
      %mul3A_3407 = vector.broadcast %mul3A_3406 : f32 to vector<16xf32>
      %mul3A_3408 = arith.mulf %mul3A_3402, %mul3A_3407 : vector<16xf32>
      %add3A_3409 = arith.constant 0.142857149 : f32
      %add3A_3410 = vector.broadcast %add3A_3409 : f32 to vector<16xf32>
      %add3A_3411 = arith.addf %add3A_3410, %mul3A_3408 : vector<16xf32>
      %mul3A_3412 = arith.mulf %mul3A_3402, %add3A_3411 : vector<16xf32>
      %add3A_3413 = arith.constant 2.000000e-01 : f32
      %add3A_3414 = vector.broadcast %add3A_3413 : f32 to vector<16xf32>
      %add3A_3415 = arith.addf %add3A_3414, %mul3A_3412 : vector<16xf32>
      %mul3A_3416 = arith.mulf %mul3A_3402, %add3A_3415 : vector<16xf32>
      %add3A_3417 = arith.constant 0.333333343 : f32
      %add3A_3418 = vector.broadcast %add3A_3417 : f32 to vector<16xf32>
      %add3A_3419 = arith.addf %add3A_3418, %mul3A_3416 : vector<16xf32>
      %mul3A_3420 = arith.mulf %mul3A_3402, %add3A_3419 : vector<16xf32>
      %add3A_3421 = arith.constant 1.000000e+00 : f32
      %add3A_3422 = vector.broadcast %add3A_3421 : f32 to vector<16xf32>
      %add3A_3423 = arith.addf %add3A_3422, %mul3A_3420 : vector<16xf32>
      %mul3A_3424 = arith.mulf %mul3A_3405, %add3A_3423 : vector<16xf32>
      %convert_element_type3A_3425 = arith.sitofp %sub3A_3387 : vector<16xi32> to vector<16xf32>
      %mul3A_3426 = arith.constant 0.693147182 : f32
      %mul3A_3427 = vector.broadcast %mul3A_3426 : f32 to vector<16xf32>
      %mul3A_3428 = arith.mulf %convert_element_type3A_3425, %mul3A_3427 : vector<16xf32>
      %add3A_3429 = arith.addf %mul3A_3428, %mul3A_3424 : vector<16xf32>
      %add3A_3430 = arith.addf %add3A_3354, %add3A_3429 : vector<16xf32>
      %neg3A_3431 = arith.constant 0.000000e+00 : f32
      %neg3A_3432 = vector.broadcast %neg3A_3431 : f32 to vector<16xf32>
      %neg3A_3433 = arith.subf %neg3A_3432, %bitcast_convert_type3A : vector<16xf32>
      %gt3A_3434 = arith.cmpf ogt, %add3A_3430, %neg3A_3433 : vector<16xf32>
      %lt3A_3435 = arith.constant 9 : i32
      %lt3A_3436 = vector.broadcast %lt3A_3435 : i32 to vector<16xi32>
      %lt3A_3437 = arith.cmpi slt, %iota3A, %lt3A_3436 : vector<16xi32>
      %and3A_3438 = arith.andi %gt3A_3434, %lt3A_3437 : vector<16xi1>
      %select_n3A_3439 = arith.select %and3A_3438, %add3A_16, %mul3A_13 : vector<16xi1>, vector<16xf32>
      %add3A_3440 = arith.addf %add3A_3364, %select_n3A_3439 : vector<16xf32>
      %get3A_3441 = arith.constant 464 : index
      %get3A_3442 = tpu.vector_load %arg5[%get3A_3441] {strides = array<i32>} : memref<608xi32, #tpu.memory_space<vmem>>, vector<16xi32>,
      %get3A_3443 = vector.shape_cast %get3A_3442 : vector<16xi32> to vector<16xi32>
      %shift_right_logical3A_3444 = arith.constant 9 : i32
      %shift_right_logical3A_3445 = vector.broadcast %shift_right_logical3A_3444 : i32 to vector<16xi32>
      %shift_right_logical3A_3446 = arith.shrui %get3A_3443, %shift_right_logical3A_3445 : vector<16xi32>
      %or3A_3447 = arith.constant 1065353216 : i32
      %or3A_3448 = vector.broadcast %or3A_3447 : i32 to vector<16xi32>
      %or3A_3449 = arith.ori %shift_right_logical3A_3446, %or3A_3448 : vector<16xi32>
      %bitcast_convert_type3A_3450 = tpu.bitcast %or3A_3449 : vector<16xi32> -> vector<16xf32>
      %sub3A_3451 = arith.constant 1.000000e+00 : f32
      %sub3A_3452 = vector.broadcast %sub3A_3451 : f32 to vector<16xf32>
      %sub3A_3453 = arith.subf %bitcast_convert_type3A_3450, %sub3A_3452 : vector<16xf32>
      %bitcast_convert_type3A_3454 = tpu.bitcast %sub3A_3453 : vector<16xf32> -> vector<16xi32>
      %shift_right_logical3A_3455 = arith.constant 23 : i32
      %shift_right_logical3A_3456 = vector.broadcast %shift_right_logical3A_3455 : i32 to vector<16xi32>
      %shift_right_logical3A_3457 = arith.shrui %bitcast_convert_type3A_3454, %shift_right_logical3A_3456 : vector<16xi32>
      %and3A_3458 = arith.constant 255 : i32
      %and3A_3459 = vector.broadcast %and3A_3458 : i32 to vector<16xi32>
      %and3A_3460 = arith.andi %shift_right_logical3A_3457, %and3A_3459 : vector<16xi32>
      %sub3A_3461 = arith.constant 127 : i32
      %sub3A_3462 = vector.broadcast %sub3A_3461 : i32 to vector<16xi32>
      %sub3A_3463 = arith.subi %and3A_3460, %sub3A_3462 : vector<16xi32>
      %and3A_3464 = arith.constant 8388607 : i32
      %and3A_3465 = vector.broadcast %and3A_3464 : i32 to vector<16xi32>
      %and3A_3466 = arith.andi %bitcast_convert_type3A_3454, %and3A_3465 : vector<16xi32>
      %or3A_3467 = arith.constant 1065353216 : i32
      %or3A_3468 = vector.broadcast %or3A_3467 : i32 to vector<16xi32>
      %or3A_3469 = arith.ori %and3A_3466, %or3A_3468 : vector<16xi32>
      %bitcast_convert_type3A_3470 = tpu.bitcast %or3A_3469 : vector<16xi32> -> vector<16xf32>
      %sub3A_3471 = arith.constant 1.000000e+00 : f32
      %sub3A_3472 = vector.broadcast %sub3A_3471 : f32 to vector<16xf32>
      %sub3A_3473 = arith.subf %bitcast_convert_type3A_3470, %sub3A_3472 : vector<16xf32>
      %add3A_3474 = arith.constant 1.000000e+00 : f32
      %add3A_3475 = vector.broadcast %add3A_3474 : f32 to vector<16xf32>
      %add3A_3476 = arith.addf %bitcast_convert_type3A_3470, %add3A_3475 : vector<16xf32>
      %div3A_3477 = arith.divf %sub3A_3473, %add3A_3476 : vector<16xf32>
      %mul3A_3478 = arith.mulf %div3A_3477, %div3A_3477 : vector<16xf32>
      %mul3A_3479 = arith.constant 2.000000e+00 : f32
      %mul3A_3480 = vector.broadcast %mul3A_3479 : f32 to vector<16xf32>
      %mul3A_3481 = arith.mulf %mul3A_3480, %div3A_3477 : vector<16xf32>
      %mul3A_3482 = arith.constant 0.111111112 : f32
      %mul3A_3483 = vector.broadcast %mul3A_3482 : f32 to vector<16xf32>
      %mul3A_3484 = arith.mulf %mul3A_3478, %mul3A_3483 : vector<16xf32>
      %add3A_3485 = arith.constant 0.142857149 : f32
      %add3A_3486 = vector.broadcast %add3A_3485 : f32 to vector<16xf32>
      %add3A_3487 = arith.addf %add3A_3486, %mul3A_3484 : vector<16xf32>
      %mul3A_3488 = arith.mulf %mul3A_3478, %add3A_3487 : vector<16xf32>
      %add3A_3489 = arith.constant 2.000000e-01 : f32
      %add3A_3490 = vector.broadcast %add3A_3489 : f32 to vector<16xf32>
      %add3A_3491 = arith.addf %add3A_3490, %mul3A_3488 : vector<16xf32>
      %mul3A_3492 = arith.mulf %mul3A_3478, %add3A_3491 : vector<16xf32>
      %add3A_3493 = arith.constant 0.333333343 : f32
      %add3A_3494 = vector.broadcast %add3A_3493 : f32 to vector<16xf32>
      %add3A_3495 = arith.addf %add3A_3494, %mul3A_3492 : vector<16xf32>
      %mul3A_3496 = arith.mulf %mul3A_3478, %add3A_3495 : vector<16xf32>
      %add3A_3497 = arith.constant 1.000000e+00 : f32
      %add3A_3498 = vector.broadcast %add3A_3497 : f32 to vector<16xf32>
      %add3A_3499 = arith.addf %add3A_3498, %mul3A_3496 : vector<16xf32>
      %mul3A_3500 = arith.mulf %mul3A_3481, %add3A_3499 : vector<16xf32>
      %convert_element_type3A_3501 = arith.sitofp %sub3A_3463 : vector<16xi32> to vector<16xf32>
      %mul3A_3502 = arith.constant 0.693147182 : f32
      %mul3A_3503 = vector.broadcast %mul3A_3502 : f32 to vector<16xf32>
      %mul3A_3504 = arith.mulf %convert_element_type3A_3501, %mul3A_3503 : vector<16xf32>
      %add3A_3505 = arith.addf %mul3A_3504, %mul3A_3500 : vector<16xf32>
      %add3A_3506 = arith.addf %add3A_3430, %add3A_3505 : vector<16xf32>
      %neg3A_3507 = arith.constant 0.000000e+00 : f32
      %neg3A_3508 = vector.broadcast %neg3A_3507 : f32 to vector<16xf32>
      %neg3A_3509 = arith.subf %neg3A_3508, %bitcast_convert_type3A : vector<16xf32>
      %gt3A_3510 = arith.cmpf ogt, %add3A_3506, %neg3A_3509 : vector<16xf32>
      %lt3A_3511 = arith.constant 9 : i32
      %lt3A_3512 = vector.broadcast %lt3A_3511 : i32 to vector<16xi32>
      %lt3A_3513 = arith.cmpi slt, %iota3A, %lt3A_3512 : vector<16xi32>
      %and3A_3514 = arith.andi %gt3A_3510, %lt3A_3513 : vector<16xi1>
      %select_n3A_3515 = arith.select %and3A_3514, %add3A_16, %mul3A_13 : vector<16xi1>, vector<16xf32>
      %add3A_3516 = arith.addf %add3A_3440, %select_n3A_3515 : vector<16xf32>
      %get3A_3517 = arith.constant 480 : index
      %get3A_3518 = tpu.vector_load %arg5[%get3A_3517] {strides = array<i32>} : memref<608xi32, #tpu.memory_space<vmem>>, vector<16xi32>,
      %get3A_3519 = vector.shape_cast %get3A_3518 : vector<16xi32> to vector<16xi32>
      %shift_right_logical3A_3520 = arith.constant 9 : i32
      %shift_right_logical3A_3521 = vector.broadcast %shift_right_logical3A_3520 : i32 to vector<16xi32>
      %shift_right_logical3A_3522 = arith.shrui %get3A_3519, %shift_right_logical3A_3521 : vector<16xi32>
      %or3A_3523 = arith.constant 1065353216 : i32
      %or3A_3524 = vector.broadcast %or3A_3523 : i32 to vector<16xi32>
      %or3A_3525 = arith.ori %shift_right_logical3A_3522, %or3A_3524 : vector<16xi32>
      %bitcast_convert_type3A_3526 = tpu.bitcast %or3A_3525 : vector<16xi32> -> vector<16xf32>
      %sub3A_3527 = arith.constant 1.000000e+00 : f32
      %sub3A_3528 = vector.broadcast %sub3A_3527 : f32 to vector<16xf32>
      %sub3A_3529 = arith.subf %bitcast_convert_type3A_3526, %sub3A_3528 : vector<16xf32>
      %bitcast_convert_type3A_3530 = tpu.bitcast %sub3A_3529 : vector<16xf32> -> vector<16xi32>
      %shift_right_logical3A_3531 = arith.constant 23 : i32
      %shift_right_logical3A_3532 = vector.broadcast %shift_right_logical3A_3531 : i32 to vector<16xi32>
      %shift_right_logical3A_3533 = arith.shrui %bitcast_convert_type3A_3530, %shift_right_logical3A_3532 : vector<16xi32>
      %and3A_3534 = arith.constant 255 : i32
      %and3A_3535 = vector.broadcast %and3A_3534 : i32 to vector<16xi32>
      %and3A_3536 = arith.andi %shift_right_logical3A_3533, %and3A_3535 : vector<16xi32>
      %sub3A_3537 = arith.constant 127 : i32
      %sub3A_3538 = vector.broadcast %sub3A_3537 : i32 to vector<16xi32>
      %sub3A_3539 = arith.subi %and3A_3536, %sub3A_3538 : vector<16xi32>
      %and3A_3540 = arith.constant 8388607 : i32
      %and3A_3541 = vector.broadcast %and3A_3540 : i32 to vector<16xi32>
      %and3A_3542 = arith.andi %bitcast_convert_type3A_3530, %and3A_3541 : vector<16xi32>
      %or3A_3543 = arith.constant 1065353216 : i32
      %or3A_3544 = vector.broadcast %or3A_3543 : i32 to vector<16xi32>
      %or3A_3545 = arith.ori %and3A_3542, %or3A_3544 : vector<16xi32>
      %bitcast_convert_type3A_3546 = tpu.bitcast %or3A_3545 : vector<16xi32> -> vector<16xf32>
      %sub3A_3547 = arith.constant 1.000000e+00 : f32
      %sub3A_3548 = vector.broadcast %sub3A_3547 : f32 to vector<16xf32>
      %sub3A_3549 = arith.subf %bitcast_convert_type3A_3546, %sub3A_3548 : vector<16xf32>
      %add3A_3550 = arith.constant 1.000000e+00 : f32
      %add3A_3551 = vector.broadcast %add3A_3550 : f32 to vector<16xf32>
      %add3A_3552 = arith.addf %bitcast_convert_type3A_3546, %add3A_3551 : vector<16xf32>
      %div3A_3553 = arith.divf %sub3A_3549, %add3A_3552 : vector<16xf32>
      %mul3A_3554 = arith.mulf %div3A_3553, %div3A_3553 : vector<16xf32>
      %mul3A_3555 = arith.constant 2.000000e+00 : f32
      %mul3A_3556 = vector.broadcast %mul3A_3555 : f32 to vector<16xf32>
      %mul3A_3557 = arith.mulf %mul3A_3556, %div3A_3553 : vector<16xf32>
      %mul3A_3558 = arith.constant 0.111111112 : f32
      %mul3A_3559 = vector.broadcast %mul3A_3558 : f32 to vector<16xf32>
      %mul3A_3560 = arith.mulf %mul3A_3554, %mul3A_3559 : vector<16xf32>
      %add3A_3561 = arith.constant 0.142857149 : f32
      %add3A_3562 = vector.broadcast %add3A_3561 : f32 to vector<16xf32>
      %add3A_3563 = arith.addf %add3A_3562, %mul3A_3560 : vector<16xf32>
      %mul3A_3564 = arith.mulf %mul3A_3554, %add3A_3563 : vector<16xf32>
      %add3A_3565 = arith.constant 2.000000e-01 : f32
      %add3A_3566 = vector.broadcast %add3A_3565 : f32 to vector<16xf32>
      %add3A_3567 = arith.addf %add3A_3566, %mul3A_3564 : vector<16xf32>
      %mul3A_3568 = arith.mulf %mul3A_3554, %add3A_3567 : vector<16xf32>
      %add3A_3569 = arith.constant 0.333333343 : f32
      %add3A_3570 = vector.broadcast %add3A_3569 : f32 to vector<16xf32>
      %add3A_3571 = arith.addf %add3A_3570, %mul3A_3568 : vector<16xf32>
      %mul3A_3572 = arith.mulf %mul3A_3554, %add3A_3571 : vector<16xf32>
      %add3A_3573 = arith.constant 1.000000e+00 : f32
      %add3A_3574 = vector.broadcast %add3A_3573 : f32 to vector<16xf32>
      %add3A_3575 = arith.addf %add3A_3574, %mul3A_3572 : vector<16xf32>
      %mul3A_3576 = arith.mulf %mul3A_3557, %add3A_3575 : vector<16xf32>
      %convert_element_type3A_3577 = arith.sitofp %sub3A_3539 : vector<16xi32> to vector<16xf32>
      %mul3A_3578 = arith.constant 0.693147182 : f32
      %mul3A_3579 = vector.broadcast %mul3A_3578 : f32 to vector<16xf32>
      %mul3A_3580 = arith.mulf %convert_element_type3A_3577, %mul3A_3579 : vector<16xf32>
      %add3A_3581 = arith.addf %mul3A_3580, %mul3A_3576 : vector<16xf32>
      %add3A_3582 = arith.addf %add3A_3506, %add3A_3581 : vector<16xf32>
      %neg3A_3583 = arith.constant 0.000000e+00 : f32
      %neg3A_3584 = vector.broadcast %neg3A_3583 : f32 to vector<16xf32>
      %neg3A_3585 = arith.subf %neg3A_3584, %bitcast_convert_type3A : vector<16xf32>
      %gt3A_3586 = arith.cmpf ogt, %add3A_3582, %neg3A_3585 : vector<16xf32>
      %lt3A_3587 = arith.constant 9 : i32
      %lt3A_3588 = vector.broadcast %lt3A_3587 : i32 to vector<16xi32>
      %lt3A_3589 = arith.cmpi slt, %iota3A, %lt3A_3588 : vector<16xi32>
      %and3A_3590 = arith.andi %gt3A_3586, %lt3A_3589 : vector<16xi1>
      %select_n3A_3591 = arith.select %and3A_3590, %add3A_16, %mul3A_13 : vector<16xi1>, vector<16xf32>
      %add3A_3592 = arith.addf %add3A_3516, %select_n3A_3591 : vector<16xf32>
      %get3A_3593 = arith.constant 496 : index
      %get3A_3594 = tpu.vector_load %arg5[%get3A_3593] {strides = array<i32>} : memref<608xi32, #tpu.memory_space<vmem>>, vector<16xi32>,
      %get3A_3595 = vector.shape_cast %get3A_3594 : vector<16xi32> to vector<16xi32>
      %shift_right_logical3A_3596 = arith.constant 9 : i32
      %shift_right_logical3A_3597 = vector.broadcast %shift_right_logical3A_3596 : i32 to vector<16xi32>
      %shift_right_logical3A_3598 = arith.shrui %get3A_3595, %shift_right_logical3A_3597 : vector<16xi32>
      %or3A_3599 = arith.constant 1065353216 : i32
      %or3A_3600 = vector.broadcast %or3A_3599 : i32 to vector<16xi32>
      %or3A_3601 = arith.ori %shift_right_logical3A_3598, %or3A_3600 : vector<16xi32>
      %bitcast_convert_type3A_3602 = tpu.bitcast %or3A_3601 : vector<16xi32> -> vector<16xf32>
      %sub3A_3603 = arith.constant 1.000000e+00 : f32
      %sub3A_3604 = vector.broadcast %sub3A_3603 : f32 to vector<16xf32>
      %sub3A_3605 = arith.subf %bitcast_convert_type3A_3602, %sub3A_3604 : vector<16xf32>
      %bitcast_convert_type3A_3606 = tpu.bitcast %sub3A_3605 : vector<16xf32> -> vector<16xi32>
      %shift_right_logical3A_3607 = arith.constant 23 : i32
      %shift_right_logical3A_3608 = vector.broadcast %shift_right_logical3A_3607 : i32 to vector<16xi32>
      %shift_right_logical3A_3609 = arith.shrui %bitcast_convert_type3A_3606, %shift_right_logical3A_3608 : vector<16xi32>
      %and3A_3610 = arith.constant 255 : i32
      %and3A_3611 = vector.broadcast %and3A_3610 : i32 to vector<16xi32>
      %and3A_3612 = arith.andi %shift_right_logical3A_3609, %and3A_3611 : vector<16xi32>
      %sub3A_3613 = arith.constant 127 : i32
      %sub3A_3614 = vector.broadcast %sub3A_3613 : i32 to vector<16xi32>
      %sub3A_3615 = arith.subi %and3A_3612, %sub3A_3614 : vector<16xi32>
      %and3A_3616 = arith.constant 8388607 : i32
      %and3A_3617 = vector.broadcast %and3A_3616 : i32 to vector<16xi32>
      %and3A_3618 = arith.andi %bitcast_convert_type3A_3606, %and3A_3617 : vector<16xi32>
      %or3A_3619 = arith.constant 1065353216 : i32
      %or3A_3620 = vector.broadcast %or3A_3619 : i32 to vector<16xi32>
      %or3A_3621 = arith.ori %and3A_3618, %or3A_3620 : vector<16xi32>
      %bitcast_convert_type3A_3622 = tpu.bitcast %or3A_3621 : vector<16xi32> -> vector<16xf32>
      %sub3A_3623 = arith.constant 1.000000e+00 : f32
      %sub3A_3624 = vector.broadcast %sub3A_3623 : f32 to vector<16xf32>
      %sub3A_3625 = arith.subf %bitcast_convert_type3A_3622, %sub3A_3624 : vector<16xf32>
      %add3A_3626 = arith.constant 1.000000e+00 : f32
      %add3A_3627 = vector.broadcast %add3A_3626 : f32 to vector<16xf32>
      %add3A_3628 = arith.addf %bitcast_convert_type3A_3622, %add3A_3627 : vector<16xf32>
      %div3A_3629 = arith.divf %sub3A_3625, %add3A_3628 : vector<16xf32>
      %mul3A_3630 = arith.mulf %div3A_3629, %div3A_3629 : vector<16xf32>
      %mul3A_3631 = arith.constant 2.000000e+00 : f32
      %mul3A_3632 = vector.broadcast %mul3A_3631 : f32 to vector<16xf32>
      %mul3A_3633 = arith.mulf %mul3A_3632, %div3A_3629 : vector<16xf32>
      %mul3A_3634 = arith.constant 0.111111112 : f32
      %mul3A_3635 = vector.broadcast %mul3A_3634 : f32 to vector<16xf32>
      %mul3A_3636 = arith.mulf %mul3A_3630, %mul3A_3635 : vector<16xf32>
      %add3A_3637 = arith.constant 0.142857149 : f32
      %add3A_3638 = vector.broadcast %add3A_3637 : f32 to vector<16xf32>
      %add3A_3639 = arith.addf %add3A_3638, %mul3A_3636 : vector<16xf32>
      %mul3A_3640 = arith.mulf %mul3A_3630, %add3A_3639 : vector<16xf32>
      %add3A_3641 = arith.constant 2.000000e-01 : f32
      %add3A_3642 = vector.broadcast %add3A_3641 : f32 to vector<16xf32>
      %add3A_3643 = arith.addf %add3A_3642, %mul3A_3640 : vector<16xf32>
      %mul3A_3644 = arith.mulf %mul3A_3630, %add3A_3643 : vector<16xf32>
      %add3A_3645 = arith.constant 0.333333343 : f32
      %add3A_3646 = vector.broadcast %add3A_3645 : f32 to vector<16xf32>
      %add3A_3647 = arith.addf %add3A_3646, %mul3A_3644 : vector<16xf32>
      %mul3A_3648 = arith.mulf %mul3A_3630, %add3A_3647 : vector<16xf32>
      %add3A_3649 = arith.constant 1.000000e+00 : f32
      %add3A_3650 = vector.broadcast %add3A_3649 : f32 to vector<16xf32>
      %add3A_3651 = arith.addf %add3A_3650, %mul3A_3648 : vector<16xf32>
      %mul3A_3652 = arith.mulf %mul3A_3633, %add3A_3651 : vector<16xf32>
      %convert_element_type3A_3653 = arith.sitofp %sub3A_3615 : vector<16xi32> to vector<16xf32>
      %mul3A_3654 = arith.constant 0.693147182 : f32
      %mul3A_3655 = vector.broadcast %mul3A_3654 : f32 to vector<16xf32>
      %mul3A_3656 = arith.mulf %convert_element_type3A_3653, %mul3A_3655 : vector<16xf32>
      %add3A_3657 = arith.addf %mul3A_3656, %mul3A_3652 : vector<16xf32>
      %add3A_3658 = arith.addf %add3A_3582, %add3A_3657 : vector<16xf32>
      %neg3A_3659 = arith.constant 0.000000e+00 : f32
      %neg3A_3660 = vector.broadcast %neg3A_3659 : f32 to vector<16xf32>
      %neg3A_3661 = arith.subf %neg3A_3660, %bitcast_convert_type3A : vector<16xf32>
      %gt3A_3662 = arith.cmpf ogt, %add3A_3658, %neg3A_3661 : vector<16xf32>
      %lt3A_3663 = arith.constant 9 : i32
      %lt3A_3664 = vector.broadcast %lt3A_3663 : i32 to vector<16xi32>
      %lt3A_3665 = arith.cmpi slt, %iota3A, %lt3A_3664 : vector<16xi32>
      %and3A_3666 = arith.andi %gt3A_3662, %lt3A_3665 : vector<16xi1>
      %select_n3A_3667 = arith.select %and3A_3666, %add3A_16, %mul3A_13 : vector<16xi1>, vector<16xf32>
      %add3A_3668 = arith.addf %add3A_3592, %select_n3A_3667 : vector<16xf32>
      %get3A_3669 = arith.constant 512 : index
      %get3A_3670 = tpu.vector_load %arg5[%get3A_3669] {strides = array<i32>} : memref<608xi32, #tpu.memory_space<vmem>>, vector<16xi32>,
      %get3A_3671 = vector.shape_cast %get3A_3670 : vector<16xi32> to vector<16xi32>
      %shift_right_logical3A_3672 = arith.constant 9 : i32
      %shift_right_logical3A_3673 = vector.broadcast %shift_right_logical3A_3672 : i32 to vector<16xi32>
      %shift_right_logical3A_3674 = arith.shrui %get3A_3671, %shift_right_logical3A_3673 : vector<16xi32>
      %or3A_3675 = arith.constant 1065353216 : i32
      %or3A_3676 = vector.broadcast %or3A_3675 : i32 to vector<16xi32>
      %or3A_3677 = arith.ori %shift_right_logical3A_3674, %or3A_3676 : vector<16xi32>
      %bitcast_convert_type3A_3678 = tpu.bitcast %or3A_3677 : vector<16xi32> -> vector<16xf32>
      %sub3A_3679 = arith.constant 1.000000e+00 : f32
      %sub3A_3680 = vector.broadcast %sub3A_3679 : f32 to vector<16xf32>
      %sub3A_3681 = arith.subf %bitcast_convert_type3A_3678, %sub3A_3680 : vector<16xf32>
      %bitcast_convert_type3A_3682 = tpu.bitcast %sub3A_3681 : vector<16xf32> -> vector<16xi32>
      %shift_right_logical3A_3683 = arith.constant 23 : i32
      %shift_right_logical3A_3684 = vector.broadcast %shift_right_logical3A_3683 : i32 to vector<16xi32>
      %shift_right_logical3A_3685 = arith.shrui %bitcast_convert_type3A_3682, %shift_right_logical3A_3684 : vector<16xi32>
      %and3A_3686 = arith.constant 255 : i32
      %and3A_3687 = vector.broadcast %and3A_3686 : i32 to vector<16xi32>
      %and3A_3688 = arith.andi %shift_right_logical3A_3685, %and3A_3687 : vector<16xi32>
      %sub3A_3689 = arith.constant 127 : i32
      %sub3A_3690 = vector.broadcast %sub3A_3689 : i32 to vector<16xi32>
      %sub3A_3691 = arith.subi %and3A_3688, %sub3A_3690 : vector<16xi32>
      %and3A_3692 = arith.constant 8388607 : i32
      %and3A_3693 = vector.broadcast %and3A_3692 : i32 to vector<16xi32>
      %and3A_3694 = arith.andi %bitcast_convert_type3A_3682, %and3A_3693 : vector<16xi32>
      %or3A_3695 = arith.constant 1065353216 : i32
      %or3A_3696 = vector.broadcast %or3A_3695 : i32 to vector<16xi32>
      %or3A_3697 = arith.ori %and3A_3694, %or3A_3696 : vector<16xi32>
      %bitcast_convert_type3A_3698 = tpu.bitcast %or3A_3697 : vector<16xi32> -> vector<16xf32>
      %sub3A_3699 = arith.constant 1.000000e+00 : f32
      %sub3A_3700 = vector.broadcast %sub3A_3699 : f32 to vector<16xf32>
      %sub3A_3701 = arith.subf %bitcast_convert_type3A_3698, %sub3A_3700 : vector<16xf32>
      %add3A_3702 = arith.constant 1.000000e+00 : f32
      %add3A_3703 = vector.broadcast %add3A_3702 : f32 to vector<16xf32>
      %add3A_3704 = arith.addf %bitcast_convert_type3A_3698, %add3A_3703 : vector<16xf32>
      %div3A_3705 = arith.divf %sub3A_3701, %add3A_3704 : vector<16xf32>
      %mul3A_3706 = arith.mulf %div3A_3705, %div3A_3705 : vector<16xf32>
      %mul3A_3707 = arith.constant 2.000000e+00 : f32
      %mul3A_3708 = vector.broadcast %mul3A_3707 : f32 to vector<16xf32>
      %mul3A_3709 = arith.mulf %mul3A_3708, %div3A_3705 : vector<16xf32>
      %mul3A_3710 = arith.constant 0.111111112 : f32
      %mul3A_3711 = vector.broadcast %mul3A_3710 : f32 to vector<16xf32>
      %mul3A_3712 = arith.mulf %mul3A_3706, %mul3A_3711 : vector<16xf32>
      %add3A_3713 = arith.constant 0.142857149 : f32
      %add3A_3714 = vector.broadcast %add3A_3713 : f32 to vector<16xf32>
      %add3A_3715 = arith.addf %add3A_3714, %mul3A_3712 : vector<16xf32>
      %mul3A_3716 = arith.mulf %mul3A_3706, %add3A_3715 : vector<16xf32>
      %add3A_3717 = arith.constant 2.000000e-01 : f32
      %add3A_3718 = vector.broadcast %add3A_3717 : f32 to vector<16xf32>
      %add3A_3719 = arith.addf %add3A_3718, %mul3A_3716 : vector<16xf32>
      %mul3A_3720 = arith.mulf %mul3A_3706, %add3A_3719 : vector<16xf32>
      %add3A_3721 = arith.constant 0.333333343 : f32
      %add3A_3722 = vector.broadcast %add3A_3721 : f32 to vector<16xf32>
      %add3A_3723 = arith.addf %add3A_3722, %mul3A_3720 : vector<16xf32>
      %mul3A_3724 = arith.mulf %mul3A_3706, %add3A_3723 : vector<16xf32>
      %add3A_3725 = arith.constant 1.000000e+00 : f32
      %add3A_3726 = vector.broadcast %add3A_3725 : f32 to vector<16xf32>
      %add3A_3727 = arith.addf %add3A_3726, %mul3A_3724 : vector<16xf32>
      %mul3A_3728 = arith.mulf %mul3A_3709, %add3A_3727 : vector<16xf32>
      %convert_element_type3A_3729 = arith.sitofp %sub3A_3691 : vector<16xi32> to vector<16xf32>
      %mul3A_3730 = arith.constant 0.693147182 : f32
      %mul3A_3731 = vector.broadcast %mul3A_3730 : f32 to vector<16xf32>
      %mul3A_3732 = arith.mulf %convert_element_type3A_3729, %mul3A_3731 : vector<16xf32>
      %add3A_3733 = arith.addf %mul3A_3732, %mul3A_3728 : vector<16xf32>
      %add3A_3734 = arith.addf %add3A_3658, %add3A_3733 : vector<16xf32>
      %neg3A_3735 = arith.constant 0.000000e+00 : f32
      %neg3A_3736 = vector.broadcast %neg3A_3735 : f32 to vector<16xf32>
      %neg3A_3737 = arith.subf %neg3A_3736, %bitcast_convert_type3A : vector<16xf32>
      %gt3A_3738 = arith.cmpf ogt, %add3A_3734, %neg3A_3737 : vector<16xf32>
      %lt3A_3739 = arith.constant 9 : i32
      %lt3A_3740 = vector.broadcast %lt3A_3739 : i32 to vector<16xi32>
      %lt3A_3741 = arith.cmpi slt, %iota3A, %lt3A_3740 : vector<16xi32>
      %and3A_3742 = arith.andi %gt3A_3738, %lt3A_3741 : vector<16xi1>
      %select_n3A_3743 = arith.select %and3A_3742, %add3A_16, %mul3A_13 : vector<16xi1>, vector<16xf32>
      %add3A_3744 = arith.addf %add3A_3668, %select_n3A_3743 : vector<16xf32>
      %get3A_3745 = arith.constant 528 : index
      %get3A_3746 = tpu.vector_load %arg5[%get3A_3745] {strides = array<i32>} : memref<608xi32, #tpu.memory_space<vmem>>, vector<16xi32>,
      %get3A_3747 = vector.shape_cast %get3A_3746 : vector<16xi32> to vector<16xi32>
      %shift_right_logical3A_3748 = arith.constant 9 : i32
      %shift_right_logical3A_3749 = vector.broadcast %shift_right_logical3A_3748 : i32 to vector<16xi32>
      %shift_right_logical3A_3750 = arith.shrui %get3A_3747, %shift_right_logical3A_3749 : vector<16xi32>
      %or3A_3751 = arith.constant 1065353216 : i32
      %or3A_3752 = vector.broadcast %or3A_3751 : i32 to vector<16xi32>
      %or3A_3753 = arith.ori %shift_right_logical3A_3750, %or3A_3752 : vector<16xi32>
      %bitcast_convert_type3A_3754 = tpu.bitcast %or3A_3753 : vector<16xi32> -> vector<16xf32>
      %sub3A_3755 = arith.constant 1.000000e+00 : f32
      %sub3A_3756 = vector.broadcast %sub3A_3755 : f32 to vector<16xf32>
      %sub3A_3757 = arith.subf %bitcast_convert_type3A_3754, %sub3A_3756 : vector<16xf32>
      %bitcast_convert_type3A_3758 = tpu.bitcast %sub3A_3757 : vector<16xf32> -> vector<16xi32>
      %shift_right_logical3A_3759 = arith.constant 23 : i32
      %shift_right_logical3A_3760 = vector.broadcast %shift_right_logical3A_3759 : i32 to vector<16xi32>
      %shift_right_logical3A_3761 = arith.shrui %bitcast_convert_type3A_3758, %shift_right_logical3A_3760 : vector<16xi32>
      %and3A_3762 = arith.constant 255 : i32
      %and3A_3763 = vector.broadcast %and3A_3762 : i32 to vector<16xi32>
      %and3A_3764 = arith.andi %shift_right_logical3A_3761, %and3A_3763 : vector<16xi32>
      %sub3A_3765 = arith.constant 127 : i32
      %sub3A_3766 = vector.broadcast %sub3A_3765 : i32 to vector<16xi32>
      %sub3A_3767 = arith.subi %and3A_3764, %sub3A_3766 : vector<16xi32>
      %and3A_3768 = arith.constant 8388607 : i32
      %and3A_3769 = vector.broadcast %and3A_3768 : i32 to vector<16xi32>
      %and3A_3770 = arith.andi %bitcast_convert_type3A_3758, %and3A_3769 : vector<16xi32>
      %or3A_3771 = arith.constant 1065353216 : i32
      %or3A_3772 = vector.broadcast %or3A_3771 : i32 to vector<16xi32>
      %or3A_3773 = arith.ori %and3A_3770, %or3A_3772 : vector<16xi32>
      %bitcast_convert_type3A_3774 = tpu.bitcast %or3A_3773 : vector<16xi32> -> vector<16xf32>
      %sub3A_3775 = arith.constant 1.000000e+00 : f32
      %sub3A_3776 = vector.broadcast %sub3A_3775 : f32 to vector<16xf32>
      %sub3A_3777 = arith.subf %bitcast_convert_type3A_3774, %sub3A_3776 : vector<16xf32>
      %add3A_3778 = arith.constant 1.000000e+00 : f32
      %add3A_3779 = vector.broadcast %add3A_3778 : f32 to vector<16xf32>
      %add3A_3780 = arith.addf %bitcast_convert_type3A_3774, %add3A_3779 : vector<16xf32>
      %div3A_3781 = arith.divf %sub3A_3777, %add3A_3780 : vector<16xf32>
      %mul3A_3782 = arith.mulf %div3A_3781, %div3A_3781 : vector<16xf32>
      %mul3A_3783 = arith.constant 2.000000e+00 : f32
      %mul3A_3784 = vector.broadcast %mul3A_3783 : f32 to vector<16xf32>
      %mul3A_3785 = arith.mulf %mul3A_3784, %div3A_3781 : vector<16xf32>
      %mul3A_3786 = arith.constant 0.111111112 : f32
      %mul3A_3787 = vector.broadcast %mul3A_3786 : f32 to vector<16xf32>
      %mul3A_3788 = arith.mulf %mul3A_3782, %mul3A_3787 : vector<16xf32>
      %add3A_3789 = arith.constant 0.142857149 : f32
      %add3A_3790 = vector.broadcast %add3A_3789 : f32 to vector<16xf32>
      %add3A_3791 = arith.addf %add3A_3790, %mul3A_3788 : vector<16xf32>
      %mul3A_3792 = arith.mulf %mul3A_3782, %add3A_3791 : vector<16xf32>
      %add3A_3793 = arith.constant 2.000000e-01 : f32
      %add3A_3794 = vector.broadcast %add3A_3793 : f32 to vector<16xf32>
      %add3A_3795 = arith.addf %add3A_3794, %mul3A_3792 : vector<16xf32>
      %mul3A_3796 = arith.mulf %mul3A_3782, %add3A_3795 : vector<16xf32>
      %add3A_3797 = arith.constant 0.333333343 : f32
      %add3A_3798 = vector.broadcast %add3A_3797 : f32 to vector<16xf32>
      %add3A_3799 = arith.addf %add3A_3798, %mul3A_3796 : vector<16xf32>
      %mul3A_3800 = arith.mulf %mul3A_3782, %add3A_3799 : vector<16xf32>
      %add3A_3801 = arith.constant 1.000000e+00 : f32
      %add3A_3802 = vector.broadcast %add3A_3801 : f32 to vector<16xf32>
      %add3A_3803 = arith.addf %add3A_3802, %mul3A_3800 : vector<16xf32>
      %mul3A_3804 = arith.mulf %mul3A_3785, %add3A_3803 : vector<16xf32>
      %convert_element_type3A_3805 = arith.sitofp %sub3A_3767 : vector<16xi32> to vector<16xf32>
      %mul3A_3806 = arith.constant 0.693147182 : f32
      %mul3A_3807 = vector.broadcast %mul3A_3806 : f32 to vector<16xf32>
      %mul3A_3808 = arith.mulf %convert_element_type3A_3805, %mul3A_3807 : vector<16xf32>
      %add3A_3809 = arith.addf %mul3A_3808, %mul3A_3804 : vector<16xf32>
      %add3A_3810 = arith.addf %add3A_3734, %add3A_3809 : vector<16xf32>
      %neg3A_3811 = arith.constant 0.000000e+00 : f32
      %neg3A_3812 = vector.broadcast %neg3A_3811 : f32 to vector<16xf32>
      %neg3A_3813 = arith.subf %neg3A_3812, %bitcast_convert_type3A : vector<16xf32>
      %gt3A_3814 = arith.cmpf ogt, %add3A_3810, %neg3A_3813 : vector<16xf32>
      %lt3A_3815 = arith.constant 9 : i32
      %lt3A_3816 = vector.broadcast %lt3A_3815 : i32 to vector<16xi32>
      %lt3A_3817 = arith.cmpi slt, %iota3A, %lt3A_3816 : vector<16xi32>
      %and3A_3818 = arith.andi %gt3A_3814, %lt3A_3817 : vector<16xi1>
      %select_n3A_3819 = arith.select %and3A_3818, %add3A_16, %mul3A_13 : vector<16xi1>, vector<16xf32>
      %add3A_3820 = arith.addf %add3A_3744, %select_n3A_3819 : vector<16xf32>
      %get3A_3821 = arith.constant 544 : index
      %get3A_3822 = tpu.vector_load %arg5[%get3A_3821] {strides = array<i32>} : memref<608xi32, #tpu.memory_space<vmem>>, vector<16xi32>,
      %get3A_3823 = vector.shape_cast %get3A_3822 : vector<16xi32> to vector<16xi32>
      %shift_right_logical3A_3824 = arith.constant 9 : i32
      %shift_right_logical3A_3825 = vector.broadcast %shift_right_logical3A_3824 : i32 to vector<16xi32>
      %shift_right_logical3A_3826 = arith.shrui %get3A_3823, %shift_right_logical3A_3825 : vector<16xi32>
      %or3A_3827 = arith.constant 1065353216 : i32
      %or3A_3828 = vector.broadcast %or3A_3827 : i32 to vector<16xi32>
      %or3A_3829 = arith.ori %shift_right_logical3A_3826, %or3A_3828 : vector<16xi32>
      %bitcast_convert_type3A_3830 = tpu.bitcast %or3A_3829 : vector<16xi32> -> vector<16xf32>
      %sub3A_3831 = arith.constant 1.000000e+00 : f32
      %sub3A_3832 = vector.broadcast %sub3A_3831 : f32 to vector<16xf32>
      %sub3A_3833 = arith.subf %bitcast_convert_type3A_3830, %sub3A_3832 : vector<16xf32>
      %bitcast_convert_type3A_3834 = tpu.bitcast %sub3A_3833 : vector<16xf32> -> vector<16xi32>
      %shift_right_logical3A_3835 = arith.constant 23 : i32
      %shift_right_logical3A_3836 = vector.broadcast %shift_right_logical3A_3835 : i32 to vector<16xi32>
      %shift_right_logical3A_3837 = arith.shrui %bitcast_convert_type3A_3834, %shift_right_logical3A_3836 : vector<16xi32>
      %and3A_3838 = arith.constant 255 : i32
      %and3A_3839 = vector.broadcast %and3A_3838 : i32 to vector<16xi32>
      %and3A_3840 = arith.andi %shift_right_logical3A_3837, %and3A_3839 : vector<16xi32>
      %sub3A_3841 = arith.constant 127 : i32
      %sub3A_3842 = vector.broadcast %sub3A_3841 : i32 to vector<16xi32>
      %sub3A_3843 = arith.subi %and3A_3840, %sub3A_3842 : vector<16xi32>
      %and3A_3844 = arith.constant 8388607 : i32
      %and3A_3845 = vector.broadcast %and3A_3844 : i32 to vector<16xi32>
      %and3A_3846 = arith.andi %bitcast_convert_type3A_3834, %and3A_3845 : vector<16xi32>
      %or3A_3847 = arith.constant 1065353216 : i32
      %or3A_3848 = vector.broadcast %or3A_3847 : i32 to vector<16xi32>
      %or3A_3849 = arith.ori %and3A_3846, %or3A_3848 : vector<16xi32>
      %bitcast_convert_type3A_3850 = tpu.bitcast %or3A_3849 : vector<16xi32> -> vector<16xf32>
      %sub3A_3851 = arith.constant 1.000000e+00 : f32
      %sub3A_3852 = vector.broadcast %sub3A_3851 : f32 to vector<16xf32>
      %sub3A_3853 = arith.subf %bitcast_convert_type3A_3850, %sub3A_3852 : vector<16xf32>
      %add3A_3854 = arith.constant 1.000000e+00 : f32
      %add3A_3855 = vector.broadcast %add3A_3854 : f32 to vector<16xf32>
      %add3A_3856 = arith.addf %bitcast_convert_type3A_3850, %add3A_3855 : vector<16xf32>
      %div3A_3857 = arith.divf %sub3A_3853, %add3A_3856 : vector<16xf32>
      %mul3A_3858 = arith.mulf %div3A_3857, %div3A_3857 : vector<16xf32>
      %mul3A_3859 = arith.constant 2.000000e+00 : f32
      %mul3A_3860 = vector.broadcast %mul3A_3859 : f32 to vector<16xf32>
      %mul3A_3861 = arith.mulf %mul3A_3860, %div3A_3857 : vector<16xf32>
      %mul3A_3862 = arith.constant 0.111111112 : f32
      %mul3A_3863 = vector.broadcast %mul3A_3862 : f32 to vector<16xf32>
      %mul3A_3864 = arith.mulf %mul3A_3858, %mul3A_3863 : vector<16xf32>
      %add3A_3865 = arith.constant 0.142857149 : f32
      %add3A_3866 = vector.broadcast %add3A_3865 : f32 to vector<16xf32>
      %add3A_3867 = arith.addf %add3A_3866, %mul3A_3864 : vector<16xf32>
      %mul3A_3868 = arith.mulf %mul3A_3858, %add3A_3867 : vector<16xf32>
      %add3A_3869 = arith.constant 2.000000e-01 : f32
      %add3A_3870 = vector.broadcast %add3A_3869 : f32 to vector<16xf32>
      %add3A_3871 = arith.addf %add3A_3870, %mul3A_3868 : vector<16xf32>
      %mul3A_3872 = arith.mulf %mul3A_3858, %add3A_3871 : vector<16xf32>
      %add3A_3873 = arith.constant 0.333333343 : f32
      %add3A_3874 = vector.broadcast %add3A_3873 : f32 to vector<16xf32>
      %add3A_3875 = arith.addf %add3A_3874, %mul3A_3872 : vector<16xf32>
      %mul3A_3876 = arith.mulf %mul3A_3858, %add3A_3875 : vector<16xf32>
      %add3A_3877 = arith.constant 1.000000e+00 : f32
      %add3A_3878 = vector.broadcast %add3A_3877 : f32 to vector<16xf32>
      %add3A_3879 = arith.addf %add3A_3878, %mul3A_3876 : vector<16xf32>
      %mul3A_3880 = arith.mulf %mul3A_3861, %add3A_3879 : vector<16xf32>
      %convert_element_type3A_3881 = arith.sitofp %sub3A_3843 : vector<16xi32> to vector<16xf32>
      %mul3A_3882 = arith.constant 0.693147182 : f32
      %mul3A_3883 = vector.broadcast %mul3A_3882 : f32 to vector<16xf32>
      %mul3A_3884 = arith.mulf %convert_element_type3A_3881, %mul3A_3883 : vector<16xf32>
      %add3A_3885 = arith.addf %mul3A_3884, %mul3A_3880 : vector<16xf32>
      %add3A_3886 = arith.addf %add3A_3810, %add3A_3885 : vector<16xf32>
      %neg3A_3887 = arith.constant 0.000000e+00 : f32
      %neg3A_3888 = vector.broadcast %neg3A_3887 : f32 to vector<16xf32>
      %neg3A_3889 = arith.subf %neg3A_3888, %bitcast_convert_type3A : vector<16xf32>
      %gt3A_3890 = arith.cmpf ogt, %add3A_3886, %neg3A_3889 : vector<16xf32>
      %lt3A_3891 = arith.constant 9 : i32
      %lt3A_3892 = vector.broadcast %lt3A_3891 : i32 to vector<16xi32>
      %lt3A_3893 = arith.cmpi slt, %iota3A, %lt3A_3892 : vector<16xi32>
      %and3A_3894 = arith.andi %gt3A_3890, %lt3A_3893 : vector<16xi1>
      %select_n3A_3895 = arith.select %and3A_3894, %add3A_16, %mul3A_13 : vector<16xi1>, vector<16xf32>
      %add3A_3896 = arith.addf %add3A_3820, %select_n3A_3895 : vector<16xf32>
      %get3A_3897 = arith.constant 560 : index
      %get3A_3898 = tpu.vector_load %arg5[%get3A_3897] {strides = array<i32>} : memref<608xi32, #tpu.memory_space<vmem>>, vector<16xi32>,
      %get3A_3899 = vector.shape_cast %get3A_3898 : vector<16xi32> to vector<16xi32>
      %shift_right_logical3A_3900 = arith.constant 9 : i32
      %shift_right_logical3A_3901 = vector.broadcast %shift_right_logical3A_3900 : i32 to vector<16xi32>
      %shift_right_logical3A_3902 = arith.shrui %get3A_3899, %shift_right_logical3A_3901 : vector<16xi32>
      %or3A_3903 = arith.constant 1065353216 : i32
      %or3A_3904 = vector.broadcast %or3A_3903 : i32 to vector<16xi32>
      %or3A_3905 = arith.ori %shift_right_logical3A_3902, %or3A_3904 : vector<16xi32>
      %bitcast_convert_type3A_3906 = tpu.bitcast %or3A_3905 : vector<16xi32> -> vector<16xf32>
      %sub3A_3907 = arith.constant 1.000000e+00 : f32
      %sub3A_3908 = vector.broadcast %sub3A_3907 : f32 to vector<16xf32>
      %sub3A_3909 = arith.subf %bitcast_convert_type3A_3906, %sub3A_3908 : vector<16xf32>
      %bitcast_convert_type3A_3910 = tpu.bitcast %sub3A_3909 : vector<16xf32> -> vector<16xi32>
      %shift_right_logical3A_3911 = arith.constant 23 : i32
      %shift_right_logical3A_3912 = vector.broadcast %shift_right_logical3A_3911 : i32 to vector<16xi32>
      %shift_right_logical3A_3913 = arith.shrui %bitcast_convert_type3A_3910, %shift_right_logical3A_3912 : vector<16xi32>
      %and3A_3914 = arith.constant 255 : i32
      %and3A_3915 = vector.broadcast %and3A_3914 : i32 to vector<16xi32>
      %and3A_3916 = arith.andi %shift_right_logical3A_3913, %and3A_3915 : vector<16xi32>
      %sub3A_3917 = arith.constant 127 : i32
      %sub3A_3918 = vector.broadcast %sub3A_3917 : i32 to vector<16xi32>
      %sub3A_3919 = arith.subi %and3A_3916, %sub3A_3918 : vector<16xi32>
      %and3A_3920 = arith.constant 8388607 : i32
      %and3A_3921 = vector.broadcast %and3A_3920 : i32 to vector<16xi32>
      %and3A_3922 = arith.andi %bitcast_convert_type3A_3910, %and3A_3921 : vector<16xi32>
      %or3A_3923 = arith.constant 1065353216 : i32
      %or3A_3924 = vector.broadcast %or3A_3923 : i32 to vector<16xi32>
      %or3A_3925 = arith.ori %and3A_3922, %or3A_3924 : vector<16xi32>
      %bitcast_convert_type3A_3926 = tpu.bitcast %or3A_3925 : vector<16xi32> -> vector<16xf32>
      %sub3A_3927 = arith.constant 1.000000e+00 : f32
      %sub3A_3928 = vector.broadcast %sub3A_3927 : f32 to vector<16xf32>
      %sub3A_3929 = arith.subf %bitcast_convert_type3A_3926, %sub3A_3928 : vector<16xf32>
      %add3A_3930 = arith.constant 1.000000e+00 : f32
      %add3A_3931 = vector.broadcast %add3A_3930 : f32 to vector<16xf32>
      %add3A_3932 = arith.addf %bitcast_convert_type3A_3926, %add3A_3931 : vector<16xf32>
      %div3A_3933 = arith.divf %sub3A_3929, %add3A_3932 : vector<16xf32>
      %mul3A_3934 = arith.mulf %div3A_3933, %div3A_3933 : vector<16xf32>
      %mul3A_3935 = arith.constant 2.000000e+00 : f32
      %mul3A_3936 = vector.broadcast %mul3A_3935 : f32 to vector<16xf32>
      %mul3A_3937 = arith.mulf %mul3A_3936, %div3A_3933 : vector<16xf32>
      %mul3A_3938 = arith.constant 0.111111112 : f32
      %mul3A_3939 = vector.broadcast %mul3A_3938 : f32 to vector<16xf32>
      %mul3A_3940 = arith.mulf %mul3A_3934, %mul3A_3939 : vector<16xf32>
      %add3A_3941 = arith.constant 0.142857149 : f32
      %add3A_3942 = vector.broadcast %add3A_3941 : f32 to vector<16xf32>
      %add3A_3943 = arith.addf %add3A_3942, %mul3A_3940 : vector<16xf32>
      %mul3A_3944 = arith.mulf %mul3A_3934, %add3A_3943 : vector<16xf32>
      %add3A_3945 = arith.constant 2.000000e-01 : f32
      %add3A_3946 = vector.broadcast %add3A_3945 : f32 to vector<16xf32>
      %add3A_3947 = arith.addf %add3A_3946, %mul3A_3944 : vector<16xf32>
      %mul3A_3948 = arith.mulf %mul3A_3934, %add3A_3947 : vector<16xf32>
      %add3A_3949 = arith.constant 0.333333343 : f32
      %add3A_3950 = vector.broadcast %add3A_3949 : f32 to vector<16xf32>
      %add3A_3951 = arith.addf %add3A_3950, %mul3A_3948 : vector<16xf32>
      %mul3A_3952 = arith.mulf %mul3A_3934, %add3A_3951 : vector<16xf32>
      %add3A_3953 = arith.constant 1.000000e+00 : f32
      %add3A_3954 = vector.broadcast %add3A_3953 : f32 to vector<16xf32>
      %add3A_3955 = arith.addf %add3A_3954, %mul3A_3952 : vector<16xf32>
      %mul3A_3956 = arith.mulf %mul3A_3937, %add3A_3955 : vector<16xf32>
      %convert_element_type3A_3957 = arith.sitofp %sub3A_3919 : vector<16xi32> to vector<16xf32>
      %mul3A_3958 = arith.constant 0.693147182 : f32
      %mul3A_3959 = vector.broadcast %mul3A_3958 : f32 to vector<16xf32>
      %mul3A_3960 = arith.mulf %convert_element_type3A_3957, %mul3A_3959 : vector<16xf32>
      %add3A_3961 = arith.addf %mul3A_3960, %mul3A_3956 : vector<16xf32>
      %add3A_3962 = arith.addf %add3A_3886, %add3A_3961 : vector<16xf32>
      %neg3A_3963 = arith.constant 0.000000e+00 : f32
      %neg3A_3964 = vector.broadcast %neg3A_3963 : f32 to vector<16xf32>
      %neg3A_3965 = arith.subf %neg3A_3964, %bitcast_convert_type3A : vector<16xf32>
      %gt3A_3966 = arith.cmpf ogt, %add3A_3962, %neg3A_3965 : vector<16xf32>
      %lt3A_3967 = arith.constant 9 : i32
      %lt3A_3968 = vector.broadcast %lt3A_3967 : i32 to vector<16xi32>
      %lt3A_3969 = arith.cmpi slt, %iota3A, %lt3A_3968 : vector<16xi32>
      %and3A_3970 = arith.andi %gt3A_3966, %lt3A_3969 : vector<16xi1>
      %select_n3A_3971 = arith.select %and3A_3970, %add3A_16, %mul3A_13 : vector<16xi1>, vector<16xf32>
      %add3A_3972 = arith.addf %add3A_3896, %select_n3A_3971 : vector<16xf32>
      %get3A_3973 = arith.constant 576 : index
      %get3A_3974 = tpu.vector_load %arg5[%get3A_3973] {strides = array<i32>} : memref<608xi32, #tpu.memory_space<vmem>>, vector<16xi32>,
      %get3A_3975 = vector.shape_cast %get3A_3974 : vector<16xi32> to vector<16xi32>
      %shift_right_logical3A_3976 = arith.constant 9 : i32
      %shift_right_logical3A_3977 = vector.broadcast %shift_right_logical3A_3976 : i32 to vector<16xi32>
      %shift_right_logical3A_3978 = arith.shrui %get3A_3975, %shift_right_logical3A_3977 : vector<16xi32>
      %or3A_3979 = arith.constant 1065353216 : i32
      %or3A_3980 = vector.broadcast %or3A_3979 : i32 to vector<16xi32>
      %or3A_3981 = arith.ori %shift_right_logical3A_3978, %or3A_3980 : vector<16xi32>
      %bitcast_convert_type3A_3982 = tpu.bitcast %or3A_3981 : vector<16xi32> -> vector<16xf32>
      %sub3A_3983 = arith.constant 1.000000e+00 : f32
      %sub3A_3984 = vector.broadcast %sub3A_3983 : f32 to vector<16xf32>
      %sub3A_3985 = arith.subf %bitcast_convert_type3A_3982, %sub3A_3984 : vector<16xf32>
      %bitcast_convert_type3A_3986 = tpu.bitcast %sub3A_3985 : vector<16xf32> -> vector<16xi32>
      %shift_right_logical3A_3987 = arith.constant 23 : i32
      %shift_right_logical3A_3988 = vector.broadcast %shift_right_logical3A_3987 : i32 to vector<16xi32>
      %shift_right_logical3A_3989 = arith.shrui %bitcast_convert_type3A_3986, %shift_right_logical3A_3988 : vector<16xi32>
      %and3A_3990 = arith.constant 255 : i32
      %and3A_3991 = vector.broadcast %and3A_3990 : i32 to vector<16xi32>
      %and3A_3992 = arith.andi %shift_right_logical3A_3989, %and3A_3991 : vector<16xi32>
      %sub3A_3993 = arith.constant 127 : i32
      %sub3A_3994 = vector.broadcast %sub3A_3993 : i32 to vector<16xi32>
      %sub3A_3995 = arith.subi %and3A_3992, %sub3A_3994 : vector<16xi32>
      %and3A_3996 = arith.constant 8388607 : i32
      %and3A_3997 = vector.broadcast %and3A_3996 : i32 to vector<16xi32>
      %and3A_3998 = arith.andi %bitcast_convert_type3A_3986, %and3A_3997 : vector<16xi32>
      %or3A_3999 = arith.constant 1065353216 : i32
      %or3A_4000 = vector.broadcast %or3A_3999 : i32 to vector<16xi32>
      %or3A_4001 = arith.ori %and3A_3998, %or3A_4000 : vector<16xi32>
      %bitcast_convert_type3A_4002 = tpu.bitcast %or3A_4001 : vector<16xi32> -> vector<16xf32>
      %sub3A_4003 = arith.constant 1.000000e+00 : f32
      %sub3A_4004 = vector.broadcast %sub3A_4003 : f32 to vector<16xf32>
      %sub3A_4005 = arith.subf %bitcast_convert_type3A_4002, %sub3A_4004 : vector<16xf32>
      %add3A_4006 = arith.constant 1.000000e+00 : f32
      %add3A_4007 = vector.broadcast %add3A_4006 : f32 to vector<16xf32>
      %add3A_4008 = arith.addf %bitcast_convert_type3A_4002, %add3A_4007 : vector<16xf32>
      %div3A_4009 = arith.divf %sub3A_4005, %add3A_4008 : vector<16xf32>
      %mul3A_4010 = arith.mulf %div3A_4009, %div3A_4009 : vector<16xf32>
      %mul3A_4011 = arith.constant 2.000000e+00 : f32
      %mul3A_4012 = vector.broadcast %mul3A_4011 : f32 to vector<16xf32>
      %mul3A_4013 = arith.mulf %mul3A_4012, %div3A_4009 : vector<16xf32>
      %mul3A_4014 = arith.constant 0.111111112 : f32
      %mul3A_4015 = vector.broadcast %mul3A_4014 : f32 to vector<16xf32>
      %mul3A_4016 = arith.mulf %mul3A_4010, %mul3A_4015 : vector<16xf32>
      %add3A_4017 = arith.constant 0.142857149 : f32
      %add3A_4018 = vector.broadcast %add3A_4017 : f32 to vector<16xf32>
      %add3A_4019 = arith.addf %add3A_4018, %mul3A_4016 : vector<16xf32>
      %mul3A_4020 = arith.mulf %mul3A_4010, %add3A_4019 : vector<16xf32>
      %add3A_4021 = arith.constant 2.000000e-01 : f32
      %add3A_4022 = vector.broadcast %add3A_4021 : f32 to vector<16xf32>
      %add3A_4023 = arith.addf %add3A_4022, %mul3A_4020 : vector<16xf32>
      %mul3A_4024 = arith.mulf %mul3A_4010, %add3A_4023 : vector<16xf32>
      %add3A_4025 = arith.constant 0.333333343 : f32
      %add3A_4026 = vector.broadcast %add3A_4025 : f32 to vector<16xf32>
      %add3A_4027 = arith.addf %add3A_4026, %mul3A_4024 : vector<16xf32>
      %mul3A_4028 = arith.mulf %mul3A_4010, %add3A_4027 : vector<16xf32>
      %add3A_4029 = arith.constant 1.000000e+00 : f32
      %add3A_4030 = vector.broadcast %add3A_4029 : f32 to vector<16xf32>
      %add3A_4031 = arith.addf %add3A_4030, %mul3A_4028 : vector<16xf32>
      %mul3A_4032 = arith.mulf %mul3A_4013, %add3A_4031 : vector<16xf32>
      %convert_element_type3A_4033 = arith.sitofp %sub3A_3995 : vector<16xi32> to vector<16xf32>
      %mul3A_4034 = arith.constant 0.693147182 : f32
      %mul3A_4035 = vector.broadcast %mul3A_4034 : f32 to vector<16xf32>
      %mul3A_4036 = arith.mulf %convert_element_type3A_4033, %mul3A_4035 : vector<16xf32>
      %add3A_4037 = arith.addf %mul3A_4036, %mul3A_4032 : vector<16xf32>
      %add3A_4038 = arith.addf %add3A_3962, %add3A_4037 : vector<16xf32>
      %neg3A_4039 = arith.constant 0.000000e+00 : f32
      %neg3A_4040 = vector.broadcast %neg3A_4039 : f32 to vector<16xf32>
      %neg3A_4041 = arith.subf %neg3A_4040, %bitcast_convert_type3A : vector<16xf32>
      %gt3A_4042 = arith.cmpf ogt, %add3A_4038, %neg3A_4041 : vector<16xf32>
      %lt3A_4043 = arith.constant 9 : i32
      %lt3A_4044 = vector.broadcast %lt3A_4043 : i32 to vector<16xi32>
      %lt3A_4045 = arith.cmpi slt, %iota3A, %lt3A_4044 : vector<16xi32>
      %and3A_4046 = arith.andi %gt3A_4042, %lt3A_4045 : vector<16xi1>
      %select_n3A_4047 = arith.select %and3A_4046, %add3A_16, %mul3A_13 : vector<16xi1>, vector<16xf32>
      %add3A_4048 = arith.addf %add3A_3972, %select_n3A_4047 : vector<16xf32>
      %get3A_4049 = arith.constant 592 : index
      %get3A_4050 = tpu.vector_load %arg5[%get3A_4049] {strides = array<i32>} : memref<608xi32, #tpu.memory_space<vmem>>, vector<16xi32>,
      %get3A_4051 = vector.shape_cast %get3A_4050 : vector<16xi32> to vector<16xi32>
      %shift_right_logical3A_4052 = arith.constant 9 : i32
      %shift_right_logical3A_4053 = vector.broadcast %shift_right_logical3A_4052 : i32 to vector<16xi32>
      %shift_right_logical3A_4054 = arith.shrui %get3A_4051, %shift_right_logical3A_4053 : vector<16xi32>
      %or3A_4055 = arith.constant 1065353216 : i32
      %or3A_4056 = vector.broadcast %or3A_4055 : i32 to vector<16xi32>
      %or3A_4057 = arith.ori %shift_right_logical3A_4054, %or3A_4056 : vector<16xi32>
      %bitcast_convert_type3A_4058 = tpu.bitcast %or3A_4057 : vector<16xi32> -> vector<16xf32>
      %sub3A_4059 = arith.constant 1.000000e+00 : f32
      %sub3A_4060 = vector.broadcast %sub3A_4059 : f32 to vector<16xf32>
      %sub3A_4061 = arith.subf %bitcast_convert_type3A_4058, %sub3A_4060 : vector<16xf32>
      %bitcast_convert_type3A_4062 = tpu.bitcast %sub3A_4061 : vector<16xf32> -> vector<16xi32>
      %shift_right_logical3A_4063 = arith.constant 23 : i32
      %shift_right_logical3A_4064 = vector.broadcast %shift_right_logical3A_4063 : i32 to vector<16xi32>
      %shift_right_logical3A_4065 = arith.shrui %bitcast_convert_type3A_4062, %shift_right_logical3A_4064 : vector<16xi32>
      %and3A_4066 = arith.constant 255 : i32
      %and3A_4067 = vector.broadcast %and3A_4066 : i32 to vector<16xi32>
      %and3A_4068 = arith.andi %shift_right_logical3A_4065, %and3A_4067 : vector<16xi32>
      %sub3A_4069 = arith.constant 127 : i32
      %sub3A_4070 = vector.broadcast %sub3A_4069 : i32 to vector<16xi32>
      %sub3A_4071 = arith.subi %and3A_4068, %sub3A_4070 : vector<16xi32>
      %and3A_4072 = arith.constant 8388607 : i32
      %and3A_4073 = vector.broadcast %and3A_4072 : i32 to vector<16xi32>
      %and3A_4074 = arith.andi %bitcast_convert_type3A_4062, %and3A_4073 : vector<16xi32>
      %or3A_4075 = arith.constant 1065353216 : i32
      %or3A_4076 = vector.broadcast %or3A_4075 : i32 to vector<16xi32>
      %or3A_4077 = arith.ori %and3A_4074, %or3A_4076 : vector<16xi32>
      %bitcast_convert_type3A_4078 = tpu.bitcast %or3A_4077 : vector<16xi32> -> vector<16xf32>
      %sub3A_4079 = arith.constant 1.000000e+00 : f32
      %sub3A_4080 = vector.broadcast %sub3A_4079 : f32 to vector<16xf32>
      %sub3A_4081 = arith.subf %bitcast_convert_type3A_4078, %sub3A_4080 : vector<16xf32>
      %add3A_4082 = arith.constant 1.000000e+00 : f32
      %add3A_4083 = vector.broadcast %add3A_4082 : f32 to vector<16xf32>
      %add3A_4084 = arith.addf %bitcast_convert_type3A_4078, %add3A_4083 : vector<16xf32>
      %div3A_4085 = arith.divf %sub3A_4081, %add3A_4084 : vector<16xf32>
      %mul3A_4086 = arith.mulf %div3A_4085, %div3A_4085 : vector<16xf32>
      %mul3A_4087 = arith.constant 2.000000e+00 : f32
      %mul3A_4088 = vector.broadcast %mul3A_4087 : f32 to vector<16xf32>
      %mul3A_4089 = arith.mulf %mul3A_4088, %div3A_4085 : vector<16xf32>
      %mul3A_4090 = arith.constant 0.111111112 : f32
      %mul3A_4091 = vector.broadcast %mul3A_4090 : f32 to vector<16xf32>
      %mul3A_4092 = arith.mulf %mul3A_4086, %mul3A_4091 : vector<16xf32>
      %add3A_4093 = arith.constant 0.142857149 : f32
      %add3A_4094 = vector.broadcast %add3A_4093 : f32 to vector<16xf32>
      %add3A_4095 = arith.addf %add3A_4094, %mul3A_4092 : vector<16xf32>
      %mul3A_4096 = arith.mulf %mul3A_4086, %add3A_4095 : vector<16xf32>
      %add3A_4097 = arith.constant 2.000000e-01 : f32
      %add3A_4098 = vector.broadcast %add3A_4097 : f32 to vector<16xf32>
      %add3A_4099 = arith.addf %add3A_4098, %mul3A_4096 : vector<16xf32>
      %mul3A_4100 = arith.mulf %mul3A_4086, %add3A_4099 : vector<16xf32>
      %add3A_4101 = arith.constant 0.333333343 : f32
      %add3A_4102 = vector.broadcast %add3A_4101 : f32 to vector<16xf32>
      %add3A_4103 = arith.addf %add3A_4102, %mul3A_4100 : vector<16xf32>
      %mul3A_4104 = arith.mulf %mul3A_4086, %add3A_4103 : vector<16xf32>
      %add3A_4105 = arith.constant 1.000000e+00 : f32
      %add3A_4106 = vector.broadcast %add3A_4105 : f32 to vector<16xf32>
      %add3A_4107 = arith.addf %add3A_4106, %mul3A_4104 : vector<16xf32>
      %mul3A_4108 = arith.mulf %mul3A_4089, %add3A_4107 : vector<16xf32>
      %convert_element_type3A_4109 = arith.sitofp %sub3A_4071 : vector<16xi32> to vector<16xf32>
      %mul3A_4110 = arith.constant 0.693147182 : f32
      %mul3A_4111 = vector.broadcast %mul3A_4110 : f32 to vector<16xf32>
      %mul3A_4112 = arith.mulf %convert_element_type3A_4109, %mul3A_4111 : vector<16xf32>
      %add3A_4113 = arith.addf %mul3A_4112, %mul3A_4108 : vector<16xf32>
      %add3A_4114 = arith.addf %add3A_4038, %add3A_4113 : vector<16xf32>
      %xor3A_4115 = arith.constant 8 : i32
      %xor3A_4116 = vector.broadcast %xor3A_4115 : i32 to vector<16xi32>
      %xor3A_4117 = arith.xori %iota3A, %xor3A_4116 : vector<16xi32>
      %lt3A_4118 = arith.constant 0 : i32
      %lt3A_4119 = vector.broadcast %lt3A_4118 : i32 to vector<16xi32>
      %lt3A_4120 = arith.cmpi slt, %xor3A_4117, %lt3A_4119 : vector<16xi32>
      %add3A_4121 = arith.constant 16 : i32
      %add3A_4122 = vector.broadcast %add3A_4121 : i32 to vector<16xi32>
      %add3A_4123 = arith.addi %xor3A_4117, %add3A_4122 : vector<16xi32>
      %select_n3A_4124 = arith.select %lt3A_4120, %add3A_4123, %xor3A_4117 : vector<16xi1>, vector<16xi32>
      %broadcast_in_dim3A_4125 = vector.shape_cast %select_n3A_4124 : vector<16xi32> to vector<16x1xi32>
      %gather3A_4126 = vector.shape_cast %broadcast_in_dim3A_4125 : vector<16x1xi32> to vector<16xi32>
      %gather3A_4127 = tpu.dynamic_gather %add3A_4048[%gather3A_4126] in [0] : vector<16xf32>, vector<16xi32> -> vector<16xf32>
      %add3A_4128 = arith.addf %add3A_4048, %gather3A_4127 : vector<16xf32>
      %xor3A_4129 = arith.constant 4 : i32
      %xor3A_4130 = vector.broadcast %xor3A_4129 : i32 to vector<16xi32>
      %xor3A_4131 = arith.xori %iota3A, %xor3A_4130 : vector<16xi32>
      %lt3A_4132 = arith.constant 0 : i32
      %lt3A_4133 = vector.broadcast %lt3A_4132 : i32 to vector<16xi32>
      %lt3A_4134 = arith.cmpi slt, %xor3A_4131, %lt3A_4133 : vector<16xi32>
      %add3A_4135 = arith.constant 16 : i32
      %add3A_4136 = vector.broadcast %add3A_4135 : i32 to vector<16xi32>
      %add3A_4137 = arith.addi %xor3A_4131, %add3A_4136 : vector<16xi32>
      %select_n3A_4138 = arith.select %lt3A_4134, %add3A_4137, %xor3A_4131 : vector<16xi1>, vector<16xi32>
      %broadcast_in_dim3A_4139 = vector.shape_cast %select_n3A_4138 : vector<16xi32> to vector<16x1xi32>
      %gather3A_4140 = vector.shape_cast %broadcast_in_dim3A_4139 : vector<16x1xi32> to vector<16xi32>
      %gather3A_4141 = tpu.dynamic_gather %add3A_4128[%gather3A_4140] in [0] : vector<16xf32>, vector<16xi32> -> vector<16xf32>
      %add3A_4142 = arith.addf %add3A_4128, %gather3A_4141 : vector<16xf32>
      %xor3A_4143 = arith.constant 2 : i32
      %xor3A_4144 = vector.broadcast %xor3A_4143 : i32 to vector<16xi32>
      %xor3A_4145 = arith.xori %iota3A, %xor3A_4144 : vector<16xi32>
      %lt3A_4146 = arith.constant 0 : i32
      %lt3A_4147 = vector.broadcast %lt3A_4146 : i32 to vector<16xi32>
      %lt3A_4148 = arith.cmpi slt, %xor3A_4145, %lt3A_4147 : vector<16xi32>
      %add3A_4149 = arith.constant 16 : i32
      %add3A_4150 = vector.broadcast %add3A_4149 : i32 to vector<16xi32>
      %add3A_4151 = arith.addi %xor3A_4145, %add3A_4150 : vector<16xi32>
      %select_n3A_4152 = arith.select %lt3A_4148, %add3A_4151, %xor3A_4145 : vector<16xi1>, vector<16xi32>
      %broadcast_in_dim3A_4153 = vector.shape_cast %select_n3A_4152 : vector<16xi32> to vector<16x1xi32>
      %gather3A_4154 = vector.shape_cast %broadcast_in_dim3A_4153 : vector<16x1xi32> to vector<16xi32>
      %gather3A_4155 = tpu.dynamic_gather %add3A_4142[%gather3A_4154] in [0] : vector<16xf32>, vector<16xi32> -> vector<16xf32>
      %add3A_4156 = arith.addf %add3A_4142, %gather3A_4155 : vector<16xf32>
      %xor3A_4157 = arith.constant 1 : i32
      %xor3A_4158 = vector.broadcast %xor3A_4157 : i32 to vector<16xi32>
      %xor3A_4159 = arith.xori %iota3A, %xor3A_4158 : vector<16xi32>
      %lt3A_4160 = arith.constant 0 : i32
      %lt3A_4161 = vector.broadcast %lt3A_4160 : i32 to vector<16xi32>
      %lt3A_4162 = arith.cmpi slt, %xor3A_4159, %lt3A_4161 : vector<16xi32>
      %add3A_4163 = arith.constant 16 : i32
      %add3A_4164 = vector.broadcast %add3A_4163 : i32 to vector<16xi32>
      %add3A_4165 = arith.addi %xor3A_4159, %add3A_4164 : vector<16xi32>
      %select_n3A_4166 = arith.select %lt3A_4162, %add3A_4165, %xor3A_4159 : vector<16xi1>, vector<16xi32>
      %broadcast_in_dim3A_4167 = vector.shape_cast %select_n3A_4166 : vector<16xi32> to vector<16x1xi32>
      %gather3A_4168 = vector.shape_cast %broadcast_in_dim3A_4167 : vector<16x1xi32> to vector<16xi32>
      %gather3A_4169 = tpu.dynamic_gather %add3A_4156[%gather3A_4168] in [0] : vector<16xf32>, vector<16xi32> -> vector<16xf32>
      %add3A_4170 = arith.addf %add3A_4156, %gather3A_4169 : vector<16xf32>
      %sub3A_4171 = arith.constant 9.000000e+00 : f32
      %sub3A_4172 = vector.broadcast %sub3A_4171 : f32 to vector<16xf32>
      %sub3A_4173 = arith.subf %add3A_4170, %sub3A_4172 : vector<16xf32>
      %div3A_4174 = arith.constant 9.000000e+00 : f32
      %div3A_4175 = vector.broadcast %div3A_4174 : f32 to vector<16xf32>
      %div3A_4176 = arith.divf %sub3A_4173, %div3A_4175 : vector<16xf32>
      %eq3A_4177 = arith.constant 0 : i32
      %eq3A_4178 = vector.broadcast %eq3A_4177 : i32 to vector<16xi32>
      %eq3A_4179 = arith.cmpi eq, %iota3A, %eq3A_4178 : vector<16xi32>
      %select_n3A_4180 = arith.select %eq3A_4179, %div3A_81, %mul3A_13 : vector<16xi1>, vector<16xf32>
      %add3A_4181 = arith.addf %mul3A_13, %select_n3A_4180 : vector<16xf32>
      %eq3A_4182 = arith.constant 1 : i32
      %eq3A_4183 = vector.broadcast %eq3A_4182 : i32 to vector<16xi32>
      %eq3A_4184 = arith.cmpi eq, %iota3A, %eq3A_4183 : vector<16xi32>
      %select_n3A_4185 = arith.select %eq3A_4184, %mul3A_545, %mul3A_13 : vector<16xi1>, vector<16xf32>
      %add3A_4186 = arith.addf %add3A_4181, %select_n3A_4185 : vector<16xf32>
      %eq3A_4187 = arith.constant 2 : i32
      %eq3A_4188 = vector.broadcast %eq3A_4187 : i32 to vector<16xi32>
      %eq3A_4189 = arith.cmpi eq, %iota3A, %eq3A_4188 : vector<16xi32>
      %select_n3A_4190 = arith.select %eq3A_4189, %div3A_733, %mul3A_13 : vector<16xi1>, vector<16xf32>
      %add3A_4191 = arith.addf %add3A_4186, %select_n3A_4190 : vector<16xf32>
      %eq3A_4192 = arith.constant 3 : i32
      %eq3A_4193 = vector.broadcast %eq3A_4192 : i32 to vector<16xi32>
      %eq3A_4194 = arith.cmpi eq, %iota3A, %eq3A_4193 : vector<16xi32>
      %select_n3A_4195 = arith.select %eq3A_4194, %div3A_4176, %mul3A_13 : vector<16xi1>, vector<16xf32>
      %add3A_4196 = arith.addf %add3A_4191, %select_n3A_4195 : vector<16xf32>
      %eq3A_4197 = arith.constant 4 : i32
      %eq3A_4198 = vector.broadcast %eq3A_4197 : i32 to vector<16xi32>
      %eq3A_4199 = arith.cmpi eq, %iota3A, %eq3A_4198 : vector<16xi32>
      %select_n3A_4200 = arith.select %eq3A_4199, %div3A_1007, %mul3A_13 : vector<16xi1>, vector<16xf32>
      %add3A_4201 = arith.addf %add3A_4196, %select_n3A_4200 : vector<16xf32>
      %eq3A_4202 = arith.constant 5 : i32
      %eq3A_4203 = vector.broadcast %eq3A_4202 : i32 to vector<16xi32>
      %eq3A_4204 = arith.cmpi eq, %iota3A, %eq3A_4203 : vector<16xi32>
      %select_n3A_4205 = arith.select %eq3A_4204, %div3A_1083, %mul3A_13 : vector<16xi1>, vector<16xf32>
      %add3A_4206 = arith.addf %add3A_4201, %select_n3A_4205 : vector<16xf32>
      %eq3A_4207 = arith.constant 6 : i32
      %eq3A_4208 = vector.broadcast %eq3A_4207 : i32 to vector<16xi32>
      %eq3A_4209 = arith.cmpi eq, %iota3A, %eq3A_4208 : vector<16xi32>
      %select_n3A_4210 = arith.select %eq3A_4209, %div3A_864, %mul3A_13 : vector<16xi1>, vector<16xf32>
      %add3A_4211 = arith.addf %add3A_4206, %select_n3A_4210 : vector<16xf32>
      %eq3A_4212 = arith.constant 7 : i32
      %eq3A_4213 = vector.broadcast %eq3A_4212 : i32 to vector<16xi32>
      %eq3A_4214 = arith.cmpi eq, %iota3A, %eq3A_4213 : vector<16xi32>
      %select_n3A_4215 = arith.select %eq3A_4214, %div3A_1229, %mul3A_13 : vector<16xi1>, vector<16xf32>
      %add3A_4216 = arith.addf %add3A_4211, %select_n3A_4215 : vector<16xf32>
      %eq3A_4217 = arith.constant 8 : i32
      %eq3A_4218 = vector.broadcast %eq3A_4217 : i32 to vector<16xi32>
      %eq3A_4219 = arith.cmpi eq, %iota3A, %eq3A_4218 : vector<16xi32>
      %select_n3A_4220 = arith.select %eq3A_4219, %div3A_940, %mul3A_13 : vector<16xi1>, vector<16xf32>
      %add3A_4221 = arith.addf %add3A_4216, %select_n3A_4220 : vector<16xf32>
      %eq3A_4222 = arith.constant 9 : i32
      %eq3A_4223 = vector.broadcast %eq3A_4222 : i32 to vector<16xi32>
      %eq3A_4224 = arith.cmpi eq, %iota3A, %eq3A_4223 : vector<16xi32>
      %select_n3A_4225 = arith.select %eq3A_4224, %div3A_1491, %mul3A_13 : vector<16xi1>, vector<16xf32>
      %add3A_4226 = arith.addf %add3A_4221, %select_n3A_4225 : vector<16xf32>
      %eq3A_4227 = arith.constant 10 : i32
      %eq3A_4228 = vector.broadcast %eq3A_4227 : i32 to vector<16xi32>
      %eq3A_4229 = arith.cmpi eq, %iota3A, %eq3A_4228 : vector<16xi32>
      %select_n3A_4230 = arith.select %eq3A_4229, %add3A_1686, %mul3A_13 : vector<16xi1>, vector<16xf32>
      %add3A_4231 = arith.addf %add3A_4226, %select_n3A_4230 : vector<16xf32>
      %eq3A_4232 = arith.constant 11 : i32
      %eq3A_4233 = vector.broadcast %eq3A_4232 : i32 to vector<16xi32>
      %eq3A_4234 = arith.cmpi eq, %iota3A, %eq3A_4233 : vector<16xi32>
      %select_n3A_4235 = arith.select %eq3A_4234, %div3A_155, %mul3A_13 : vector<16xi1>, vector<16xf32>
      %add3A_4236 = arith.addf %add3A_4231, %select_n3A_4235 : vector<16xf32>
      %eq3A_4237 = arith.constant 12 : i32
      %eq3A_4238 = vector.broadcast %eq3A_4237 : i32 to vector<16xi32>
      %eq3A_4239 = arith.cmpi eq, %iota3A, %eq3A_4238 : vector<16xi32>
      %select_n3A_4240 = arith.select %eq3A_4239, %div3A_1817, %mul3A_13 : vector<16xi1>, vector<16xf32>
      %add3A_4241 = arith.addf %add3A_4236, %select_n3A_4240 : vector<16xf32>
      %eq3A_4242 = arith.constant 13 : i32
      %eq3A_4243 = vector.broadcast %eq3A_4242 : i32 to vector<16xi32>
      %eq3A_4244 = arith.cmpi eq, %iota3A, %eq3A_4243 : vector<16xi32>
      %select_n3A_4245 = arith.select %eq3A_4244, %div3A_1951, %mul3A_13 : vector<16xi1>, vector<16xf32>
      %add3A_4246 = arith.addf %add3A_4241, %select_n3A_4245 : vector<16xf32>
      %eq3A_4247 = arith.constant 14 : i32
      %eq3A_4248 = vector.broadcast %eq3A_4247 : i32 to vector<16xi32>
      %eq3A_4249 = arith.cmpi eq, %iota3A, %eq3A_4248 : vector<16xi32>
      %select_n3A_4250 = arith.select %eq3A_4249, %div3A_2093, %mul3A_13 : vector<16xi1>, vector<16xf32>
      %add3A_4251 = arith.addf %add3A_4246, %select_n3A_4250 : vector<16xf32>
      %eq3A_4252 = arith.constant 15 : i32
      %eq3A_4253 = vector.broadcast %eq3A_4252 : i32 to vector<16xi32>
      %eq3A_4254 = arith.cmpi eq, %iota3A, %eq3A_4253 : vector<16xi32>
      %select_n3A_4255 = arith.select %eq3A_4254, %div3A_2291, %mul3A_13 : vector<16xi1>, vector<16xf32>
      %add3A_4256 = arith.addf %add3A_4251, %select_n3A_4255 : vector<16xf32>
      %eq3A_4257 = arith.constant 0 : i32
      %eq3A_4258 = vector.broadcast %eq3A_4257 : i32 to vector<16xi32>
      %eq3A_4259 = arith.cmpi eq, %iota3A, %eq3A_4258 : vector<16xi32>
      %select_n3A_4260 = arith.select %eq3A_4259, %div3A_1683, %mul3A_13 : vector<16xi1>, vector<16xf32>
      %add3A_4261 = arith.addf %mul3A_13, %select_n3A_4260 : vector<16xf32>
      %eq3A_4262 = arith.constant 1 : i32
      %eq3A_4263 = vector.broadcast %eq3A_4262 : i32 to vector<16xi32>
      %eq3A_4264 = arith.cmpi eq, %iota3A, %eq3A_4263 : vector<16xi32>
      %select_n3A_4265 = arith.select %eq3A_4264, %div3A_1299, %mul3A_13 : vector<16xi1>, vector<16xf32>
      %add3A_4266 = arith.addf %add3A_4261, %select_n3A_4265 : vector<16xf32>
      %eq3A_4267 = arith.constant 2 : i32
      %eq3A_4268 = vector.broadcast %eq3A_4267 : i32 to vector<16xi32>
      %eq3A_4269 = arith.cmpi eq, %iota3A, %eq3A_4268 : vector<16xi32>
      %select_n3A_4270 = arith.select %eq3A_4269, %div3A_1159, %mul3A_13 : vector<16xi1>, vector<16xf32>
      %add3A_4271 = arith.addf %add3A_4266, %select_n3A_4270 : vector<16xf32>
      %swap3A = arith.constant 0 : index
      %swap3A_4272 = tpu.vector_load %arg6[%swap3A] {strides = array<i32>} : memref<32xf32, #tpu.memory_space<vmem>>, vector<16xf32>,
      %swap3A_4273 = vector.shape_cast %swap3A_4272 : vector<16xf32> to vector<16xf32>
      %swap3A_4274 = vector.shape_cast %add3A_4256 : vector<16xf32> to vector<16xf32>
      tpu.vector_store %arg6[%swap3A], %swap3A_4274 {strides = array<i32>} : memref<32xf32, #tpu.memory_space<vmem>>, vector<16xf32>,
      %swap3A_4275 = arith.constant 16 : index
      %swap3A_4276 = tpu.vector_load %arg6[%swap3A_4275] {strides = array<i32>} : memref<32xf32, #tpu.memory_space<vmem>>, vector<16xf32>,
      %swap3A_4277 = vector.shape_cast %swap3A_4276 : vector<16xf32> to vector<16xf32>
      %swap3A_4278 = vector.shape_cast %add3A_4271 : vector<16xf32> to vector<16xf32>
      tpu.vector_store %arg6[%swap3A_4275], %swap3A_4278 {strides = array<i32>} : memref<32xf32, #tpu.memory_space<vmem>>, vector<16xf32>,
      "tpu.region"() ({
        %run_scoped3A = tpu.sem_alloc : memref<!tpu.dma_semaphore, #tpu.memory_space<semaphore_mem>>
        tpu.enqueue_dma source(%arg6 : memref<32xf32, #tpu.memory_space<vmem>>) target(%arg3 : memref<32xf32, #tpu.memory_space<hbm>>) target_semaphore(%run_scoped3A : memref<!tpu.dma_semaphore, #tpu.memory_space<semaphore_mem>>)
        tpu.wait_dma2 semaphore(%run_scoped3A : memref<!tpu.dma_semaphore, #tpu.memory_space<semaphore_mem>>) src(%arg6 : memref<32xf32, #tpu.memory_space<vmem>>) dst(%arg3 : memref<32xf32, #tpu.memory_space<hbm>>)
        tpu.yield
      }) : () -> ()
    } else {
    }
    return
  }
}

</mosaic_0001>

<sc_bundles>
// kernel: kernel.3.cloned.1.call-start
scs
__scs_entry_jumppad:
0x0: {  	(pc) =	sbr.rel $0x88, $3  }
0x1: {  	(tag) =	ssettag $0x0;
	lr =	simm.s32 $0x1  }
0x2: {  	[smem:$0x3FA0] =	sst lr;
	_ =	strace $0xD0000000  }
0x3: {  	_ = 	snop  }
0x4: {  	_ = 	snop  }
0x5: {  	_ = 	snop  }
0x6: {  	_ = 	snop  }
0x7: {  	_ = 	snop  }
__scs_overlays_trampoline_lowered:
0x8: {  	[smem:$0x3FAF] =	sst s0  }
0x9: {  	[smem:$0x3FB0] =	sst s1  }
0xa: {  	[smem:$0x3FB1] =	sst s2  }
0xb: {  	[smem:$0x3FB2] =	sst s3  }
0xc: {  	[smem:$0x3FB3] =	sst s4  }
0xd: {  	[smem:$0x3FB4] =	sst s5  }
0xe: {  	[smem:$0x3FB5] =	sst s6  }
0xf: {  	[smem:$0x3FB6] =	sst s7  }
0x10: {  	[smem:$0x3FB7] =	sst s8  }
0x11: {  	[smem:$0x3FB8] =	sst s9;
	s0 =	simm.s32 @!p0 $0x0  }
0x12: {  	s1 =	sld [smem:$0x3F9E];
	s0 =	simm.s32 @p0 $0x1  }
0x13: {  	[smem:$0x3FB9] =	sst s0;
	s0 =	simm.s32 @!p1 $0x0  }
0x14: {  	s2 =	sld [smem:$0x3F9D];
	s0 =	simm.s32 @p1 $0x1  }
0x15: {  	[smem:$0x3FBA] =	sst s0;
	s0 =	simm.s32 @!p2 $0x0  }
0x16: {  	s3 =	sld [smem:$0x3FDB];
	s0 =	simm.s32 @p2 $0x1  }
0x17: {  	s4 =	simm.s32 $0x1BF5;
	[smem:$0x3FBC] =	sst s0  }
0x18: {  	s0 =	sld [smem:$0x3F9F];
	_ =	swait.ge [sflag:s4], $0x0  }
0x19: {  	s7 =	sld [smem:$0x3FA0]  }
0x1a: {  	s8 =	sadd.s32 $0xFFFFE003, lr  }
0x1b: {  	s9 =	sadd.s32 $0xFFFFFEF7, lr;
	s5 =	simm.s32 $0xFFFFFFFF;
	p2 =	slt.u32 s8, $0xFFFFF086  }
0x1c: {  	p1 =	slt.u32 s9, $0xF7A;
	s5 =	simm.s32 @!p2 $0x0  }
0x1d: {  	s5 =	simm.s32 @p1 $0x1;
	p0 =	seq.s32 s7, s2  }
0x1e: {  	s7 =	smul.u32 @!p0 $0xF7A, s2;
	p2 =	seq.s32 @!p0 s5, $0x0  }
0x1f: {  	s9 =	smul.u32 $0xF7A, s1;
	s8 =	simm.s32 @!p0 $0x1BF5;
	p2 =	por !p2, p0  }
0x20: {  	[sflag:s8] =	ssyncset.s32 @!p0 $0xFFFFF086;
	s6 =	sadd.s32 @!p0 s3, s7;
	s7 =	simm.s32 @!p0 $0x108  }
0x21: {  	s3 =	sadd.s32 s3, s9;
	s6 =	sadd.s32 @!p0 $0x88, s6;
	s7 =	simm.s32 @p2 $0x1082  }
0x22: {  	[simem:s7], [sflag:s8] =	dma.local @!p0 [hbm:s6], $0xF7A  }
0x23: {  	s9 =	sor.u32 $0xD0000000, s2;
	s6 =	simm.s32 $0x108;
	_ =	swait.ge @!p0 [sflag:s8], $0x0  }
0x24: {  	s3 =	sadd.s32 $0x88, s3;
	s6 =	simm.s32 @!p1 $0x1082;
	[sflag:s4] =	ssyncset.s32 $0xFFFFF086  }
0x25: {  	[simem:s6], [sflag:s4] =	dma.local [hbm:s3], $0xF7A  }
0x26: {  	[smem:$0x3FA0] =	sst s1;
	(tag) =	ssettag s2;
	_ =	strace s9  }
0x27: {  	s1 =	sld [smem:$0x3FB0]  }
0x28: {  	s2 =	sld [smem:$0x3FB1]  }
0x29: {  	s4 =	sld [smem:$0x3FB3]  }
0x2a: {  	p0 =	seq.s32 s5, $0x0;
	s5 =	sld [smem:$0x3FB4]  }
0x2b: {  	s6 =	sld [smem:$0x3FB5]  }
0x2c: {  	s7 =	sld [smem:$0x3FB6]  }
0x2d: {  	s3 =	simm.s32 $0x108;
	s8 =	sld [smem:$0x3FB7]  }
0x2e: {  	s3 =	simm.s32 @!p0 $0x1082;
	s9 =	sld [smem:$0x3FB8]  }
0x2f: {  	lr =	sadd.s32 s0, s3;
	s0 =	sld [smem:$0x3FAF]  }
0x30: {  	s3 =	sld [smem:$0x3FB2]  }
0x31: {  	[smem:$0x3FBB] =	sst s10  }
0x32: {  	s10 =	sld [smem:$0x3FB9];
	_ =	sdelay $0x3  }
0x33: {  	p0 =	seq.s32 s10, $0x1;
	s10 =	sld [smem:$0x3FBB];
	_ =	sdelay $0x3  }
0x34: {  	[smem:$0x3FBB] =	sst s10  }
0x35: {  	s10 =	sld [smem:$0x3FBA];
	_ =	sdelay $0x3  }
0x36: {  	p1 =	seq.s32 s10, $0x1;
	s10 =	sld [smem:$0x3FBB];
	_ =	sdelay $0x3  }
0x37: {  	[smem:$0x3FBB] =	sst s10  }
0x38: {  	s10 =	sld [smem:$0x3FBC]  }
0x39: {  	_ = 	snop;
	(pc) =	sbr.ind lr, $3  }
0x3a: {  	_ = 	snop  }
0x3b: {  	_ = 	snop  }
0x3c: {  	p2 =	seq.s32 s10, $0x1;
	s10 =	sld [smem:$0x3FBB]  }
0x3d: {  	_ =	shalt  }
0x3e: {  	_ =	shalt  }
0x3f: {  	_ =	shalt  }
0x40: {  	_ =	shalt  }
0x41: {  	_ =	shalt  }
0x42: {  	_ =	shalt  }
0x43: {  	_ =	shalt  }
0x44: {  	_ =	shalt  }
0x45: {  	_ =	shalt  }
0x46: {  	_ =	shalt  }
0x47: {  	_ =	shalt  }
0x48: {  	_ =	shalt  }
0x49: {  	_ =	shalt  }
0x4a: {  	_ =	shalt  }
0x4b: {  	_ =	shalt  }
0x4c: {  	_ =	shalt  }
0x4d: {  	_ =	shalt  }
0x4e: {  	_ =	shalt  }
0x4f: {  	_ =	shalt  }
0x50: {  	_ =	shalt  }
0x51: {  	_ =	shalt  }
0x52: {  	_ =	shalt  }
0x53: {  	_ =	shalt  }
0x54: {  	_ =	shalt  }
0x55: {  	_ =	shalt  }
0x56: {  	_ =	shalt  }
0x57: {  	_ =	shalt  }
0x58: {  	_ =	shalt  }
0x59: {  	_ =	shalt  }
0x5a: {  	_ =	shalt  }
0x5b: {  	_ =	shalt  }
0x5c: {  	_ =	shalt  }
0x5d: {  	_ =	shalt  }
0x5e: {  	_ =	shalt  }
0x5f: {  	_ =	shalt  }
0x60: {  	_ =	shalt  }
0x61: {  	_ =	shalt  }
0x62: {  	_ =	shalt  }
0x63: {  	_ =	shalt  }
0x64: {  	_ =	shalt  }
0x65: {  	_ =	shalt  }
0x66: {  	_ =	shalt  }
0x67: {  	_ =	shalt  }
0x68: {  	_ =	shalt  }
0x69: {  	_ =	shalt  }
0x6a: {  	_ =	shalt  }
0x6b: {  	_ =	shalt  }
0x6c: {  	_ =	shalt  }
0x6d: {  	_ =	shalt  }
0x6e: {  	_ =	shalt  }
0x6f: {  	_ =	shalt  }
0x70: {  	_ =	shalt  }
0x71: {  	_ =	shalt  }
0x72: {  	_ =	shalt  }
0x73: {  	_ =	shalt  }
0x74: {  	_ =	shalt  }
0x75: {  	_ =	shalt  }
0x76: {  	_ =	shalt  }
0x77: {  	_ =	shalt  }
0x78: {  	_ =	shalt  }
0x79: {  	_ =	shalt  }
0x7a: {  	_ =	shalt  }
0x7b: {  	_ =	shalt  }
0x7c: {  	_ =	shalt  }
0x7d: {  	_ =	shalt  }
0x7e: {  	_ =	shalt  }
0x7f: {  	_ =	shalt  }
0x80: {  	_ =	shalt  }
0x81: {  	_ =	shalt  }
0x82: {  	_ =	shalt  }
0x83: {  	_ =	shalt  }
0x84: {  	_ =	shalt  }
0x85: {  	_ =	shalt  }
0x86: {  	_ =	shalt  }
0x87: {  	_ =	shalt  }
.Lfunc_end0:
.L_simem_size_0:
called_computation_lowered:
.L_overlay_start_0:
0x88: {  	s2 =	sld [smem:$0x3FD9]  }
0x89: {  	s3 =	sld [smem:$0x3FFE];
	_ =	sdelay $0x1  }
0x8a: {  	s1 =	srdreg.scid  }
0x8b: {  	s0 =	sand.u32 $0x1, s1  }
0x8c: {  	s17 =	sshll.u32 s0, $0xA;
	s2 =	sadd.s32 s3, s2  }
0x8d: {  	s2 =	sadd.s32 s2, s17  }
0x8e: {  	[smem:$0x3FC7] =	sst s2  }
0x8f: {  	_ = 	snop  }
0x90: {  	s2 =	sld [smem:$0x3FD0];
	(tm) =	ssettm $0x1  }
0x91: {  	s18 =	sld [smem:$0x3FFB];
	_ =	sdelay $0x3  }
0x92: {  	_ =	strace s18  }
0x93: {  	s3 =	sld [smem:$0x3FFC];
	_ =	sdelay $0x3  }
0x94: {  	_ =	strace s3  }
0x95: {  	s3 =	sld [smem:$0x3FFD];
	_ =	sdelay $0x3  }
0x96: {  	_ =	strace s3  }
0x97: {  	_ =	strace $0x8FFFFFFF  }
0x98: {  	s19 =	sld [smem:$0x3FDB];
	_ =	sdelay $0x1  }
0x99: {  	s4 =	simm.s32 $_scs_section_size  }
0x9a: {  	s5 =	simm.s32 $_size__tile_overlayer_lowered;
	s6 =	simm.s32 $_tile_overlayer_lowered  }
0x9b: {  	s22 =	simm.s32 $0x1BFF;
	s21 =	sshll.u32 s6, $0x1;
	s3 =	sadd.s32 s4, s19  }
0x9c: {  	s7 =	simm.s32 $0x0;
	s20 =	sshll.u32 s5, $0x1;
	s5 =	sadd.s32 s21, s3  }
0x9d: {  	[timem:s7], [sflag:s22] =	dma.local [hbm:s5], s20  }
0x9e: {  	_ =	swait.ge [sflag:s22], s20  }
0x9f: {  	s4 =	ssub.s32 $0x0, s20;
	[sflag:s22] =	ssyncset.done $0x0  }
0xa0: {  	[sflag:s22] =	ssyncadd.s32 s4;
	_ =	sdelay $0x1  }
0xa1: {  	s23 =	simm.s32 $0x1B8B  }
0xa2: {  	_ =	swait.ge [sflag:s23], $0x1  }
0xa3: {  	[sflag:s23] =	ssyncset.done $0x0  }
0xa4: {  	s25 =	simm.s32 $0x1B8E;
	s24 =	sld [smem:$0x3FFE];
	[sflag:s23] =	ssyncadd.s32 $0xFFFFFFFF  }
0xa5: {  	s26 =	simm.s32 $execute0_lowered;
	[smem:$0x3FD2] =	sst s25  }
0xa6: {  	s5 =	sshll.u32 s26, $0x1;
	_ =	strace $0x80000046;
	[dreg:$0x1] =	wrdreg $0xFFFFFFFF  }
0xa7: {  	s28 =	simm.s32 $_size_execute0_lowered;
	s3 =	sadd.s32 s3, s5;
	[dreg:$0x0] =	wrdreg $0x0  }
0xa8: {  	s5 =	sshll.u32 s28, $0x1;
	[dreg:$0x2] =	wrdreg s3  }
0xa9: {  	[dreg:$0x3] =	wrdreg s5  }
0xaa: {  	[dreg:$0x4] =	wrdreg $0xC0  }
0xab: {  	_ =	task [dreg:s7], $0x5FFFF  }
0xac: {  	[dreg:$0x1] =	wrdreg $0xFFFFFFFF  }
0xad: {  	[dreg:$0x0] =	wrdreg $0x60  }
0xae: {  	[dreg:$0x2] =	wrdreg s24  }
0xaf: {  	[dreg:$0x3] =	wrdreg s2  }
0xb0: {  	[dreg:$0x4] =	wrdreg $0x9  }
0xb1: {  	_ =	task.clear_ibuf [dreg:s7], $0x5FFFF;
	_ =	strace $0x90000046  }
0xb2: {  	s29 =	simm.s32 $0x9;
	_ =	strace $0x80000048  }
0xb3: {  	_ =	swait.ge [sflag:s29], $0x1  }
0xb4: {  	[sflag:s29] =	ssyncadd.s32 $0xFFFFFFFF  }
0xb5: {  	_ =	strace $0x90000048  }
0xb6: {  	_ =	sfence  }
0xb7: {  	s30 =	sld [smem:$0x0];
	_ =	sdelay $0x2  }
0xb8: {  	s31 =	sshll.u32 s1, $0xD;
	s1 =	sshrl.u32 s1, $0x2  }
0xb9: {  	s3 =	sand.u32 $0x4000, s31;
	s1 =	sadd.s32 s1, s30  }
0xba: {  	s0 =	sor.u32 s3, s0;
	s1 =	sshll.u32 s1, $0x11  }
0xbb: {  	s0 =	sor.u32 s1, s0  }
0xbc: {  	s0 =	sadd.s32 $0x8F2B, s0  }
0xbd: {  	[sflag:s0] =	ssyncadd.remote.s32 $0x1  }
0xbe: {  	_ =	sfence.sel $0xFFFF  }
0xbf: {  	[dreg:$0x0] =	wrdreg $0xFFFFFFFF;
	(pc) =	sbr.abs _section_cstart, $3  }
0xc0: {  	[dreg:$0x1] =	wrdreg $0xFFFFFFFF  }
0xc1: {  	_ =	task.clear_ibuf [dreg:s7], $0x2FFFF;
	_ =	strace $0x9FFFFFFF  }
0xc2: {  	(tm) =	ssettm $0x7FFFFFFF  }
0xc3: {  	_ =	shalt  }
tec
execute0_lowered:
.L_overlay_start_1:
0x0: {  	(tag) =	ssettag $0x1  }
0x1: {  	s3 =	rddreg [dreg:$0x0]  }
0x2: {  	s1 =	rddreg [dreg:$0x1];
	_ =	strace $0x80000047;
	v0 =	vimm.f32 $9.000000000e+00  }
0x3: {  	(erf) = vrcp.f32 v0;
	v0 =	vimm.f32 $4.000000000e+00  }
0x4: {  	(erf) = vrcp.f32 v0;
	v0 =	vimm.f32 $6.000000000e+00  }
0x5: {  	(erf) = vrcp.f32 v0;
	v0 =	vimm.f32 $-6.931471820e-01  }
0x6: {  	(erf) = vrcp.f32 v0  }
0x7: {  	s2 =	srdreg.scid  }
0x8: {  	s4 =	sand.u32 $0x1, s2;
	s2 =	stileid.u32  }
0x9: {  	s5 =	sshll.u32 s4, $0x4;
	s6 =	ssub.s32 $0x0, s2  }
0xa: {  	p0 =	sne.s32 s5, s6  }
.Ltmp0:
0xb: {  	_ = 	snop;
	(pc) =	sbr.rel @p0 .LBB2_5-.Ltmp0, $4  }
0xc: {  	v0 =	vpop (erf)  }
0xd: {  	v1 =	vpop (erf)  }
0xe: {  	v2 =	vpop (erf)  }
0xf: {  	v3 =	vpop (erf)  }
0x10: {  	v4 =	vimm.s32 $0x76543210;
	v5 =	vimm.s32 $0xBA98FEDC;
	v6 =	vimm.s32 $0x32107654  }
0x11: {  	v7 =	vimm.s32 $0xFEDCBA98;
	vm0 =	vcmask $0x300;
	v11 =	vimm.s32 $0x67452301  }
0x12: {  	vm1 =	vcmask $0x704;
	v5 =	vunpack.c.l.s4.s8 v5;
	v6 =	vunpack.c.l.s4.s8 v6  }
0x13: {  	vm2 =	vcmask $0xB08;
	vm3 =	vcmask $0xF0C;
	v4 =	vunpack.c.l.s4.s8 v4  }
0x14: {  	v7 =	vunpack.c.l.s4.s8 v7;
	v5 =	vunpack.c.0.s8.s32 v5;
	v6 =	vunpack.c.0.s8.s32 v6  }
0x15: {  	vm4 =	vcmask $0x1310;
	vm5 =	vcmask $0x1714;
	v8 =	vunpack.c.0.s8.s32 v4  }
0x16: {  	v4 =	vunpack.c.0.s8.s32 v7;
	v6 =	vcombine.low v6, v5;
	v5 =	vimm.s32 $0xDCFE98BA  }
0x17: {  	vm6 =	vcmask $0x1B18;
	vm8 =	vcmask $0x2320;
	v10 =	vunpack.c.l.s4.s8 v5  }
0x18: {  	vm10 =	vcmask $0x2B28;
	v7 =	vimm.s32 $0x54761032;
	v9 =	vand.u32 $0xF, v4  }
0x19: {  	v5 =	vcombine.low v9, v8;
	v8 =	vunpack.c.0.s8.s32 v10;
	v10 =	vimm.f32 $1.500000000e+01  }
0x1a: {  	v7 =	vunpack.c.l.s4.s8 v7;
	v9 =	vimm.s32 $0xEFCDAB89;
	v10 =	vsel vm0, $0x0, v10  }
0x1b: {  	v11 =	vunpack.c.l.s4.s8 v11;
	v9 =	vunpack.c.l.s4.s8 v9;
	v10 =	vsel vm1, $0x3F800000, v10  }
0x1c: {  	vm12 =	vcmask $0x3330;
	v7 =	vunpack.c.0.s8.s32 v7;
	v10 =	vsel vm2, $0x40000000, v10  }
0x1d: {  	v11 =	vunpack.c.0.s8.s32 v11;
	v9 =	vunpack.c.0.s8.s32 v9;
	v10 =	vsel vm3, $0x40400000, v10  }
0x1e: {  	vm13 =	vcmask $0x3734;
	v7 =	vcombine.low v7, v8;
	v8 =	vsel vm4, $0x40800000, v10  }
0x1f: {  	vm14 =	vcmask $0x3B38;
	v9 =	vcombine.low v11, v9;
	v8 =	vsel vm5, $0x40A00000, v8  }
0x20: {  	v13 =	vimm.s32 $0xECA86420;
	vm5 =	vcmask $0x1F1C;
	v10 =	vsel vm6, $0x40C00000, v8  }
0x21: {  	v14 =	vlaneseq.u32;
	v8 =	vand.u32 $0xF, v9;
	v9 =	vsel vm5, $0x40E00000, v10  }
0x22: {  	v11 =	vimm.s32 $0xBA987654;
	vm5 =	vcmask $0x2724;
	v9 =	vsel vm8, $0x41000000, v9  }
0x23: {  	vm15 =	vcmask $0x308;
	v11 =	vunpack.c.l.s4.s8 v11;
	v9 =	vsel vm5, $0x41100000, v9  }
0x24: {  	v10 =	vimm.f32 $-1.000000020e+30;
	vm5 =	vcmask $0x2F2C;
	v9 =	vsel vm10, $0x41200000, v9  }
0x25: {  	v13 =	vunpack.c.l.s4.s8 v13;
	v10 =	vsel vm1, $0x40135D8E, v10;
	v9 =	vsel vm5, $0x41300000, v9  }
0x26: {  	v11 =	vunpack.c.0.s8.s32 v11;
	v10 =	vsel vm2, $0x3F8C9F54, v10;
	v12 =	vsel vm12, $0x41400000, v9  }
0x27: {  	v9 =	vsel vm3, $0xF149F2CA, v10;
	v10 =	vsel vm13, $0x41500000, v12;
	v12 =	vimm.s32 $0xF0E0D0C  }
0x28: {  	s4 =	ssub.s32 $0x2, s4;
	v4 =	vimm.f32 $0.0e+00;
	vm5 =	vcmask $0x1F00;
	v12 =	vunpack.c.0.s8.s32 v12  }
0x29: {  	s3 =	sadd.s32 $0x400, s3;
	s5 =	sshrl.u32 s4, $0x1;
	v6 =	vand.u32 $0xF, v6;
	v11 =	vnsel vm5, $0xF, v11;
	vm5 =	vcmask $0x2F20  }
0x2a: {  	s6 =	simm.s32 $0x1;
	s7 =	simm.s32 $0xA00;
	s4 =	ssub.s32 s4, s5;
	v7 =	vand.u32 $0xF, v7;
	v10 =	vsel vm14, $0x41600000, v10;
	v11 =	vsel vm5, v12, v11  }
0x2b: {  	s8 =	simm.s32 $0x0;
	s5 =	simm.s32 $0x0;
	s4 =	smax.u32 s4, $0x1;
	v12 =	vunpack.c.0.s8.s32 v13;
	v13 =	vmul.u32 $0x2, v14;
	vm5 =	vcmask $0x70C  }
.LBB2_2:
0x2c: {  	[tilespmem:s5], [sflag:$0x1] =	stream.linear.gather [hbm4b:s3+s5], $0x780, $0x38;
	[tilespmem:$0xA80] =	vst v63  }
0x2d: {  	_ =	swait.ge [sflag:s6], $0x780  }
0x2e: {  	[sflag:s6] =	ssyncset.done $0x0  }
0x2f: {  	s9 =	simm.s32 $0x0;
	[sflag:s6] =	ssyncadd.s32 $0xFFFFF880  }
0x30: {  	v19 =	vld [tilespmem:s9+$0x270]  }
0x31: {  	v15 =	vld [tilespmem:s9+$0x4D0]  }
0x32: {  	v14 =	vld [tilespmem:s9+$0x260]  }
0x33: {  	v17 =	vld [tilespmem:s9+$0x10]  }
0x34: {  	v16 =	vld [tilespmem:s9+$0x4C0];
	_ =	sdelay $0x1  }
0x35: {  	v18 =	vadd.s32 v19, v15  }
0x36: {  	v15 =	vld [tilespmem:s9+$0x0];
	v20 =	vshrl.u32 v18, $0x13;
	v21 =	vshll.u32 v18, $0xD  }
0x37: {  	v18 =	vadd.s32 v17, v18;
	v20 =	vor.u32 v20, v21  }
0x38: {  	v16 =	vadd.s32 v14, v16;
	v20 =	vxor.u32 v18, v20  }
0x39: {  	v24 =	vshll.u32 v16, $0xD;
	v22 =	vshrl.u32 v20, $0x11;
	v23 =	vshll.u32 v20, $0xF  }
0x3a: {  	v21 =	vshrl.u32 v16, $0x13;
	v18 =	vadd.s32 v18, v20;
	v20 =	vor.u32 v22, v23  }
0x3b: {  	v21 =	vor.u32 v21, v24;
	v16 =	vadd.s32 v15, v16;
	v20 =	vxor.u32 v18, v20  }
0x3c: {  	v21 =	vxor.u32 v16, v21;
	v22 =	vshrl.u32 v20, $0x6;
	v23 =	vshll.u32 v20, $0x1A  }
0x3d: {  	v24 =	vshrl.u32 v21, $0x11;
	v18 =	vadd.s32 v18, v20;
	v20 =	vor.u32 v22, v23  }
0x3e: {  	v16 =	vadd.s32 v16, v21;
	v21 =	vshll.u32 v21, $0xF;
	v20 =	vxor.u32 v18, v20  }
0x3f: {  	v21 =	vor.u32 v24, v21;
	v22 =	vshrl.u32 v20, $0x1A;
	v23 =	vshll.u32 v20, $0x6  }
0x40: {  	v24 =	vxor.u32 v19, v17;
	v20 =	vadd.s32 v18, v20;
	v22 =	vor.u32 v22, v23  }
0x41: {  	v21 =	vxor.u32 v16, v21;
	v18 =	vxor.u32 $0x1BD11BDA, v24;
	v22 =	vxor.u32 v20, v22  }
0x42: {  	v24 =	vshll.u32 v21, $0x1A;
	v23 =	vshrl.u32 v21, $0x6;
	v22 =	vadd.s32 v22, v18  }
0x43: {  	v16 =	vadd.s32 v16, v21;
	v21 =	vor.u32 v23, v24;
	v22 =	vadd.s32 $0x1, v22  }
0x44: {  	v20 =	vadd.s32 v19, v20;
	v23 =	vshrl.u32 v22, $0xF;
	v24 =	vshll.u32 v22, $0x11  }
0x45: {  	v21 =	vxor.u32 v16, v21;
	v20 =	vadd.s32 v22, v20;
	v22 =	vor.u32 v23, v24  }
0x46: {  	v23 =	vshrl.u32 v21, $0x1A;
	v24 =	vshll.u32 v21, $0x6;
	v22 =	vxor.u32 v20, v22  }
0x47: {  	v23 =	vor.u32 v23, v24;
	v24 =	vshrl.u32 v22, $0x3;
	v25 =	vshll.u32 v22, $0x1D  }
0x48: {  	v21 =	vadd.s32 v16, v21;
	v20 =	vadd.s32 v20, v22;
	v16 =	vor.u32 v24, v25  }
0x49: {  	v22 =	vxor.u32 v14, v15;
	v23 =	vxor.u32 v21, v23;
	v24 =	vxor.u32 v20, v16  }
0x4a: {  	v16 =	vxor.u32 $0x1BD11BDA, v22;
	v22 =	vshrl.u32 v24, $0x10;
	v25 =	vshll.u32 v24, $0x10  }
0x4b: {  	v23 =	vadd.s32 v23, v16;
	v20 =	vadd.s32 v20, v24;
	v22 =	vor.u32 v22, v25  }
0x4c: {  	v21 =	vadd.s32 v14, v21;
	v23 =	vadd.s32 $0x1, v23;
	v22 =	vxor.u32 v20, v22  }
0x4d: {  	v24 =	vshrl.u32 v23, $0xF;
	v25 =	vshrl.u32 v22, $0x8;
	v26 =	vshll.u32 v22, $0x18  }
0x4e: {  	v27 =	vshll.u32 v23, $0x11;
	v20 =	vadd.s32 v20, v22;
	v22 =	vor.u32 v25, v26  }
0x4f: {  	v21 =	vadd.s32 v23, v21;
	v23 =	vor.u32 v24, v27;
	v22 =	vxor.u32 v20, v22  }
0x50: {  	v23 =	vxor.u32 v21, v23;
	v22 =	vadd.s32 v22, v17  }
0x51: {  	v24 =	vshrl.u32 v23, $0x3;
	v22 =	vadd.s32 $0x2, v22  }
0x52: {  	v20 =	vadd.s32 v18, v20;
	v25 =	vshrl.u32 v22, $0x13;
	v26 =	vshll.u32 v22, $0xD  }
0x53: {  	v27 =	vshll.u32 v23, $0x1D;
	v20 =	vadd.s32 v22, v20;
	v22 =	vor.u32 v25, v26  }
0x54: {  	v21 =	vadd.s32 v21, v23;
	v24 =	vor.u32 v24, v27;
	v22 =	vxor.u32 v20, v22  }
0x55: {  	v23 =	vxor.u32 v21, v24;
	v24 =	vshrl.u32 v22, $0x11;
	v25 =	vshll.u32 v22, $0xF  }
0x56: {  	v21 =	vadd.s32 v21, v23;
	v20 =	vadd.s32 v20, v22;
	v22 =	vor.u32 v24, v25  }
0x57: {  	v26 =	vshrl.u32 v23, $0x10;
	v23 =	vshll.u32 v23, $0x10;
	v22 =	vxor.u32 v20, v22  }
0x58: {  	v23 =	vor.u32 v26, v23;
	v24 =	vshrl.u32 v22, $0x6;
	v25 =	vshll.u32 v22, $0x1A  }
0x59: {  	v23 =	vxor.u32 v21, v23;
	v20 =	vadd.s32 v20, v22;
	v22 =	vor.u32 v24, v25  }
0x5a: {  	v24 =	vshrl.u32 v23, $0x8;
	v25 =	vshll.u32 v23, $0x18;
	v22 =	vxor.u32 v20, v22  }
0x5b: {  	v24 =	vor.u32 v24, v25;
	v25 =	vshrl.u32 v22, $0x1A;
	v26 =	vshll.u32 v22, $0x6  }
0x5c: {  	v21 =	vadd.s32 v21, v23;
	v20 =	vadd.s32 v20, v22;
	v22 =	vor.u32 v25, v26  }
0x5d: {  	v23 =	vxor.u32 v21, v24;
	v22 =	vxor.u32 v20, v22  }
0x5e: {  	v23 =	vadd.s32 v23, v15;
	v22 =	vadd.s32 v22, v19  }
0x5f: {  	v21 =	vadd.s32 v16, v21;
	v23 =	vadd.s32 $0x2, v23;
	v22 =	vadd.s32 $0x3, v22  }
0x60: {  	v20 =	vadd.s32 v17, v20;
	v24 =	vshrl.u32 v22, $0xF;
	v25 =	vshll.u32 v22, $0x11  }
0x61: {  	v26 =	vshrl.u32 v23, $0x13;
	v20 =	vadd.s32 v22, v20;
	v22 =	vor.u32 v24, v25  }
0x62: {  	v21 =	vadd.s32 v23, v21;
	v23 =	vshll.u32 v23, $0xD;
	v22 =	vxor.u32 v20, v22  }
0x63: {  	v23 =	vor.u32 v26, v23;
	v24 =	vshrl.u32 v22, $0x3;
	v25 =	vshll.u32 v22, $0x1D  }
0x64: {  	v23 =	vxor.u32 v21, v23;
	v20 =	vadd.s32 v20, v22;
	v22 =	vor.u32 v24, v25  }
0x65: {  	v24 =	vshrl.u32 v23, $0x11;
	v25 =	vshll.u32 v23, $0xF;
	v22 =	vxor.u32 v20, v22  }
0x66: {  	v24 =	vor.u32 v24, v25;
	v25 =	vshrl.u32 v22, $0x10;
	v26 =	vshll.u32 v22, $0x10  }
0x67: {  	v20 =	vadd.s32 v20, v22;
	v22 =	vor.u32 v25, v26  }
0x68: {  	v22 =	vxor.u32 v20, v22  }
0x69: {  	v21 =	vadd.s32 v21, v23;
	v25 =	vshrl.u32 v22, $0x8;
	v26 =	vshll.u32 v22, $0x18  }
0x6a: {  	v23 =	vxor.u32 v21, v24;
	v20 =	vadd.s32 v20, v22;
	v22 =	vor.u32 v25, v26  }
0x6b: {  	v24 =	vshrl.u32 v23, $0x6;
	v27 =	vshll.u32 v23, $0x1A;
	v22 =	vxor.u32 v20, v22  }
0x6c: {  	v21 =	vadd.s32 v21, v23;
	v23 =	vor.u32 v24, v27;
	v22 =	vadd.s32 v22, v18  }
0x6d: {  	v23 =	vxor.u32 v21, v23;
	v22 =	vadd.s32 $0x4, v22  }
0x6e: {  	v19 =	vadd.s32 v19, v20;
	v20 =	vshrl.u32 v22, $0x13;
	v25 =	vshll.u32 v22, $0xD  }
0x6f: {  	v24 =	vshrl.u32 v23, $0x1A;
	v19 =	vadd.s32 v22, v19;
	v20 =	vor.u32 v20, v25  }
0x70: {  	v26 =	vshll.u32 v23, $0x6;
	v21 =	vadd.s32 v21, v23;
	v20 =	vxor.u32 v19, v20  }
0x71: {  	v22 =	vor.u32 v24, v26;
	v23 =	vshrl.u32 v20, $0x11;
	v24 =	vshll.u32 v20, $0xF  }
0x72: {  	v22 =	vxor.u32 v21, v22;
	v19 =	vadd.s32 v19, v20;
	v20 =	vor.u32 v23, v24  }
0x73: {  	v21 =	vadd.s32 v15, v21;
	v22 =	vadd.s32 v22, v14;
	v20 =	vxor.u32 v19, v20  }
0x74: {  	v22 =	vadd.s32 $0x3, v22;
	v24 =	vshrl.u32 v20, $0x6;
	v25 =	vshll.u32 v20, $0x1A  }
0x75: {  	v23 =	vshrl.u32 v22, $0xF;
	v19 =	vadd.s32 v19, v20;
	v20 =	vor.u32 v24, v25  }
0x76: {  	v26 =	vshll.u32 v22, $0x11;
	v21 =	vadd.s32 v22, v21;
	v20 =	vxor.u32 v19, v20  }
0x77: {  	v22 =	vor.u32 v23, v26;
	v23 =	vshrl.u32 v20, $0x1A;
	v24 =	vshll.u32 v20, $0x6  }
0x78: {  	v22 =	vxor.u32 v21, v22;
	v19 =	vadd.s32 v19, v20;
	v20 =	vor.u32 v23, v24  }
0x79: {  	v25 =	vshrl.u32 v22, $0x3;
	v20 =	vxor.u32 v19, v20  }
0x7a: {  	v21 =	vadd.s32 v21, v22;
	v23 =	vshll.u32 v22, $0x1D;
	v17 =	vadd.s32 v20, v17  }
0x7b: {  	v18 =	vadd.s32 v18, v19;
	v22 =	vor.u32 v25, v23;
	v17 =	vadd.s32 $0x5, v17  }
0x7c: {  	v20 =	vxor.u32 v21, v22;
	v17 =	vxor.u32 v18, v17  }
0x7d: {  	s10 =	simm.s32 $0x20;
	v19 =	vshrl.u32 v20, $0x10;
	v22 =	vshll.u32 v20, $0x10;
	[tilespmem:s9+$0x790] =	vst v17  }
0x7e: {  	v18 =	vadd.s32 v21, v20;
	v19 =	vor.u32 v19, v22;
	v20 =	vld [tilespmem:s10+$0x270]  }
0x7f: {  	v17 =	vxor.u32 v18, v19;
	v22 =	vld [tilespmem:s10+$0x4D0]  }
0x80: {  	v19 =	vshrl.u32 v17, $0x8;
	v21 =	vshll.u32 v17, $0x18;
	v17 =	vadd.s32 v18, v17;
	v18 =	vld [tilespmem:s10+$0x260]  }
0x81: {  	v23 =	vld [tilespmem:s10+$0x4C0];
	v19 =	vor.u32 v19, v21  }
0x82: {  	v21 =	vxor.u32 v17, v19  }
0x83: {  	v21 =	vadd.s32 v21, v16  }
0x84: {  	v19 =	vld [tilespmem:s10+$0x10];
	v21 =	vadd.s32 $0x4, v21  }
0x85: {  	v14 =	vadd.s32 v14, v17;
	v17 =	vshrl.u32 v21, $0x13;
	v24 =	vshll.u32 v21, $0xD  }
0x86: {  	v25 =	vadd.s32 v21, v14;
	v21 =	vadd.s32 v20, v22;
	v23 =	vadd.s32 v18, v23  }
0x87: {  	v17 =	vor.u32 v17, v24;
	v22 =	vshrl.u32 v21, $0x13;
	v24 =	vshll.u32 v21, $0xD  }
0x88: {  	v14 =	vld [tilespmem:s10+$0x0];
	v27 =	vshrl.u32 v23, $0x13;
	v30 =	vshll.u32 v23, $0xD;
	v26 =	vxor.u32 v25, v17  }
0x89: {  	v17 =	vadd.s32 v19, v21;
	v21 =	vor.u32 v22, v24;
	v27 =	vor.u32 v27, v30  }
0x8a: {  	v45 =	vxor.u32 v20, v19;
	v22 =	vshrl.u32 v26, $0x11;
	v21 =	vxor.u32 v17, v21  }
0x8b: {  	v24 =	vshll.u32 v26, $0xF;
	v28 =	vshrl.u32 v21, $0x11;
	v29 =	vshll.u32 v21, $0xF  }
0x8c: {  	v25 =	vadd.s32 v25, v26;
	v17 =	vadd.s32 v17, v21;
	v21 =	vor.u32 v28, v29  }
0x8d: {  	v23 =	vadd.s32 v14, v23;
	v54 =	vxor.u32 v18, v14;
	v21 =	vxor.u32 v17, v21  }
0x8e: {  	v27 =	vxor.u32 v23, v27;
	v40 =	vshrl.u32 v21, $0x6;
	v41 =	vshll.u32 v21, $0x1A  }
0x8f: {  	v42 =	vshrl.u32 v27, $0x11;
	v17 =	vadd.s32 v17, v21;
	v21 =	vor.u32 v40, v41  }
0x90: {  	v23 =	vadd.s32 v23, v27;
	v27 =	vshll.u32 v27, $0xF;
	v21 =	vxor.u32 v17, v21  }
0x91: {  	v27 =	vor.u32 v42, v27;
	v43 =	vshrl.u32 v21, $0x1A;
	v44 =	vshll.u32 v21, $0x6  }
0x92: {  	v27 =	vxor.u32 v23, v27;
	v17 =	vadd.s32 v17, v21;
	v28 =	vor.u32 v43, v44  }
0x93: {  	v21 =	vxor.u32 $0x1BD11BDA, v45;
	v46 =	vshrl.u32 v27, $0x6;
	v28 =	vxor.u32 v17, v28  }
0x94: {  	v47 =	vshll.u32 v27, $0x1A;
	v23 =	vadd.s32 v23, v27;
	v28 =	vadd.s32 v28, v21  }
0x95: {  	v27 =	vor.u32 v46, v47;
	v17 =	vadd.s32 v20, v17;
	v28 =	vadd.s32 $0x1, v28  }
0x96: {  	v27 =	vxor.u32 v23, v27;
	v48 =	vshrl.u32 v28, $0xF;
	v49 =	vshll.u32 v28, $0x11  }
0x97: {  	v51 =	vshrl.u32 v27, $0x1A;
	v17 =	vadd.s32 v28, v17;
	v50 =	vor.u32 v48, v49  }
0x98: {  	v52 =	vshll.u32 v27, $0x6;
	v23 =	vadd.s32 v23, v27;
	v28 =	vxor.u32 v17, v50  }
0x99: {  	v29 =	vor.u32 v51, v52;
	v53 =	vshrl.u32 v28, $0x3;
	v31 =	vshll.u32 v28, $0x1D  }
0x9a: {  	v29 =	vxor.u32 v23, v29;
	v27 =	vadd.s32 v17, v28;
	v17 =	vor.u32 v53, v31  }
0x9b: {  	v23 =	vadd.s32 v18, v23;
	v30 =	vxor.u32 v27, v17;
	v17 =	vxor.u32 $0x1BD11BDA, v54  }
0x9c: {  	v55 =	vshrl.u32 v30, $0x10;
	v56 =	vshll.u32 v30, $0x10;
	v29 =	vadd.s32 v29, v17  }
0x9d: {  	v27 =	vadd.s32 v27, v30;
	v28 =	vor.u32 v55, v56;
	v29 =	vadd.s32 $0x1, v29  }
0x9e: {  	v28 =	vxor.u32 v27, v28;
	v57 =	vshrl.u32 v29, $0xF;
	v33 =	vshll.u32 v29, $0x11  }
0x9f: {  	v23 =	vadd.s32 v29, v23;
	v58 =	vshrl.u32 v28, $0x8;
	v32 =	vshll.u32 v28, $0x18  }
0xa0: {  	v27 =	vadd.s32 v27, v28;
	v60 =	vor.u32 v57, v33;
	v59 =	vor.u32 v58, v32  }
0xa1: {  	v22 =	vor.u32 v22, v24;
	v29 =	vxor.u32 v23, v60;
	v28 =	vxor.u32 v27, v59  }
0xa2: {  	v24 =	vshrl.u32 v29, $0x3;
	v61 =	vshll.u32 v29, $0x1D;
	v28 =	vadd.s32 v28, v19  }
0xa3: {  	v27 =	vadd.s32 v21, v27;
	v23 =	vadd.s32 v23, v29;
	v28 =	vadd.s32 $0x2, v28  }
0xa4: {  	v24 =	vor.u32 v24, v61;
	v62 =	vshrl.u32 v28, $0x13;
	v63 =	vshll.u32 v28, $0xD  }
0xa5: {  	v24 =	vxor.u32 v23, v24;
	v27 =	vadd.s32 v28, v27;
	v34 =	vor.u32 v62, v63  }
0xa6: {  	v22 =	vxor.u32 v25, v22;
	v36 =	vshrl.u32 v24, $0x10;
	v28 =	vxor.u32 v27, v34  }
0xa7: {  	v23 =	vadd.s32 v23, v24;
	v26 =	vshrl.u32 v28, $0x11;
	v35 =	vshll.u32 v28, $0xF  }
0xa8: {  	v24 =	vshll.u32 v24, $0x10;
	v27 =	vadd.s32 v27, v28;
	v26 =	vor.u32 v26, v35  }
0xa9: {  	v43 =	vshrl.u32 v22, $0x6;
	v24 =	vor.u32 v36, v24;
	v26 =	vxor.u32 v27, v26  }
0xaa: {  	v24 =	vxor.u32 v23, v24;
	v37 =	vshrl.u32 v26, $0x6;
	v38 =	vshll.u32 v26, $0x1A  }
0xab: {  	v39 =	vshrl.u32 v24, $0x8;
	v26 =	vadd.s32 v27, v26;
	v27 =	vor.u32 v37, v38  }
0xac: {  	v40 =	vshll.u32 v24, $0x18;
	v23 =	vadd.s32 v23, v24;
	v27 =	vxor.u32 v26, v27  }
0xad: {  	v28 =	vor.u32 v39, v40;
	v41 =	vshrl.u32 v27, $0x1A;
	v42 =	vshll.u32 v27, $0x6  }
0xae: {  	v24 =	vadd.s32 v26, v27;
	v27 =	vxor.u32 v23, v28;
	v26 =	vor.u32 v41, v42  }
0xaf: {  	v23 =	vadd.s32 v17, v23;
	v27 =	vadd.s32 v27, v14;
	v26 =	vxor.u32 v24, v26  }
0xb0: {  	v27 =	vadd.s32 $0x2, v27;
	v24 =	vadd.s32 v19, v24;
	v26 =	vadd.s32 v26, v20  }
0xb1: {  	v46 =	vshrl.u32 v27, $0x13;
	v23 =	vadd.s32 v27, v23;
	v26 =	vadd.s32 $0x3, v26  }
0xb2: {  	v27 =	vshll.u32 v27, $0xD;
	v44 =	vshrl.u32 v26, $0xF;
	v45 =	vshll.u32 v26, $0x11  }
0xb3: {  	v27 =	vor.u32 v46, v27;
	v24 =	vadd.s32 v26, v24;
	v26 =	vor.u32 v44, v45  }
0xb4: {  	v53 =	vshll.u32 v22, $0x1A;
	v27 =	vxor.u32 v23, v27;
	v26 =	vxor.u32 v24, v26  }
0xb5: {  	v49 =	vshrl.u32 v27, $0x11;
	v47 =	vshrl.u32 v26, $0x3;
	v48 =	vshll.u32 v26, $0x1D  }
0xb6: {  	v50 =	vshll.u32 v27, $0xF;
	v24 =	vadd.s32 v24, v26;
	v26 =	vor.u32 v47, v48  }
0xb7: {  	v23 =	vadd.s32 v23, v27;
	v29 =	vor.u32 v49, v50;
	v26 =	vxor.u32 v24, v26  }
0xb8: {  	v27 =	vxor.u32 v23, v29;
	v51 =	vshrl.u32 v26, $0x10;
	v52 =	vshll.u32 v26, $0x10  }
0xb9: {  	v54 =	vshrl.u32 v27, $0x6;
	v24 =	vadd.s32 v24, v26;
	v26 =	vor.u32 v51, v52  }
0xba: {  	v57 =	vshll.u32 v27, $0x1A;
	v23 =	vadd.s32 v23, v27;
	v26 =	vxor.u32 v24, v26  }
0xbb: {  	v27 =	vor.u32 v54, v57;
	v55 =	vshrl.u32 v26, $0x8;
	v56 =	vshll.u32 v26, $0x18  }
0xbc: {  	v27 =	vxor.u32 v23, v27;
	v24 =	vadd.s32 v24, v26;
	v26 =	vor.u32 v55, v56  }
0xbd: {  	v58 =	vshrl.u32 v27, $0x1A;
	v59 =	vshll.u32 v27, $0x6;
	v26 =	vxor.u32 v24, v26  }
0xbe: {  	v23 =	vadd.s32 v23, v27;
	v29 =	vor.u32 v58, v59;
	v26 =	vadd.s32 v26, v21  }
0xbf: {  	v22 =	vadd.s32 v25, v22;
	v25 =	vxor.u32 v23, v29;
	v26 =	vadd.s32 $0x4, v26  }
0xc0: {  	v20 =	vadd.s32 v20, v24;
	v24 =	vshrl.u32 v26, $0x13;
	v60 =	vshll.u32 v26, $0xD  }
0xc1: {  	v25 =	vadd.s32 v25, v18;
	v20 =	vadd.s32 v26, v20;
	v24 =	vor.u32 v24, v60  }
0xc2: {  	v23 =	vadd.s32 v14, v23;
	v25 =	vadd.s32 $0x3, v25;
	v24 =	vxor.u32 v20, v24  }
0xc3: {  	v62 =	vshll.u32 v25, $0x11;
	v26 =	vshrl.u32 v24, $0x11;
	v27 =	vshll.u32 v24, $0xF  }
0xc4: {  	v20 =	vadd.s32 v20, v24;
	v24 =	vor.u32 v26, v27;
	v26 =	vshrl.u32 v25, $0xF  }
0xc5: {  	v23 =	vadd.s32 v25, v23;
	v24 =	vxor.u32 v20, v24;
	v25 =	vor.u32 v26, v62  }
0xc6: {  	v27 =	vshrl.u32 v24, $0x6;
	v61 =	vshll.u32 v24, $0x1A;
	v25 =	vxor.u32 v23, v25  }
0xc7: {  	v20 =	vadd.s32 v20, v24;
	v24 =	vor.u32 v27, v61;
	v63 =	vshrl.u32 v25, $0x3  }
0xc8: {  	v23 =	vadd.s32 v23, v25;
	v25 =	vshll.u32 v25, $0x1D;
	v24 =	vxor.u32 v20, v24  }
0xc9: {  	v25 =	vor.u32 v63, v25;
	v26 =	vshrl.u32 v24, $0x1A;
	v27 =	vshll.u32 v24, $0x6  }
0xca: {  	v20 =	vadd.s32 v20, v24;
	v25 =	vxor.u32 v23, v25;
	v24 =	vor.u32 v26, v27  }
0xcb: {  	v28 =	vor.u32 v43, v53;
	v26 =	vshll.u32 v25, $0x10;
	v24 =	vxor.u32 v20, v24  }
0xcc: {  	v20 =	vadd.s32 v21, v20;
	v21 =	vshrl.u32 v25, $0x10;
	v19 =	vadd.s32 v24, v19  }
0xcd: {  	v23 =	vadd.s32 v23, v25;
	v21 =	vor.u32 v21, v26;
	v19 =	vadd.s32 $0x5, v19  }
0xce: {  	v24 =	vxor.u32 v22, v28;
	v25 =	vxor.u32 v23, v21;
	v19 =	vxor.u32 v20, v19  }
0xcf: {  	s11 =	simm.s32 $0x40;
	v22 =	vadd.s32 v22, v24;
	v21 =	vshll.u32 v24, $0x6;
	v20 =	vshrl.u32 v24, $0x1A;
	[tilespmem:s10+$0x790] =	vst v19  }
0xd0: {  	s12 =	simm.s32 $0x180;
	v23 =	vadd.s32 v23, v25;
	v24 =	vshrl.u32 v25, $0x8;
	v25 =	vshll.u32 v25, $0x18;
	v19 =	vld [tilespmem:s11+$0x270]  }
.LBB2_3:
0xd1: {  	p0 =	sne.s32 s12, $0x900;
	v26 =	vld [tilespmem:s11+$0x4D0];
	v24 =	vor.u32 v24, v25;
	v25 =	vadd.s32 v18, v23;
	v20 =	vor.u32 v20, v21  }
0xd2: {  	v18 =	vld [tilespmem:s11+$0x260];
	v21 =	vxor.u32 v23, v24;
	v23 =	vxor.u32 v22, v20;
	v24 =	vadd.s32 v16, v22;
	v16 =	vmovc v17  }
0xd3: {  	v20 =	vld [tilespmem:s11+$0x10];
	v17 =	vadd.s32 v21, v16;
	v21 =	vadd.s32 v23, v15;
	v15 =	vmov v14  }
0xd4: {  	v23 =	vld [tilespmem:s11+$0x4C0];
	v17 =	vadd.s32 $0x4, v17;
	v21 =	vadd.s32 $0x5, v21  }
0xd5: {  	v14 =	vld [tilespmem:s11+$0x0];
	v22 =	vadd.s32 v17, v25;
	v25 =	vshrl.u32 v17, $0x13;
	v17 =	vshll.u32 v17, $0xD  }
0xd6: {  	v21 =	vxor.u32 v24, v21;
	v26 =	vadd.s32 v19, v26;
	v17 =	vor.u32 v25, v17  }
0xd7: {  	v24 =	vshrl.u32 v26, $0x13;
	v25 =	vshll.u32 v26, $0xD;
	v27 =	vxor.u32 v22, v17;
	[tilespmem:s9+$0x780] =	vst v21;
	s9 =	smov.u32 s10;
	s10 =	smov.u32 s11  }
0xd8: {  	v17 =	vadd.s32 v20, v26;
	v21 =	vor.u32 v24, v25;
	v24 =	vshrl.u32 v27, $0x11  }
0xd9: {  	v25 =	vshll.u32 v27, $0xF;
	v23 =	vadd.s32 v18, v23;
	v21 =	vxor.u32 v17, v21  }
0xda: {  	v26 =	vshrl.u32 v23, $0x13;
	v28 =	vshrl.u32 v21, $0x11;
	v29 =	vshll.u32 v21, $0xF  }
0xdb: {  	v30 =	vshll.u32 v23, $0xD;
	v17 =	vadd.s32 v17, v21;
	v21 =	vor.u32 v28, v29  }
0xdc: {  	v23 =	vadd.s32 v14, v23;
	v26 =	vor.u32 v26, v30;
	v21 =	vxor.u32 v17, v21  }
0xdd: {  	v26 =	vxor.u32 v23, v26;
	v28 =	vshrl.u32 v21, $0x6;
	v29 =	vshll.u32 v21, $0x1A  }
0xde: {  	v30 =	vshrl.u32 v26, $0x11;
	v17 =	vadd.s32 v17, v21;
	v21 =	vor.u32 v28, v29  }
0xdf: {  	v23 =	vadd.s32 v23, v26;
	v26 =	vshll.u32 v26, $0xF;
	v21 =	vxor.u32 v17, v21  }
0xe0: {  	v26 =	vor.u32 v30, v26;
	v28 =	vshrl.u32 v21, $0x1A;
	v29 =	vshll.u32 v21, $0x6  }
0xe1: {  	v30 =	vxor.u32 v19, v20;
	v17 =	vadd.s32 v17, v21;
	v28 =	vor.u32 v28, v29  }
0xe2: {  	v26 =	vxor.u32 v23, v26;
	v21 =	vxor.u32 $0x1BD11BDA, v30;
	v28 =	vxor.u32 v17, v28  }
0xe3: {  	v30 =	vshll.u32 v26, $0x1A;
	v29 =	vshrl.u32 v26, $0x6;
	v28 =	vadd.s32 v28, v21  }
0xe4: {  	v23 =	vadd.s32 v23, v26;
	v26 =	vor.u32 v29, v30;
	v28 =	vadd.s32 $0x1, v28  }
0xe5: {  	v17 =	vadd.s32 v19, v17;
	v29 =	vshrl.u32 v28, $0xF;
	v30 =	vshll.u32 v28, $0x11  }
0xe6: {  	v26 =	vxor.u32 v23, v26;
	v17 =	vadd.s32 v28, v17;
	v28 =	vor.u32 v29, v30  }
0xe7: {  	v29 =	vshrl.u32 v26, $0x1A;
	v30 =	vshll.u32 v26, $0x6;
	v28 =	vxor.u32 v17, v28  }
0xe8: {  	v29 =	vor.u32 v29, v30;
	v30 =	vshrl.u32 v28, $0x3;
	v31 =	vshll.u32 v28, $0x1D  }
0xe9: {  	v23 =	vadd.s32 v23, v26;
	v26 =	vadd.s32 v17, v28;
	v17 =	vor.u32 v30, v31  }
0xea: {  	v28 =	vxor.u32 v18, v14;
	v29 =	vxor.u32 v23, v29;
	v30 =	vxor.u32 v26, v17  }
0xeb: {  	v17 =	vxor.u32 $0x1BD11BDA, v28;
	v28 =	vshrl.u32 v30, $0x10;
	v31 =	vshll.u32 v30, $0x10  }
0xec: {  	v29 =	vadd.s32 v29, v17;
	v26 =	vadd.s32 v26, v30;
	v28 =	vor.u32 v28, v31  }
0xed: {  	v23 =	vadd.s32 v18, v23;
	v29 =	vadd.s32 $0x1, v29;
	v28 =	vxor.u32 v26, v28  }
0xee: {  	v30 =	vshrl.u32 v29, $0xF;
	v31 =	vshrl.u32 v28, $0x8;
	v32 =	vshll.u32 v28, $0x18  }
0xef: {  	v33 =	vshll.u32 v29, $0x11;
	v26 =	vadd.s32 v26, v28;
	v28 =	vor.u32 v31, v32  }
0xf0: {  	v23 =	vadd.s32 v29, v23;
	v29 =	vor.u32 v30, v33;
	v28 =	vxor.u32 v26, v28  }
0xf1: {  	v24 =	vor.u32 v24, v25;
	v29 =	vxor.u32 v23, v29;
	v28 =	vadd.s32 v28, v20  }
0xf2: {  	v25 =	vshrl.u32 v29, $0x3;
	v30 =	vshll.u32 v29, $0x1D;
	v28 =	vadd.s32 $0x2, v28  }
0xf3: {  	v26 =	vadd.s32 v21, v26;
	v31 =	vshrl.u32 v28, $0x13;
	v32 =	vshll.u32 v28, $0xD  }
0xf4: {  	v25 =	vor.u32 v25, v30;
	v26 =	vadd.s32 v28, v26;
	v28 =	vor.u32 v31, v32  }
0xf5: {  	v22 =	vadd.s32 v22, v27;
	v23 =	vadd.s32 v23, v29;
	v28 =	vxor.u32 v26, v28  }
0xf6: {  	v25 =	vxor.u32 v23, v25;
	v27 =	vshrl.u32 v28, $0x11;
	v29 =	vshll.u32 v28, $0xF  }
0xf7: {  	v30 =	vshrl.u32 v25, $0x10;
	v26 =	vadd.s32 v26, v28;
	v27 =	vor.u32 v27, v29  }
0xf8: {  	v23 =	vadd.s32 v23, v25;
	v25 =	vshll.u32 v25, $0x10;
	v27 =	vxor.u32 v26, v27  }
0xf9: {  	v25 =	vor.u32 v30, v25;
	v28 =	vshrl.u32 v27, $0x6;
	v29 =	vshll.u32 v27, $0x1A  }
0xfa: {  	v25 =	vxor.u32 v23, v25;
	v26 =	vadd.s32 v26, v27;
	v27 =	vor.u32 v28, v29  }
0xfb: {  	v28 =	vshrl.u32 v25, $0x8;
	v29 =	vshll.u32 v25, $0x18;
	v27 =	vxor.u32 v26, v27  }
0xfc: {  	v28 =	vor.u32 v28, v29;
	v29 =	vshrl.u32 v27, $0x1A;
	v30 =	vshll.u32 v27, $0x6  }
0xfd: {  	v23 =	vadd.s32 v23, v25;
	v25 =	vadd.s32 v26, v27;
	v26 =	vor.u32 v29, v30  }
0xfe: {  	v27 =	vxor.u32 v23, v28;
	v23 =	vadd.s32 v17, v23;
	v26 =	vxor.u32 v25, v26  }
0xff: {  	v24 =	vxor.u32 v22, v24;
	v27 =	vadd.s32 v27, v14;
	v26 =	vadd.s32 v26, v19  }
0x100: {  	v28 =	vshrl.u32 v24, $0x6;
	v27 =	vadd.s32 $0x2, v27;
	v26 =	vadd.s32 $0x3, v26  }
0x101: {  	v25 =	vadd.s32 v20, v25;
	v29 =	vshrl.u32 v26, $0xF;
	v30 =	vshll.u32 v26, $0x11  }
0x102: {  	v31 =	vshrl.u32 v27, $0x13;
	v25 =	vadd.s32 v26, v25;
	v26 =	vor.u32 v29, v30  }
0x103: {  	v23 =	vadd.s32 v27, v23;
	v27 =	vshll.u32 v27, $0xD;
	v26 =	vxor.u32 v25, v26  }
0x104: {  	v27 =	vor.u32 v31, v27;
	v29 =	vshrl.u32 v26, $0x3;
	v30 =	vshll.u32 v26, $0x1D  }
0x105: {  	v27 =	vxor.u32 v23, v27;
	v25 =	vadd.s32 v25, v26;
	v26 =	vor.u32 v29, v30  }
0x106: {  	v29 =	vshrl.u32 v27, $0x11;
	v30 =	vshll.u32 v27, $0xF;
	v26 =	vxor.u32 v25, v26  }
0x107: {  	v29 =	vor.u32 v29, v30;
	v30 =	vshrl.u32 v26, $0x10;
	v31 =	vshll.u32 v26, $0x10  }
0x108: {  	v23 =	vadd.s32 v23, v27;
	v25 =	vadd.s32 v25, v26;
	v26 =	vor.u32 v30, v31  }
0x109: {  	v27 =	vxor.u32 v23, v29;
	v29 =	vshll.u32 v24, $0x1A;
	v26 =	vxor.u32 v25, v26  }
0x10a: {  	v30 =	vshrl.u32 v27, $0x6;
	v31 =	vshrl.u32 v26, $0x8;
	v32 =	vshll.u32 v26, $0x18  }
0x10b: {  	v33 =	vshll.u32 v27, $0x1A;
	v25 =	vadd.s32 v25, v26;
	v26 =	vor.u32 v31, v32  }
0x10c: {  	v23 =	vadd.s32 v23, v27;
	v27 =	vor.u32 v30, v33;
	v26 =	vxor.u32 v25, v26  }
0x10d: {  	v28 =	vor.u32 v28, v29;
	v27 =	vxor.u32 v23, v27;
	v26 =	vadd.s32 v26, v21  }
0x10e: {  	v29 =	vshrl.u32 v27, $0x1A;
	v30 =	vshll.u32 v27, $0x6;
	v26 =	vadd.s32 $0x4, v26  }
0x10f: {  	v19 =	vadd.s32 v19, v25;
	v25 =	vshrl.u32 v26, $0x13;
	v31 =	vshll.u32 v26, $0xD  }
0x110: {  	v29 =	vor.u32 v29, v30;
	v19 =	vadd.s32 v26, v19;
	v25 =	vor.u32 v25, v31  }
0x111: {  	v22 =	vadd.s32 v22, v24;
	v23 =	vadd.s32 v23, v27;
	v25 =	vxor.u32 v19, v25  }
0x112: {  	v24 =	vxor.u32 v23, v29;
	v26 =	vshrl.u32 v25, $0x11;
	v27 =	vshll.u32 v25, $0xF  }
0x113: {  	v24 =	vadd.s32 v24, v18;
	v19 =	vadd.s32 v19, v25;
	v25 =	vor.u32 v26, v27  }
0x114: {  	v23 =	vadd.s32 v14, v23;
	v24 =	vadd.s32 $0x3, v24;
	v25 =	vxor.u32 v19, v25  }
0x115: {  	v26 =	vshrl.u32 v24, $0xF;
	v27 =	vshrl.u32 v25, $0x6;
	v29 =	vshll.u32 v25, $0x1A  }
0x116: {  	v30 =	vshll.u32 v24, $0x11;
	v19 =	vadd.s32 v19, v25;
	v25 =	vor.u32 v27, v29  }
0x117: {  	v23 =	vadd.s32 v24, v23;
	v24 =	vor.u32 v26, v30;
	v25 =	vxor.u32 v19, v25  }
0x118: {  	v24 =	vxor.u32 v23, v24;
	v26 =	vshrl.u32 v25, $0x1A;
	v27 =	vshll.u32 v25, $0x6  }
0x119: {  	v29 =	vshrl.u32 v24, $0x3;
	v19 =	vadd.s32 v19, v25;
	v25 =	vor.u32 v26, v27  }
0x11a: {  	v23 =	vadd.s32 v23, v24;
	v24 =	vshll.u32 v24, $0x1D;
	v25 =	vxor.u32 v19, v25  }
0x11b: {  	v24 =	vor.u32 v29, v24;
	v20 =	vadd.s32 v25, v20;
	v25 =	vxor.u32 v22, v28  }
.Ltmp1:
0x11c: {  	v24 =	vxor.u32 v23, v24;
	v19 =	vadd.s32 v21, v19;
	v20 =	vadd.s32 $0x5, v20;
	(pc) =	sbr.rel @p0 .LBB2_3-.Ltmp1, $4  }
0x11d: {  	v26 =	vshll.u32 v24, $0x10;
	v21 =	vshrl.u32 v24, $0x10;
	v19 =	vxor.u32 v19, v20  }
0x11e: {  	v23 =	vadd.s32 v23, v24;
	v21 =	vor.u32 v21, v26;
	v20 =	vshrl.u32 v25, $0x1A;
	[tilespmem:s10+$0x790] =	vst v19  }
0x11f: {  	s11 =	sshra.s32 s12, $0x2;
	v26 =	vxor.u32 v23, v21;
	v22 =	vadd.s32 v22, v25;
	v21 =	vshll.u32 v25, $0x6  }
0x120: {  	s12 =	sadd.s32 $0x80, s12;
	v23 =	vadd.s32 v23, v26;
	v24 =	vshrl.u32 v26, $0x8;
	v25 =	vshll.u32 v26, $0x18;
	v19 =	vld [tilespmem:s11+$0x270]  }
0x121: {  	v26 =	vld [tilespmem:s11+$0x4D0]  }
0x122: {  	v24 =	vor.u32 v24, v25;
	v20 =	vor.u32 v20, v21;
	v21 =	vld [tilespmem:s11+$0x260]  }
0x123: {  	v62 =	vld [tilespmem:s11+$0x4C0];
	v24 =	vxor.u32 v23, v24  }
0x124: {  	v61 =	vxor.u32 v22, v20;
	v20 =	vld [tilespmem:s11+$0x10];
	v24 =	vadd.s32 v24, v17  }
0x125: {  	v18 =	vadd.s32 v18, v23;
	v15 =	vadd.s32 v61, v15;
	v24 =	vadd.s32 $0x4, v24  }
0x126: {  	v16 =	vadd.s32 v16, v22;
	v63 =	vadd.s32 $0x5, v15;
	v25 =	vadd.s32 v24, v18  }
0x127: {  	v15 =	vld [tilespmem:s11+$0x0];
	v30 =	vshrl.u32 v24, $0x13;
	v24 =	vshll.u32 v24, $0xD;
	v16 =	vxor.u32 v16, v63  }
0x128: {  	v26 =	vadd.s32 v19, v26;
	v18 =	vor.u32 v30, v24;
	v33 =	vadd.s32 v21, v62  }
0x129: {  	v31 =	vshrl.u32 v26, $0x13;
	v27 =	vshll.u32 v26, $0xD;
	v32 =	vadd.s32 v20, v26  }
0x12a: {  	v26 =	vxor.u32 v25, v18;
	v35 =	vshrl.u32 v33, $0x13;
	v24 =	vor.u32 v31, v27  }
0x12b: {  	v29 =	vshll.u32 v33, $0xD;
	v46 =	vxor.u32 v19, v20;
	v34 =	vxor.u32 v32, v24  }
0x12c: {  	v18 =	vadd.s32 v15, v33;
	v36 =	vshrl.u32 v34, $0x11;
	v28 =	vshll.u32 v34, $0xF  }
0x12d: {  	v24 =	vor.u32 v35, v29;
	v22 =	vadd.s32 v32, v34;
	v37 =	vor.u32 v36, v28  }
0x12e: {  	v25 =	vadd.s32 v25, v26;
	v24 =	vxor.u32 v18, v24;
	v23 =	vxor.u32 v22, v37  }
0x12f: {  	v40 =	vshrl.u32 v24, $0x11;
	v38 =	vshrl.u32 v23, $0x6;
	v39 =	vshll.u32 v23, $0x1A  }
0x130: {  	v43 =	vshll.u32 v24, $0xF;
	v22 =	vadd.s32 v22, v23;
	v41 =	vor.u32 v38, v39  }
0x131: {  	v42 =	vadd.s32 v18, v24;
	v18 =	vor.u32 v40, v43;
	v23 =	vxor.u32 v22, v41  }
0x132: {  	v48 =	vxor.u32 v42, v18;
	v44 =	vshrl.u32 v23, $0x1A;
	v45 =	vshll.u32 v23, $0x6  }
0x133: {  	v18 =	vxor.u32 $0x1BD11BDA, v46;
	v22 =	vadd.s32 v22, v23;
	v47 =	vor.u32 v44, v45  }
0x134: {  	v49 =	vshrl.u32 v48, $0x6;
	v50 =	vshll.u32 v48, $0x1A;
	v23 =	vxor.u32 v22, v47  }
0x135: {  	v24 =	vadd.s32 v42, v48;
	v51 =	vor.u32 v49, v50;
	v23 =	vadd.s32 v23, v18  }
0x136: {  	v59 =	vxor.u32 v21, v15;
	v27 =	vxor.u32 v24, v51;
	v23 =	vadd.s32 $0x1, v23  }
0x137: {  	v22 =	vadd.s32 v19, v22;
	v52 =	vshrl.u32 v23, $0xF;
	v53 =	vshll.u32 v23, $0x11  }
0x138: {  	v55 =	vshrl.u32 v27, $0x1A;
	v22 =	vadd.s32 v23, v22;
	v54 =	vor.u32 v52, v53  }
0x139: {  	v56 =	vshll.u32 v27, $0x6;
	v24 =	vadd.s32 v24, v27;
	v23 =	vxor.u32 v22, v54  }
0x13a: {  	v28 =	vor.u32 v55, v56;
	v57 =	vshrl.u32 v23, $0x3;
	v30 =	vshll.u32 v23, $0x1D  }
0x13b: {  	v28 =	vxor.u32 v24, v28;
	v23 =	vadd.s32 v22, v23;
	v58 =	vor.u32 v57, v30  }
0x13c: {  	v24 =	vadd.s32 v21, v24;
	v22 =	vxor.u32 $0x1BD11BDA, v59;
	v29 =	vxor.u32 v23, v58  }
0x13d: {  	v28 =	vadd.s32 v28, v22;
	v60 =	vshrl.u32 v29, $0x10;
	v61 =	vshll.u32 v29, $0x10  }
0x13e: {  	v28 =	vadd.s32 $0x1, v28;
	v23 =	vadd.s32 v23, v29;
	v27 =	vor.u32 v60, v61  }
0x13f: {  	v62 =	vshrl.u32 v28, $0xF;
	v32 =	vshll.u32 v28, $0x11;
	v27 =	vxor.u32 v23, v27  }
0x140: {  	v24 =	vadd.s32 v28, v24;
	v63 =	vshrl.u32 v27, $0x8;
	v31 =	vshll.u32 v27, $0x18  }
0x141: {  	v35 =	vor.u32 v62, v32;
	v23 =	vadd.s32 v23, v27;
	v34 =	vor.u32 v63, v31  }
0x142: {  	v36 =	vshrl.u32 v26, $0x11;
	v28 =	vxor.u32 v24, v35;
	v27 =	vxor.u32 v23, v34  }
0x143: {  	v38 =	vshrl.u32 v28, $0x3;
	v34 =	vshll.u32 v28, $0x1D;
	v27 =	vadd.s32 v27, v20  }
0x144: {  	v24 =	vadd.s32 v24, v28;
	v31 =	vor.u32 v38, v34;
	v27 =	vadd.s32 $0x2, v27  }
0x145: {  	v23 =	vadd.s32 v18, v23;
	v28 =	vxor.u32 v24, v31;
	v39 =	vshrl.u32 v27, $0x13  }
0x146: {  	v33 =	vshll.u32 v27, $0xD;
	v23 =	vadd.s32 v27, v23;
	v43 =	vshrl.u32 v28, $0x10  }
0x147: {  	v24 =	vadd.s32 v24, v28;
	v28 =	vshll.u32 v28, $0x10;
	v40 =	vor.u32 v39, v33  }
0x148: {  	v37 =	vshll.u32 v26, $0xF;
	v28 =	vor.u32 v43, v28;
	v27 =	vxor.u32 v23, v40  }
0x149: {  	v28 =	vxor.u32 v24, v28;
	v41 =	vshrl.u32 v27, $0x11;
	v42 =	vshll.u32 v27, $0xF  }
0x14a: {  	v23 =	vadd.s32 v23, v27;
	v48 =	vshrl.u32 v28, $0x8;
	v44 =	vor.u32 v41, v42  }
0x14b: {  	v49 =	vshll.u32 v28, $0x18;
	v24 =	vadd.s32 v24, v28;
	v27 =	vxor.u32 v23, v44  }
0x14c: {  	v31 =	vor.u32 v48, v49;
	v45 =	vshrl.u32 v27, $0x6;
	v46 =	vshll.u32 v27, $0x1A  }
0x14d: {  	v54 =	vxor.u32 v24, v31;
	v23 =	vadd.s32 v23, v27;
	v47 =	vor.u32 v45, v46  }
0x14e: {  	v24 =	vadd.s32 v22, v24;
	v55 =	vadd.s32 v54, v15;
	v27 =	vxor.u32 v23, v47  }
0x14f: {  	v26 =	vadd.s32 $0x2, v55;
	v50 =	vshrl.u32 v27, $0x1A;
	v51 =	vshll.u32 v27, $0x6  }
0x150: {  	v58 =	vshrl.u32 v26, $0x13;
	v23 =	vadd.s32 v23, v27;
	v52 =	vor.u32 v50, v51  }
0x151: {  	v24 =	vadd.s32 v26, v24;
	v26 =	vshll.u32 v26, $0xD;
	v27 =	vxor.u32 v23, v52  }
0x152: {  	v53 =	vor.u32 v36, v37;
	v26 =	vor.u32 v58, v26;
	v27 =	vadd.s32 v27, v19  }
0x153: {  	v26 =	vxor.u32 v24, v26;
	v23 =	vadd.s32 v20, v23;
	v27 =	vadd.s32 $0x3, v27  }
0x154: {  	v63 =	vshrl.u32 v26, $0x11;
	v56 =	vshrl.u32 v27, $0xF;
	v57 =	vshll.u32 v27, $0x11  }
0x155: {  	v33 =	vshll.u32 v26, $0xF;
	v23 =	vadd.s32 v27, v23;
	v59 =	vor.u32 v56, v57  }
0x156: {  	v24 =	vadd.s32 v24, v26;
	v29 =	vor.u32 v63, v33;
	v27 =	vxor.u32 v23, v59  }
0x157: {  	v36 =	vxor.u32 v24, v29;
	v60 =	vshrl.u32 v27, $0x3;
	v61 =	vshll.u32 v27, $0x1D  }
0x158: {  	v29 =	vshrl.u32 v36, $0x6;
	v23 =	vadd.s32 v23, v27;
	v62 =	vor.u32 v60, v61  }
0x159: {  	v37 =	vshll.u32 v36, $0x1A;
	v24 =	vadd.s32 v24, v36;
	v27 =	vxor.u32 v23, v62  }
0x15a: {  	v38 =	vor.u32 v29, v37;
	v34 =	vshrl.u32 v27, $0x10;
	v35 =	vshll.u32 v27, $0x10  }
0x15b: {  	v23 =	vadd.s32 v23, v27;
	v27 =	vxor.u32 v24, v38;
	v26 =	vor.u32 v34, v35  }
0x15c: {  	v43 =	vxor.u32 v25, v53;
	v41 =	vshrl.u32 v27, $0x1A;
	v26 =	vxor.u32 v23, v26  }
0x15d: {  	v42 =	vshll.u32 v27, $0x6;
	v24 =	vadd.s32 v24, v27;
	v39 =	vshrl.u32 v26, $0x8  }
0x15e: {  	v40 =	vshll.u32 v26, $0x18;
	v23 =	vadd.s32 v23, v26;
	v26 =	vor.u32 v41, v42  }
0x15f: {  	v25 =	vadd.s32 v25, v43;
	v45 =	vshrl.u32 v43, $0x6;
	v26 =	vxor.u32 v24, v26  }
0x160: {  	v29 =	vor.u32 v39, v40;
	v46 =	vadd.s32 v19, v23;
	v26 =	vadd.s32 v26, v21  }
0x161: {  	v24 =	vadd.s32 v15, v24;
	v44 =	vxor.u32 v23, v29;
	v47 =	vadd.s32 $0x3, v26  }
0x162: {  	v28 =	vadd.s32 v44, v18;
	v26 =	vshrl.u32 v47, $0xF;
	v48 =	vshll.u32 v47, $0x11  }
0x163: {  	v28 =	vadd.s32 $0x4, v28;
	v23 =	vadd.s32 v47, v24;
	v50 =	vor.u32 v26, v48  }
0x164: {  	v49 =	vshrl.u32 v28, $0x13;
	v51 =	vshll.u32 v28, $0xD;
	v24 =	vxor.u32 v23, v50  }
0x165: {  	v19 =	vadd.s32 v28, v46;
	v52 =	vshrl.u32 v24, $0x3;
	v53 =	vshll.u32 v24, $0x1D  }
0x166: {  	v26 =	vor.u32 v49, v51;
	v23 =	vadd.s32 v23, v24;
	v54 =	vor.u32 v52, v53  }
0x167: {  	v60 =	vshll.u32 v43, $0x1A;
	v26 =	vxor.u32 v19, v26;
	v24 =	vxor.u32 v23, v54  }
0x168: {  	v55 =	vshrl.u32 v26, $0x11;
	v57 =	vshrl.u32 v24, $0x10;
	v58 =	vshll.u32 v24, $0x10  }
0x169: {  	v56 =	vshll.u32 v26, $0xF;
	v23 =	vadd.s32 v23, v24;
	v59 =	vor.u32 v57, v58  }
0x16a: {  	v19 =	vadd.s32 v19, v26;
	v26 =	vor.u32 v45, v60;
	v24 =	vxor.u32 v23, v59  }
0x16b: {  	v28 =	vor.u32 v55, v56;
	v62 =	vshrl.u32 v24, $0x8;
	v63 =	vshll.u32 v24, $0x18  }
0x16c: {  	v47 =	vxor.u32 v25, v26;
	v23 =	vadd.s32 v23, v24;
	v37 =	vor.u32 v62, v63  }
0x16d: {  	v28 =	vxor.u32 v19, v28;
	v50 =	vshrl.u32 v47, $0x1A;
	v24 =	vxor.u32 v23, v37  }
0x16e: {  	v61 =	vshrl.u32 v28, $0x6;
	v36 =	vshll.u32 v28, $0x1A;
	v24 =	vadd.s32 v24, v22  }
0x16f: {  	v19 =	vadd.s32 v19, v28;
	v38 =	vor.u32 v61, v36;
	v24 =	vadd.s32 $0x4, v24  }
0x170: {  	v21 =	vadd.s32 v21, v23;
	v40 =	vshrl.u32 v24, $0x13;
	v41 =	vshll.u32 v24, $0xD  }
0x171: {  	v28 =	vxor.u32 v19, v38;
	v21 =	vadd.s32 v24, v21;
	v23 =	vor.u32 v40, v41  }
0x172: {  	v39 =	vshrl.u32 v28, $0x1A;
	v42 =	vshll.u32 v28, $0x6;
	v23 =	vxor.u32 v21, v23  }
0x173: {  	v19 =	vadd.s32 v19, v28;
	v44 =	vshrl.u32 v23, $0x11;
	v45 =	vshll.u32 v23, $0xF  }
0x174: {  	v43 =	vor.u32 v39, v42;
	v21 =	vadd.s32 v21, v23;
	v46 =	vor.u32 v44, v45  }
0x175: {  	v51 =	vadd.s32 v25, v47;
	v24 =	vxor.u32 v19, v43;
	v48 =	vxor.u32 v21, v46  }
0x176: {  	v20 =	vadd.s32 v24, v20;
	v24 =	vshrl.u32 v48, $0x6;
	v49 =	vshll.u32 v48, $0x1A  }
0x177: {  	v18 =	vadd.s32 v18, v19;
	v19 =	vadd.s32 v21, v48;
	v24 =	vor.u32 v24, v49  }
0x178: {  	v56 =	vadd.s32 v17, v51;
	v23 =	vshll.u32 v47, $0x6;
	v24 =	vxor.u32 v19, v24  }
0x179: {  	v23 =	vor.u32 v50, v23;
	v52 =	vshrl.u32 v24, $0x1A;
	v53 =	vshll.u32 v24, $0x6  }
0x17a: {  	v23 =	vxor.u32 v51, v23;
	v19 =	vadd.s32 v19, v24;
	v54 =	vor.u32 v52, v53  }
0x17b: {  	v20 =	vadd.s32 $0x5, v20;
	v14 =	vadd.s32 v23, v14;
	v55 =	vxor.u32 v19, v54  }
0x17c: {  	[tilespmem:s9+$0x780] =	vst v16;
	v18 =	vxor.u32 v18, v20;
	v14 =	vadd.s32 $0x5, v14;
	v15 =	vadd.s32 v55, v15  }
0x17d: {  	[tilespmem:s11+$0x790] =	vst v18;
	v14 =	vxor.u32 v56, v14;
	v57 =	vadd.s32 v22, v19;
	v15 =	vadd.s32 $0x5, v15  }
0x17e: {  	[tilespmem:s10+$0x780] =	vst v14;
	v14 =	vxor.u32 v57, v15  }
0x17f: {  	[tilespmem:s11+$0x780] =	vst v14  }
0x180: {  	v14 =	vld [tilespmem:$0x840];
	_ =	sdelay $0x4  }
0x181: {  	v15 =	vshrl.u32 v14, $0x9  }
0x182: {  	v15 =	vor.u32 $0x3F800000, v15  }
0x183: {  	v15 =	vadd.f32 $-1.000000000e+00, v15;
	_ =	sdelay $0x1  }
0x184: {  	v58 =	vmax.f32 v15, $9.999999960e-13  }
0x185: {  	v16 =	vmin.f32 v58, $1.000000000e+00  }
0x186: {  	v59 =	vand.u32 $0x7FFFFF, v16  }
0x187: {  	v17 =	vor.u32 $0x3F800000, v59  }
0x188: {  	v60 =	vadd.f32 $1.000000000e+00, v17;
	_ =	sdelay $0x1  }
0x189: {  	(erf) = vrcp.f32 v60;
	_ =	sdelay $0x7  }
0x18a: {  	v17 =	vadd.f32 $-1.000000000e+00, v17  }
0x18b: {  	v18 =	vpop (erf)  }
0x18c: {  	v17 =	vmul.f32 v18, v17;
	_ =	sdelay $0x1  }
0x18d: {  	v18 =	vmul.f32 v17, v17;
	_ =	sdelay $0x1  }
0x18e: {  	v61 =	vmul.f32 $1.111111120e-01, v18;
	_ =	sdelay $0x1  }
0x18f: {  	v19 =	vadd.f32 $1.428571490e-01, v61;
	_ =	sdelay $0x1  }
0x190: {  	v19 =	vmul.f32 v19, v18;
	_ =	sdelay $0x1  }
0x191: {  	v19 =	vadd.f32 $2.000000030e-01, v19;
	_ =	sdelay $0x1  }
0x192: {  	v19 =	vmul.f32 v19, v18;
	_ =	sdelay $0x1  }
0x193: {  	v19 =	vadd.f32 $3.333333430e-01, v19  }
0x194: {  	v16 =	vshrl.u32 v16, $0x17  }
0x195: {  	v16 =	vand.u32 $0xFF, v16;
	v18 =	vmul.f32 v19, v18  }
0x196: {  	v16 =	vadd.s32 $0xFFFFFF81, v16  }
0x197: {  	v16 =	vcvt.s32.f32 v16;
	v17 =	vadd.f32 v17, v17;
	v18 =	vadd.f32 $1.000000000e+00, v18;
	_ =	sdelay $0x1  }
0x198: {  	v16 =	vmul.f32 $6.931471820e-01, v16;
	v17 =	vmul.f32 v18, v17;
	_ =	sdelay $0x1  }
0x199: {  	v15 =	vadd.f32 v15, v15;
	v16 =	vadd.f32 v17, v16;
	_ =	sdelay $0x1  }
0x19a: {  	v15 =	vadd.f32 $-9.999999400e-01, v15;
	v16 =	vsub.f32 $0.0e+00, v16;
	_ =	sdelay $0x1  }
0x19b: {  	v23 =	vmax.f32 v15, $-9.999999400e-01;
	v62 =	vand.u32 $0x7FFFFF, v16  }
0x19c: {  	v15 =	vsub.f32 $1.000000000e+00, v23;
	v22 =	vadd.f32 $1.000000000e+00, v23;
	v17 =	vor.u32 $0x3F800000, v62  }
0x19d: {  	v63 =	vadd.f32 $1.000000000e+00, v17  }
0x19e: {  	v15 =	vmul.f32 v22, v15  }
0x19f: {  	(erf) = vrcp.f32 v63  }
0x1a0: {  	v24 =	vand.u32 $0x7FFFFF, v15  }
0x1a1: {  	v18 =	vor.u32 $0x3F800000, v24  }
0x1a2: {  	v25 =	vadd.f32 $1.000000000e+00, v18;
	_ =	sdelay $0x1  }
0x1a3: {  	(erf) = vrcp.f32 v25;
	_ =	sdelay $0x1  }
0x1a4: {  	v29 =	vld [tilespmem:$0x780]  }
0x1a5: {  	v17 =	vadd.f32 $-1.000000000e+00, v17  }
0x1a6: {  	v26 =	vpop (erf)  }
0x1a7: {  	v17 =	vmul.f32 v26, v17  }
0x1a8: {  	v35 =	vld [tilespmem:$0x720]  }
0x1a9: {  	v21 =	vshrl.u32 v29, $0x9;
	v19 =	vmul.f32 v17, v17  }
0x1aa: {  	v21 =	vor.u32 $0x3F800000, v21;
	v18 =	vadd.f32 $-1.000000000e+00, v18  }
0x1ab: {  	v21 =	vadd.f32 $-1.000000000e+00, v21;
	v28 =	vpop (erf);
	v27 =	vmul.f32 $1.111111120e-01, v19  }
0x1ac: {  	v52 =	vld [tilespmem:$0x800];
	v33 =	vmulhi.u32 $0xCCCCCCCD, v14;
	v18 =	vmul.f32 v28, v18  }
0x1ad: {  	vm7 =	vlt.f32 v21, v35;
	v15 =	vshrl.u32 v15, $0x17;
	v20 =	vadd.f32 $1.428571490e-01, v27  }
0x1ae: {  	v36 =	vsel vm7, $0x3F800000, v4;
	v15 =	vand.u32 $0xFF, v15;
	v30 =	vmul.f32 v18, v18  }
0x1af: {  	v38 =	vperm.xlane v36, v5;
	v15 =	vadd.s32 $0xFFFFFF81, v15;
	v20 =	vmul.f32 v20, v19  }
0x1b0: {  	v15 =	vcvt.s32.f32 v15;
	v31 =	vmul.f32 $1.111111120e-01, v30  }
0x1b1: {  	v16 =	vshrl.u32 v16, $0x17;
	v25 =	vshrl.u32 v52, $0x9;
	v20 =	vadd.f32 $2.000000030e-01, v20  }
0x1b2: {  	v16 =	vand.u32 $0xFF, v16;
	v61 =	vor.u32 $0x3F800000, v25;
	v24 =	vadd.f32 $1.428571490e-01, v31  }
0x1b3: {  	v16 =	vadd.s32 $0xFFFFFF81, v16;
	v62 =	vadd.f32 $-1.000000000e+00, v61;
	v20 =	vmul.f32 v20, v19  }
0x1b4: {  	vm7 =	vmmov $0xf;
	v60 =	vld [tilespmem:$0x7F0];
	v16 =	vcvt.s32.f32 v16;
	v24 =	vmul.f32 v24, v30  }
0x1b5: {  	v43 =	vmul.f32 $0.0e+00, v23;
	v26 =	vadd.f32 v62, v62;
	v20 =	vadd.f32 $3.333333430e-01, v20  }
0x1b6: {  	v15 =	vmul.f32 $6.931471820e-01, v15;
	v16 =	vmul.f32 $6.931471820e-01, v16;
	v34 =	vadd.f32 $2.000000030e-01, v24  }
0x1b7: {  	v37 =	vld [tilespmem:$0x7C0];
	v17 =	vadd.f32 v17, v17;
	v26 =	vadd.f32 $-9.999999400e-01, v26;
	v19 =	vmul.f32 v20, v19  }
0x1b8: {  	v18 =	vadd.f32 v18, v18;
	v21 =	vmul.f32 v34, v30;
	v20 =	vshrl.u32 v33, $0x3  }
0x1b9: {  	v31 =	vshrl.u32 v60, $0x9;
	v20 =	vmul.u32 $0xA, v20;
	v19 =	vadd.f32 $1.000000000e+00, v19  }
0x1ba: {  	v46 =	vld [tilespmem:$0x810];
	v26 =	vmax.f32 v26, $-9.999999400e-01;
	v31 =	vor.u32 $0x3F800000, v31;
	v21 =	vadd.f32 $3.333333430e-01, v21  }
0x1bb: {  	v14 =	vsub.s32 v14, v20;
	v20 =	vadd.f32 v36, v38;
	v17 =	vmul.f32 v19, v17  }
0x1bc: {  	v39 =	vmul.f32 v21, v30;
	v14 =	vcvt.s32.f32 v14;
	v19 =	vshrl.u32 v37, $0x9  }
0x1bd: {  	v41 =	vperm.xlane v20, v6;
	v19 =	vor.u32 $0x3F800000, v19;
	v16 =	vadd.f32 v17, v16  }
0x1be: {  	v44 =	vld [tilespmem:$0x7B0];
	v40 =	vperm.xlane v14, v11;
	v14 =	vmul.f32 $6.000000000e+00, v14;
	v17 =	vadd.f32 $1.000000000e+00, v39  }
0x1bf: {  	v21 =	vadd.f32 $-1.000000000e+00, v19;
	v19 =	vshrl.u32 v46, $0x9;
	v20 =	vadd.f32 v20, v41  }
0x1c0: {  	v19 =	vor.u32 $0x3F800000, v19;
	v41 =	vadd.f32 $-1.000000000e+00, v31;
	v14 =	vadd.f32 v40, v14  }
0x1c1: {  	v16 =	vsub.f32 $0.0e+00, v16;
	v17 =	vmul.f32 v17, v18;
	v19 =	vadd.f32 $-1.000000000e+00, v19  }
0x1c2: {  	v42 =	vld [tilespmem:$0x7D0];
	vm11 =	vlt.f32 v21, v35;
	v35 =	vsub.f32 $0.0e+00, v35;
	v14 =	vtrunc.f32 v14  }
0x1c3: {  	v16 =	vadd.f32 v9, v16;
	v15 =	vadd.f32 v17, v15;
	v17 =	vshrl.u32 v44, $0x9  }
0x1c4: {  	v50 =	vadd.f32 v19, v19;
	v22 =	vcvt.f32.s32 v14;
	v17 =	vor.u32 $0x3F800000, v17  }
0x1c5: {  	v27 =	vnsel vm7, $0xFF61B1E6, v16;
	v14 =	vsub.f32 $0.0e+00, v15;
	v16 =	vadd.f32 $2.810226360e-08, v43  }
0x1c6: {  	v17 =	vadd.f32 $-1.000000000e+00, v17;
	v43 =	vadd.f32 $1.000000000e+00, v26  }
0x1c7: {  	(v2sf) =	vpush v22, $0xD;
	v24 =	vadd.f32 $-2.500000000e+00, v14;
	v14 =	vshrl.u32 v42, $0x9  }
0x1c8: {  	v15 =	vperm.xlane v27, v5;
	(v2sf) =	vpush v22, $0xC;
	v14 =	vor.u32 $0x3F800000, v14  }
0x1c9: {  	(v2sf) =	vpush v22, $0xE;
	v14 =	vadd.f32 $-1.000000000e+00, v14;
	v16 =	vmul.f32 v24, v16  }
0x1ca: {  	v17 =	vadd.f32 v17, v17;
	v15 =	vmax.f32 v27, v15;
	(v2sf) =	vpush v22, $0xF  }
0x1cb: {  	(v2sf) =	vpush v22, $0x9;
	v14 =	vmax.f32 v14, $9.999999960e-13;
	v16 =	vadd.f32 $3.432739390e-07, v16  }
0x1cc: {  	v45 =	vperm.xlane v15, v6;
	(v2sf) =	vpush v22, $0x8;
	v14 =	vmin.f32 v14, $1.000000000e+00  }
0x1cd: {  	(v2sf) =	vpush v22, $0xA;
	v14 =	vadd.f32 $-5.000000000e-01, v14;
	v16 =	vmul.f32 v16, v24  }
0x1ce: {  	v42 =	vsub.f32 $1.000000000e+00, v26;
	v18 =	vmax.f32 v15, v45;
	(v2sf) =	vpush v22, $0xB  }
0x1cf: {  	(v2sf) =	vpush v22, $0x0;
	v14 =	vmul.f32 $3.141592740e+00, v14;
	v16 =	vadd.f32 $-3.523387700e-06, v16  }
0x1d0: {  	v17 =	vadd.f32 $-9.999999400e-01, v17;
	v48 =	vperm.xlane v18, v7;
	(v2sf) =	vpush v22, $0x1  }
0x1d1: {  	(v2sf) =	vpush v22, $0x2;
	v15 =	vmul.f32 v14, v14;
	v16 =	vmul.f32 v16, v24  }
0x1d2: {  	v33 =	vmul.f32 v43, v42;
	v55 =	vmax.f32 v18, v48;
	(v2sf) =	vpush v22, $0x3  }
0x1d3: {  	(v2sf) =	vpush v22, $0x4;
	v47 =	vmul.f32 $-2.755732000e-07, v15;
	v49 =	vadd.f32 $-4.391506540e-06, v16  }
0x1d4: {  	(v2sf) =	vpush v22, $0x5;
	v16 =	vmax.f32 v17, $-9.999999400e-01;
	v17 =	vadd.f32 $-9.999999400e-01, v50  }
0x1d5: {  	v63 =	vperm.xlane v55, v8;
	(v2sf) =	vpush v22, $0x6;
	v53 =	vsub.f32 $1.000000000e+00, v16  }
0x1d6: {  	v57 =	vld [tilespmem:$0x7E0];
	v50 =	vperm.xlane v20, v7;
	v54 =	vadd.f32 $1.000000000e+00, v16;
	v51 =	vadd.f32 $2.480158760e-05, v47  }
0x1d7: {  	v28 =	vmul.f32 v49, v24;
	(v2sf) =	vpush v22, $0x7;
	v17 =	vmax.f32 v17, $-9.999999400e-01  }
0x1d8: {  	v58 =	vsub.f32 $1.000000000e+00, v17;
	v59 =	vadd.f32 $1.000000000e+00, v17;
	v19 =	vmul.f32 v51, v15  }
0x1d9: {  	s11 =	spop (v2sf);
	v36 =	vadd.f32 $2.185808700e-04, v28;
	v28 =	vmul.f32 v54, v53;
	v53 =	vsel vm11, $0x3F800000, v4  }
0x1da: {  	s9 =	smulhi.u32 $0x66666667, s11;
	vm11 =	vcmask $0x2300;
	v32 =	vmul.f32 v59, v58;
	v56 =	vadd.f32 $-1.388888920e-03, v19  }
0x1db: {  	s10 =	sshra.s32 s11, $0x1F;
	v30 =	vand.u32 $0x7FFFFF, v28;
	v19 =	vshrl.u32 v57, $0x9;
	v49 =	vmul.f32 v36, v24  }
0x1dc: {  	s13 =	spop (v2sf);
	s10 =	smul.u32 $0x66666667, s10;
	v28 =	vshrl.u32 v28, $0x17;
	v25 =	vor.u32 $0x3F800000, v30;
	v29 =	vand.u32 $0x7FFFFF, v32  }
0x1dd: {  	s20 =	smulhi.u32 $0x66666667, s13;
	s11 =	sshra.s32 s13, $0x1F;
	v19 =	vor.u32 $0x3F800000, v19;
	v30 =	vmax.f32 v55, v63;
	v55 =	vadd.f32 v20, v50  }
0x1de: {  	s12 =	spop (v2sf);
	s11 =	smul.u32 $0x66666667, s11;
	v50 =	vmul.f32 $0.0e+00, v26;
	v28 =	vand.u32 $0xFF, v28;
	v32 =	vshrl.u32 v32, $0x17  }
0x1df: {  	s24 =	smulhi.u32 $0x66666667, s12;
	s12 =	sshra.s32 s12, $0x1F;
	v18 =	vmul.f32 v56, v15;
	v40 =	vadd.f32 $1.000000000e+00, v25;
	v29 =	vor.u32 $0x3F800000, v29  }
0x1e0: {  	s25 =	smul.u32 $0x66666667, s12;
	s12 =	sadd.s32 s11, s20;
	v19 =	vadd.f32 $-1.000000000e+00, v19;
	vm9 =	veq.f32 v27, v30;
	v52 =	vadd.f32 $-1.253725030e-03, v49  }
0x1e1: {  	s14 =	spop (v2sf);
	s11 =	sadd.s32 s10, s9;
	s10 =	sshrl.u32 s12, $0x1F;
	v28 =	vadd.s32 $0xFFFFFF81, v28;
	v32 =	vand.u32 $0xFF, v32;
	v37 =	vadd.f32 $1.000000000e+00, v29  }
0x1e2: {  	s26 =	smulhi.u32 $0x66666667, s14;
	s14 =	sshra.s32 s14, $0x1F;
	v54 =	vmov s10;
	v43 =	vperm.xlane v55, v8;
	v59 =	vnsel vm9, $0x0, v10  }
0x1e3: {  	s28 =	smul.u32 $0x66666667, s14;
	v29 =	vadd.f32 $-1.000000000e+00, v29;
	v28 =	vcvt.s32.f32 v28;
	v32 =	vadd.s32 $0xFFFFFF81, v32  }
0x1e4: {  	s15 =	spop (v2sf);
	s9 =	sadd.s32 s25, s24;
	s24 =	sshrl.u32 s11, $0x1F;
	v18 =	vadd.f32 $4.166666790e-02, v18;
	(erf) = vrcp.f32 v40;
	v40 =	vand.u32 $0x7FFFFF, v33  }
0x1e5: {  	s29 =	smulhi.u32 $0x66666667, s15;
	s15 =	sshra.s32 s15, $0x1F;
	v56 =	vmul.f32 v52, v24;
	v57 =	vsel vm2, s24, v54;
	v49 =	vperm.xlane v59, v5  }
0x1e6: {  	s16 =	spop (v2sf);
	s30 =	smul.u32 $0x66666667, s15;
	s25 =	sshrl.u32 s9, $0x1F;
	v33 =	vshrl.u32 v33, $0x17;
	v32 =	vcvt.s32.f32 v32;
	(erf) = vrcp.f32 v37  }
0x1e7: {  	s31 =	smulhi.u32 $0x66666667, s16;
	s16 =	sshra.s32 s16, $0x1F;
	v40 =	vor.u32 $0x3F800000, v40;
	v36 =	vsel vm4, s25, v57;
	v33 =	vand.u32 $0xFF, v33  }
0x1e8: {  	s22 =	spop (v2sf);
	s16 =	smul.u32 $0x66666667, s16;
	v18 =	vmul.f32 v18, v15;
	v48 =	vadd.f32 $1.000000000e+00, v40;
	v33 =	vadd.s32 $0xFFFFFF81, v33  }
0x1e9: {  	s0 =	smulhi.u32 $0x66666667, s22;
	s22 =	sshra.s32 s22, $0x1F;
	v40 =	vadd.f32 $-1.000000000e+00, v40;
	v52 =	vadd.f32 v59, v49;
	v33 =	vcvt.s32.f32 v33  }
0x1ea: {  	s23 =	spop (v2sf);
	s22 =	smul.u32 $0x66666667, s22;
	v38 =	vadd.f32 $-5.000000000e-01, v18;
	v18 =	vsub.f32 $1.000000000e+00, v19;
	v19 =	vmax.f32 v41, $9.999999960e-13  }
0x1eb: {  	s13 =	spop (v2sf);
	s20 =	smulhi.u32 $0x66666667, s23;
	v41 =	vperm.xlane v53, v5;
	v59 =	vperm.xlane v52, v6;
	v19 =	vmin.f32 v19, $1.000000000e+00  }
0x1ec: {  	s10 =	sadd.s32 s28, s26;
	s26 =	smulhi.u32 $0x66666667, s13;
	v33 =	vmul.f32 $6.931471820e-01, v33;
	v44 =	vmul.f32 v38, v15;
	v45 =	vand.u32 $0x7FFFFF, v18  }
0x1ed: {  	s23 =	sshra.s32 s23, $0x1F;
	s28 =	sshra.s32 s13, $0x1F;
	v46 =	vand.u32 $0x7FFFFF, v19;
	v41 =	vadd.f32 v53, v41;
	v19 =	vshrl.u32 v19, $0x17  }
0x1ee: {  	s13 =	sadd.s32 s30, s29;
	s30 =	sshrl.u32 s10, $0x1F;
	s16 =	sadd.s32 s16, s31;
	v18 =	vshrl.u32 v18, $0x17;
	v39 =	vor.u32 $0x3F800000, v45;
	v37 =	vadd.f32 $1.000000000e+00, v44  }
0x1ef: {  	s23 =	smul.u32 $0x66666667, s23;
	s31 =	sshrl.u32 s16, $0x1F;
	v31 =	vor.u32 $0x3F800000, v46;
	v45 =	vsel vm6, s30, v36;
	v38 =	vadd.f32 $1.000000000e+00, v39  }
0x1f0: {  	s21 =	spop (v2sf);
	s28 =	smul.u32 $0x66666667, s28;
	v46 =	vmov s31;
	v47 =	vadd.f32 $1.000000000e+00, v31;
	(erf) = vrcp.f32 v37  }
0x1f1: {  	s17 =	spop (v2sf);
	s25 =	smulhi.u32 $0x66666667, s21;
	v19 =	vand.u32 $0xFF, v19;
	v18 =	vand.u32 $0xFF, v18;
	(erf) = vrcp.f32 v38  }
0x1f2: {  	s21 =	sshra.s32 s21, $0x1F;
	s24 =	sshrl.u32 s13, $0x1F;
	s19 =	spop (v2sf);
	v44 =	vadd.f32 $-4.177681640e-03, v56;
	v58 =	vperm.xlane v41, v6;
	(erf) = vrcp.f32 v47  }
0x1f3: {  	s29 =	sshra.s32 s17, $0x1F;
	s18 =	spop (v2sf);
	s30 =	smul.u32 $0x66666667, s21;
	v46 =	vsel vm2, s24, v46;
	v19 =	vadd.s32 $0xFFFFFF81, v19;
	(erf) = vrcp.f32 v48  }
0x1f4: {  	s21 =	sadd.s32 s28, s26;
	s26 =	smulhi.u32 $0x66666667, s17;
	s17 =	sadd.s32 s22, s0;
	v31 =	vadd.f32 $-1.000000000e+00, v31;
	v18 =	vadd.s32 $0xFFFFFF81, v18;
	v19 =	vcvt.s32.f32 v19  }
0x1f5: {  	s28 =	smul.u32 $0x66666667, s29;
	s22 =	sadd.s32 s30, s25;
	s30 =	sshrl.u32 s17, $0x1F;
	v18 =	vcvt.s32.f32 v18;
	v37 =	vsel vm9, $0xFF61B1E6, v27;
	v44 =	vmul.f32 v44, v24  }
0x1f6: {  	s15 =	spop (v2sf);
	s25 =	smulhi.u32 $0x66666667, s19;
	v46 =	vsel vm4, s30, v46;
	v51 =	vperm.xlane v37, v5;
	v38 =	vadd.f32 v41, v58  }
0x1f7: {  	s14 =	spop (v2sf);
	s31 =	sshrl.u32 s21, $0x1F;
	s19 =	sshra.s32 s19, $0x1F;
	v27 =	vpop (erf);
	v41 =	vadd.f32 v52, v59;
	v19 =	vmul.f32 $6.931471820e-01, v19;
	v44 =	vadd.f32 $2.466407270e-01, v44  }
0x1f8: {  	s24 =	sadd.s32 s28, s26;
	s26 =	smulhi.u32 $0x66666667, s18;
	s18 =	sshra.s32 s18, $0x1F;
	v30 =	vpop (erf);
	v21 =	vmax.f32 v37, v51;
	v48 =	vmov s31;
	v57 =	vperm.xlane v38, v7  }
0x1f9: {  	s19 =	smul.u32 $0x66666667, s19;
	s30 =	spop (v2sf);
	s31 =	sshrl.u32 s22, $0x1F;
	v52 =	vperm.xlane v41, v7;
	v42 =	vperm.xlane v21, v6;
	v62 =	vnsel vm0, $0x0, v48;
	v20 =	vpop (erf)  }
0x1fa: {  	s29 =	sshrl.u32 s24, $0x1F;
	s18 =	smul.u32 $0x66666667, s18;
	s28 =	sshra.s32 s30, $0x1F;
	v18 =	vmul.f32 $6.931471820e-01, v18;
	v24 =	vmul.f32 v44, v24;
	v44 =	vsel vm2, s31, v62;
	v36 =	vpop (erf)  }
0x1fb: {  	s25 =	sadd.s32 s19, s25;
	s28 =	smul.u32 $0x66666667, s28;
	s19 =	sadd.s32 s23, s20;
	v38 =	vadd.f32 v38, v57;
	v41 =	vadd.f32 v41, v52;
	v42 =	vmax.f32 v21, v42;
	v34 =	vpop (erf)  }
0x1fc: {  	s20 =	sadd.s32 s18, s26;
	s23 =	sshrl.u32 s19, $0x1F;
	s31 =	smulhi.u32 $0x66666667, s30;
	v21 =	vadd.f32 v55, v43;
	v44 =	vsel vm4, s29, v44;
	v24 =	vadd.f32 $1.501409410e+00, v24;
	v60 =	vpop (erf)  }
0x1fd: {  	s26 =	sshrl.u32 s25, $0x1F;
	s30 =	smulhi.u32 $0x66666667, s15;
	s15 =	sshra.s32 s15, $0x1F;
	v55 =	vsel vm6, s23, v46;
	v47 =	vperm.xlane v42, v7;
	v40 =	vmul.f32 v60, v40  }
0x1fe: {  	s15 =	smul.u32 $0x66666667, s15;
	v53 =	vsel vm6, s26, v44;
	v44 =	vcombine.low v55, v45;
	v23 =	vmul.f32 v24, v23  }
0x1ff: {  	s29 =	sshrl.u32 s20, $0x1F;
	s18 =	sadd.s32 s28, s31;
	v21 =	vmul.f32 v21, v0;
	v42 =	vmax.f32 v42, v47;
	v63 =	vmul.f32 v40, v40  }
0x200: {  	s28 =	smulhi.u32 $0x66666667, s14;
	v24 =	vsel vm8, s29, v53;
	s31 =	sshra.s32 s18, $0x1F;
	s0 =	sadd.s32 s15, s30;
	v44 =	vperm.xlane v44, v12;
	v61 =	vperm.xlane v42, v8  }
0x201: {  	s26 =	sshra.s32 s21, $0x2;
	s14 =	sshra.s32 s14, $0x1F;
	v56 =	vmov s31;
	s30 =	sshrl.u32 s0, $0x1F;
	v23 =	vmul.f32 $1.414213540e+00, v23;
	v51 =	vmul.f32 $1.111111120e-01, v63  }
0x202: {  	s14 =	smul.u32 $0x66666667, s14;
	v58 =	vsel vm0, s26, v56;
	v24 =	vsel vm10, s30, v24;
	v42 =	vmax.f32 v42, v61  }
0x203: {  	s29 =	sshra.s32 s21, $0x1F;
	s30 =	sshra.s32 s16, $0x2;
	v56 =	vperm.xlane v41, v8;
	vm9 =	veq.f32 v37, v42;
	v37 =	vadd.f32 $1.428571490e-01, v51  }
0x204: {  	s31 =	sshra.s32 s22, $0x2;
	s14 =	sadd.s32 s14, s28;
	v43 =	vsel vm1, s29, v58;
	v62 =	vmov s30;
	v58 =	vperm.xlane v38, v8  }
0x205: {  	s26 =	sshra.s32 s22, $0x1F;
	s23 =	sshrl.u32 s14, $0x1F;
	v23 =	vmul.f32 $3.000000000e+00, v23;
	v43 =	vsel vm2, s31, v43;
	v37 =	vmul.f32 v37, v63  }
0x206: {  	s28 =	sshra.s32 s24, $0x2;
	v24 =	vsel vm12, s23, v24;
	v43 =	vsel vm3, s26, v43;
	v42 =	vnsel vm9, $0x0, v10  }
0x207: {  	s12 =	sshra.s32 s12, $0x2;
	s16 =	sshra.s32 s13, $0x2;
	s29 =	sshra.s32 s24, $0x1F;
	v43 =	vsel vm4, s28, v43;
	vm9 =	vcmask $0x1714;
	v37 =	vadd.f32 $2.000000030e-01, v37  }
0x208: {  	v61 =	vmov s12;
	s31 =	sshra.s32 s25, $0x2;
	v48 =	vsel vm2, s16, v62;
	v43 =	vsel vm9, s29, v43  }
0x209: {  	s11 =	sshra.s32 s11, $0x2;
	s21 =	sshra.s32 s25, $0x1F;
	vm9 =	vcmask $0x1F1C;
	v43 =	vsel vm6, s31, v43;
	v37 =	vmul.f32 v37, v63  }
0x20a: {  	s22 =	sshra.s32 s20, $0x2;
	v41 =	vadd.f32 v41, v56;
	v45 =	vsel vm2, s11, v61;
	v43 =	vsel vm9, s21, v43  }
0x20b: {  	s24 =	sshra.s32 s20, $0x1F;
	vm9 =	vcmask $0x2724;
	v43 =	vsel vm8, s22, v43;
	v37 =	vadd.f32 $3.333333430e-01, v37  }
0x20c: {  	s25 =	sshra.s32 s0, $0x2;
	v23 =	vadd.f32 $2.000000000e+00, v23;
	v54 =	vperm.xlane v42, v5;
	v43 =	vsel vm9, s24, v43  }
0x20d: {  	s0 =	sshra.s32 s0, $0x1F;
	vm9 =	vcmask $0x2F2C;
	v43 =	vsel vm10, s25, v43;
	v37 =	vmul.f32 v37, v63  }
0x20e: {  	v42 =	vadd.f32 v42, v54;
	v43 =	vsel vm9, s0, v43;
	vm9 =	vcmask $0xF20  }
0x20f: {  	v40 =	vadd.f32 v40, v40;
	s29 =	sshrl.u32 s18, $0x1F;
	v23 =	vsel vm9, $0x0, v23;
	v37 =	vadd.f32 $1.000000000e+00, v37  }
0x210: {  	s23 =	sshra.s32 s17, $0x2;
	v24 =	vsel vm14, s29, v24;
	v60 =	vperm.xlane v42, v6;
	v51 =	vperm.xlane v23, v5  }
0x211: {  	v49 =	vsel vm4, s23, v48;
	s28 =	sshra.s32 s14, $0x2;
	v24 =	vperm.xlane v24, v13;
	v37 =	vmul.f32 v37, v40  }
0x212: {  	s30 =	sshra.s32 s14, $0x1F;
	v53 =	vadd.f32 v42, v60;
	v43 =	vsel vm12, s28, v43;
	v23 =	vadd.f32 v23, v51  }
0x213: {  	v55 =	vld [tilespmem:$0x850];
	vm9 =	vmmov $0xff;
	v43 =	vsel vm13, s30, v43;
	v33 =	vadd.f32 v37, v33  }
0x214: {  	s9 =	sshra.s32 s9, $0x2;
	v24 =	vsel vm9, v24, v44;
	v42 =	vperm.xlane v53, v7;
	v54 =	vperm.xlane v23, v6  }
0x215: {  	s10 =	sshra.s32 s10, $0x2;
	s26 =	sshra.s32 s19, $0x2;
	s31 =	sshra.s32 s18, $0x2;
	v63 =	vsel vm4, s9, v45;
	v37 =	vadd.f32 $2.810226360e-08, v50;
	v33 =	vsub.f32 $-2.500000000e+00, v33  }
0x216: {  	v43 =	vsel vm14, s31, v43;
	v45 =	vsel vm6, s26, v49;
	v40 =	vsel vm6, s10, v63  }
0x217: {  	v23 =	vadd.f32 v23, v54;
	v40 =	vcombine.low v45, v40;
	v37 =	vmul.f32 v33, v37  }
0x218: {  	v44 =	vshrl.u32 v55, $0x9;
	v43 =	vperm.xlane v43, v13;
	v57 =	vadd.f32 v53, v42  }
0x219: {  	v59 =	vperm.xlane v23, v7;
	v40 =	vperm.xlane v40, v12;
	v37 =	vadd.f32 $3.432739390e-07, v37  }
0x21a: {  	v31 =	vmul.f32 v34, v31;
	v62 =	vor.u32 $0x3F800000, v44;
	v60 =	vperm.xlane v57, v8  }
0x21b: {  	v42 =	vadd.f32 v23, v59;
	v63 =	vld [tilespmem:$0x790];
	v40 =	vsel vm9, v43, v40;
	v37 =	vmul.f32 v37, v33  }
0x21c: {  	v45 =	vmul.f32 v30, v29;
	v50 =	vadd.f32 $-1.000000000e+00, v62;
	v24 =	vadd.s32 v24, v40  }
0x21d: {  	v48 =	vperm.xlane v42, v8;
	v24 =	vmul.u32 $0xA, v24;
	v37 =	vadd.f32 $-3.523387700e-06, v37  }
0x21e: {  	v52 =	vnsel vm7, $0x0, v50;
	vm7 =	vcmask $0xF28;
	v43 =	vadd.f32 v57, v60  }
0x21f: {  	v54 =	vsel vm7, $0x0, v50;
	v22 =	vsub.s32 v22, v24;
	v37 =	vmul.f32 v37, v33  }
0x220: {  	v44 =	vshrl.u32 v63, $0x9;
	vm9 =	vlt.s32 v22, $0x0;
	v24 =	vadd.s32 $0xA, v22  }
0x221: {  	v62 =	vld [tilespmem:$0x830];
	v56 =	vor.u32 $0x3F800000, v44;
	v22 =	vsel vm9, v24, v22;
	v37 =	vadd.f32 $-4.391506540e-06, v37  }
0x222: {  	v23 =	vadd.f32 v43, v41;
	v41 =	vadd.f32 $-1.000000000e+00, v56;
	v22 =	vcvt.s32.f32 v22  }
0x223: {  	vm7 =	vmmov $0x1ff;
	vm9 =	vcmask $0x1F30;
	v37 =	vmul.f32 v37, v33  }
0x224: {  	v53 =	vperm.xlane v52, v5;
	v41 =	vnsel vm7, $0x0, v41;
	v22 =	vsel vm9, $0x0, v22  }
0x225: {  	v60 =	vperm.xlane v41, v5;
	v61 =	vperm.xlane v22, v5;
	v37 =	vadd.f32 $2.185808700e-04, v37  }
0x226: {  	v55 =	vperm.xlane v54, v5;
	v40 =	vadd.f32 v52, v53;
	v43 =	vshrl.u32 v62, $0x9  }
0x227: {  	v41 =	vadd.f32 v41, v60;
	v49 =	vadd.f32 v22, v61;
	v37 =	vmul.f32 v37, v33  }
0x228: {  	v43 =	vor.u32 $0x3F800000, v43;
	v57 =	vperm.xlane v40, v6;
	v24 =	vadd.f32 v38, v58  }
0x229: {  	v50 =	vperm.xlane v41, v6;
	v51 =	vperm.xlane v49, v6;
	v37 =	vadd.f32 $-1.253725030e-03, v37  }
0x22a: {  	v23 =	vmul.f32 $5.000000000e-01, v23;
	v40 =	vadd.f32 v40, v57;
	v57 =	vadd.f32 $-1.000000000e+00, v43  }
0x22b: {  	v41 =	vadd.f32 v41, v50;
	v38 =	vadd.f32 v49, v51;
	v37 =	vmul.f32 v37, v33  }
0x22c: {  	v23 =	vsel vm15, $0x0, v23;
	v22 =	vadd.f32 v42, v48;
	v42 =	vadd.f32 v55, v54  }
0x22d: {  	v61 =	vperm.xlane v40, v7;
	v55 =	vld [tilespmem:$0x7A0];
	v58 =	vperm.xlane v38, v7;
	v37 =	vadd.f32 $-4.177681640e-03, v37  }
0x22e: {  	vm9 =	vlt.f32 v35, $0.0e+00;
	v56 =	vperm.xlane v41, v7;
	v59 =	vperm.xlane v42, v6  }
0x22f: {  	v40 =	vadd.f32 v40, v61;
	v38 =	vadd.f32 v38, v58;
	v37 =	vmul.f32 v37, v33  }
0x230: {  	v22 =	vmul.f32 v22, v1;
	v42 =	vadd.f32 v59, v42;
	v49 =	vadd.f32 $-1.000000000e+00, v25  }
0x231: {  	v53 =	vld [tilespmem:$0x860];
	v52 =	vperm.xlane v40, v8;
	v63 =	vperm.xlane v38, v8;
	v37 =	vadd.f32 $2.466407270e-01, v37  }
0x232: {  	v59 =	vadd.f32 v41, v56;
	v61 =	vand.u32 $0x3, v55;
	v48 =	vperm.xlane v42, v7  }
0x233: {  	v25 =	vadd.f32 v38, v63;
	v38 =	vmul.f32 v27, v49;
	v33 =	vmul.f32 v37, v33  }
0x234: {  	v22 =	vsel vm5, $0x0, v22;
	v43 =	vcvt.s32.f32 v61;
	v62 =	vperm.xlane v59, v8  }
0x235: {  	v51 =	vadd.f32 v48, v42;
	v46 =	vmul.f32 v38, v38;
	v33 =	vadd.f32 $1.501409410e+00, v33  }
0x236: {  	v42 =	vshrl.u32 v53, $0x9;
	v43 =	vnsel vm7, $0x0, v43;
	v29 =	vadd.f32 v59, v62  }
0x237: {  	v42 =	vor.u32 $0x3F800000, v42;
	v58 =	vmul.f32 $1.111111120e-01, v46;
	v33 =	vmul.f32 v33, v26  }
0x238: {  	v62 =	vmul.f32 $6.931471820e-01, v28;
	v54 =	vperm.xlane v51, v8;
	v42 =	vadd.f32 $-1.000000000e+00, v42  }
0x239: {  	v29 =	vmul.f32 v29, v0;
	v60 =	vadd.f32 $1.428571490e-01, v58;
	v33 =	vmul.f32 $1.414213540e+00, v33  }
0x23a: {  	v27 =	vadd.f32 v54, v51;
	v51 =	vand.u32 $0x7FFFFF, v42;
	v42 =	vshrl.u32 v42, $0x17  }
0x23b: {  	v47 =	vor.u32 $0x3F800000, v51;
	v41 =	vmul.f32 v60, v46;
	v33 =	vadd.f32 v33, v33  }
0x23c: {  	v51 =	vmul.f32 $0.0e+00, v16;
	v42 =	vand.u32 $0xFF, v42;
	v26 =	vadd.f32 v40, v52  }
0x23d: {  	v40 =	vnsel vm7, $0x0, v57;
	v41 =	vadd.f32 $2.000000030e-01, v41;
	v33 =	vadd.f32 $1.000000000e+00, v33  }
0x23e: {  	v50 =	vld [tilespmem:$0x870];
	v53 =	vadd.f32 $1.000000000e+00, v47;
	v52 =	vperm.xlane v43, v5;
	v63 =	vperm.xlane v40, v5  }
0x23f: {  	v38 =	vadd.f32 v38, v38;
	v41 =	vmul.f32 v41, v46;
	v33 =	vmul.f32 $1.442695020e+00, v33  }
0x240: {  	v25 =	vmul.f32 v25, v1;
	v54 =	vadd.f32 v43, v52;
	v40 =	vadd.f32 v40, v63  }
0x241: {  	v55 =	vadd.f32 $3.333333430e-01, v41;
	v41 =	vmul.f32 v45, v45;
	(erf) = vpow2.f32 v33  }
0x242: {  	v42 =	vadd.s32 $0xFFFFFF81, v42;
	v56 =	vperm.xlane v40, v6;
	(erf) = vrcp.f32 v53  }
0x243: {  	v58 =	vshrl.u32 v50, $0x9;
	v43 =	vperm.xlane v54, v6;
	v57 =	vmul.f32 $1.111111120e-01, v41  }
0x244: {  	v37 =	vadd.f32 v40, v56;
	v33 =	vmul.f32 v55, v46;
	v46 =	vor.u32 $0x3F800000, v58  }
0x245: {  	v42 =	vcvt.s32.f32 v42;
	v40 =	vadd.f32 v54, v43;
	v54 =	vld [tilespmem:$0x880];
	v46 =	vadd.f32 $-1.000000000e+00, v46  }
0x246: {  	v27 =	vmul.f32 v27, v2;
	v44 =	vadd.f32 $1.428571490e-01, v57;
	v33 =	vadd.f32 $1.000000000e+00, v33  }
0x247: {  	v42 =	vmul.f32 $6.931471820e-01, v42;
	v52 =	vmul.f32 $6.931471820e-01, v32;
	v61 =	vand.u32 $0x7FFFFF, v46  }
0x248: {  	v60 =	vmul.f32 v44, v41;
	v59 =	vmul.f32 v33, v38;
	v38 =	vor.u32 $0x3F800000, v61  }
0x249: {  	v26 =	vmul.f32 v26, v1;
	v63 =	vadd.f32 $-1.000000000e+00, v47;
	v56 =	vadd.f32 $1.000000000e+00, v38  }
0x24a: {  	v45 =	vadd.f32 v45, v45;
	v47 =	vshrl.u32 v54, $0x9;
	v33 =	vadd.f32 $2.000000030e-01, v60;
	v28 =	vpop (erf)  }
0x24b: {  	v55 =	vperm.xlane v37, v7;
	v47 =	vor.u32 $0x3F800000, v47;
	v49 =	vpop (erf);
	(erf) = vrcp.f32 v56  }
0x24c: {  	v43 =	vadd.f32 v59, v62;
	v57 =	vmul.f32 v33, v41;
	v44 =	vmul.f32 v49, v63  }
0x24d: {  	v58 =	vperm.xlane v40, v7;
	v30 =	vadd.f32 v37, v55;
	v47 =	vadd.f32 $-1.000000000e+00, v47;
	v61 =	vld [tilespmem:$0x890]  }
0x24e: {  	v33 =	vsub.f32 $-2.500000000e+00, v43;
	v37 =	vadd.f32 $3.333333430e-01, v57;
	v43 =	vmul.f32 v44, v44  }
0x24f: {  	v32 =	vadd.f32 v40, v58;
	v59 =	vadd.f32 $2.810226360e-08, v51;
	v62 =	vand.u32 $0x7FFFFF, v47  }
0x250: {  	v51 =	vor.u32 $0x3F800000, v62;
	v37 =	vmul.f32 v37, v41;
	v60 =	vmul.f32 $1.111111120e-01, v43  }
0x251: {  	v38 =	vadd.f32 $-1.000000000e+00, v38;
	v47 =	vshrl.u32 v47, $0x17;
	v63 =	vadd.f32 $1.000000000e+00, v51  }
0x252: {  	v41 =	vshrl.u32 v61, $0x9;
	v37 =	vadd.f32 $1.000000000e+00, v37;
	v50 =	vadd.f32 $1.428571490e-01, v60  }
0x253: {  	v49 =	vmul.f32 v33, v59;
	v56 =	vor.u32 $0x3F800000, v41;
	(erf) = vrcp.f32 v63  }
0x254: {  	v37 =	vmul.f32 v37, v45;
	v45 =	vadd.f32 $-1.000000000e+00, v56;
	v50 =	vmul.f32 v50, v43;
	v55 =	vpop (erf)  }
0x255: {  	v62 =	vld [tilespmem:$0x8A0];
	v41 =	vadd.f32 $3.432739390e-07, v49;
	v44 =	vadd.f32 v44, v44;
	v53 =	vmul.f32 v55, v38  }
0x256: {  	v56 =	vadd.f32 $-1.000000000e+00, v51;
	v59 =	vand.u32 $0x7FFFFF, v45;
	v50 =	vadd.f32 $2.000000030e-01, v50  }
0x257: {  	v45 =	vshrl.u32 v45, $0x17;
	v40 =	vor.u32 $0x3F800000, v59;
	v48 =	vmul.f32 v53, v53  }
0x258: {  	v45 =	vand.u32 $0xFF, v45;
	v61 =	vadd.f32 $1.000000000e+00, v40;
	v57 =	vmul.f32 v50, v43  }
0x259: {  	v40 =	vadd.f32 $-1.000000000e+00, v40;
	v38 =	vadd.f32 v37, v52;
	v60 =	vmul.f32 $1.111111120e-01, v48  }
0x25a: {  	(erf) = vrcp.f32 v61;
	v50 =	vshrl.u32 v62, $0x9;
	v58 =	vadd.f32 $3.333333430e-01, v57  }
0x25b: {  	v53 =	vadd.f32 v53, v53;
	v59 =	vor.u32 $0x3F800000, v50;
	v49 =	vadd.f32 $1.428571490e-01, v60  }
0x25c: {  	v37 =	vmul.f32 v58, v43;
	v57 =	vpop (erf);
	v58 =	vshrl.u32 v46, $0x17;
	v46 =	vadd.f32 $-1.000000000e+00, v59  }
0x25d: {  	v38 =	vsub.f32 $-2.500000000e+00, v38;
	v55 =	vmul.f32 v49, v48;
	v49 =	vmul.f32 v57, v56  }
0x25e: {  	v63 =	vadd.f32 $1.000000000e+00, v37;
	v37 =	vsel vm11, $0x3F800000, v4;
	v54 =	vand.u32 $0x7FFFFF, v46  }
0x25f: {  	v56 =	vld [tilespmem:$0x8B0];
	v46 =	vshrl.u32 v46, $0x17;
	v43 =	vadd.f32 $2.000000030e-01, v55;
	v50 =	vmul.f32 v49, v49  }
0x260: {  	v54 =	vor.u32 $0x3F800000, v54;
	v46 =	vand.u32 $0xFF, v46;
	v44 =	vmul.f32 v63, v44  }
0x261: {  	v55 =	vadd.f32 $1.000000000e+00, v54;
	v46 =	vadd.s32 $0xFFFFFF81, v46;
	v43 =	vmul.f32 v43, v48  }
0x262: {  	v60 =	vnsel vm9, $0x0, v37;
	v61 =	vmul.f32 $1.111111120e-01, v50;
	v46 =	vcvt.s32.f32 v46  }
0x263: {  	v42 =	vadd.f32 v44, v42;
	v44 =	vand.u32 $0xFF, v58;
	v63 =	vpop (erf);
	(erf) = vrcp.f32 v55  }
0x264: {  	v59 =	vshrl.u32 v56, $0x9;
	v43 =	vadd.f32 $3.333333430e-01, v43;
	v44 =	vadd.s32 $0xFFFFFF81, v44  }
0x265: {  	v62 =	vadd.f32 $1.428571490e-01, v61;
	v40 =	vmul.f32 v63, v40;
	v61 =	vor.u32 $0x3F800000, v59  }
0x266: {  	v63 =	vadd.f32 v49, v49;
	v46 =	vmul.f32 $6.931471820e-01, v46;
	v44 =	vcvt.s32.f32 v44  }
0x267: {  	vm9 =	vgt.f32 v42, v35;
	v43 =	vmul.f32 v43, v48;
	v48 =	vmul.f32 v62, v50  }
0x268: {  	v42 =	vadd.f32 $0.0e+00, v42;
	v55 =	vmul.f32 v40, v40;
	v40 =	vadd.f32 v40, v40  }
0x269: {  	v57 =	vnsel vm9, $0x0, v37;
	v43 =	vadd.f32 $1.000000000e+00, v43;
	v48 =	vadd.f32 $2.000000030e-01, v48  }
0x26a: {  	v44 =	vmul.f32 $6.931471820e-01, v44;
	v51 =	vadd.f32 v57, v60;
	v58 =	vmul.f32 $1.111111120e-01, v55  }
0x26b: {  	v43 =	vmul.f32 v43, v53;
	v60 =	vmul.f32 v48, v50;
	v48 =	vadd.f32 $-1.000000000e+00, v61  }
0x26c: {  	v62 =	vand.u32 $0xFF, v47;
	v52 =	vadd.f32 $1.428571490e-01, v58;
	v58 =	vadd.f32 $-1.000000000e+00, v54  }
0x26d: {  	v61 =	vld [tilespmem:$0x8C0];
	v43 =	vadd.f32 v43, v44;
	v44 =	vadd.f32 $3.333333430e-01, v60;
	v57 =	vand.u32 $0x7FFFFF, v48  }
0x26e: {  	v56 =	vmul.f32 v52, v55;
	v48 =	vshrl.u32 v48, $0x17;
	v52 =	vor.u32 $0x3F800000, v57  }
0x26f: {  	v57 =	vadd.s32 $0xFFFFFF81, v45;
	v48 =	vand.u32 $0xFF, v48;
	v42 =	vadd.f32 v43, v42  }
0x270: {  	v59 =	vpop (erf);
	v44 =	vmul.f32 v44, v50;
	v43 =	vadd.s32 $0xFFFFFF81, v62;
	v49 =	vadd.f32 $2.000000030e-01, v56  }
0x271: {  	v60 =	vadd.f32 $1.000000000e+00, v52;
	v50 =	vmul.f32 v59, v58;
	v48 =	vadd.s32 $0xFFFFFF81, v48  }
0x272: {  	v43 =	vcvt.s32.f32 v43;
	v53 =	vshrl.u32 v61, $0x9;
	v61 =	vadd.f32 $-1.000000000e+00, v52  }
0x273: {  	v44 =	vadd.f32 $1.000000000e+00, v44;
	v49 =	vmul.f32 v49, v55;
	(erf) = vrcp.f32 v60  }
0x274: {  	v48 =	vcvt.s32.f32 v48;
	vm9 =	vgt.f32 v42, v35;
	v47 =	vmul.f32 v50, v50  }
0x275: {  	v43 =	vmul.f32 $6.931471820e-01, v43;
	v44 =	vmul.f32 v44, v63;
	v49 =	vadd.f32 $3.333333430e-01, v49  }
0x276: {  	v53 =	vor.u32 $0x3F800000, v53;
	v62 =	vnsel vm9, $0x0, v37;
	v63 =	vmul.f32 $1.111111120e-01, v47  }
0x277: {  	v51 =	vadd.f32 v62, v51;
	v62 =	vld [tilespmem:$0x8D0];
	v43 =	vadd.f32 v44, v43;
	v58 =	vmul.f32 v49, v55  }
0x278: {  	v59 =	vadd.f32 $1.428571490e-01, v63;
	v44 =	vcvt.s32.f32 v57;
	v49 =	vadd.f32 $-1.000000000e+00, v53  }
0x279: {  	v48 =	vmul.f32 $6.931471820e-01, v48;
	v45 =	vadd.f32 $1.000000000e+00, v58;
	v42 =	vadd.f32 v43, v42  }
0x27a: {  	v50 =	vadd.f32 v50, v50;
	v60 =	vmul.f32 v59, v47;
	v44 =	vmul.f32 $6.931471820e-01, v44  }
0x27b: {  	v57 =	vand.u32 $0x7FFFFF, v49;
	v40 =	vmul.f32 v45, v40;
	vm9 =	vgt.f32 v42, v35  }
0x27c: {  	v43 =	vadd.f32 $2.000000030e-01, v60;
	v45 =	vor.u32 $0x3F800000, v57;
	v60 =	vshrl.u32 v62, $0x9;
	v63 =	vpop (erf)  }
0x27d: {  	v62 =	vld [tilespmem:$0x8E0];
	v54 =	vadd.f32 $1.000000000e+00, v45;
	v40 =	vadd.f32 v40, v44;
	v44 =	vmul.f32 v63, v61  }
0x27e: {  	v58 =	vnsel vm9, $0x0, v37;
	v45 =	vadd.f32 $-1.000000000e+00, v45;
	v43 =	vmul.f32 v43, v47  }
0x27f: {  	v51 =	vadd.f32 v58, v51;
	(erf) = vrcp.f32 v54;
	v53 =	vmul.f32 v44, v44  }
0x280: {  	v42 =	vadd.f32 v40, v42;
	v59 =	vadd.f32 $3.333333430e-01, v43;
	v43 =	vor.u32 $0x3F800000, v60  }
0x281: {  	v44 =	vadd.f32 v44, v44;
	v43 =	vadd.f32 $-1.000000000e+00, v43;
	v61 =	vmul.f32 $1.111111120e-01, v53  }
0x282: {  	v40 =	vmul.f32 v59, v47;
	vm9 =	vgt.f32 v42, v35;
	v47 =	vshrl.u32 v62, $0x9  }
0x283: {  	v63 =	vand.u32 $0x7FFFFF, v43;
	v57 =	vnsel vm9, $0x0, v37;
	v47 =	vor.u32 $0x3F800000, v47  }
0x284: {  	v43 =	vshrl.u32 v43, $0x17;
	v52 =	vadd.f32 $1.428571490e-01, v61;
	v40 =	vadd.f32 $1.000000000e+00, v40  }
0x285: {  	v54 =	vor.u32 $0x3F800000, v63;
	v47 =	vadd.f32 $-1.000000000e+00, v47;
	v43 =	vand.u32 $0xFF, v43  }
0x286: {  	v51 =	vadd.f32 v57, v51;
	v58 =	vadd.f32 $1.000000000e+00, v54;
	v43 =	vadd.s32 $0xFFFFFF81, v43  }
0x287: {  	v52 =	vmul.f32 v52, v53;
	v40 =	vmul.f32 v40, v50;
	v62 =	vand.u32 $0x7FFFFF, v47  }
0x288: {  	v43 =	vcvt.s32.f32 v43;
	v47 =	vshrl.u32 v47, $0x17;
	(erf) = vrcp.f32 v58  }
0x289: {  	v47 =	vand.u32 $0xFF, v47;
	v52 =	vadd.f32 $2.000000030e-01, v52;
	v46 =	vadd.f32 v40, v46;
	v60 =	vpop (erf)  }
0x28a: {  	v43 =	vmul.f32 $6.931471820e-01, v43;
	v47 =	vadd.s32 $0xFFFFFF81, v47;
	v45 =	vmul.f32 v60, v45  }
0x28b: {  	v40 =	vadd.f32 $-1.000000000e+00, v39;
	v47 =	vcvt.s32.f32 v47;
	v59 =	vmul.f32 v52, v53  }
0x28c: {  	v42 =	vadd.f32 v46, v42;
	v46 =	vor.u32 $0x3F800000, v62;
	v50 =	vmul.f32 v45, v45  }
0x28d: {  	v36 =	vmul.f32 v36, v40;
	v63 =	vadd.f32 $1.000000000e+00, v46;
	v61 =	vadd.f32 $3.333333430e-01, v59  }
0x28e: {  	v46 =	vadd.f32 $-1.000000000e+00, v46;
	v45 =	vadd.f32 v45, v45;
	v59 =	vld [tilespmem:$0x8F0];
	v57 =	vmul.f32 $1.111111120e-01, v50  }
0x28f: {  	vm9 =	vgt.f32 v42, v35;
	(erf) = vrcp.f32 v63;
	v39 =	vmul.f32 v61, v53  }
0x290: {  	v63 =	vnsel vm9, $0x0, v37;
	v61 =	vadd.f32 $-1.000000000e+00, v54;
	v60 =	vadd.f32 $1.428571490e-01, v57  }
0x291: {  	v47 =	vmul.f32 $6.931471820e-01, v47;
	v51 =	vadd.f32 v63, v51;
	v54 =	vld [tilespmem:$0x900];
	v58 =	vadd.f32 $1.000000000e+00, v39  }
0x292: {  	v57 =	vshrl.u32 v49, $0x17;
	v39 =	vmul.f32 v41, v33;
	v62 =	vpop (erf);
	v41 =	vmul.f32 v60, v50  }
0x293: {  	v53 =	vmul.f32 v62, v61;
	v52 =	vshrl.u32 v59, $0x9;
	v44 =	vmul.f32 v58, v44  }
0x294: {  	v58 =	vand.u32 $0xFF, v57;
	v59 =	vor.u32 $0x3F800000, v52;
	v39 =	vadd.f32 $-3.523387700e-06, v39  }
0x295: {  	v41 =	vadd.f32 $2.000000030e-01, v41;
	v49 =	vmul.f32 v53, v53;
	v44 =	vadd.f32 v44, v48  }
0x296: {  	v54 =	vshrl.u32 v54, $0x9;
	v48 =	vadd.f32 $-1.000000000e+00, v59;
	v39 =	vmul.f32 v39, v33  }
0x297: {  	v41 =	vmul.f32 v41, v50;
	v60 =	vmul.f32 $1.111111120e-01, v49;
	v42 =	vadd.f32 v44, v42  }
0x298: {  	v44 =	vadd.s32 $0xFFFFFF81, v58;
	v61 =	vpop (erf);
	v62 =	vand.u32 $0x7FFFFF, v48;
	v39 =	vadd.f32 $-4.391506540e-06, v39  }
0x299: {  	v41 =	vadd.f32 $3.333333430e-01, v41;
	v52 =	vadd.f32 $1.428571490e-01, v60;
	v46 =	vmul.f32 v61, v46  }
0x29a: {  	v55 =	vor.u32 $0x3F800000, v62;
	v44 =	vcvt.s32.f32 v44;
	v61 =	vor.u32 $0x3F800000, v54  }
0x29b: {  	v58 =	vld [tilespmem:$0x910];
	vm9 =	vgt.f32 v42, v35;
	v39 =	vmul.f32 v39, v33;
	v41 =	vmul.f32 v41, v50  }
0x29c: {  	v60 =	vadd.f32 $1.000000000e+00, v55;
	v63 =	vmul.f32 v52, v49;
	v56 =	vmul.f32 v46, v46  }
0x29d: {  	v52 =	vadd.f32 $-1.000000000e+00, v61;
	v57 =	vnsel vm9, $0x0, v37;
	v46 =	vadd.f32 v46, v46  }
0x29e: {  	v44 =	vmul.f32 $6.931471820e-01, v44;
	v57 =	vadd.f32 v57, v51;
	v39 =	vadd.f32 $2.185808700e-04, v39  }
0x29f: {  	(erf) = vrcp.f32 v60;
	v50 =	vadd.f32 $2.000000030e-01, v63;
	v41 =	vadd.f32 $1.000000000e+00, v41  }
0x2a0: {  	v62 =	vmul.f32 $1.111111120e-01, v56;
	v60 =	vand.u32 $0x7FFFFF, v52;
	v58 =	vshrl.u32 v58, $0x9  }
0x2a1: {  	v52 =	vshrl.u32 v52, $0x17;
	v54 =	vor.u32 $0x3F800000, v60;
	v39 =	vmul.f32 v39, v33  }
0x2a2: {  	v50 =	vmul.f32 v50, v49;
	v63 =	vadd.f32 $1.428571490e-01, v62;
	v59 =	vadd.f32 $1.000000000e+00, v54  }
0x2a3: {  	v41 =	vmul.f32 v41, v45;
	v62 =	vadd.f32 v53, v53;
	v54 =	vadd.f32 $-1.000000000e+00, v54  }
0x2a4: {  	v39 =	vadd.f32 $-1.253725030e-03, v39;
	v50 =	vadd.f32 $3.333333430e-01, v50;
	v45 =	vmul.f32 v63, v56  }
0x2a5: {  	v53 =	vor.u32 $0x3F800000, v58;
	v41 =	vadd.f32 v41, v44;
	v63 =	vadd.f32 $-1.000000000e+00, v55  }
0x2a6: {  	v39 =	vmul.f32 v39, v33;
	v61 =	vmul.f32 v50, v49;
	v45 =	vadd.f32 $2.000000030e-01, v45  }
0x2a7: {  	(erf) = vrcp.f32 v59;
	v41 =	vadd.f32 v41, v42;
	v50 =	vadd.f32 $-1.000000000e+00, v53  }
0x2a8: {  	v39 =	vadd.f32 $-4.177681640e-03, v39;
	v44 =	vadd.f32 $1.000000000e+00, v61;
	v45 =	vmul.f32 v45, v56  }
0x2a9: {  	v59 =	vpop (erf);
	v53 =	vand.u32 $0x7FFFFF, v50;
	vm9 =	vgt.f32 v41, v35;
	v50 =	vshrl.u32 v50, $0x17  }
0x2aa: {  	v42 =	vmul.f32 v59, v63;
	v53 =	vor.u32 $0x3F800000, v53;
	v50 =	vand.u32 $0xFF, v50  }
0x2ab: {  	v39 =	vmul.f32 v39, v33;
	v44 =	vmul.f32 v44, v62;
	v45 =	vadd.f32 $3.333333430e-01, v45  }
0x2ac: {  	v61 =	vadd.f32 $1.000000000e+00, v53;
	v53 =	vadd.f32 $-1.000000000e+00, v53;
	v49 =	vmul.f32 v42, v42  }
0x2ad: {  	v50 =	vadd.s32 $0xFFFFFF81, v50;
	v42 =	vadd.f32 v42, v42;
	v45 =	vmul.f32 v45, v56  }
0x2ae: {  	v50 =	vcvt.s32.f32 v50;
	v39 =	vadd.f32 $2.466407270e-01, v39;
	v60 =	vmul.f32 $1.111111120e-01, v49  }
0x2af: {  	(erf) = vrcp.f32 v61;
	v43 =	vadd.f32 v44, v43;
	v45 =	vadd.f32 $1.000000000e+00, v45  }
0x2b0: {  	v56 =	vshrl.u32 v48, $0x17;
	v62 =	vpop (erf);
	v33 =	vmul.f32 v39, v33;
	v55 =	vadd.f32 $1.428571490e-01, v60  }
0x2b1: {  	v59 =	vld [tilespmem:$0x920];
	v41 =	vadd.f32 v43, v41;
	v63 =	vmul.f32 v45, v46;
	v45 =	vmul.f32 v62, v54  }
0x2b2: {  	v60 =	vnsel vm9, $0x0, v37;
	v33 =	vadd.f32 $1.501409410e+00, v33;
	v58 =	vmul.f32 v55, v49  }
0x2b3: {  	v46 =	vadd.f32 v60, v57;
	vm9 =	vgt.f32 v41, v35;
	v43 =	vmul.f32 v45, v45  }
0x2b4: {  	v55 =	vnsel vm9, $0x0, v37;
	v33 =	vmul.f32 v33, v16;
	v61 =	vadd.f32 $2.000000030e-01, v58  }
0x2b5: {  	v16 =	vmul.f32 v24, v0;
	v44 =	vadd.f32 v63, v47;
	v62 =	vmul.f32 $1.111111120e-01, v43  }
0x2b6: {  	v46 =	vadd.f32 v55, v46;
	v58 =	vshrl.u32 v59, $0x9;
	v63 =	vmul.f32 v61, v49  }
0x2b7: {  	v41 =	vadd.f32 v44, v41;
	v51 =	vor.u32 $0x3F800000, v58;
	v57 =	vadd.f32 $1.428571490e-01, v62  }
0x2b8: {  	v47 =	vand.u32 $0xFF, v56;
	v51 =	vadd.f32 $-1.000000000e+00, v51;
	v44 =	vadd.f32 $3.333333430e-01, v63  }
0x2b9: {  	v45 =	vadd.f32 v45, v45;
	v47 =	vadd.s32 $0xFFFFFF81, v47;
	v59 =	vpop (erf);
	v48 =	vmul.f32 v57, v43  }
0x2ba: {  	v62 =	vld [tilespmem:$0x930];
	v60 =	vand.u32 $0x7FFFFF, v51;
	v44 =	vmul.f32 v44, v49;
	v49 =	vmul.f32 v59, v53  }
0x2bb: {  	v47 =	vcvt.s32.f32 v47;
	v53 =	vor.u32 $0x3F800000, v60;
	v48 =	vadd.f32 $2.000000030e-01, v48  }
0x2bc: {  	v33 =	vmul.f32 $1.414213540e+00, v33;
	v61 =	vadd.f32 $1.000000000e+00, v53;
	v54 =	vmul.f32 v49, v49  }
0x2bd: {  	v47 =	vmul.f32 $6.931471820e-01, v47;
	v44 =	vadd.f32 $1.000000000e+00, v44;
	v48 =	vmul.f32 v48, v43  }
0x2be: {  	v56 =	vld [tilespmem:$0x940];
	vm9 =	vgt.f32 v41, v35;
	(erf) = vrcp.f32 v61;
	v63 =	vmul.f32 $1.111111120e-01, v54  }
0x2bf: {  	v58 =	vshrl.u32 v62, $0x9;
	v62 =	vadd.f32 $-1.000000000e+00, v53;
	v42 =	vmul.f32 v44, v42  }
0x2c0: {  	v55 =	vnsel vm9, $0x0, v37;
	v48 =	vadd.f32 $3.333333430e-01, v48;
	v44 =	vadd.f32 $1.428571490e-01, v63  }
0x2c1: {  	v42 =	vadd.f32 v42, v47;
	v47 =	vand.u32 $0xFF, v52;
	v52 =	vor.u32 $0x3F800000, v58  }
0x2c2: {  	v43 =	vmul.f32 v48, v43;
	v47 =	vadd.s32 $0xFFFFFF81, v47;
	v44 =	vmul.f32 v44, v54  }
0x2c3: {  	v61 =	vshrl.u32 v56, $0x9;
	v52 =	vadd.f32 $-1.000000000e+00, v52;
	v59 =	vcvt.s32.f32 v47  }
0x2c4: {  	v47 =	vor.u32 $0x3F800000, v61;
	v43 =	vadd.f32 $1.000000000e+00, v43;
	v44 =	vadd.f32 $2.000000030e-01, v44  }
0x2c5: {  	v41 =	vadd.f32 v42, v41;
	v60 =	vand.u32 $0x7FFFFF, v52;
	v47 =	vadd.f32 $-1.000000000e+00, v47  }
0x2c6: {  	v42 =	vmul.f32 v43, v45;
	v45 =	vor.u32 $0x3F800000, v60;
	v44 =	vmul.f32 v44, v54  }
0x2c7: {  	v43 =	vmul.f32 $6.931471820e-01, v59;
	v61 =	vand.u32 $0x7FFFFF, v47;
	v59 =	vld [tilespmem:$0x950];
	v63 =	vpop (erf);
	v60 =	vadd.f32 $1.000000000e+00, v45  }
0x2c8: {  	v53 =	vor.u32 $0x3F800000, v61;
	v48 =	vmul.f32 v63, v62;
	v44 =	vadd.f32 $3.333333430e-01, v44  }
0x2c9: {  	v46 =	vadd.f32 v55, v46;
	v62 =	vadd.f32 $1.000000000e+00, v53;
	(erf) = vrcp.f32 v60  }
0x2ca: {  	v49 =	vadd.f32 v49, v49;
	v44 =	vmul.f32 v44, v54;
	v54 =	vmul.f32 v48, v48  }
0x2cb: {  	v58 =	vadd.f32 $-1.000000000e+00, v45;
	v42 =	vadd.f32 v42, v43;
	(erf) = vrcp.f32 v62  }
0x2cc: {  	v45 =	vshrl.u32 v59, $0x9;
	v59 =	vld [tilespmem:$0x960];
	v44 =	vadd.f32 $1.000000000e+00, v44;
	v63 =	vmul.f32 $1.111111120e-01, v54  }
0x2cd: {  	vm9 =	vgt.f32 v41, v35;
	v47 =	vshrl.u32 v47, $0x17;
	v61 =	vmul.f32 $6.931471820e-01, v50  }
0x2ce: {  	v41 =	vadd.f32 v42, v41;
	v60 =	vmul.f32 v44, v49;
	v62 =	vadd.f32 $1.428571490e-01, v63  }
0x2cf: {  	v48 =	vadd.f32 v48, v48;
	v45 =	vor.u32 $0x3F800000, v45;
	v63 =	vnsel vm9, $0x0, v37  }
0x2d0: {  	v57 =	vadd.f32 v63, v46;
	v55 =	vadd.f32 v60, v61;
	v56 =	vmul.f32 v62, v54  }
0x2d1: {  	v45 =	vadd.f32 $-1.000000000e+00, v45;
	vm9 =	vgt.f32 v41, v35;
	v50 =	vshrl.u32 v59, $0x9  }
0x2d2: {  	v62 =	vnsel vm9, $0x0, v37;
	v61 =	vpop (erf);
	v41 =	vadd.f32 v55, v41;
	v60 =	vadd.f32 $2.000000030e-01, v56  }
0x2d3: {  	v43 =	vmul.f32 v61, v58;
	v55 =	vadd.f32 $-1.000000000e+00, v53;
	v56 =	vshrl.u32 v51, $0x17  }
0x2d4: {  	v34 =	vadd.f32 v62, v57;
	v57 =	vpop (erf);
	v49 =	vand.u32 $0xFF, v56;
	v63 =	vmul.f32 v60, v54  }
0x2d5: {  	vm9 =	vgt.f32 v41, v35;
	v44 =	vmul.f32 v43, v43;
	v46 =	vmul.f32 v57, v55  }
0x2d6: {  	v49 =	vadd.s32 $0xFFFFFF81, v49;
	v60 =	vand.u32 $0x7FFFFF, v45;
	v57 =	vor.u32 $0x3F800000, v50  }
0x2d7: {  	v43 =	vadd.f32 v43, v43;
	v45 =	vshrl.u32 v45, $0x17;
	v42 =	vnsel vm9, $0x0, v37  }
0x2d8: {  	v62 =	vcvt.s32.f32 v49;
	v40 =	vadd.f32 $3.333333430e-01, v63;
	v58 =	vmul.f32 $1.111111120e-01, v44  }
0x2d9: {  	v49 =	vadd.f32 $-1.000000000e+00, v57;
	v45 =	vand.u32 $0xFF, v45;
	v53 =	vmul.f32 v46, v46  }
0x2da: {  	v40 =	vmul.f32 v40, v54;
	v51 =	vadd.f32 $1.428571490e-01, v58;
	v54 =	vor.u32 $0x3F800000, v60  }
0x2db: {  	v34 =	vadd.f32 v42, v34;
	v61 =	vmul.f32 $1.111111120e-01, v53;
	v63 =	vadd.f32 $1.000000000e+00, v54  }
0x2dc: {  	v46 =	vadd.f32 v46, v46;
	v40 =	vadd.f32 $1.000000000e+00, v40;
	v51 =	vmul.f32 v51, v44  }
0x2dd: {  	v45 =	vadd.s32 $0xFFFFFF81, v45;
	v55 =	vadd.f32 $1.428571490e-01, v61;
	(erf) = vrcp.f32 v63  }
0x2de: {  	v63 =	vand.u32 $0x7FFFFF, v49;
	v40 =	vmul.f32 v40, v48;
	v51 =	vadd.f32 $2.000000030e-01, v51  }
0x2df: {  	v48 =	vmul.f32 $6.931471820e-01, v62;
	v59 =	vmul.f32 v55, v53;
	v42 =	vor.u32 $0x3F800000, v63  }
0x2e0: {  	v45 =	vcvt.s32.f32 v45;
	v57 =	vadd.f32 $1.000000000e+00, v42;
	v58 =	vmul.f32 v51, v44  }
0x2e1: {  	v60 =	vshrl.u32 v52, $0x17;
	v40 =	vadd.f32 v40, v48;
	v62 =	vadd.f32 $2.000000030e-01, v59  }
0x2e2: {  	v55 =	vand.u32 $0xFF, v60;
	(erf) = vrcp.f32 v57;
	v61 =	vadd.f32 $3.333333430e-01, v58  }
0x2e3: {  	v40 =	vadd.f32 v40, v41;
	v56 =	vmul.f32 v62, v53;
	v41 =	vadd.s32 $0xFFFFFF81, v55;
	v62 =	vld [tilespmem:$0x970]  }
0x2e4: {  	v45 =	vmul.f32 $6.931471820e-01, v45;
	v59 =	vand.u32 $0xFF, v47;
	v41 =	vcvt.s32.f32 v41  }
0x2e5: {  	v58 =	vadd.f32 $-1.000000000e+00, v54;
	v44 =	vmul.f32 v61, v44;
	v48 =	vadd.f32 $3.333333430e-01, v56  }
0x2e6: {  	vm9 =	vgt.f32 v40, v35;
	v56 =	vadd.f32 $-1.000000000e+00, v42;
	v41 =	vmul.f32 $6.931471820e-01, v41  }
0x2e7: {  	v63 =	vnsel vm9, $0x0, v37;
	v44 =	vadd.f32 $1.000000000e+00, v44;
	v60 =	vmul.f32 v48, v53;
	v61 =	vpop (erf)  }
0x2e8: {  	v34 =	vadd.f32 v63, v34;
	v48 =	vmul.f32 v61, v58;
	v55 =	vshrl.u32 v62, $0x9  }
0x2e9: {  	v58 =	vld [tilespmem:$0x980];
	v43 =	vmul.f32 v44, v43;
	v44 =	vadd.s32 $0xFFFFFF81, v59;
	v47 =	vadd.f32 $1.000000000e+00, v60  }
0x2ea: {  	v57 =	vor.u32 $0x3F800000, v55;
	v44 =	vcvt.s32.f32 v44;
	v52 =	vmul.f32 v48, v48  }
0x2eb: {  	v60 =	vld [tilespmem:$0x990];
	v42 =	vadd.f32 $-1.000000000e+00, v57;
	v48 =	vadd.f32 v48, v48;
	v53 =	vmul.f32 v47, v46  }
0x2ec: {  	v41 =	vadd.f32 v43, v41;
	v59 =	vpop (erf);
	v44 =	vmul.f32 $6.931471820e-01, v44;
	v54 =	vmul.f32 $1.111111120e-01, v52  }
0x2ed: {  	v47 =	vmul.f32 v59, v56;
	v62 =	vand.u32 $0x7FFFFF, v42;
	v42 =	vshrl.u32 v42, $0x17  }
0x2ee: {  	v40 =	vadd.f32 v41, v40;
	v51 =	vor.u32 $0x3F800000, v62;
	v46 =	vshrl.u32 v58, $0x9  }
0x2ef: {  	v42 =	vand.u32 $0xFF, v42;
	v43 =	vadd.f32 v53, v44;
	v41 =	vadd.f32 $1.428571490e-01, v54  }
0x2f0: {  	v44 =	vmul.f32 v47, v47;
	v46 =	vor.u32 $0x3F800000, v46;
	v50 =	vshrl.u32 v60, $0x9  }
0x2f1: {  	v47 =	vadd.f32 v47, v47;
	v42 =	vadd.s32 $0xFFFFFF81, v42;
	vm9 =	vgt.f32 v40, v35  }
0x2f2: {  	v55 =	vor.u32 $0x3F800000, v50;
	v42 =	vcvt.s32.f32 v42;
	v61 =	vnsel vm9, $0x0, v37  }
0x2f3: {  	v40 =	vadd.f32 v43, v40;
	v41 =	vmul.f32 v41, v52;
	v43 =	vadd.f32 $1.000000000e+00, v51  }
0x2f4: {  	v63 =	vmul.f32 $1.111111120e-01, v44;
	v51 =	vadd.f32 $-1.000000000e+00, v51;
	v34 =	vadd.f32 v61, v34  }
0x2f5: {  	v62 =	vld [tilespmem:$0x9A0];
	v42 =	vmul.f32 $6.931471820e-01, v42;
	v41 =	vadd.f32 $2.000000030e-01, v41;
	(erf) = vrcp.f32 v43  }
0x2f6: {  	vm9 =	vgt.f32 v40, v35;
	v43 =	vadd.f32 $-1.000000000e+00, v46;
	v57 =	vadd.f32 $1.428571490e-01, v63  }
0x2f7: {  	v63 =	vnsel vm9, $0x0, v37;
	v56 =	vmul.f32 v41, v52;
	v41 =	vadd.f32 $-1.000000000e+00, v55  }
0x2f8: {  	v58 =	vand.u32 $0x7FFFFF, v43;
	v46 =	vmul.f32 v57, v44;
	v34 =	vadd.f32 v63, v34  }
0x2f9: {  	v43 =	vshrl.u32 v43, $0x17;
	v53 =	vor.u32 $0x3F800000, v58;
	v50 =	vadd.f32 $3.333333430e-01, v56  }
0x2fa: {  	v58 =	vshrl.u32 v62, $0x9;
	v59 =	vand.u32 $0x7FFFFF, v41;
	v60 =	vadd.f32 $1.000000000e+00, v53  }
0x2fb: {  	v46 =	vadd.f32 $2.000000030e-01, v46;
	v54 =	vor.u32 $0x3F800000, v59;
	v50 =	vmul.f32 v50, v52  }
0x2fc: {  	v43 =	vand.u32 $0xFF, v43;
	v53 =	vadd.f32 $-1.000000000e+00, v53;
	v61 =	vadd.f32 $1.000000000e+00, v54  }
0x2fd: {  	v63 =	vld [tilespmem:$0x9C0];
	v43 =	vadd.s32 $0xFFFFFF81, v43;
	(erf) = vrcp.f32 v60;
	v50 =	vadd.f32 $1.000000000e+00, v50  }
0x2fe: {  	v41 =	vshrl.u32 v41, $0x17;
	v46 =	vmul.f32 v46, v44;
	(erf) = vrcp.f32 v61;
	v57 =	vpop (erf)  }
0x2ff: {  	v59 =	vshrl.u32 v49, $0x17;
	v48 =	vmul.f32 v50, v48;
	v50 =	vmul.f32 v57, v51  }
0x300: {  	v43 =	vcvt.s32.f32 v43;
	v41 =	vand.u32 $0xFF, v41;
	v46 =	vadd.f32 $3.333333430e-01, v46  }
0x301: {  	v60 =	vor.u32 $0x3F800000, v58;
	v41 =	vadd.s32 $0xFFFFFF81, v41;
	v51 =	vmul.f32 v50, v50  }
0x302: {  	v56 =	vshrl.u32 v63, $0x9;
	v41 =	vcvt.s32.f32 v41;
	v46 =	vmul.f32 v46, v44  }
0x303: {  	v44 =	vadd.f32 $-1.000000000e+00, v60;
	v45 =	vadd.f32 v48, v45;
	v48 =	vld [tilespmem:$0x9B0];
	v61 =	vmul.f32 $1.111111120e-01, v51  }
0x304: {  	v54 =	vadd.f32 $-1.000000000e+00, v54;
	v43 =	vmul.f32 $6.931471820e-01, v43;
	v56 =	vor.u32 $0x3F800000, v56  }
0x305: {  	v56 =	vadd.f32 $-1.000000000e+00, v56;
	v41 =	vmul.f32 $6.931471820e-01, v41;
	v62 =	vand.u32 $0x7FFFFF, v44  }
0x306: {  	v46 =	vadd.f32 $1.000000000e+00, v46;
	v50 =	vadd.f32 v50, v50;
	v52 =	vor.u32 $0x3F800000, v62;
	v55 =	vpop (erf)  }
0x307: {  	v62 =	vadd.f32 $1.000000000e+00, v52;
	v60 =	vadd.f32 $1.428571490e-01, v61;
	v53 =	vmul.f32 v55, v53;
	v61 =	vpop (erf)  }
0x308: {  	v46 =	vmul.f32 v46, v47;
	v48 =	vshrl.u32 v48, $0x9;
	v49 =	vmul.f32 v61, v54  }
0x309: {  	(erf) = vrcp.f32 v62;
	v48 =	vor.u32 $0x3F800000, v48;
	v54 =	vmul.f32 v53, v53  }
0x30a: {  	v47 =	vmul.f32 v60, v51;
	v48 =	vadd.f32 $-1.000000000e+00, v48;
	v55 =	vmul.f32 v49, v49  }
0x30b: {  	v44 =	vshrl.u32 v44, $0x17;
	v40 =	vadd.f32 v45, v40;
	v63 =	vmul.f32 $1.111111120e-01, v54  }
0x30c: {  	v47 =	vadd.f32 $2.000000030e-01, v47;
	v61 =	vand.u32 $0x7FFFFF, v48;
	v60 =	vmul.f32 $1.111111120e-01, v55  }
0x30d: {  	v45 =	vand.u32 $0xFF, v59;
	v59 =	vor.u32 $0x3F800000, v61;
	v57 =	vadd.f32 $1.428571490e-01, v63  }
0x30e: {  	v47 =	vmul.f32 v47, v51;
	v58 =	vadd.f32 $1.428571490e-01, v60;
	v60 =	vadd.f32 $1.000000000e+00, v59  }
0x30f: {  	v44 =	vand.u32 $0xFF, v44;
	v52 =	vadd.f32 $-1.000000000e+00, v52;
	v45 =	vadd.s32 $0xFFFFFF81, v45  }
0x310: {  	v47 =	vadd.f32 $3.333333430e-01, v47;
	v57 =	vmul.f32 v57, v54;
	(erf) = vrcp.f32 v60  }
0x311: {  	v44 =	vadd.s32 $0xFFFFFF81, v44;
	v45 =	vcvt.s32.f32 v45;
	v58 =	vmul.f32 v58, v55  }
0x312: {  	v44 =	vcvt.s32.f32 v44;
	v47 =	vmul.f32 v47, v51;
	v51 =	vadd.f32 $2.000000030e-01, v57  }
0x313: {  	v45 =	vmul.f32 $6.931471820e-01, v45;
	v61 =	vand.u32 $0x7FFFFF, v56;
	v62 =	vpop (erf);
	v63 =	vadd.f32 $2.000000030e-01, v58  }
0x314: {  	v61 =	vor.u32 $0x3F800000, v61;
	v52 =	vmul.f32 v62, v52;
	v51 =	vmul.f32 v51, v54  }
0x315: {  	v60 =	vadd.f32 $1.000000000e+00, v61;
	v47 =	vadd.f32 $1.000000000e+00, v47;
	v57 =	vmul.f32 v63, v55  }
0x316: {  	v45 =	vadd.f32 v46, v45;
	v58 =	vadd.f32 $3.333333430e-01, v51;
	v51 =	vmul.f32 v52, v52  }
0x317: {  	(erf) = vrcp.f32 v60;
	v47 =	vmul.f32 v47, v50;
	v60 =	vadd.f32 $3.333333430e-01, v57  }
0x318: {  	v62 =	vadd.f32 $-1.000000000e+00, v59;
	v46 =	vmul.f32 v58, v54;
	v54 =	vmul.f32 $1.111111120e-01, v51  }
0x319: {  	v33 =	vnsel vm7, $0x0, v33;
	v50 =	vmul.f32 v60, v55;
	v60 =	vmul.f32 $0.0e+00, v17;
	v63 =	vpop (erf)  }
0x31a: {  	vm9 =	vgt.f32 v40, v35;
	v54 =	vadd.f32 $1.428571490e-01, v54;
	v55 =	vmul.f32 v63, v62  }
0x31b: {  	v44 =	vmul.f32 $6.931471820e-01, v44;
	v53 =	vadd.f32 v53, v53;
	v57 =	vadd.f32 $2.810226360e-08, v60  }
0x31c: {  	v49 =	vadd.f32 v49, v49;
	v62 =	vmul.f32 v54, v51;
	v54 =	vmul.f32 v55, v55  }
0x31d: {  	v48 =	vshrl.u32 v48, $0x17;
	v46 =	vadd.f32 $1.000000000e+00, v46;
	v57 =	vmul.f32 v38, v57  }
0x31e: {  	v45 =	vadd.f32 v45, v40;
	v50 =	vadd.f32 $1.000000000e+00, v50;
	v60 =	vmul.f32 $1.111111120e-01, v54  }
0x31f: {  	v46 =	vmul.f32 v46, v53;
	v53 =	vadd.f32 $2.000000030e-01, v62;
	v57 =	vadd.f32 $3.432739390e-07, v57  }
0x320: {  	v63 =	vadd.f32 $-1.000000000e+00, v61;
	v49 =	vmul.f32 v50, v49;
	v58 =	vadd.f32 $1.428571490e-01, v60  }
0x321: {  	v48 =	vand.u32 $0xFF, v48;
	v59 =	vpop (erf);
	v53 =	vmul.f32 v53, v51;
	v57 =	vmul.f32 v57, v38  }
0x322: {  	v42 =	vadd.f32 v47, v42;
	v50 =	vmul.f32 v59, v63;
	v58 =	vmul.f32 v58, v54  }
0x323: {  	v48 =	vadd.s32 $0xFFFFFF81, v48;
	v53 =	vadd.f32 $3.333333430e-01, v53;
	v57 =	vadd.f32 $-3.523387700e-06, v57  }
0x324: {  	v52 =	vadd.f32 v52, v52;
	v61 =	vadd.f32 $2.000000030e-01, v58;
	v58 =	vmul.f32 v50, v50  }
0x325: {  	v42 =	vadd.f32 v42, v45;
	v51 =	vmul.f32 v53, v51;
	v57 =	vmul.f32 v57, v38  }
0x326: {  	v43 =	vadd.f32 v46, v43;
	v41 =	vadd.f32 v49, v41;
	v63 =	vmul.f32 $1.111111120e-01, v58  }
0x327: {  	v51 =	vadd.f32 $1.000000000e+00, v51;
	v62 =	vmul.f32 v61, v54;
	v57 =	vadd.f32 $-4.391506540e-06, v57  }
0x328: {  	v48 =	vcvt.s32.f32 v48;
	v43 =	vadd.f32 v43, v42;
	v53 =	vadd.f32 $1.428571490e-01, v63  }
0x329: {  	v51 =	vmul.f32 v51, v52;
	v47 =	vadd.f32 $3.333333430e-01, v62;
	v52 =	vmul.f32 v57, v38  }
0x32a: {  	v48 =	vmul.f32 $6.931471820e-01, v48;
	v61 =	vadd.f32 v55, v55;
	v60 =	vmul.f32 v53, v58  }
0x32b: {  	v55 =	vadd.f32 v41, v43;
	v59 =	vmul.f32 v47, v54;
	v52 =	vadd.f32 $2.185808700e-04, v52  }
0x32c: {  	v44 =	vadd.f32 v51, v44;
	v63 =	vshrl.u32 v56, $0x17;
	v47 =	vadd.f32 $2.000000030e-01, v60  }
0x32d: {  	v51 =	vand.u32 $0xFF, v63;
	v52 =	vmul.f32 v52, v38;
	v46 =	vadd.f32 $1.000000000e+00, v59  }
0x32e: {  	v54 =	vmul.f32 $2.755731880e-06, v15;
	v51 =	vadd.s32 $0xFFFFFF81, v51;
	v47 =	vmul.f32 v47, v58  }
0x32f: {  	v51 =	vcvt.s32.f32 v51;
	v52 =	vadd.f32 $-1.253725030e-03, v52;
	v46 =	vmul.f32 v46, v61  }
0x330: {  	v59 =	vadd.f32 v44, v55;
	v44 =	vmul.f32 v31, v31;
	v47 =	vadd.f32 $3.333333430e-01, v47  }
0x331: {  	v62 =	vmul.f32 v52, v38;
	v46 =	vadd.f32 v46, v48;
	v48 =	vmul.f32 v36, v36  }
0x332: {  	v50 =	vadd.f32 v50, v50;
	v51 =	vmul.f32 $6.931471820e-01, v51;
	v52 =	vperm.xlane v33, v5  }
0x333: {  	v47 =	vmul.f32 v47, v58;
	v49 =	vadd.f32 $-4.177681640e-03, v62;
	v57 =	vmul.f32 $1.111111120e-01, v48  }
0x334: {  	v58 =	vnsel vm9, $0x0, v37;
	vm9 =	vgt.f32 v45, v35;
	v62 =	vadd.f32 v46, v59  }
0x335: {  	v33 =	vadd.f32 v33, v52;
	v45 =	vnsel vm9, $0x0, v37;
	vm9 =	vgt.f32 v42, v35  }
0x336: {  	v34 =	vadd.f32 v58, v34;
	v47 =	vadd.f32 $1.000000000e+00, v47;
	v49 =	vmul.f32 v49, v38  }
0x337: {  	v60 =	vadd.f32 $1.428571490e-01, v57;
	v61 =	vnsel vm9, $0x0, v37;
	vm9 =	vgt.f32 v43, v35  }
0x338: {  	v43 =	vnsel vm9, $0x0, v37;
	vm9 =	vgt.f32 v55, v35;
	v34 =	vadd.f32 v45, v34  }
0x339: {  	v45 =	vperm.xlane v30, v8;
	v47 =	vmul.f32 v47, v50;
	v50 =	vadd.f32 $-1.984127010e-04, v54  }
0x33a: {  	v46 =	vnsel vm9, $0x0, v37;
	vm9 =	vgt.f32 v59, v35;
	v63 =	vmul.f32 v60, v48  }
0x33b: {  	v54 =	vadd.f32 $2.466407270e-01, v49;
	v50 =	vmul.f32 v50, v15;
	v56 =	vadd.f32 v47, v51  }
0x33c: {  	v42 =	vnsel vm9, $0x0, v37;
	vm9 =	vgt.f32 v62, v35;
	v34 =	vadd.f32 v61, v34  }
0x33d: {  	v60 =	vld [tilespmem:$0x820];
	v40 =	vadd.f32 v56, v62;
	v55 =	vadd.f32 $8.333333770e-03, v50;
	v56 =	vmul.f32 $1.111111120e-01, v44  }
0x33e: {  	v51 =	vnsel vm9, $0x0, v37;
	v41 =	vadd.f32 $2.000000030e-01, v63;
	v47 =	vperm.xlane v32, v8  }
0x33f: {  	v61 =	vadd.f32 v43, v34;
	v57 =	vmul.f32 v55, v15;
	v59 =	vadd.f32 $1.428571490e-01, v56  }
0x340: {  	v58 =	vmul.f32 v41, v48;
	v32 =	vadd.f32 v32, v47;
	vm9 =	vgt.f32 v40, v35  }
0x341: {  	v35 =	vmul.f32 v54, v38;
	v38 =	vadd.f32 $-1.666666720e-01, v57;
	v40 =	vmul.f32 v59, v44  }
0x342: {  	v43 =	vadd.f32 v46, v61;
	v46 =	vand.u32 $0xFFFFFF, v60;
	v39 =	vadd.f32 $3.333333430e-01, v58  }
0x343: {  	v24 =	vcvt.s32.f32 v46;
	v62 =	vmul.f32 v38, v15;
	v15 =	vadd.f32 $2.000000030e-01, v40  }
0x344: {  	v32 =	vmul.f32 v32, v0;
	v35 =	vadd.f32 $1.501409410e+00, v35;
	v38 =	vadd.f32 v42, v43  }
0x345: {  	v36 =	vadd.f32 v36, v36;
	v55 =	vperm.xlane v33, v6;
	v15 =	vmul.f32 v15, v44  }
0x346: {  	v63 =	vmul.f32 v39, v48;
	v17 =	vmul.f32 v35, v17;
	v38 =	vadd.f32 v51, v38  }
0x347: {  	v37 =	vnsel vm9, $0x0, v37;
	v24 =	vnsel vm7, $0x0, v24;
	v15 =	vadd.f32 $3.333333430e-01, v15  }
0x348: {  	v35 =	vadd.f32 $1.000000000e+00, v63;
	v17 =	vmul.f32 $1.414213540e+00, v17;
	v49 =	vadd.f32 v37, v38  }
0x349: {  	v31 =	vadd.f32 v31, v31;
	v48 =	vmul.f32 v15, v44;
	v15 =	vperm.xlane v24, v5  }
0x34a: {  	v30 =	vadd.f32 v30, v45;
	v35 =	vmul.f32 v35, v36;
	v50 =	vperm.xlane v49, v5  }
0x34b: {  	v34 =	vadd.f32 $1.000000000e+00, v62;
	v17 =	vnsel vm7, $0x0, v17;
	v24 =	vadd.f32 v24, v15  }
0x34c: {  	v15 =	vmul.f32 v30, v0;
	v51 =	vadd.f32 $1.000000000e+00, v48;
	v30 =	vadd.f32 v49, v50  }
0x34d: {  	v14 =	vmul.f32 v34, v14;
	v18 =	vadd.f32 v35, v18;
	v59 =	vperm.xlane v17, v5  }
0x34e: {  	v28 =	vnsel vm7, $0x0, v28;
	v31 =	vmul.f32 v51, v31;
	v53 =	vperm.xlane v30, v6  }
0x34f: {  	v14 =	vmul.f32 v20, v14;
	v18 =	vsub.f32 $0.0e+00, v18;
	v17 =	vadd.f32 v17, v59  }
0x350: {  	vm9 =	vcmask $0xB10;
	v19 =	vadd.f32 v31, v19;
	v30 =	vadd.f32 v30, v53  }
0x351: {  	v44 =	vperm.xlane v28, v5;
	v14 =	vnsel vm7, $0x0, v14;
	v61 =	vperm.xlane v17, v6  }
0x352: {  	v18 =	vnsel vm7, $0x0, v18;
	v19 =	vmul.f32 v19, v3;
	v56 =	vperm.xlane v30, v7  }
0x353: {  	v47 =	vadd.f32 v28, v44;
	v37 =	vperm.xlane v18, v5;
	v54 =	vperm.xlane v24, v6  }
0x354: {  	v17 =	vadd.f32 v17, v61;
	v19 =	vtrunc.f32 v19;
	v57 =	vadd.f32 v30, v56  }
0x355: {  	v50 =	vperm.xlane v47, v6;
	v18 =	vadd.f32 v18, v37;
	v19 =	vadd.f32 $1.000000000e+00, v19  }
0x356: {  	v24 =	vadd.f32 v24, v54;
	v31 =	vadd.f32 v33, v55;
	v34 =	vperm.xlane v57, v8  }
0x357: {  	v36 =	vperm.xlane v17, v7;
	v19 =	vnsel vm7, $0x0, v19;
	vm7 =	vmmov $0x1  }
0x358: {  	v43 =	vperm.xlane v18, v6;
	v20 =	vadd.f32 v57, v34;
	v21 =	vnsel vm7, $0x0, v21  }
0x359: {  	v58 =	vperm.xlane v31, v7;
	v17 =	vadd.f32 v17, v36;
	v21 =	vadd.f32 $0.0e+00, v21  }
0x35a: {  	v60 =	vperm.xlane v24, v7;
	v18 =	vadd.f32 v18, v43;
	v20 =	vadd.f32 $-9.000000000e+00, v20  }
0x35b: {  	v55 =	vsel vm10, $0x3FC00000, v4;
	v30 =	vadd.f32 v31, v58;
	v21 =	vadd.f32 v23, v21  }
0x35c: {  	v24 =	vadd.f32 v24, v60;
	v41 =	vperm.xlane v17, v8;
	v20 =	vmul.f32 v20, v0  }
0x35d: {  	v49 =	vperm.xlane v18, v7;
	v62 =	vperm.xlane v30, v8;
	v21 =	vadd.f32 v21, v22  }
0x35e: {  	v63 =	vperm.xlane v24, v8;
	v34 =	vperm.xlane v14, v5;
	v20 =	vsel vm9, $0x0, v20  }
0x35f: {  	v18 =	vadd.f32 v18, v49;
	vm9 =	vcmask $0xF14;
	v20 =	vadd.f32 v20, v21  }
0x360: {  	v17 =	vadd.f32 v17, v41;
	v14 =	vadd.f32 v14, v34;
	v39 =	vsel vm9, $0x0, v27  }
0x361: {  	v42 =	vperm.xlane v19, v5;
	vm9 =	vcmask $0x1318;
	v20 =	vadd.f32 v20, v39  }
0x362: {  	v35 =	vadd.f32 v30, v62;
	v40 =	vperm.xlane v14, v6;
	v29 =	vsel vm9, $0x0, v29  }
0x363: {  	v19 =	vadd.f32 v19, v42;
	vm9 =	vcmask $0x171C;
	v20 =	vadd.f32 v20, v29  }
0x364: {  	v58 =	vadd.f32 v24, v63;
	v14 =	vadd.f32 v14, v40;
	v25 =	vsel vm9, $0x0, v25  }
0x365: {  	v46 =	vperm.xlane v19, v6;
	vm9 =	vcmask $0x1B20;
	v20 =	vadd.f32 v20, v25  }
0x366: {  	v53 =	vperm.xlane v18, v8;
	v45 =	vperm.xlane v14, v7;
	v48 =	vsel vm9, $0x0, v32  }
0x367: {  	v19 =	vadd.f32 v19, v46;
	vm9 =	vcmask $0x1F24;
	v20 =	vadd.f32 v20, v48  }
0x368: {  	v38 =	vmul.f32 v35, v0;
	v14 =	vadd.f32 v14, v45;
	v26 =	vsel vm9, $0x0, v26  }
0x369: {  	v52 =	vperm.xlane v19, v7;
	vm9 =	vcmask $0x2328;
	v20 =	vadd.f32 v20, v26  }
0x36a: {  	v51 =	vperm.xlane v14, v8;
	v21 =	vsel vm9, $0x0, v38;
	v25 =	vadd.f32 v47, v50  }
0x36b: {  	v17 =	vmul.f32 v17, v0;
	v19 =	vadd.f32 v19, v52;
	v20 =	vadd.f32 v20, v21  }
0x36c: {  	v18 =	vadd.f32 v18, v53;
	v14 =	vadd.f32 v14, v51;
	v54 =	vperm.xlane v25, v7  }
0x36d: {  	v56 =	vperm.xlane v19, v8;
	vm9 =	vcmask $0x2B30;
	v20 =	vadd.f32 v55, v20  }
0x36e: {  	v16 =	vsel vm9, $0x0, v16;
	v14 =	vmul.f32 v14, v0;
	v21 =	vadd.f32 v25, v54  }
0x36f: {  	v18 =	vmul.f32 v18, v0;
	vm9 =	vcmask $0x2F34;
	v16 =	vadd.f32 v20, v16  }
0x370: {  	v19 =	vadd.f32 v19, v56;
	v14 =	vsel vm9, $0x0, v14;
	v57 =	vperm.xlane v21, v8  }
0x371: {  	v61 =	vmul.f32 v58, v0;
	vm9 =	vcmask $0x3338;
	v14 =	vadd.f32 v16, v14  }
0x372: {  	v59 =	vmul.f32 v19, v0;
	v18 =	vsel vm9, $0x0, v18;
	v60 =	vadd.f32 v21, v57  }
0x373: {  	v17 =	vnsel vm7, $0x0, v17;
	vm7 =	vcmask $0x373C;
	v14 =	vadd.f32 v14, v18  }
0x374: {  	v17 =	vadd.f32 $0.0e+00, v17;
	v62 =	vmul.f32 v60, v0;
	v16 =	vsel vm7, $0x0, v59  }
0x375: {  	v63 =	vsel vm15, $0x0, v61;
	vm7 =	vmmov $0x7fff;
	v14 =	vadd.f32 v14, v16  }
0x376: {  	v18 =	vsel vm7, $0x0, v62;
	v16 =	vadd.f32 v17, v63  }
0x377: {  	v15 =	vsel vm5, $0x0, v15;
	v14 =	vadd.f32 v14, v18  }
0x378: {  	s8 =	sadd.s32 $0x1, s8;
	v15 =	vadd.f32 v16, v15  }
0x379: {  	p0 =	sne.s32 s8, s4;
	[tilespmem:$0xA00] =	vst v14  }
.Ltmp2:
0x37a: {  	[tilespmem:$0xA10] =	vst v15;
	(pc) =	sbr.rel @p0 .LBB2_2-.Ltmp2, $4  }
0x37b: {  	[hbm4b:s1+s5] =	stream.linear.scatter [tilespmem:s7], [sflag:$0x1], $0x80, $0x38;
	[tilespmem:$0xA80] =	vst v63  }
0x37c: {  	_ =	swait.ge [sflag:s6], $0x80  }
0x37d: {  	[sflag:s6] =	ssyncset.done $0x0  }
0x37e: {  	[sflag:s6] =	ssyncadd.s32 $0xFFFFFF80  }
.LBB2_5:
0x37f: {  	_ =	sfence.sel $0x180000  }
0x380: {  	[bflag:$0x0] =	sbarrier.arrive $0xFFFF  }
0x381: {  	_ =	strace $0x90000047  }
0x382: {  	[bflag:$0x2] =	sbarrier.arrive $0xFFFF  }
0x383: {  	p0 =	sne.s32 s2, $0x0;
	s0 =	rddreg [dreg:$0x2]  }
0x384: {  	s0 =	sadd.s32 @!p0 $0x100000, s0  }
0x385: {  	[sflag:s0] =	ssyncadd.tile.s32 @!p0 $0x1;
	_ =	shalt  }
.Lfunc_end2:
_tile_overlayer_lowered:
.L_overlay_start_2:
0x386: {  	(tag) =	ssettag $0x2  }
0x387: {  	s0 =	rddreg [dreg:$0x0];
	s2 =	stileid.u32  }
0x388: {  	s1 =	rddreg [dreg:$0x1];
	p0 =	sne.s32 s2, $0x0  }
0x389: {  	s3 =	rddreg [dreg:$0x2];
	[bflag:$0x3] =	sbarrier.arrive $0xFFFF;
	s2 =	simm.s32 @!p0 $0x1C01  }
0x38a: {  	[timem:s3], [sflag:s2] =	dma.local @!p0 [hbm:s0], s1  }
0x38b: {  	s0 =	simm.s32 @!p0 $0x1  }
0x38c: {  	_ =	swait.ge @!p0 [sflag:s0], s1  }
0x38d: {  	s1 =	ssub.s32 @!p0 $0x0, s1;
	[sflag:s0] =	ssyncset.done @!p0 $0x0  }
0x38e: {  	[sflag:s0] =	ssyncadd.s32 @!p0 s1  }
0x38f: {  	[bflag:$0x3] =	sbarrier.arrive $0xFFFF  }
0x390: {  	_ =	shalt  }

</sc_bundles>
